<compile_context>
chip_gen: v7x
topology: tpu7x:2x2x1
jax: 0.10.2.dev20260603
libtpu: 0.0.44.dev20260713+nightly
codegen_flags: <defaults>
</compile_context>

<pallas_src>
import functools

import jax
import jax.numpy as jnp
from jax import lax
from jax.experimental import pallas as pl
from jax.experimental.pallas import tpu as pltpu
from jax.experimental.pallas import tpu_sc as plsc

N_NODES = 10000
N_EDGES = 320000
D_EDGE = 16
D_NODE = 128
D_OUT = 128

NC = 2
NS = 16
NW = NC * NS
BLK = 2560
N_BLK_REAL = N_EDGES // BLK
N_BLK_PAD = 4 * NW
N_PAD = N_BLK_PAD * BLK - N_EDGES
N_ACC = N_NODES + 128


def _sc_scatter(tgt, rowsT, z1):
  mesh = plsc.VectorSubcoreMesh(core_axis_name="c", subcore_axis_name="s")

  @functools.partial(
      pl.kernel,
      out_type=(
          jax.ShapeDtypeStruct((NC, D_EDGE, N_ACC), jnp.float32),
          jax.ShapeDtypeStruct((NC, N_ACC), jnp.float32),
      ),
      mesh=mesh,
      scratch_types=(
          [pltpu.VMEM((BLK,), jnp.int32) for _ in range(2)],
          [[pltpu.VMEM((BLK,), jnp.float32) for _ in range(D_EDGE)]
           for _ in range(2)],
          pltpu.VMEM((BLK,), jnp.float32),
          [pltpu.VMEM_SHARED((N_ACC,), jnp.float32) for _ in range(D_EDGE)],
          pltpu.VMEM_SHARED((N_ACC,), jnp.float32),
          [pltpu.SemaphoreType.DMA for _ in range(2)],
          pltpu.SemaphoreType.DMA,
      ),
  )
  def k(idx_hbm, rowsT_hbm, z1_hbm, sums_out, cnt_out,
        idx_v, rowsT_v, ones_v, accs, cnt, sem_in, sem_sc):
    c = lax.axis_index("c")
    s = lax.axis_index("s")
    w = s * NC + c

    @pl.when(s == 0)
    def _zero():
      for j in range(D_EDGE):
        pltpu.sync_copy(z1_hbm, accs[j])
      pltpu.sync_copy(z1_hbm, cnt)

    for i in range(BLK // 16):
      ones_v[pl.ds(i * 16, 16)] = jnp.ones((16,), jnp.float32)

    plsc.subcore_barrier()

    def start_in(kb):
      b = kb % 2
      g = w + NW * kb
      base = pl.multiple_of(jnp.minimum(g, N_BLK_REAL - 1) * BLK, 128)
      descs = [pltpu.async_copy(idx_hbm.at[g], idx_v[b], sem_in[b])]
      descs += [
          pltpu.async_copy(rowsT_hbm.at[j, pl.ds(base, BLK)], rowsT_v[b][j],
                           sem_in[b])
          for j in range(D_EDGE)
      ]
      return descs

    def issue_scatters(b):
      descs = [pltpu.async_copy(rowsT_v[b][j], accs[j].at[idx_v[b]],
                                sem_sc, add=True) for j in range(D_EDGE)]
      descs.append(pltpu.async_copy(ones_v, cnt.at[idx_v[b]], sem_sc,
                                    add=True))
      return descs

    n_blk = N_BLK_PAD // NW
    in_descs = start_in(0)
    sc_descs = None
    for kb in range(n_blk):
      b = kb % 2
      if sc_descs is not None:
        for d in sc_descs:
          d.wait()
      if kb + 1 < n_blk:
        next_in = start_in(kb + 1)
      else:
        next_in = None
      for d in in_descs:
        d.wait()
      sc_descs = issue_scatters(b)
      in_descs = next_in
    for d in sc_descs:
      d.wait()

    plsc.subcore_barrier()

    @pl.when(s == 0)
    def _flush():
      for j in range(D_EDGE):
        pltpu.sync_copy(accs[j], sums_out.at[c, j])
      pltpu.sync_copy(cnt, cnt_out.at[c])

  return k(tgt, rowsT, z1)


def _tc_mm1_body(na_ref, w1_ref, b_ref, o_ref):
  acc = jnp.dot(na_ref[...], w1_ref[...], preferred_element_type=jnp.float32)
  o_ref[...] = acc + b_ref[...]


def _tc_mm1(node_attr, W1, b2):
  bn = 2000
  return pl.pallas_call(
      _tc_mm1_body,
      grid=(N_NODES // bn,),
      in_specs=[
          pl.BlockSpec((bn, D_NODE), lambda i: (i, 0)),
          pl.BlockSpec((D_NODE, D_OUT), lambda i: (0, 0)),
          pl.BlockSpec((1, D_OUT), lambda i: (0, 0)),
      ],
      out_specs=pl.BlockSpec((bn, D_OUT), lambda i: (i, 0)),
      out_shape=jax.ShapeDtypeStruct((N_NODES, D_OUT), jnp.float32),
  )(node_attr, W1, b2)


def _tc_body(ps_ref, pc_ref, a1_ref, w2_ref, o_ref):
  sums = ps_ref[0] + ps_ref[1]
  cnt = pc_ref[0] + pc_ref[1]
  mean = sums * (1.0 / jnp.maximum(cnt, 1.0))
  acc = a1_ref[...]
  acc += jnp.dot(mean, w2_ref[...], preferred_element_type=jnp.float32)
  o_ref[...] = jnp.maximum(acc, 0.0)


def _tc_fused(psums, pcnt3, acc1, W2):
  bn = 2000
  grid = (N_NODES // bn,)
  return pl.pallas_call(
      _tc_body,
      grid=grid,
      in_specs=[
          pl.BlockSpec((NC, bn, D_EDGE), lambda i: (0, i, 0)),
          pl.BlockSpec((NC, bn, 1), lambda i: (0, i, 0)),
          pl.BlockSpec((bn, D_OUT), lambda i: (i, 0)),
          pl.BlockSpec((D_EDGE, D_OUT), lambda i: (0, 0)),
      ],
      out_specs=pl.BlockSpec((bn, D_OUT), lambda i: (i, 0)),
      out_shape=jax.ShapeDtypeStruct((N_NODES, D_OUT), jnp.float32),
  )(psums, pcnt3, acc1, W2)


def kernel(edge_index, edge_attr, node_attr, W, b):
  pad = N_NODES + (jnp.arange(N_PAD, dtype=jnp.int32) % 128)
  tgt = jnp.concatenate([edge_index[0], pad]).reshape(N_BLK_PAD, BLK)
  rowsT = edge_attr.T
  z1 = jnp.zeros((N_ACC,), jnp.float32)
  psums_t, pcnt = _sc_scatter(tgt, rowsT, z1)
  psums = psums_t[:, :, :N_NODES].transpose(0, 2, 1)
  pcnt = pcnt[:, :N_NODES]
  W1 = W[:D_NODE]
  W2 = W[D_NODE:]
  b2 = b.reshape(1, D_OUT)
  acc1 = _tc_mm1(node_attr, W1, b2)
  return _tc_fused(psums, pcnt[:, :, None], acc1, W2)

# --- scband reference (transcript-rebuilt; emitter-appended) ---
"""Pipeline reference for scband-edge-sagelayer-8229157339893 (READ-ONLY COPY).

The authoritative reference and input builder live on the scoring server;
editing this copy changes nothing except your own understanding.
"""

import jax, jax.numpy as jnp
import numpy as np

N_NODES = 10000
N_EDGES = 320000
D_EDGE = 16
D_NODE = 128
D_OUT = 128


def setup_inputs(seed: int = 0) -> dict:
    key = jax.random.key(seed)
    k1, k2, k3, k4 = jax.random.split(key, 4)
    edge_index = jax.random.randint(k1, (2, N_EDGES), 0, N_NODES, dtype=jnp.int64 if jax.config.jax_enable_x64 else jnp.int32).astype(jnp.int32)
    edge_attr = jax.random.normal(k2, (N_EDGES, D_EDGE), dtype=jnp.float32)
    node_attr = jax.random.normal(k3, (N_NODES, D_NODE), dtype=jnp.float32)
    # nn.Linear(in_channels + edge_features, out_channels): weight [out, in], we store transposed [in, out]
    W = jax.random.normal(k4, (D_NODE + D_EDGE, D_OUT), dtype=jnp.float32) * 0.05
    b = jnp.zeros((D_OUT,), dtype=jnp.float32)
    return {"edge_index": edge_index, "edge_attr": edge_attr, "node_attr": node_attr, "W": W, "b": b}


def reference(edge_index, edge_attr, node_attr, W, b):
    # num_nodes taken statically from node_attr (original uses edge_index.max()+1,
    # which equals node_attr.shape[0] when all nodes appear; static form is jit-safe)
    num_nodes = node_attr.shape[0]
    target_indices = edge_index[0, :].reshape(-1)
    # scatter_mean(edge_attr, target_indices, dim=0, dim_size=num_nodes)
    sums = jax.ops.segment_sum(edge_attr, target_indices, num_segments=num_nodes)
    counts = jax.ops.segment_sum(jnp.ones((edge_attr.shape[0],), dtype=edge_attr.dtype), target_indices, num_segments=num_nodes)
    edge_aggregated_mean = sums / jnp.maximum(counts, 1.0)[:, None]
    node_edge_concat_embs = jnp.concatenate([node_attr, edge_aggregated_mean], axis=1)
    new_node_embeddings = jax.nn.relu(node_edge_concat_embs @ W + b)
    return new_node_embeddings

if __name__ == "__main__":
    import jax
    _d = setup_inputs()
    print(jax.jit(kernel)(*tuple(_d.values())))

</pallas_src>

<mosaic_0001>
#map = affine_map<(d0, d1) -> (0, 0)>
#map1 = affine_map<(d0, d1) -> (0)>
#map2 = affine_map<(d0, d1) -> (0, 0, 0)>
module attributes {stable_mosaic.version = 14 : i64} {
  func.func @k(%arg0: i32, %arg1: i32, %arg2: memref<128x2560xi32, #tpu.memory_space<hbm>>, %arg3: memref<16x320000xf32, #tpu.memory_space<hbm>>, %arg4: memref<10128xf32, #tpu.memory_space<hbm>>, %arg5: memref<2x16x10128xf32, #tpu.memory_space<hbm>>, %arg6: memref<2x10128xf32, #tpu.memory_space<hbm>>, %arg7: memref<2560xi32, #tpu.memory_space<vmem>>, %arg8: memref<2560xi32, #tpu.memory_space<vmem>>, %arg9: memref<2560xf32, #tpu.memory_space<vmem>>, %arg10: memref<2560xf32, #tpu.memory_space<vmem>>, %arg11: memref<2560xf32, #tpu.memory_space<vmem>>, %arg12: memref<2560xf32, #tpu.memory_space<vmem>>, %arg13: memref<2560xf32, #tpu.memory_space<vmem>>, %arg14: memref<2560xf32, #tpu.memory_space<vmem>>, %arg15: memref<2560xf32, #tpu.memory_space<vmem>>, %arg16: memref<2560xf32, #tpu.memory_space<vmem>>, %arg17: memref<2560xf32, #tpu.memory_space<vmem>>, %arg18: memref<2560xf32, #tpu.memory_space<vmem>>, %arg19: memref<2560xf32, #tpu.memory_space<vmem>>, %arg20: memref<2560xf32, #tpu.memory_space<vmem>>, %arg21: memref<2560xf32, #tpu.memory_space<vmem>>, %arg22: memref<2560xf32, #tpu.memory_space<vmem>>, %arg23: memref<2560xf32, #tpu.memory_space<vmem>>, %arg24: memref<2560xf32, #tpu.memory_space<vmem>>, %arg25: memref<2560xf32, #tpu.memory_space<vmem>>, %arg26: memref<2560xf32, #tpu.memory_space<vmem>>, %arg27: memref<2560xf32, #tpu.memory_space<vmem>>, %arg28: memref<2560xf32, #tpu.memory_space<vmem>>, %arg29: memref<2560xf32, #tpu.memory_space<vmem>>, %arg30: memref<2560xf32, #tpu.memory_space<vmem>>, %arg31: memref<2560xf32, #tpu.memory_space<vmem>>, %arg32: memref<2560xf32, #tpu.memory_space<vmem>>, %arg33: memref<2560xf32, #tpu.memory_space<vmem>>, %arg34: memref<2560xf32, #tpu.memory_space<vmem>>, %arg35: memref<2560xf32, #tpu.memory_space<vmem>>, %arg36: memref<2560xf32, #tpu.memory_space<vmem>>, %arg37: memref<2560xf32, #tpu.memory_space<vmem>>, %arg38: memref<2560xf32, #tpu.memory_space<vmem>>, %arg39: memref<2560xf32, #tpu.memory_space<vmem>>, %arg40: memref<2560xf32, #tpu.memory_space<vmem>>, %arg41: memref<2560xf32, #tpu.memory_space<vmem>>, %arg42: memref<10128xf32, #tpu.memory_space<vmem_shared>>, %arg43: memref<10128xf32, #tpu.memory_space<vmem_shared>>, %arg44: memref<10128xf32, #tpu.memory_space<vmem_shared>>, %arg45: memref<10128xf32, #tpu.memory_space<vmem_shared>>, %arg46: memref<10128xf32, #tpu.memory_space<vmem_shared>>, %arg47: memref<10128xf32, #tpu.memory_space<vmem_shared>>, %arg48: memref<10128xf32, #tpu.memory_space<vmem_shared>>, %arg49: memref<10128xf32, #tpu.memory_space<vmem_shared>>, %arg50: memref<10128xf32, #tpu.memory_space<vmem_shared>>, %arg51: memref<10128xf32, #tpu.memory_space<vmem_shared>>, %arg52: memref<10128xf32, #tpu.memory_space<vmem_shared>>, %arg53: memref<10128xf32, #tpu.memory_space<vmem_shared>>, %arg54: memref<10128xf32, #tpu.memory_space<vmem_shared>>, %arg55: memref<10128xf32, #tpu.memory_space<vmem_shared>>, %arg56: memref<10128xf32, #tpu.memory_space<vmem_shared>>, %arg57: memref<10128xf32, #tpu.memory_space<vmem_shared>>, %arg58: memref<10128xf32, #tpu.memory_space<vmem_shared>>, %arg59: memref<!tpu.dma_semaphore, #tpu.memory_space<semaphore_mem>>, %arg60: memref<!tpu.dma_semaphore, #tpu.memory_space<semaphore_mem>>, %arg61: memref<!tpu.dma_semaphore, #tpu.memory_space<semaphore_mem>>) attributes {dimension_semantics = [#tpu.dimension_semantics<core_parallel>, #tpu.dimension_semantics<subcore_parallel>], iteration_bounds = array<i64: 2, 16>, scalar_prefetch = 0 : i64, scratch_operands = 55 : i64, tpu.core_type = #tpu.core_type<sc_vector_subcore>, window_params = [{transform_indices = #map}, {transform_indices = #map}, {transform_indices = #map1}, {transform_indices = #map2}, {transform_indices = #map}]} {
    %mul3A = arith.constant 2 : i32
    %mul3A_0 = arith.muli %arg1, %mul3A : i32
    %add3A = arith.addi %mul3A_0, %arg0 : i32
    %eq3A = arith.constant 0 : i32
    %eq3A_1 = arith.cmpi eq, %arg1, %eq3A : i32
    %convert_element_type3A = arith.extui %eq3A_1 : i1 to i32
    %cond3A = arith.constant 0 : i32
    %cond3A_2 = arith.cmpi ne, %convert_element_type3A, %cond3A : i32
    scf.if %cond3A_2 {
      "tpu.region"() ({
        %run_scoped3A = tpu.sem_alloc : memref<!tpu.dma_semaphore, #tpu.memory_space<semaphore_mem>>
        tpu.enqueue_dma source(%arg4 : memref<10128xf32, #tpu.memory_space<hbm>>) target(%arg42 : memref<10128xf32, #tpu.memory_space<vmem_shared>>) target_semaphore(%run_scoped3A : memref<!tpu.dma_semaphore, #tpu.memory_space<semaphore_mem>>)
        tpu.wait_dma2 semaphore(%run_scoped3A : memref<!tpu.dma_semaphore, #tpu.memory_space<semaphore_mem>>) src(%arg4 : memref<10128xf32, #tpu.memory_space<hbm>>) dst(%arg42 : memref<10128xf32, #tpu.memory_space<vmem_shared>>)
        tpu.yield
      }) : () -> ()
      "tpu.region"() ({
        %run_scoped3A = tpu.sem_alloc : memref<!tpu.dma_semaphore, #tpu.memory_space<semaphore_mem>>
        tpu.enqueue_dma source(%arg4 : memref<10128xf32, #tpu.memory_space<hbm>>) target(%arg43 : memref<10128xf32, #tpu.memory_space<vmem_shared>>) target_semaphore(%run_scoped3A : memref<!tpu.dma_semaphore, #tpu.memory_space<semaphore_mem>>)
        tpu.wait_dma2 semaphore(%run_scoped3A : memref<!tpu.dma_semaphore, #tpu.memory_space<semaphore_mem>>) src(%arg4 : memref<10128xf32, #tpu.memory_space<hbm>>) dst(%arg43 : memref<10128xf32, #tpu.memory_space<vmem_shared>>)
        tpu.yield
      }) : () -> ()
      "tpu.region"() ({
        %run_scoped3A = tpu.sem_alloc : memref<!tpu.dma_semaphore, #tpu.memory_space<semaphore_mem>>
        tpu.enqueue_dma source(%arg4 : memref<10128xf32, #tpu.memory_space<hbm>>) target(%arg44 : memref<10128xf32, #tpu.memory_space<vmem_shared>>) target_semaphore(%run_scoped3A : memref<!tpu.dma_semaphore, #tpu.memory_space<semaphore_mem>>)
        tpu.wait_dma2 semaphore(%run_scoped3A : memref<!tpu.dma_semaphore, #tpu.memory_space<semaphore_mem>>) src(%arg4 : memref<10128xf32, #tpu.memory_space<hbm>>) dst(%arg44 : memref<10128xf32, #tpu.memory_space<vmem_shared>>)
        tpu.yield
      }) : () -> ()
      "tpu.region"() ({
        %run_scoped3A = tpu.sem_alloc : memref<!tpu.dma_semaphore, #tpu.memory_space<semaphore_mem>>
        tpu.enqueue_dma source(%arg4 : memref<10128xf32, #tpu.memory_space<hbm>>) target(%arg45 : memref<10128xf32, #tpu.memory_space<vmem_shared>>) target_semaphore(%run_scoped3A : memref<!tpu.dma_semaphore, #tpu.memory_space<semaphore_mem>>)
        tpu.wait_dma2 semaphore(%run_scoped3A : memref<!tpu.dma_semaphore, #tpu.memory_space<semaphore_mem>>) src(%arg4 : memref<10128xf32, #tpu.memory_space<hbm>>) dst(%arg45 : memref<10128xf32, #tpu.memory_space<vmem_shared>>)
        tpu.yield
      }) : () -> ()
      "tpu.region"() ({
        %run_scoped3A = tpu.sem_alloc : memref<!tpu.dma_semaphore, #tpu.memory_space<semaphore_mem>>
        tpu.enqueue_dma source(%arg4 : memref<10128xf32, #tpu.memory_space<hbm>>) target(%arg46 : memref<10128xf32, #tpu.memory_space<vmem_shared>>) target_semaphore(%run_scoped3A : memref<!tpu.dma_semaphore, #tpu.memory_space<semaphore_mem>>)
        tpu.wait_dma2 semaphore(%run_scoped3A : memref<!tpu.dma_semaphore, #tpu.memory_space<semaphore_mem>>) src(%arg4 : memref<10128xf32, #tpu.memory_space<hbm>>) dst(%arg46 : memref<10128xf32, #tpu.memory_space<vmem_shared>>)
        tpu.yield
      }) : () -> ()
      "tpu.region"() ({
        %run_scoped3A = tpu.sem_alloc : memref<!tpu.dma_semaphore, #tpu.memory_space<semaphore_mem>>
        tpu.enqueue_dma source(%arg4 : memref<10128xf32, #tpu.memory_space<hbm>>) target(%arg47 : memref<10128xf32, #tpu.memory_space<vmem_shared>>) target_semaphore(%run_scoped3A : memref<!tpu.dma_semaphore, #tpu.memory_space<semaphore_mem>>)
        tpu.wait_dma2 semaphore(%run_scoped3A : memref<!tpu.dma_semaphore, #tpu.memory_space<semaphore_mem>>) src(%arg4 : memref<10128xf32, #tpu.memory_space<hbm>>) dst(%arg47 : memref<10128xf32, #tpu.memory_space<vmem_shared>>)
        tpu.yield
      }) : () -> ()
      "tpu.region"() ({
        %run_scoped3A = tpu.sem_alloc : memref<!tpu.dma_semaphore, #tpu.memory_space<semaphore_mem>>
        tpu.enqueue_dma source(%arg4 : memref<10128xf32, #tpu.memory_space<hbm>>) target(%arg48 : memref<10128xf32, #tpu.memory_space<vmem_shared>>) target_semaphore(%run_scoped3A : memref<!tpu.dma_semaphore, #tpu.memory_space<semaphore_mem>>)
        tpu.wait_dma2 semaphore(%run_scoped3A : memref<!tpu.dma_semaphore, #tpu.memory_space<semaphore_mem>>) src(%arg4 : memref<10128xf32, #tpu.memory_space<hbm>>) dst(%arg48 : memref<10128xf32, #tpu.memory_space<vmem_shared>>)
        tpu.yield
      }) : () -> ()
      "tpu.region"() ({
        %run_scoped3A = tpu.sem_alloc : memref<!tpu.dma_semaphore, #tpu.memory_space<semaphore_mem>>
        tpu.enqueue_dma source(%arg4 : memref<10128xf32, #tpu.memory_space<hbm>>) target(%arg49 : memref<10128xf32, #tpu.memory_space<vmem_shared>>) target_semaphore(%run_scoped3A : memref<!tpu.dma_semaphore, #tpu.memory_space<semaphore_mem>>)
        tpu.wait_dma2 semaphore(%run_scoped3A : memref<!tpu.dma_semaphore, #tpu.memory_space<semaphore_mem>>) src(%arg4 : memref<10128xf32, #tpu.memory_space<hbm>>) dst(%arg49 : memref<10128xf32, #tpu.memory_space<vmem_shared>>)
        tpu.yield
      }) : () -> ()
      "tpu.region"() ({
        %run_scoped3A = tpu.sem_alloc : memref<!tpu.dma_semaphore, #tpu.memory_space<semaphore_mem>>
        tpu.enqueue_dma source(%arg4 : memref<10128xf32, #tpu.memory_space<hbm>>) target(%arg50 : memref<10128xf32, #tpu.memory_space<vmem_shared>>) target_semaphore(%run_scoped3A : memref<!tpu.dma_semaphore, #tpu.memory_space<semaphore_mem>>)
        tpu.wait_dma2 semaphore(%run_scoped3A : memref<!tpu.dma_semaphore, #tpu.memory_space<semaphore_mem>>) src(%arg4 : memref<10128xf32, #tpu.memory_space<hbm>>) dst(%arg50 : memref<10128xf32, #tpu.memory_space<vmem_shared>>)
        tpu.yield
      }) : () -> ()
      "tpu.region"() ({
        %run_scoped3A = tpu.sem_alloc : memref<!tpu.dma_semaphore, #tpu.memory_space<semaphore_mem>>
        tpu.enqueue_dma source(%arg4 : memref<10128xf32, #tpu.memory_space<hbm>>) target(%arg51 : memref<10128xf32, #tpu.memory_space<vmem_shared>>) target_semaphore(%run_scoped3A : memref<!tpu.dma_semaphore, #tpu.memory_space<semaphore_mem>>)
        tpu.wait_dma2 semaphore(%run_scoped3A : memref<!tpu.dma_semaphore, #tpu.memory_space<semaphore_mem>>) src(%arg4 : memref<10128xf32, #tpu.memory_space<hbm>>) dst(%arg51 : memref<10128xf32, #tpu.memory_space<vmem_shared>>)
        tpu.yield
      }) : () -> ()
      "tpu.region"() ({
        %run_scoped3A = tpu.sem_alloc : memref<!tpu.dma_semaphore, #tpu.memory_space<semaphore_mem>>
        tpu.enqueue_dma source(%arg4 : memref<10128xf32, #tpu.memory_space<hbm>>) target(%arg52 : memref<10128xf32, #tpu.memory_space<vmem_shared>>) target_semaphore(%run_scoped3A : memref<!tpu.dma_semaphore, #tpu.memory_space<semaphore_mem>>)
        tpu.wait_dma2 semaphore(%run_scoped3A : memref<!tpu.dma_semaphore, #tpu.memory_space<semaphore_mem>>) src(%arg4 : memref<10128xf32, #tpu.memory_space<hbm>>) dst(%arg52 : memref<10128xf32, #tpu.memory_space<vmem_shared>>)
        tpu.yield
      }) : () -> ()
      "tpu.region"() ({
        %run_scoped3A = tpu.sem_alloc : memref<!tpu.dma_semaphore, #tpu.memory_space<semaphore_mem>>
        tpu.enqueue_dma source(%arg4 : memref<10128xf32, #tpu.memory_space<hbm>>) target(%arg53 : memref<10128xf32, #tpu.memory_space<vmem_shared>>) target_semaphore(%run_scoped3A : memref<!tpu.dma_semaphore, #tpu.memory_space<semaphore_mem>>)
        tpu.wait_dma2 semaphore(%run_scoped3A : memref<!tpu.dma_semaphore, #tpu.memory_space<semaphore_mem>>) src(%arg4 : memref<10128xf32, #tpu.memory_space<hbm>>) dst(%arg53 : memref<10128xf32, #tpu.memory_space<vmem_shared>>)
        tpu.yield
      }) : () -> ()
      "tpu.region"() ({
        %run_scoped3A = tpu.sem_alloc : memref<!tpu.dma_semaphore, #tpu.memory_space<semaphore_mem>>
        tpu.enqueue_dma source(%arg4 : memref<10128xf32, #tpu.memory_space<hbm>>) target(%arg54 : memref<10128xf32, #tpu.memory_space<vmem_shared>>) target_semaphore(%run_scoped3A : memref<!tpu.dma_semaphore, #tpu.memory_space<semaphore_mem>>)
        tpu.wait_dma2 semaphore(%run_scoped3A : memref<!tpu.dma_semaphore, #tpu.memory_space<semaphore_mem>>) src(%arg4 : memref<10128xf32, #tpu.memory_space<hbm>>) dst(%arg54 : memref<10128xf32, #tpu.memory_space<vmem_shared>>)
        tpu.yield
      }) : () -> ()
      "tpu.region"() ({
        %run_scoped3A = tpu.sem_alloc : memref<!tpu.dma_semaphore, #tpu.memory_space<semaphore_mem>>
        tpu.enqueue_dma source(%arg4 : memref<10128xf32, #tpu.memory_space<hbm>>) target(%arg55 : memref<10128xf32, #tpu.memory_space<vmem_shared>>) target_semaphore(%run_scoped3A : memref<!tpu.dma_semaphore, #tpu.memory_space<semaphore_mem>>)
        tpu.wait_dma2 semaphore(%run_scoped3A : memref<!tpu.dma_semaphore, #tpu.memory_space<semaphore_mem>>) src(%arg4 : memref<10128xf32, #tpu.memory_space<hbm>>) dst(%arg55 : memref<10128xf32, #tpu.memory_space<vmem_shared>>)
        tpu.yield
      }) : () -> ()
      "tpu.region"() ({
        %run_scoped3A = tpu.sem_alloc : memref<!tpu.dma_semaphore, #tpu.memory_space<semaphore_mem>>
        tpu.enqueue_dma source(%arg4 : memref<10128xf32, #tpu.memory_space<hbm>>) target(%arg56 : memref<10128xf32, #tpu.memory_space<vmem_shared>>) target_semaphore(%run_scoped3A : memref<!tpu.dma_semaphore, #tpu.memory_space<semaphore_mem>>)
        tpu.wait_dma2 semaphore(%run_scoped3A : memref<!tpu.dma_semaphore, #tpu.memory_space<semaphore_mem>>) src(%arg4 : memref<10128xf32, #tpu.memory_space<hbm>>) dst(%arg56 : memref<10128xf32, #tpu.memory_space<vmem_shared>>)
        tpu.yield
      }) : () -> ()
      "tpu.region"() ({
        %run_scoped3A = tpu.sem_alloc : memref<!tpu.dma_semaphore, #tpu.memory_space<semaphore_mem>>
        tpu.enqueue_dma source(%arg4 : memref<10128xf32, #tpu.memory_space<hbm>>) target(%arg57 : memref<10128xf32, #tpu.memory_space<vmem_shared>>) target_semaphore(%run_scoped3A : memref<!tpu.dma_semaphore, #tpu.memory_space<semaphore_mem>>)
        tpu.wait_dma2 semaphore(%run_scoped3A : memref<!tpu.dma_semaphore, #tpu.memory_space<semaphore_mem>>) src(%arg4 : memref<10128xf32, #tpu.memory_space<hbm>>) dst(%arg57 : memref<10128xf32, #tpu.memory_space<vmem_shared>>)
        tpu.yield
      }) : () -> ()
      "tpu.region"() ({
        %run_scoped3A = tpu.sem_alloc : memref<!tpu.dma_semaphore, #tpu.memory_space<semaphore_mem>>
        tpu.enqueue_dma source(%arg4 : memref<10128xf32, #tpu.memory_space<hbm>>) target(%arg58 : memref<10128xf32, #tpu.memory_space<vmem_shared>>) target_semaphore(%run_scoped3A : memref<!tpu.dma_semaphore, #tpu.memory_space<semaphore_mem>>)
        tpu.wait_dma2 semaphore(%run_scoped3A : memref<!tpu.dma_semaphore, #tpu.memory_space<semaphore_mem>>) src(%arg4 : memref<10128xf32, #tpu.memory_space<hbm>>) dst(%arg58 : memref<10128xf32, #tpu.memory_space<vmem_shared>>)
        tpu.yield
      }) : () -> ()
    } else {
    }
    %broadcast_in_dim3A = arith.constant 1.000000e+00 : f32
    %broadcast_in_dim3A_3 = vector.broadcast %broadcast_in_dim3A : f32 to vector<16xf32>
    %swap3A = arith.constant 0 : index
    %swap3A_4 = tpu.vector_load %arg41[%swap3A] {strides = array<i32>} : memref<2560xf32, #tpu.memory_space<vmem>>, vector<16xf32>,
    %swap3A_5 = vector.shape_cast %swap3A_4 : vector<16xf32> to vector<16xf32>
    %swap3A_6 = vector.shape_cast %broadcast_in_dim3A_3 : vector<16xf32> to vector<16xf32>
    tpu.vector_store %arg41[%swap3A], %swap3A_6 {strides = array<i32>} : memref<2560xf32, #tpu.memory_space<vmem>>, vector<16xf32>,
    %broadcast_in_dim3A_7 = arith.constant 1.000000e+00 : f32
    %broadcast_in_dim3A_8 = vector.broadcast %broadcast_in_dim3A_7 : f32 to vector<16xf32>
    %swap3A_9 = arith.constant 16 : index
    %swap3A_10 = tpu.vector_load %arg41[%swap3A_9] {strides = array<i32>} : memref<2560xf32, #tpu.memory_space<vmem>>, vector<16xf32>,
    %swap3A_11 = vector.shape_cast %swap3A_10 : vector<16xf32> to vector<16xf32>
    %swap3A_12 = vector.shape_cast %broadcast_in_dim3A_8 : vector<16xf32> to vector<16xf32>
    tpu.vector_store %arg41[%swap3A_9], %swap3A_12 {strides = array<i32>} : memref<2560xf32, #tpu.memory_space<vmem>>, vector<16xf32>,
    %broadcast_in_dim3A_13 = arith.constant 1.000000e+00 : f32
    %broadcast_in_dim3A_14 = vector.broadcast %broadcast_in_dim3A_13 : f32 to vector<16xf32>
    %swap3A_15 = arith.constant 32 : index
    %swap3A_16 = tpu.vector_load %arg41[%swap3A_15] {strides = array<i32>} : memref<2560xf32, #tpu.memory_space<vmem>>, vector<16xf32>,
    %swap3A_17 = vector.shape_cast %swap3A_16 : vector<16xf32> to vector<16xf32>
    %swap3A_18 = vector.shape_cast %broadcast_in_dim3A_14 : vector<16xf32> to vector<16xf32>
    tpu.vector_store %arg41[%swap3A_15], %swap3A_18 {strides = array<i32>} : memref<2560xf32, #tpu.memory_space<vmem>>, vector<16xf32>,
    %broadcast_in_dim3A_19 = arith.constant 1.000000e+00 : f32
    %broadcast_in_dim3A_20 = vector.broadcast %broadcast_in_dim3A_19 : f32 to vector<16xf32>
    %swap3A_21 = arith.constant 48 : index
    %swap3A_22 = tpu.vector_load %arg41[%swap3A_21] {strides = array<i32>} : memref<2560xf32, #tpu.memory_space<vmem>>, vector<16xf32>,
    %swap3A_23 = vector.shape_cast %swap3A_22 : vector<16xf32> to vector<16xf32>
    %swap3A_24 = vector.shape_cast %broadcast_in_dim3A_20 : vector<16xf32> to vector<16xf32>
    tpu.vector_store %arg41[%swap3A_21], %swap3A_24 {strides = array<i32>} : memref<2560xf32, #tpu.memory_space<vmem>>, vector<16xf32>,
    %broadcast_in_dim3A_25 = arith.constant 1.000000e+00 : f32
    %broadcast_in_dim3A_26 = vector.broadcast %broadcast_in_dim3A_25 : f32 to vector<16xf32>
    %swap3A_27 = arith.constant 64 : index
    %swap3A_28 = tpu.vector_load %arg41[%swap3A_27] {strides = array<i32>} : memref<2560xf32, #tpu.memory_space<vmem>>, vector<16xf32>,
    %swap3A_29 = vector.shape_cast %swap3A_28 : vector<16xf32> to vector<16xf32>
    %swap3A_30 = vector.shape_cast %broadcast_in_dim3A_26 : vector<16xf32> to vector<16xf32>
    tpu.vector_store %arg41[%swap3A_27], %swap3A_30 {strides = array<i32>} : memref<2560xf32, #tpu.memory_space<vmem>>, vector<16xf32>,
    %broadcast_in_dim3A_31 = arith.constant 1.000000e+00 : f32
    %broadcast_in_dim3A_32 = vector.broadcast %broadcast_in_dim3A_31 : f32 to vector<16xf32>
    %swap3A_33 = arith.constant 80 : index
    %swap3A_34 = tpu.vector_load %arg41[%swap3A_33] {strides = array<i32>} : memref<2560xf32, #tpu.memory_space<vmem>>, vector<16xf32>,
    %swap3A_35 = vector.shape_cast %swap3A_34 : vector<16xf32> to vector<16xf32>
    %swap3A_36 = vector.shape_cast %broadcast_in_dim3A_32 : vector<16xf32> to vector<16xf32>
    tpu.vector_store %arg41[%swap3A_33], %swap3A_36 {strides = array<i32>} : memref<2560xf32, #tpu.memory_space<vmem>>, vector<16xf32>,
    %broadcast_in_dim3A_37 = arith.constant 1.000000e+00 : f32
    %broadcast_in_dim3A_38 = vector.broadcast %broadcast_in_dim3A_37 : f32 to vector<16xf32>
    %swap3A_39 = arith.constant 96 : index
    %swap3A_40 = tpu.vector_load %arg41[%swap3A_39] {strides = array<i32>} : memref<2560xf32, #tpu.memory_space<vmem>>, vector<16xf32>,
    %swap3A_41 = vector.shape_cast %swap3A_40 : vector<16xf32> to vector<16xf32>
    %swap3A_42 = vector.shape_cast %broadcast_in_dim3A_38 : vector<16xf32> to vector<16xf32>
    tpu.vector_store %arg41[%swap3A_39], %swap3A_42 {strides = array<i32>} : memref<2560xf32, #tpu.memory_space<vmem>>, vector<16xf32>,
    %broadcast_in_dim3A_43 = arith.constant 1.000000e+00 : f32
    %broadcast_in_dim3A_44 = vector.broadcast %broadcast_in_dim3A_43 : f32 to vector<16xf32>
    %swap3A_45 = arith.constant 112 : index
    %swap3A_46 = tpu.vector_load %arg41[%swap3A_45] {strides = array<i32>} : memref<2560xf32, #tpu.memory_space<vmem>>, vector<16xf32>,
    %swap3A_47 = vector.shape_cast %swap3A_46 : vector<16xf32> to vector<16xf32>
    %swap3A_48 = vector.shape_cast %broadcast_in_dim3A_44 : vector<16xf32> to vector<16xf32>
    tpu.vector_store %arg41[%swap3A_45], %swap3A_48 {strides = array<i32>} : memref<2560xf32, #tpu.memory_space<vmem>>, vector<16xf32>,
    %broadcast_in_dim3A_49 = arith.constant 1.000000e+00 : f32
    %broadcast_in_dim3A_50 = vector.broadcast %broadcast_in_dim3A_49 : f32 to vector<16xf32>
    %swap3A_51 = arith.constant 128 : index
    %swap3A_52 = tpu.vector_load %arg41[%swap3A_51] {strides = array<i32>} : memref<2560xf32, #tpu.memory_space<vmem>>, vector<16xf32>,
    %swap3A_53 = vector.shape_cast %swap3A_52 : vector<16xf32> to vector<16xf32>
    %swap3A_54 = vector.shape_cast %broadcast_in_dim3A_50 : vector<16xf32> to vector<16xf32>
    tpu.vector_store %arg41[%swap3A_51], %swap3A_54 {strides = array<i32>} : memref<2560xf32, #tpu.memory_space<vmem>>, vector<16xf32>,
    %broadcast_in_dim3A_55 = arith.constant 1.000000e+00 : f32
    %broadcast_in_dim3A_56 = vector.broadcast %broadcast_in_dim3A_55 : f32 to vector<16xf32>
    %swap3A_57 = arith.constant 144 : index
    %swap3A_58 = tpu.vector_load %arg41[%swap3A_57] {strides = array<i32>} : memref<2560xf32, #tpu.memory_space<vmem>>, vector<16xf32>,
    %swap3A_59 = vector.shape_cast %swap3A_58 : vector<16xf32> to vector<16xf32>
    %swap3A_60 = vector.shape_cast %broadcast_in_dim3A_56 : vector<16xf32> to vector<16xf32>
    tpu.vector_store %arg41[%swap3A_57], %swap3A_60 {strides = array<i32>} : memref<2560xf32, #tpu.memory_space<vmem>>, vector<16xf32>,
    %broadcast_in_dim3A_61 = arith.constant 1.000000e+00 : f32
    %broadcast_in_dim3A_62 = vector.broadcast %broadcast_in_dim3A_61 : f32 to vector<16xf32>
    %swap3A_63 = arith.constant 160 : index
    %swap3A_64 = tpu.vector_load %arg41[%swap3A_63] {strides = array<i32>} : memref<2560xf32, #tpu.memory_space<vmem>>, vector<16xf32>,
    %swap3A_65 = vector.shape_cast %swap3A_64 : vector<16xf32> to vector<16xf32>
    %swap3A_66 = vector.shape_cast %broadcast_in_dim3A_62 : vector<16xf32> to vector<16xf32>
    tpu.vector_store %arg41[%swap3A_63], %swap3A_66 {strides = array<i32>} : memref<2560xf32, #tpu.memory_space<vmem>>, vector<16xf32>,
    %broadcast_in_dim3A_67 = arith.constant 1.000000e+00 : f32
    %broadcast_in_dim3A_68 = vector.broadcast %broadcast_in_dim3A_67 : f32 to vector<16xf32>
    %swap3A_69 = arith.constant 176 : index
    %swap3A_70 = tpu.vector_load %arg41[%swap3A_69] {strides = array<i32>} : memref<2560xf32, #tpu.memory_space<vmem>>, vector<16xf32>,
    %swap3A_71 = vector.shape_cast %swap3A_70 : vector<16xf32> to vector<16xf32>
    %swap3A_72 = vector.shape_cast %broadcast_in_dim3A_68 : vector<16xf32> to vector<16xf32>
    tpu.vector_store %arg41[%swap3A_69], %swap3A_72 {strides = array<i32>} : memref<2560xf32, #tpu.memory_space<vmem>>, vector<16xf32>,
    %broadcast_in_dim3A_73 = arith.constant 1.000000e+00 : f32
    %broadcast_in_dim3A_74 = vector.broadcast %broadcast_in_dim3A_73 : f32 to vector<16xf32>
    %swap3A_75 = arith.constant 192 : index
    %swap3A_76 = tpu.vector_load %arg41[%swap3A_75] {strides = array<i32>} : memref<2560xf32, #tpu.memory_space<vmem>>, vector<16xf32>,
    %swap3A_77 = vector.shape_cast %swap3A_76 : vector<16xf32> to vector<16xf32>
    %swap3A_78 = vector.shape_cast %broadcast_in_dim3A_74 : vector<16xf32> to vector<16xf32>
    tpu.vector_store %arg41[%swap3A_75], %swap3A_78 {strides = array<i32>} : memref<2560xf32, #tpu.memory_space<vmem>>, vector<16xf32>,
    %broadcast_in_dim3A_79 = arith.constant 1.000000e+00 : f32
    %broadcast_in_dim3A_80 = vector.broadcast %broadcast_in_dim3A_79 : f32 to vector<16xf32>
    %swap3A_81 = arith.constant 208 : index
    %swap3A_82 = tpu.vector_load %arg41[%swap3A_81] {strides = array<i32>} : memref<2560xf32, #tpu.memory_space<vmem>>, vector<16xf32>,
    %swap3A_83 = vector.shape_cast %swap3A_82 : vector<16xf32> to vector<16xf32>
    %swap3A_84 = vector.shape_cast %broadcast_in_dim3A_80 : vector<16xf32> to vector<16xf32>
    tpu.vector_store %arg41[%swap3A_81], %swap3A_84 {strides = array<i32>} : memref<2560xf32, #tpu.memory_space<vmem>>, vector<16xf32>,
    %broadcast_in_dim3A_85 = arith.constant 1.000000e+00 : f32
    %broadcast_in_dim3A_86 = vector.broadcast %broadcast_in_dim3A_85 : f32 to vector<16xf32>
    %swap3A_87 = arith.constant 224 : index
    %swap3A_88 = tpu.vector_load %arg41[%swap3A_87] {strides = array<i32>} : memref<2560xf32, #tpu.memory_space<vmem>>, vector<16xf32>,
    %swap3A_89 = vector.shape_cast %swap3A_88 : vector<16xf32> to vector<16xf32>
    %swap3A_90 = vector.shape_cast %broadcast_in_dim3A_86 : vector<16xf32> to vector<16xf32>
    tpu.vector_store %arg41[%swap3A_87], %swap3A_90 {strides = array<i32>} : memref<2560xf32, #tpu.memory_space<vmem>>, vector<16xf32>,
    %broadcast_in_dim3A_91 = arith.constant 1.000000e+00 : f32
    %broadcast_in_dim3A_92 = vector.broadcast %broadcast_in_dim3A_91 : f32 to vector<16xf32>
    %swap3A_93 = arith.constant 240 : index
    %swap3A_94 = tpu.vector_load %arg41[%swap3A_93] {strides = array<i32>} : memref<2560xf32, #tpu.memory_space<vmem>>, vector<16xf32>,
    %swap3A_95 = vector.shape_cast %swap3A_94 : vector<16xf32> to vector<16xf32>
    %swap3A_96 = vector.shape_cast %broadcast_in_dim3A_92 : vector<16xf32> to vector<16xf32>
    tpu.vector_store %arg41[%swap3A_93], %swap3A_96 {strides = array<i32>} : memref<2560xf32, #tpu.memory_space<vmem>>, vector<16xf32>,
    %broadcast_in_dim3A_97 = arith.constant 1.000000e+00 : f32
    %broadcast_in_dim3A_98 = vector.broadcast %broadcast_in_dim3A_97 : f32 to vector<16xf32>
    %swap3A_99 = arith.constant 256 : index
    %swap3A_100 = tpu.vector_load %arg41[%swap3A_99] {strides = array<i32>} : memref<2560xf32, #tpu.memory_space<vmem>>, vector<16xf32>,
    %swap3A_101 = vector.shape_cast %swap3A_100 : vector<16xf32> to vector<16xf32>
    %swap3A_102 = vector.shape_cast %broadcast_in_dim3A_98 : vector<16xf32> to vector<16xf32>
    tpu.vector_store %arg41[%swap3A_99], %swap3A_102 {strides = array<i32>} : memref<2560xf32, #tpu.memory_space<vmem>>, vector<16xf32>,
    %broadcast_in_dim3A_103 = arith.constant 1.000000e+00 : f32
    %broadcast_in_dim3A_104 = vector.broadcast %broadcast_in_dim3A_103 : f32 to vector<16xf32>
    %swap3A_105 = arith.constant 272 : index
    %swap3A_106 = tpu.vector_load %arg41[%swap3A_105] {strides = array<i32>} : memref<2560xf32, #tpu.memory_space<vmem>>, vector<16xf32>,
    %swap3A_107 = vector.shape_cast %swap3A_106 : vector<16xf32> to vector<16xf32>
    %swap3A_108 = vector.shape_cast %broadcast_in_dim3A_104 : vector<16xf32> to vector<16xf32>
    tpu.vector_store %arg41[%swap3A_105], %swap3A_108 {strides = array<i32>} : memref<2560xf32, #tpu.memory_space<vmem>>, vector<16xf32>,
    %broadcast_in_dim3A_109 = arith.constant 1.000000e+00 : f32
    %broadcast_in_dim3A_110 = vector.broadcast %broadcast_in_dim3A_109 : f32 to vector<16xf32>
    %swap3A_111 = arith.constant 288 : index
    %swap3A_112 = tpu.vector_load %arg41[%swap3A_111] {strides = array<i32>} : memref<2560xf32, #tpu.memory_space<vmem>>, vector<16xf32>,
    %swap3A_113 = vector.shape_cast %swap3A_112 : vector<16xf32> to vector<16xf32>
    %swap3A_114 = vector.shape_cast %broadcast_in_dim3A_110 : vector<16xf32> to vector<16xf32>
    tpu.vector_store %arg41[%swap3A_111], %swap3A_114 {strides = array<i32>} : memref<2560xf32, #tpu.memory_space<vmem>>, vector<16xf32>,
    %broadcast_in_dim3A_115 = arith.constant 1.000000e+00 : f32
    %broadcast_in_dim3A_116 = vector.broadcast %broadcast_in_dim3A_115 : f32 to vector<16xf32>
    %swap3A_117 = arith.constant 304 : index
    %swap3A_118 = tpu.vector_load %arg41[%swap3A_117] {strides = array<i32>} : memref<2560xf32, #tpu.memory_space<vmem>>, vector<16xf32>,
    %swap3A_119 = vector.shape_cast %swap3A_118 : vector<16xf32> to vector<16xf32>
    %swap3A_120 = vector.shape_cast %broadcast_in_dim3A_116 : vector<16xf32> to vector<16xf32>
    tpu.vector_store %arg41[%swap3A_117], %swap3A_120 {strides = array<i32>} : memref<2560xf32, #tpu.memory_space<vmem>>, vector<16xf32>,
    %broadcast_in_dim3A_121 = arith.constant 1.000000e+00 : f32
    %broadcast_in_dim3A_122 = vector.broadcast %broadcast_in_dim3A_121 : f32 to vector<16xf32>
    %swap3A_123 = arith.constant 320 : index
    %swap3A_124 = tpu.vector_load %arg41[%swap3A_123] {strides = array<i32>} : memref<2560xf32, #tpu.memory_space<vmem>>, vector<16xf32>,
    %swap3A_125 = vector.shape_cast %swap3A_124 : vector<16xf32> to vector<16xf32>
    %swap3A_126 = vector.shape_cast %broadcast_in_dim3A_122 : vector<16xf32> to vector<16xf32>
    tpu.vector_store %arg41[%swap3A_123], %swap3A_126 {strides = array<i32>} : memref<2560xf32, #tpu.memory_space<vmem>>, vector<16xf32>,
    %broadcast_in_dim3A_127 = arith.constant 1.000000e+00 : f32
    %broadcast_in_dim3A_128 = vector.broadcast %broadcast_in_dim3A_127 : f32 to vector<16xf32>
    %swap3A_129 = arith.constant 336 : index
    %swap3A_130 = tpu.vector_load %arg41[%swap3A_129] {strides = array<i32>} : memref<2560xf32, #tpu.memory_space<vmem>>, vector<16xf32>,
    %swap3A_131 = vector.shape_cast %swap3A_130 : vector<16xf32> to vector<16xf32>
    %swap3A_132 = vector.shape_cast %broadcast_in_dim3A_128 : vector<16xf32> to vector<16xf32>
    tpu.vector_store %arg41[%swap3A_129], %swap3A_132 {strides = array<i32>} : memref<2560xf32, #tpu.memory_space<vmem>>, vector<16xf32>,
    %broadcast_in_dim3A_133 = arith.constant 1.000000e+00 : f32
    %broadcast_in_dim3A_134 = vector.broadcast %broadcast_in_dim3A_133 : f32 to vector<16xf32>
    %swap3A_135 = arith.constant 352 : index
    %swap3A_136 = tpu.vector_load %arg41[%swap3A_135] {strides = array<i32>} : memref<2560xf32, #tpu.memory_space<vmem>>, vector<16xf32>,
    %swap3A_137 = vector.shape_cast %swap3A_136 : vector<16xf32> to vector<16xf32>
    %swap3A_138 = vector.shape_cast %broadcast_in_dim3A_134 : vector<16xf32> to vector<16xf32>
    tpu.vector_store %arg41[%swap3A_135], %swap3A_138 {strides = array<i32>} : memref<2560xf32, #tpu.memory_space<vmem>>, vector<16xf32>,
    %broadcast_in_dim3A_139 = arith.constant 1.000000e+00 : f32
    %broadcast_in_dim3A_140 = vector.broadcast %broadcast_in_dim3A_139 : f32 to vector<16xf32>
    %swap3A_141 = arith.constant 368 : index
    %swap3A_142 = tpu.vector_load %arg41[%swap3A_141] {strides = array<i32>} : memref<2560xf32, #tpu.memory_space<vmem>>, vector<16xf32>,
    %swap3A_143 = vector.shape_cast %swap3A_142 : vector<16xf32> to vector<16xf32>
    %swap3A_144 = vector.shape_cast %broadcast_in_dim3A_140 : vector<16xf32> to vector<16xf32>
    tpu.vector_store %arg41[%swap3A_141], %swap3A_144 {strides = array<i32>} : memref<2560xf32, #tpu.memory_space<vmem>>, vector<16xf32>,
    %broadcast_in_dim3A_145 = arith.constant 1.000000e+00 : f32
    %broadcast_in_dim3A_146 = vector.broadcast %broadcast_in_dim3A_145 : f32 to vector<16xf32>
    %swap3A_147 = arith.constant 384 : index
    %swap3A_148 = tpu.vector_load %arg41[%swap3A_147] {strides = array<i32>} : memref<2560xf32, #tpu.memory_space<vmem>>, vector<16xf32>,
    %swap3A_149 = vector.shape_cast %swap3A_148 : vector<16xf32> to vector<16xf32>
    %swap3A_150 = vector.shape_cast %broadcast_in_dim3A_146 : vector<16xf32> to vector<16xf32>
    tpu.vector_store %arg41[%swap3A_147], %swap3A_150 {strides = array<i32>} : memref<2560xf32, #tpu.memory_space<vmem>>, vector<16xf32>,
    %broadcast_in_dim3A_151 = arith.constant 1.000000e+00 : f32
    %broadcast_in_dim3A_152 = vector.broadcast %broadcast_in_dim3A_151 : f32 to vector<16xf32>
    %swap3A_153 = arith.constant 400 : index
    %swap3A_154 = tpu.vector_load %arg41[%swap3A_153] {strides = array<i32>} : memref<2560xf32, #tpu.memory_space<vmem>>, vector<16xf32>,
    %swap3A_155 = vector.shape_cast %swap3A_154 : vector<16xf32> to vector<16xf32>
    %swap3A_156 = vector.shape_cast %broadcast_in_dim3A_152 : vector<16xf32> to vector<16xf32>
    tpu.vector_store %arg41[%swap3A_153], %swap3A_156 {strides = array<i32>} : memref<2560xf32, #tpu.memory_space<vmem>>, vector<16xf32>,
    %broadcast_in_dim3A_157 = arith.constant 1.000000e+00 : f32
    %broadcast_in_dim3A_158 = vector.broadcast %broadcast_in_dim3A_157 : f32 to vector<16xf32>
    %swap3A_159 = arith.constant 416 : index
    %swap3A_160 = tpu.vector_load %arg41[%swap3A_159] {strides = array<i32>} : memref<2560xf32, #tpu.memory_space<vmem>>, vector<16xf32>,
    %swap3A_161 = vector.shape_cast %swap3A_160 : vector<16xf32> to vector<16xf32>
    %swap3A_162 = vector.shape_cast %broadcast_in_dim3A_158 : vector<16xf32> to vector<16xf32>
    tpu.vector_store %arg41[%swap3A_159], %swap3A_162 {strides = array<i32>} : memref<2560xf32, #tpu.memory_space<vmem>>, vector<16xf32>,
    %broadcast_in_dim3A_163 = arith.constant 1.000000e+00 : f32
    %broadcast_in_dim3A_164 = vector.broadcast %broadcast_in_dim3A_163 : f32 to vector<16xf32>
    %swap3A_165 = arith.constant 432 : index
    %swap3A_166 = tpu.vector_load %arg41[%swap3A_165] {strides = array<i32>} : memref<2560xf32, #tpu.memory_space<vmem>>, vector<16xf32>,
    %swap3A_167 = vector.shape_cast %swap3A_166 : vector<16xf32> to vector<16xf32>
    %swap3A_168 = vector.shape_cast %broadcast_in_dim3A_164 : vector<16xf32> to vector<16xf32>
    tpu.vector_store %arg41[%swap3A_165], %swap3A_168 {strides = array<i32>} : memref<2560xf32, #tpu.memory_space<vmem>>, vector<16xf32>,
    %broadcast_in_dim3A_169 = arith.constant 1.000000e+00 : f32
    %broadcast_in_dim3A_170 = vector.broadcast %broadcast_in_dim3A_169 : f32 to vector<16xf32>
    %swap3A_171 = arith.constant 448 : index
    %swap3A_172 = tpu.vector_load %arg41[%swap3A_171] {strides = array<i32>} : memref<2560xf32, #tpu.memory_space<vmem>>, vector<16xf32>,
    %swap3A_173 = vector.shape_cast %swap3A_172 : vector<16xf32> to vector<16xf32>
    %swap3A_174 = vector.shape_cast %broadcast_in_dim3A_170 : vector<16xf32> to vector<16xf32>
    tpu.vector_store %arg41[%swap3A_171], %swap3A_174 {strides = array<i32>} : memref<2560xf32, #tpu.memory_space<vmem>>, vector<16xf32>,
    %broadcast_in_dim3A_175 = arith.constant 1.000000e+00 : f32
    %broadcast_in_dim3A_176 = vector.broadcast %broadcast_in_dim3A_175 : f32 to vector<16xf32>
    %swap3A_177 = arith.constant 464 : index
    %swap3A_178 = tpu.vector_load %arg41[%swap3A_177] {strides = array<i32>} : memref<2560xf32, #tpu.memory_space<vmem>>, vector<16xf32>,
    %swap3A_179 = vector.shape_cast %swap3A_178 : vector<16xf32> to vector<16xf32>
    %swap3A_180 = vector.shape_cast %broadcast_in_dim3A_176 : vector<16xf32> to vector<16xf32>
    tpu.vector_store %arg41[%swap3A_177], %swap3A_180 {strides = array<i32>} : memref<2560xf32, #tpu.memory_space<vmem>>, vector<16xf32>,
    %broadcast_in_dim3A_181 = arith.constant 1.000000e+00 : f32
    %broadcast_in_dim3A_182 = vector.broadcast %broadcast_in_dim3A_181 : f32 to vector<16xf32>
    %swap3A_183 = arith.constant 480 : index
    %swap3A_184 = tpu.vector_load %arg41[%swap3A_183] {strides = array<i32>} : memref<2560xf32, #tpu.memory_space<vmem>>, vector<16xf32>,
    %swap3A_185 = vector.shape_cast %swap3A_184 : vector<16xf32> to vector<16xf32>
    %swap3A_186 = vector.shape_cast %broadcast_in_dim3A_182 : vector<16xf32> to vector<16xf32>
    tpu.vector_store %arg41[%swap3A_183], %swap3A_186 {strides = array<i32>} : memref<2560xf32, #tpu.memory_space<vmem>>, vector<16xf32>,
    %broadcast_in_dim3A_187 = arith.constant 1.000000e+00 : f32
    %broadcast_in_dim3A_188 = vector.broadcast %broadcast_in_dim3A_187 : f32 to vector<16xf32>
    %swap3A_189 = arith.constant 496 : index
    %swap3A_190 = tpu.vector_load %arg41[%swap3A_189] {strides = array<i32>} : memref<2560xf32, #tpu.memory_space<vmem>>, vector<16xf32>,
    %swap3A_191 = vector.shape_cast %swap3A_190 : vector<16xf32> to vector<16xf32>
    %swap3A_192 = vector.shape_cast %broadcast_in_dim3A_188 : vector<16xf32> to vector<16xf32>
    tpu.vector_store %arg41[%swap3A_189], %swap3A_192 {strides = array<i32>} : memref<2560xf32, #tpu.memory_space<vmem>>, vector<16xf32>,
    %broadcast_in_dim3A_193 = arith.constant 1.000000e+00 : f32
    %broadcast_in_dim3A_194 = vector.broadcast %broadcast_in_dim3A_193 : f32 to vector<16xf32>
    %swap3A_195 = arith.constant 512 : index
    %swap3A_196 = tpu.vector_load %arg41[%swap3A_195] {strides = array<i32>} : memref<2560xf32, #tpu.memory_space<vmem>>, vector<16xf32>,
    %swap3A_197 = vector.shape_cast %swap3A_196 : vector<16xf32> to vector<16xf32>
    %swap3A_198 = vector.shape_cast %broadcast_in_dim3A_194 : vector<16xf32> to vector<16xf32>
    tpu.vector_store %arg41[%swap3A_195], %swap3A_198 {strides = array<i32>} : memref<2560xf32, #tpu.memory_space<vmem>>, vector<16xf32>,
    %broadcast_in_dim3A_199 = arith.constant 1.000000e+00 : f32
    %broadcast_in_dim3A_200 = vector.broadcast %broadcast_in_dim3A_199 : f32 to vector<16xf32>
    %swap3A_201 = arith.constant 528 : index
    %swap3A_202 = tpu.vector_load %arg41[%swap3A_201] {strides = array<i32>} : memref<2560xf32, #tpu.memory_space<vmem>>, vector<16xf32>,
    %swap3A_203 = vector.shape_cast %swap3A_202 : vector<16xf32> to vector<16xf32>
    %swap3A_204 = vector.shape_cast %broadcast_in_dim3A_200 : vector<16xf32> to vector<16xf32>
    tpu.vector_store %arg41[%swap3A_201], %swap3A_204 {strides = array<i32>} : memref<2560xf32, #tpu.memory_space<vmem>>, vector<16xf32>,
    %broadcast_in_dim3A_205 = arith.constant 1.000000e+00 : f32
    %broadcast_in_dim3A_206 = vector.broadcast %broadcast_in_dim3A_205 : f32 to vector<16xf32>
    %swap3A_207 = arith.constant 544 : index
    %swap3A_208 = tpu.vector_load %arg41[%swap3A_207] {strides = array<i32>} : memref<2560xf32, #tpu.memory_space<vmem>>, vector<16xf32>,
    %swap3A_209 = vector.shape_cast %swap3A_208 : vector<16xf32> to vector<16xf32>
    %swap3A_210 = vector.shape_cast %broadcast_in_dim3A_206 : vector<16xf32> to vector<16xf32>
    tpu.vector_store %arg41[%swap3A_207], %swap3A_210 {strides = array<i32>} : memref<2560xf32, #tpu.memory_space<vmem>>, vector<16xf32>,
    %broadcast_in_dim3A_211 = arith.constant 1.000000e+00 : f32
    %broadcast_in_dim3A_212 = vector.broadcast %broadcast_in_dim3A_211 : f32 to vector<16xf32>
    %swap3A_213 = arith.constant 560 : index
    %swap3A_214 = tpu.vector_load %arg41[%swap3A_213] {strides = array<i32>} : memref<2560xf32, #tpu.memory_space<vmem>>, vector<16xf32>,
    %swap3A_215 = vector.shape_cast %swap3A_214 : vector<16xf32> to vector<16xf32>
    %swap3A_216 = vector.shape_cast %broadcast_in_dim3A_212 : vector<16xf32> to vector<16xf32>
    tpu.vector_store %arg41[%swap3A_213], %swap3A_216 {strides = array<i32>} : memref<2560xf32, #tpu.memory_space<vmem>>, vector<16xf32>,
    %broadcast_in_dim3A_217 = arith.constant 1.000000e+00 : f32
    %broadcast_in_dim3A_218 = vector.broadcast %broadcast_in_dim3A_217 : f32 to vector<16xf32>
    %swap3A_219 = arith.constant 576 : index
    %swap3A_220 = tpu.vector_load %arg41[%swap3A_219] {strides = array<i32>} : memref<2560xf32, #tpu.memory_space<vmem>>, vector<16xf32>,
    %swap3A_221 = vector.shape_cast %swap3A_220 : vector<16xf32> to vector<16xf32>
    %swap3A_222 = vector.shape_cast %broadcast_in_dim3A_218 : vector<16xf32> to vector<16xf32>
    tpu.vector_store %arg41[%swap3A_219], %swap3A_222 {strides = array<i32>} : memref<2560xf32, #tpu.memory_space<vmem>>, vector<16xf32>,
    %broadcast_in_dim3A_223 = arith.constant 1.000000e+00 : f32
    %broadcast_in_dim3A_224 = vector.broadcast %broadcast_in_dim3A_223 : f32 to vector<16xf32>
    %swap3A_225 = arith.constant 592 : index
    %swap3A_226 = tpu.vector_load %arg41[%swap3A_225] {strides = array<i32>} : memref<2560xf32, #tpu.memory_space<vmem>>, vector<16xf32>,
    %swap3A_227 = vector.shape_cast %swap3A_226 : vector<16xf32> to vector<16xf32>
    %swap3A_228 = vector.shape_cast %broadcast_in_dim3A_224 : vector<16xf32> to vector<16xf32>
    tpu.vector_store %arg41[%swap3A_225], %swap3A_228 {strides = array<i32>} : memref<2560xf32, #tpu.memory_space<vmem>>, vector<16xf32>,
    %broadcast_in_dim3A_229 = arith.constant 1.000000e+00 : f32
    %broadcast_in_dim3A_230 = vector.broadcast %broadcast_in_dim3A_229 : f32 to vector<16xf32>
    %swap3A_231 = arith.constant 608 : index
    %swap3A_232 = tpu.vector_load %arg41[%swap3A_231] {strides = array<i32>} : memref<2560xf32, #tpu.memory_space<vmem>>, vector<16xf32>,
    %swap3A_233 = vector.shape_cast %swap3A_232 : vector<16xf32> to vector<16xf32>
    %swap3A_234 = vector.shape_cast %broadcast_in_dim3A_230 : vector<16xf32> to vector<16xf32>
    tpu.vector_store %arg41[%swap3A_231], %swap3A_234 {strides = array<i32>} : memref<2560xf32, #tpu.memory_space<vmem>>, vector<16xf32>,
    %broadcast_in_dim3A_235 = arith.constant 1.000000e+00 : f32
    %broadcast_in_dim3A_236 = vector.broadcast %broadcast_in_dim3A_235 : f32 to vector<16xf32>
    %swap3A_237 = arith.constant 624 : index
    %swap3A_238 = tpu.vector_load %arg41[%swap3A_237] {strides = array<i32>} : memref<2560xf32, #tpu.memory_space<vmem>>, vector<16xf32>,
    %swap3A_239 = vector.shape_cast %swap3A_238 : vector<16xf32> to vector<16xf32>
    %swap3A_240 = vector.shape_cast %broadcast_in_dim3A_236 : vector<16xf32> to vector<16xf32>
    tpu.vector_store %arg41[%swap3A_237], %swap3A_240 {strides = array<i32>} : memref<2560xf32, #tpu.memory_space<vmem>>, vector<16xf32>,
    %broadcast_in_dim3A_241 = arith.constant 1.000000e+00 : f32
    %broadcast_in_dim3A_242 = vector.broadcast %broadcast_in_dim3A_241 : f32 to vector<16xf32>
    %swap3A_243 = arith.constant 640 : index
    %swap3A_244 = tpu.vector_load %arg41[%swap3A_243] {strides = array<i32>} : memref<2560xf32, #tpu.memory_space<vmem>>, vector<16xf32>,
    %swap3A_245 = vector.shape_cast %swap3A_244 : vector<16xf32> to vector<16xf32>
    %swap3A_246 = vector.shape_cast %broadcast_in_dim3A_242 : vector<16xf32> to vector<16xf32>
    tpu.vector_store %arg41[%swap3A_243], %swap3A_246 {strides = array<i32>} : memref<2560xf32, #tpu.memory_space<vmem>>, vector<16xf32>,
    %broadcast_in_dim3A_247 = arith.constant 1.000000e+00 : f32
    %broadcast_in_dim3A_248 = vector.broadcast %broadcast_in_dim3A_247 : f32 to vector<16xf32>
    %swap3A_249 = arith.constant 656 : index
    %swap3A_250 = tpu.vector_load %arg41[%swap3A_249] {strides = array<i32>} : memref<2560xf32, #tpu.memory_space<vmem>>, vector<16xf32>,
    %swap3A_251 = vector.shape_cast %swap3A_250 : vector<16xf32> to vector<16xf32>
    %swap3A_252 = vector.shape_cast %broadcast_in_dim3A_248 : vector<16xf32> to vector<16xf32>
    tpu.vector_store %arg41[%swap3A_249], %swap3A_252 {strides = array<i32>} : memref<2560xf32, #tpu.memory_space<vmem>>, vector<16xf32>,
    %broadcast_in_dim3A_253 = arith.constant 1.000000e+00 : f32
    %broadcast_in_dim3A_254 = vector.broadcast %broadcast_in_dim3A_253 : f32 to vector<16xf32>
    %swap3A_255 = arith.constant 672 : index
    %swap3A_256 = tpu.vector_load %arg41[%swap3A_255] {strides = array<i32>} : memref<2560xf32, #tpu.memory_space<vmem>>, vector<16xf32>,
    %swap3A_257 = vector.shape_cast %swap3A_256 : vector<16xf32> to vector<16xf32>
    %swap3A_258 = vector.shape_cast %broadcast_in_dim3A_254 : vector<16xf32> to vector<16xf32>
    tpu.vector_store %arg41[%swap3A_255], %swap3A_258 {strides = array<i32>} : memref<2560xf32, #tpu.memory_space<vmem>>, vector<16xf32>,
    %broadcast_in_dim3A_259 = arith.constant 1.000000e+00 : f32
    %broadcast_in_dim3A_260 = vector.broadcast %broadcast_in_dim3A_259 : f32 to vector<16xf32>
    %swap3A_261 = arith.constant 688 : index
    %swap3A_262 = tpu.vector_load %arg41[%swap3A_261] {strides = array<i32>} : memref<2560xf32, #tpu.memory_space<vmem>>, vector<16xf32>,
    %swap3A_263 = vector.shape_cast %swap3A_262 : vector<16xf32> to vector<16xf32>
    %swap3A_264 = vector.shape_cast %broadcast_in_dim3A_260 : vector<16xf32> to vector<16xf32>
    tpu.vector_store %arg41[%swap3A_261], %swap3A_264 {strides = array<i32>} : memref<2560xf32, #tpu.memory_space<vmem>>, vector<16xf32>,
    %broadcast_in_dim3A_265 = arith.constant 1.000000e+00 : f32
    %broadcast_in_dim3A_266 = vector.broadcast %broadcast_in_dim3A_265 : f32 to vector<16xf32>
    %swap3A_267 = arith.constant 704 : index
    %swap3A_268 = tpu.vector_load %arg41[%swap3A_267] {strides = array<i32>} : memref<2560xf32, #tpu.memory_space<vmem>>, vector<16xf32>,
    %swap3A_269 = vector.shape_cast %swap3A_268 : vector<16xf32> to vector<16xf32>
    %swap3A_270 = vector.shape_cast %broadcast_in_dim3A_266 : vector<16xf32> to vector<16xf32>
    tpu.vector_store %arg41[%swap3A_267], %swap3A_270 {strides = array<i32>} : memref<2560xf32, #tpu.memory_space<vmem>>, vector<16xf32>,
    %broadcast_in_dim3A_271 = arith.constant 1.000000e+00 : f32
    %broadcast_in_dim3A_272 = vector.broadcast %broadcast_in_dim3A_271 : f32 to vector<16xf32>
    %swap3A_273 = arith.constant 720 : index
    %swap3A_274 = tpu.vector_load %arg41[%swap3A_273] {strides = array<i32>} : memref<2560xf32, #tpu.memory_space<vmem>>, vector<16xf32>,
    %swap3A_275 = vector.shape_cast %swap3A_274 : vector<16xf32> to vector<16xf32>
    %swap3A_276 = vector.shape_cast %broadcast_in_dim3A_272 : vector<16xf32> to vector<16xf32>
    tpu.vector_store %arg41[%swap3A_273], %swap3A_276 {strides = array<i32>} : memref<2560xf32, #tpu.memory_space<vmem>>, vector<16xf32>,
    %broadcast_in_dim3A_277 = arith.constant 1.000000e+00 : f32
    %broadcast_in_dim3A_278 = vector.broadcast %broadcast_in_dim3A_277 : f32 to vector<16xf32>
    %swap3A_279 = arith.constant 736 : index
    %swap3A_280 = tpu.vector_load %arg41[%swap3A_279] {strides = array<i32>} : memref<2560xf32, #tpu.memory_space<vmem>>, vector<16xf32>,
    %swap3A_281 = vector.shape_cast %swap3A_280 : vector<16xf32> to vector<16xf32>
    %swap3A_282 = vector.shape_cast %broadcast_in_dim3A_278 : vector<16xf32> to vector<16xf32>
    tpu.vector_store %arg41[%swap3A_279], %swap3A_282 {strides = array<i32>} : memref<2560xf32, #tpu.memory_space<vmem>>, vector<16xf32>,
    %broadcast_in_dim3A_283 = arith.constant 1.000000e+00 : f32
    %broadcast_in_dim3A_284 = vector.broadcast %broadcast_in_dim3A_283 : f32 to vector<16xf32>
    %swap3A_285 = arith.constant 752 : index
    %swap3A_286 = tpu.vector_load %arg41[%swap3A_285] {strides = array<i32>} : memref<2560xf32, #tpu.memory_space<vmem>>, vector<16xf32>,
    %swap3A_287 = vector.shape_cast %swap3A_286 : vector<16xf32> to vector<16xf32>
    %swap3A_288 = vector.shape_cast %broadcast_in_dim3A_284 : vector<16xf32> to vector<16xf32>
    tpu.vector_store %arg41[%swap3A_285], %swap3A_288 {strides = array<i32>} : memref<2560xf32, #tpu.memory_space<vmem>>, vector<16xf32>,
    %broadcast_in_dim3A_289 = arith.constant 1.000000e+00 : f32
    %broadcast_in_dim3A_290 = vector.broadcast %broadcast_in_dim3A_289 : f32 to vector<16xf32>
    %swap3A_291 = arith.constant 768 : index
    %swap3A_292 = tpu.vector_load %arg41[%swap3A_291] {strides = array<i32>} : memref<2560xf32, #tpu.memory_space<vmem>>, vector<16xf32>,
    %swap3A_293 = vector.shape_cast %swap3A_292 : vector<16xf32> to vector<16xf32>
    %swap3A_294 = vector.shape_cast %broadcast_in_dim3A_290 : vector<16xf32> to vector<16xf32>
    tpu.vector_store %arg41[%swap3A_291], %swap3A_294 {strides = array<i32>} : memref<2560xf32, #tpu.memory_space<vmem>>, vector<16xf32>,
    %broadcast_in_dim3A_295 = arith.constant 1.000000e+00 : f32
    %broadcast_in_dim3A_296 = vector.broadcast %broadcast_in_dim3A_295 : f32 to vector<16xf32>
    %swap3A_297 = arith.constant 784 : index
    %swap3A_298 = tpu.vector_load %arg41[%swap3A_297] {strides = array<i32>} : memref<2560xf32, #tpu.memory_space<vmem>>, vector<16xf32>,
    %swap3A_299 = vector.shape_cast %swap3A_298 : vector<16xf32> to vector<16xf32>
    %swap3A_300 = vector.shape_cast %broadcast_in_dim3A_296 : vector<16xf32> to vector<16xf32>
    tpu.vector_store %arg41[%swap3A_297], %swap3A_300 {strides = array<i32>} : memref<2560xf32, #tpu.memory_space<vmem>>, vector<16xf32>,
    %broadcast_in_dim3A_301 = arith.constant 1.000000e+00 : f32
    %broadcast_in_dim3A_302 = vector.broadcast %broadcast_in_dim3A_301 : f32 to vector<16xf32>
    %swap3A_303 = arith.constant 800 : index
    %swap3A_304 = tpu.vector_load %arg41[%swap3A_303] {strides = array<i32>} : memref<2560xf32, #tpu.memory_space<vmem>>, vector<16xf32>,
    %swap3A_305 = vector.shape_cast %swap3A_304 : vector<16xf32> to vector<16xf32>
    %swap3A_306 = vector.shape_cast %broadcast_in_dim3A_302 : vector<16xf32> to vector<16xf32>
    tpu.vector_store %arg41[%swap3A_303], %swap3A_306 {strides = array<i32>} : memref<2560xf32, #tpu.memory_space<vmem>>, vector<16xf32>,
    %broadcast_in_dim3A_307 = arith.constant 1.000000e+00 : f32
    %broadcast_in_dim3A_308 = vector.broadcast %broadcast_in_dim3A_307 : f32 to vector<16xf32>
    %swap3A_309 = arith.constant 816 : index
    %swap3A_310 = tpu.vector_load %arg41[%swap3A_309] {strides = array<i32>} : memref<2560xf32, #tpu.memory_space<vmem>>, vector<16xf32>,
    %swap3A_311 = vector.shape_cast %swap3A_310 : vector<16xf32> to vector<16xf32>
    %swap3A_312 = vector.shape_cast %broadcast_in_dim3A_308 : vector<16xf32> to vector<16xf32>
    tpu.vector_store %arg41[%swap3A_309], %swap3A_312 {strides = array<i32>} : memref<2560xf32, #tpu.memory_space<vmem>>, vector<16xf32>,
    %broadcast_in_dim3A_313 = arith.constant 1.000000e+00 : f32
    %broadcast_in_dim3A_314 = vector.broadcast %broadcast_in_dim3A_313 : f32 to vector<16xf32>
    %swap3A_315 = arith.constant 832 : index
    %swap3A_316 = tpu.vector_load %arg41[%swap3A_315] {strides = array<i32>} : memref<2560xf32, #tpu.memory_space<vmem>>, vector<16xf32>,
    %swap3A_317 = vector.shape_cast %swap3A_316 : vector<16xf32> to vector<16xf32>
    %swap3A_318 = vector.shape_cast %broadcast_in_dim3A_314 : vector<16xf32> to vector<16xf32>
    tpu.vector_store %arg41[%swap3A_315], %swap3A_318 {strides = array<i32>} : memref<2560xf32, #tpu.memory_space<vmem>>, vector<16xf32>,
    %broadcast_in_dim3A_319 = arith.constant 1.000000e+00 : f32
    %broadcast_in_dim3A_320 = vector.broadcast %broadcast_in_dim3A_319 : f32 to vector<16xf32>
    %swap3A_321 = arith.constant 848 : index
    %swap3A_322 = tpu.vector_load %arg41[%swap3A_321] {strides = array<i32>} : memref<2560xf32, #tpu.memory_space<vmem>>, vector<16xf32>,
    %swap3A_323 = vector.shape_cast %swap3A_322 : vector<16xf32> to vector<16xf32>
    %swap3A_324 = vector.shape_cast %broadcast_in_dim3A_320 : vector<16xf32> to vector<16xf32>
    tpu.vector_store %arg41[%swap3A_321], %swap3A_324 {strides = array<i32>} : memref<2560xf32, #tpu.memory_space<vmem>>, vector<16xf32>,
    %broadcast_in_dim3A_325 = arith.constant 1.000000e+00 : f32
    %broadcast_in_dim3A_326 = vector.broadcast %broadcast_in_dim3A_325 : f32 to vector<16xf32>
    %swap3A_327 = arith.constant 864 : index
    %swap3A_328 = tpu.vector_load %arg41[%swap3A_327] {strides = array<i32>} : memref<2560xf32, #tpu.memory_space<vmem>>, vector<16xf32>,
    %swap3A_329 = vector.shape_cast %swap3A_328 : vector<16xf32> to vector<16xf32>
    %swap3A_330 = vector.shape_cast %broadcast_in_dim3A_326 : vector<16xf32> to vector<16xf32>
    tpu.vector_store %arg41[%swap3A_327], %swap3A_330 {strides = array<i32>} : memref<2560xf32, #tpu.memory_space<vmem>>, vector<16xf32>,
    %broadcast_in_dim3A_331 = arith.constant 1.000000e+00 : f32
    %broadcast_in_dim3A_332 = vector.broadcast %broadcast_in_dim3A_331 : f32 to vector<16xf32>
    %swap3A_333 = arith.constant 880 : index
    %swap3A_334 = tpu.vector_load %arg41[%swap3A_333] {strides = array<i32>} : memref<2560xf32, #tpu.memory_space<vmem>>, vector<16xf32>,
    %swap3A_335 = vector.shape_cast %swap3A_334 : vector<16xf32> to vector<16xf32>
    %swap3A_336 = vector.shape_cast %broadcast_in_dim3A_332 : vector<16xf32> to vector<16xf32>
    tpu.vector_store %arg41[%swap3A_333], %swap3A_336 {strides = array<i32>} : memref<2560xf32, #tpu.memory_space<vmem>>, vector<16xf32>,
    %broadcast_in_dim3A_337 = arith.constant 1.000000e+00 : f32
    %broadcast_in_dim3A_338 = vector.broadcast %broadcast_in_dim3A_337 : f32 to vector<16xf32>
    %swap3A_339 = arith.constant 896 : index
    %swap3A_340 = tpu.vector_load %arg41[%swap3A_339] {strides = array<i32>} : memref<2560xf32, #tpu.memory_space<vmem>>, vector<16xf32>,
    %swap3A_341 = vector.shape_cast %swap3A_340 : vector<16xf32> to vector<16xf32>
    %swap3A_342 = vector.shape_cast %broadcast_in_dim3A_338 : vector<16xf32> to vector<16xf32>
    tpu.vector_store %arg41[%swap3A_339], %swap3A_342 {strides = array<i32>} : memref<2560xf32, #tpu.memory_space<vmem>>, vector<16xf32>,
    %broadcast_in_dim3A_343 = arith.constant 1.000000e+00 : f32
    %broadcast_in_dim3A_344 = vector.broadcast %broadcast_in_dim3A_343 : f32 to vector<16xf32>
    %swap3A_345 = arith.constant 912 : index
    %swap3A_346 = tpu.vector_load %arg41[%swap3A_345] {strides = array<i32>} : memref<2560xf32, #tpu.memory_space<vmem>>, vector<16xf32>,
    %swap3A_347 = vector.shape_cast %swap3A_346 : vector<16xf32> to vector<16xf32>
    %swap3A_348 = vector.shape_cast %broadcast_in_dim3A_344 : vector<16xf32> to vector<16xf32>
    tpu.vector_store %arg41[%swap3A_345], %swap3A_348 {strides = array<i32>} : memref<2560xf32, #tpu.memory_space<vmem>>, vector<16xf32>,
    %broadcast_in_dim3A_349 = arith.constant 1.000000e+00 : f32
    %broadcast_in_dim3A_350 = vector.broadcast %broadcast_in_dim3A_349 : f32 to vector<16xf32>
    %swap3A_351 = arith.constant 928 : index
    %swap3A_352 = tpu.vector_load %arg41[%swap3A_351] {strides = array<i32>} : memref<2560xf32, #tpu.memory_space<vmem>>, vector<16xf32>,
    %swap3A_353 = vector.shape_cast %swap3A_352 : vector<16xf32> to vector<16xf32>
    %swap3A_354 = vector.shape_cast %broadcast_in_dim3A_350 : vector<16xf32> to vector<16xf32>
    tpu.vector_store %arg41[%swap3A_351], %swap3A_354 {strides = array<i32>} : memref<2560xf32, #tpu.memory_space<vmem>>, vector<16xf32>,
    %broadcast_in_dim3A_355 = arith.constant 1.000000e+00 : f32
    %broadcast_in_dim3A_356 = vector.broadcast %broadcast_in_dim3A_355 : f32 to vector<16xf32>
    %swap3A_357 = arith.constant 944 : index
    %swap3A_358 = tpu.vector_load %arg41[%swap3A_357] {strides = array<i32>} : memref<2560xf32, #tpu.memory_space<vmem>>, vector<16xf32>,
    %swap3A_359 = vector.shape_cast %swap3A_358 : vector<16xf32> to vector<16xf32>
    %swap3A_360 = vector.shape_cast %broadcast_in_dim3A_356 : vector<16xf32> to vector<16xf32>
    tpu.vector_store %arg41[%swap3A_357], %swap3A_360 {strides = array<i32>} : memref<2560xf32, #tpu.memory_space<vmem>>, vector<16xf32>,
    %broadcast_in_dim3A_361 = arith.constant 1.000000e+00 : f32
    %broadcast_in_dim3A_362 = vector.broadcast %broadcast_in_dim3A_361 : f32 to vector<16xf32>
    %swap3A_363 = arith.constant 960 : index
    %swap3A_364 = tpu.vector_load %arg41[%swap3A_363] {strides = array<i32>} : memref<2560xf32, #tpu.memory_space<vmem>>, vector<16xf32>,
    %swap3A_365 = vector.shape_cast %swap3A_364 : vector<16xf32> to vector<16xf32>
    %swap3A_366 = vector.shape_cast %broadcast_in_dim3A_362 : vector<16xf32> to vector<16xf32>
    tpu.vector_store %arg41[%swap3A_363], %swap3A_366 {strides = array<i32>} : memref<2560xf32, #tpu.memory_space<vmem>>, vector<16xf32>,
    %broadcast_in_dim3A_367 = arith.constant 1.000000e+00 : f32
    %broadcast_in_dim3A_368 = vector.broadcast %broadcast_in_dim3A_367 : f32 to vector<16xf32>
    %swap3A_369 = arith.constant 976 : index
    %swap3A_370 = tpu.vector_load %arg41[%swap3A_369] {strides = array<i32>} : memref<2560xf32, #tpu.memory_space<vmem>>, vector<16xf32>,
    %swap3A_371 = vector.shape_cast %swap3A_370 : vector<16xf32> to vector<16xf32>
    %swap3A_372 = vector.shape_cast %broadcast_in_dim3A_368 : vector<16xf32> to vector<16xf32>
    tpu.vector_store %arg41[%swap3A_369], %swap3A_372 {strides = array<i32>} : memref<2560xf32, #tpu.memory_space<vmem>>, vector<16xf32>,
    %broadcast_in_dim3A_373 = arith.constant 1.000000e+00 : f32
    %broadcast_in_dim3A_374 = vector.broadcast %broadcast_in_dim3A_373 : f32 to vector<16xf32>
    %swap3A_375 = arith.constant 992 : index
    %swap3A_376 = tpu.vector_load %arg41[%swap3A_375] {strides = array<i32>} : memref<2560xf32, #tpu.memory_space<vmem>>, vector<16xf32>,
    %swap3A_377 = vector.shape_cast %swap3A_376 : vector<16xf32> to vector<16xf32>
    %swap3A_378 = vector.shape_cast %broadcast_in_dim3A_374 : vector<16xf32> to vector<16xf32>
    tpu.vector_store %arg41[%swap3A_375], %swap3A_378 {strides = array<i32>} : memref<2560xf32, #tpu.memory_space<vmem>>, vector<16xf32>,
    %broadcast_in_dim3A_379 = arith.constant 1.000000e+00 : f32
    %broadcast_in_dim3A_380 = vector.broadcast %broadcast_in_dim3A_379 : f32 to vector<16xf32>
    %swap3A_381 = arith.constant 1008 : index
    %swap3A_382 = tpu.vector_load %arg41[%swap3A_381] {strides = array<i32>} : memref<2560xf32, #tpu.memory_space<vmem>>, vector<16xf32>,
    %swap3A_383 = vector.shape_cast %swap3A_382 : vector<16xf32> to vector<16xf32>
    %swap3A_384 = vector.shape_cast %broadcast_in_dim3A_380 : vector<16xf32> to vector<16xf32>
    tpu.vector_store %arg41[%swap3A_381], %swap3A_384 {strides = array<i32>} : memref<2560xf32, #tpu.memory_space<vmem>>, vector<16xf32>,
    %broadcast_in_dim3A_385 = arith.constant 1.000000e+00 : f32
    %broadcast_in_dim3A_386 = vector.broadcast %broadcast_in_dim3A_385 : f32 to vector<16xf32>
    %swap3A_387 = arith.constant 1024 : index
    %swap3A_388 = tpu.vector_load %arg41[%swap3A_387] {strides = array<i32>} : memref<2560xf32, #tpu.memory_space<vmem>>, vector<16xf32>,
    %swap3A_389 = vector.shape_cast %swap3A_388 : vector<16xf32> to vector<16xf32>
    %swap3A_390 = vector.shape_cast %broadcast_in_dim3A_386 : vector<16xf32> to vector<16xf32>
    tpu.vector_store %arg41[%swap3A_387], %swap3A_390 {strides = array<i32>} : memref<2560xf32, #tpu.memory_space<vmem>>, vector<16xf32>,
    %broadcast_in_dim3A_391 = arith.constant 1.000000e+00 : f32
    %broadcast_in_dim3A_392 = vector.broadcast %broadcast_in_dim3A_391 : f32 to vector<16xf32>
    %swap3A_393 = arith.constant 1040 : index
    %swap3A_394 = tpu.vector_load %arg41[%swap3A_393] {strides = array<i32>} : memref<2560xf32, #tpu.memory_space<vmem>>, vector<16xf32>,
    %swap3A_395 = vector.shape_cast %swap3A_394 : vector<16xf32> to vector<16xf32>
    %swap3A_396 = vector.shape_cast %broadcast_in_dim3A_392 : vector<16xf32> to vector<16xf32>
    tpu.vector_store %arg41[%swap3A_393], %swap3A_396 {strides = array<i32>} : memref<2560xf32, #tpu.memory_space<vmem>>, vector<16xf32>,
    %broadcast_in_dim3A_397 = arith.constant 1.000000e+00 : f32
    %broadcast_in_dim3A_398 = vector.broadcast %broadcast_in_dim3A_397 : f32 to vector<16xf32>
    %swap3A_399 = arith.constant 1056 : index
    %swap3A_400 = tpu.vector_load %arg41[%swap3A_399] {strides = array<i32>} : memref<2560xf32, #tpu.memory_space<vmem>>, vector<16xf32>,
    %swap3A_401 = vector.shape_cast %swap3A_400 : vector<16xf32> to vector<16xf32>
    %swap3A_402 = vector.shape_cast %broadcast_in_dim3A_398 : vector<16xf32> to vector<16xf32>
    tpu.vector_store %arg41[%swap3A_399], %swap3A_402 {strides = array<i32>} : memref<2560xf32, #tpu.memory_space<vmem>>, vector<16xf32>,
    %broadcast_in_dim3A_403 = arith.constant 1.000000e+00 : f32
    %broadcast_in_dim3A_404 = vector.broadcast %broadcast_in_dim3A_403 : f32 to vector<16xf32>
    %swap3A_405 = arith.constant 1072 : index
    %swap3A_406 = tpu.vector_load %arg41[%swap3A_405] {strides = array<i32>} : memref<2560xf32, #tpu.memory_space<vmem>>, vector<16xf32>,
    %swap3A_407 = vector.shape_cast %swap3A_406 : vector<16xf32> to vector<16xf32>
    %swap3A_408 = vector.shape_cast %broadcast_in_dim3A_404 : vector<16xf32> to vector<16xf32>
    tpu.vector_store %arg41[%swap3A_405], %swap3A_408 {strides = array<i32>} : memref<2560xf32, #tpu.memory_space<vmem>>, vector<16xf32>,
    %broadcast_in_dim3A_409 = arith.constant 1.000000e+00 : f32
    %broadcast_in_dim3A_410 = vector.broadcast %broadcast_in_dim3A_409 : f32 to vector<16xf32>
    %swap3A_411 = arith.constant 1088 : index
    %swap3A_412 = tpu.vector_load %arg41[%swap3A_411] {strides = array<i32>} : memref<2560xf32, #tpu.memory_space<vmem>>, vector<16xf32>,
    %swap3A_413 = vector.shape_cast %swap3A_412 : vector<16xf32> to vector<16xf32>
    %swap3A_414 = vector.shape_cast %broadcast_in_dim3A_410 : vector<16xf32> to vector<16xf32>
    tpu.vector_store %arg41[%swap3A_411], %swap3A_414 {strides = array<i32>} : memref<2560xf32, #tpu.memory_space<vmem>>, vector<16xf32>,
    %broadcast_in_dim3A_415 = arith.constant 1.000000e+00 : f32
    %broadcast_in_dim3A_416 = vector.broadcast %broadcast_in_dim3A_415 : f32 to vector<16xf32>
    %swap3A_417 = arith.constant 1104 : index
    %swap3A_418 = tpu.vector_load %arg41[%swap3A_417] {strides = array<i32>} : memref<2560xf32, #tpu.memory_space<vmem>>, vector<16xf32>,
    %swap3A_419 = vector.shape_cast %swap3A_418 : vector<16xf32> to vector<16xf32>
    %swap3A_420 = vector.shape_cast %broadcast_in_dim3A_416 : vector<16xf32> to vector<16xf32>
    tpu.vector_store %arg41[%swap3A_417], %swap3A_420 {strides = array<i32>} : memref<2560xf32, #tpu.memory_space<vmem>>, vector<16xf32>,
    %broadcast_in_dim3A_421 = arith.constant 1.000000e+00 : f32
    %broadcast_in_dim3A_422 = vector.broadcast %broadcast_in_dim3A_421 : f32 to vector<16xf32>
    %swap3A_423 = arith.constant 1120 : index
    %swap3A_424 = tpu.vector_load %arg41[%swap3A_423] {strides = array<i32>} : memref<2560xf32, #tpu.memory_space<vmem>>, vector<16xf32>,
    %swap3A_425 = vector.shape_cast %swap3A_424 : vector<16xf32> to vector<16xf32>
    %swap3A_426 = vector.shape_cast %broadcast_in_dim3A_422 : vector<16xf32> to vector<16xf32>
    tpu.vector_store %arg41[%swap3A_423], %swap3A_426 {strides = array<i32>} : memref<2560xf32, #tpu.memory_space<vmem>>, vector<16xf32>,
    %broadcast_in_dim3A_427 = arith.constant 1.000000e+00 : f32
    %broadcast_in_dim3A_428 = vector.broadcast %broadcast_in_dim3A_427 : f32 to vector<16xf32>
    %swap3A_429 = arith.constant 1136 : index
    %swap3A_430 = tpu.vector_load %arg41[%swap3A_429] {strides = array<i32>} : memref<2560xf32, #tpu.memory_space<vmem>>, vector<16xf32>,
    %swap3A_431 = vector.shape_cast %swap3A_430 : vector<16xf32> to vector<16xf32>
    %swap3A_432 = vector.shape_cast %broadcast_in_dim3A_428 : vector<16xf32> to vector<16xf32>
    tpu.vector_store %arg41[%swap3A_429], %swap3A_432 {strides = array<i32>} : memref<2560xf32, #tpu.memory_space<vmem>>, vector<16xf32>,
    %broadcast_in_dim3A_433 = arith.constant 1.000000e+00 : f32
    %broadcast_in_dim3A_434 = vector.broadcast %broadcast_in_dim3A_433 : f32 to vector<16xf32>
    %swap3A_435 = arith.constant 1152 : index
    %swap3A_436 = tpu.vector_load %arg41[%swap3A_435] {strides = array<i32>} : memref<2560xf32, #tpu.memory_space<vmem>>, vector<16xf32>,
    %swap3A_437 = vector.shape_cast %swap3A_436 : vector<16xf32> to vector<16xf32>
    %swap3A_438 = vector.shape_cast %broadcast_in_dim3A_434 : vector<16xf32> to vector<16xf32>
    tpu.vector_store %arg41[%swap3A_435], %swap3A_438 {strides = array<i32>} : memref<2560xf32, #tpu.memory_space<vmem>>, vector<16xf32>,
    %broadcast_in_dim3A_439 = arith.constant 1.000000e+00 : f32
    %broadcast_in_dim3A_440 = vector.broadcast %broadcast_in_dim3A_439 : f32 to vector<16xf32>
    %swap3A_441 = arith.constant 1168 : index
    %swap3A_442 = tpu.vector_load %arg41[%swap3A_441] {strides = array<i32>} : memref<2560xf32, #tpu.memory_space<vmem>>, vector<16xf32>,
    %swap3A_443 = vector.shape_cast %swap3A_442 : vector<16xf32> to vector<16xf32>
    %swap3A_444 = vector.shape_cast %broadcast_in_dim3A_440 : vector<16xf32> to vector<16xf32>
    tpu.vector_store %arg41[%swap3A_441], %swap3A_444 {strides = array<i32>} : memref<2560xf32, #tpu.memory_space<vmem>>, vector<16xf32>,
    %broadcast_in_dim3A_445 = arith.constant 1.000000e+00 : f32
    %broadcast_in_dim3A_446 = vector.broadcast %broadcast_in_dim3A_445 : f32 to vector<16xf32>
    %swap3A_447 = arith.constant 1184 : index
    %swap3A_448 = tpu.vector_load %arg41[%swap3A_447] {strides = array<i32>} : memref<2560xf32, #tpu.memory_space<vmem>>, vector<16xf32>,
    %swap3A_449 = vector.shape_cast %swap3A_448 : vector<16xf32> to vector<16xf32>
    %swap3A_450 = vector.shape_cast %broadcast_in_dim3A_446 : vector<16xf32> to vector<16xf32>
    tpu.vector_store %arg41[%swap3A_447], %swap3A_450 {strides = array<i32>} : memref<2560xf32, #tpu.memory_space<vmem>>, vector<16xf32>,
    %broadcast_in_dim3A_451 = arith.constant 1.000000e+00 : f32
    %broadcast_in_dim3A_452 = vector.broadcast %broadcast_in_dim3A_451 : f32 to vector<16xf32>
    %swap3A_453 = arith.constant 1200 : index
    %swap3A_454 = tpu.vector_load %arg41[%swap3A_453] {strides = array<i32>} : memref<2560xf32, #tpu.memory_space<vmem>>, vector<16xf32>,
    %swap3A_455 = vector.shape_cast %swap3A_454 : vector<16xf32> to vector<16xf32>
    %swap3A_456 = vector.shape_cast %broadcast_in_dim3A_452 : vector<16xf32> to vector<16xf32>
    tpu.vector_store %arg41[%swap3A_453], %swap3A_456 {strides = array<i32>} : memref<2560xf32, #tpu.memory_space<vmem>>, vector<16xf32>,
    %broadcast_in_dim3A_457 = arith.constant 1.000000e+00 : f32
    %broadcast_in_dim3A_458 = vector.broadcast %broadcast_in_dim3A_457 : f32 to vector<16xf32>
    %swap3A_459 = arith.constant 1216 : index
    %swap3A_460 = tpu.vector_load %arg41[%swap3A_459] {strides = array<i32>} : memref<2560xf32, #tpu.memory_space<vmem>>, vector<16xf32>,
    %swap3A_461 = vector.shape_cast %swap3A_460 : vector<16xf32> to vector<16xf32>
    %swap3A_462 = vector.shape_cast %broadcast_in_dim3A_458 : vector<16xf32> to vector<16xf32>
    tpu.vector_store %arg41[%swap3A_459], %swap3A_462 {strides = array<i32>} : memref<2560xf32, #tpu.memory_space<vmem>>, vector<16xf32>,
    %broadcast_in_dim3A_463 = arith.constant 1.000000e+00 : f32
    %broadcast_in_dim3A_464 = vector.broadcast %broadcast_in_dim3A_463 : f32 to vector<16xf32>
    %swap3A_465 = arith.constant 1232 : index
    %swap3A_466 = tpu.vector_load %arg41[%swap3A_465] {strides = array<i32>} : memref<2560xf32, #tpu.memory_space<vmem>>, vector<16xf32>,
    %swap3A_467 = vector.shape_cast %swap3A_466 : vector<16xf32> to vector<16xf32>
    %swap3A_468 = vector.shape_cast %broadcast_in_dim3A_464 : vector<16xf32> to vector<16xf32>
    tpu.vector_store %arg41[%swap3A_465], %swap3A_468 {strides = array<i32>} : memref<2560xf32, #tpu.memory_space<vmem>>, vector<16xf32>,
    %broadcast_in_dim3A_469 = arith.constant 1.000000e+00 : f32
    %broadcast_in_dim3A_470 = vector.broadcast %broadcast_in_dim3A_469 : f32 to vector<16xf32>
    %swap3A_471 = arith.constant 1248 : index
    %swap3A_472 = tpu.vector_load %arg41[%swap3A_471] {strides = array<i32>} : memref<2560xf32, #tpu.memory_space<vmem>>, vector<16xf32>,
    %swap3A_473 = vector.shape_cast %swap3A_472 : vector<16xf32> to vector<16xf32>
    %swap3A_474 = vector.shape_cast %broadcast_in_dim3A_470 : vector<16xf32> to vector<16xf32>
    tpu.vector_store %arg41[%swap3A_471], %swap3A_474 {strides = array<i32>} : memref<2560xf32, #tpu.memory_space<vmem>>, vector<16xf32>,
    %broadcast_in_dim3A_475 = arith.constant 1.000000e+00 : f32
    %broadcast_in_dim3A_476 = vector.broadcast %broadcast_in_dim3A_475 : f32 to vector<16xf32>
    %swap3A_477 = arith.constant 1264 : index
    %swap3A_478 = tpu.vector_load %arg41[%swap3A_477] {strides = array<i32>} : memref<2560xf32, #tpu.memory_space<vmem>>, vector<16xf32>,
    %swap3A_479 = vector.shape_cast %swap3A_478 : vector<16xf32> to vector<16xf32>
    %swap3A_480 = vector.shape_cast %broadcast_in_dim3A_476 : vector<16xf32> to vector<16xf32>
    tpu.vector_store %arg41[%swap3A_477], %swap3A_480 {strides = array<i32>} : memref<2560xf32, #tpu.memory_space<vmem>>, vector<16xf32>,
    %broadcast_in_dim3A_481 = arith.constant 1.000000e+00 : f32
    %broadcast_in_dim3A_482 = vector.broadcast %broadcast_in_dim3A_481 : f32 to vector<16xf32>
    %swap3A_483 = arith.constant 1280 : index
    %swap3A_484 = tpu.vector_load %arg41[%swap3A_483] {strides = array<i32>} : memref<2560xf32, #tpu.memory_space<vmem>>, vector<16xf32>,
    %swap3A_485 = vector.shape_cast %swap3A_484 : vector<16xf32> to vector<16xf32>
    %swap3A_486 = vector.shape_cast %broadcast_in_dim3A_482 : vector<16xf32> to vector<16xf32>
    tpu.vector_store %arg41[%swap3A_483], %swap3A_486 {strides = array<i32>} : memref<2560xf32, #tpu.memory_space<vmem>>, vector<16xf32>,
    %broadcast_in_dim3A_487 = arith.constant 1.000000e+00 : f32
    %broadcast_in_dim3A_488 = vector.broadcast %broadcast_in_dim3A_487 : f32 to vector<16xf32>
    %swap3A_489 = arith.constant 1296 : index
    %swap3A_490 = tpu.vector_load %arg41[%swap3A_489] {strides = array<i32>} : memref<2560xf32, #tpu.memory_space<vmem>>, vector<16xf32>,
    %swap3A_491 = vector.shape_cast %swap3A_490 : vector<16xf32> to vector<16xf32>
    %swap3A_492 = vector.shape_cast %broadcast_in_dim3A_488 : vector<16xf32> to vector<16xf32>
    tpu.vector_store %arg41[%swap3A_489], %swap3A_492 {strides = array<i32>} : memref<2560xf32, #tpu.memory_space<vmem>>, vector<16xf32>,
    %broadcast_in_dim3A_493 = arith.constant 1.000000e+00 : f32
    %broadcast_in_dim3A_494 = vector.broadcast %broadcast_in_dim3A_493 : f32 to vector<16xf32>
    %swap3A_495 = arith.constant 1312 : index
    %swap3A_496 = tpu.vector_load %arg41[%swap3A_495] {strides = array<i32>} : memref<2560xf32, #tpu.memory_space<vmem>>, vector<16xf32>,
    %swap3A_497 = vector.shape_cast %swap3A_496 : vector<16xf32> to vector<16xf32>
    %swap3A_498 = vector.shape_cast %broadcast_in_dim3A_494 : vector<16xf32> to vector<16xf32>
    tpu.vector_store %arg41[%swap3A_495], %swap3A_498 {strides = array<i32>} : memref<2560xf32, #tpu.memory_space<vmem>>, vector<16xf32>,
    %broadcast_in_dim3A_499 = arith.constant 1.000000e+00 : f32
    %broadcast_in_dim3A_500 = vector.broadcast %broadcast_in_dim3A_499 : f32 to vector<16xf32>
    %swap3A_501 = arith.constant 1328 : index
    %swap3A_502 = tpu.vector_load %arg41[%swap3A_501] {strides = array<i32>} : memref<2560xf32, #tpu.memory_space<vmem>>, vector<16xf32>,
    %swap3A_503 = vector.shape_cast %swap3A_502 : vector<16xf32> to vector<16xf32>
    %swap3A_504 = vector.shape_cast %broadcast_in_dim3A_500 : vector<16xf32> to vector<16xf32>
    tpu.vector_store %arg41[%swap3A_501], %swap3A_504 {strides = array<i32>} : memref<2560xf32, #tpu.memory_space<vmem>>, vector<16xf32>,
    %broadcast_in_dim3A_505 = arith.constant 1.000000e+00 : f32
    %broadcast_in_dim3A_506 = vector.broadcast %broadcast_in_dim3A_505 : f32 to vector<16xf32>
    %swap3A_507 = arith.constant 1344 : index
    %swap3A_508 = tpu.vector_load %arg41[%swap3A_507] {strides = array<i32>} : memref<2560xf32, #tpu.memory_space<vmem>>, vector<16xf32>,
    %swap3A_509 = vector.shape_cast %swap3A_508 : vector<16xf32> to vector<16xf32>
    %swap3A_510 = vector.shape_cast %broadcast_in_dim3A_506 : vector<16xf32> to vector<16xf32>
    tpu.vector_store %arg41[%swap3A_507], %swap3A_510 {strides = array<i32>} : memref<2560xf32, #tpu.memory_space<vmem>>, vector<16xf32>,
    %broadcast_in_dim3A_511 = arith.constant 1.000000e+00 : f32
    %broadcast_in_dim3A_512 = vector.broadcast %broadcast_in_dim3A_511 : f32 to vector<16xf32>
    %swap3A_513 = arith.constant 1360 : index
    %swap3A_514 = tpu.vector_load %arg41[%swap3A_513] {strides = array<i32>} : memref<2560xf32, #tpu.memory_space<vmem>>, vector<16xf32>,
    %swap3A_515 = vector.shape_cast %swap3A_514 : vector<16xf32> to vector<16xf32>
    %swap3A_516 = vector.shape_cast %broadcast_in_dim3A_512 : vector<16xf32> to vector<16xf32>
    tpu.vector_store %arg41[%swap3A_513], %swap3A_516 {strides = array<i32>} : memref<2560xf32, #tpu.memory_space<vmem>>, vector<16xf32>,
    %broadcast_in_dim3A_517 = arith.constant 1.000000e+00 : f32
    %broadcast_in_dim3A_518 = vector.broadcast %broadcast_in_dim3A_517 : f32 to vector<16xf32>
    %swap3A_519 = arith.constant 1376 : index
    %swap3A_520 = tpu.vector_load %arg41[%swap3A_519] {strides = array<i32>} : memref<2560xf32, #tpu.memory_space<vmem>>, vector<16xf32>,
    %swap3A_521 = vector.shape_cast %swap3A_520 : vector<16xf32> to vector<16xf32>
    %swap3A_522 = vector.shape_cast %broadcast_in_dim3A_518 : vector<16xf32> to vector<16xf32>
    tpu.vector_store %arg41[%swap3A_519], %swap3A_522 {strides = array<i32>} : memref<2560xf32, #tpu.memory_space<vmem>>, vector<16xf32>,
    %broadcast_in_dim3A_523 = arith.constant 1.000000e+00 : f32
    %broadcast_in_dim3A_524 = vector.broadcast %broadcast_in_dim3A_523 : f32 to vector<16xf32>
    %swap3A_525 = arith.constant 1392 : index
    %swap3A_526 = tpu.vector_load %arg41[%swap3A_525] {strides = array<i32>} : memref<2560xf32, #tpu.memory_space<vmem>>, vector<16xf32>,
    %swap3A_527 = vector.shape_cast %swap3A_526 : vector<16xf32> to vector<16xf32>
    %swap3A_528 = vector.shape_cast %broadcast_in_dim3A_524 : vector<16xf32> to vector<16xf32>
    tpu.vector_store %arg41[%swap3A_525], %swap3A_528 {strides = array<i32>} : memref<2560xf32, #tpu.memory_space<vmem>>, vector<16xf32>,
    %broadcast_in_dim3A_529 = arith.constant 1.000000e+00 : f32
    %broadcast_in_dim3A_530 = vector.broadcast %broadcast_in_dim3A_529 : f32 to vector<16xf32>
    %swap3A_531 = arith.constant 1408 : index
    %swap3A_532 = tpu.vector_load %arg41[%swap3A_531] {strides = array<i32>} : memref<2560xf32, #tpu.memory_space<vmem>>, vector<16xf32>,
    %swap3A_533 = vector.shape_cast %swap3A_532 : vector<16xf32> to vector<16xf32>
    %swap3A_534 = vector.shape_cast %broadcast_in_dim3A_530 : vector<16xf32> to vector<16xf32>
    tpu.vector_store %arg41[%swap3A_531], %swap3A_534 {strides = array<i32>} : memref<2560xf32, #tpu.memory_space<vmem>>, vector<16xf32>,
    %broadcast_in_dim3A_535 = arith.constant 1.000000e+00 : f32
    %broadcast_in_dim3A_536 = vector.broadcast %broadcast_in_dim3A_535 : f32 to vector<16xf32>
    %swap3A_537 = arith.constant 1424 : index
    %swap3A_538 = tpu.vector_load %arg41[%swap3A_537] {strides = array<i32>} : memref<2560xf32, #tpu.memory_space<vmem>>, vector<16xf32>,
    %swap3A_539 = vector.shape_cast %swap3A_538 : vector<16xf32> to vector<16xf32>
    %swap3A_540 = vector.shape_cast %broadcast_in_dim3A_536 : vector<16xf32> to vector<16xf32>
    tpu.vector_store %arg41[%swap3A_537], %swap3A_540 {strides = array<i32>} : memref<2560xf32, #tpu.memory_space<vmem>>, vector<16xf32>,
    %broadcast_in_dim3A_541 = arith.constant 1.000000e+00 : f32
    %broadcast_in_dim3A_542 = vector.broadcast %broadcast_in_dim3A_541 : f32 to vector<16xf32>
    %swap3A_543 = arith.constant 1440 : index
    %swap3A_544 = tpu.vector_load %arg41[%swap3A_543] {strides = array<i32>} : memref<2560xf32, #tpu.memory_space<vmem>>, vector<16xf32>,
    %swap3A_545 = vector.shape_cast %swap3A_544 : vector<16xf32> to vector<16xf32>
    %swap3A_546 = vector.shape_cast %broadcast_in_dim3A_542 : vector<16xf32> to vector<16xf32>
    tpu.vector_store %arg41[%swap3A_543], %swap3A_546 {strides = array<i32>} : memref<2560xf32, #tpu.memory_space<vmem>>, vector<16xf32>,
    %broadcast_in_dim3A_547 = arith.constant 1.000000e+00 : f32
    %broadcast_in_dim3A_548 = vector.broadcast %broadcast_in_dim3A_547 : f32 to vector<16xf32>
    %swap3A_549 = arith.constant 1456 : index
    %swap3A_550 = tpu.vector_load %arg41[%swap3A_549] {strides = array<i32>} : memref<2560xf32, #tpu.memory_space<vmem>>, vector<16xf32>,
    %swap3A_551 = vector.shape_cast %swap3A_550 : vector<16xf32> to vector<16xf32>
    %swap3A_552 = vector.shape_cast %broadcast_in_dim3A_548 : vector<16xf32> to vector<16xf32>
    tpu.vector_store %arg41[%swap3A_549], %swap3A_552 {strides = array<i32>} : memref<2560xf32, #tpu.memory_space<vmem>>, vector<16xf32>,
    %broadcast_in_dim3A_553 = arith.constant 1.000000e+00 : f32
    %broadcast_in_dim3A_554 = vector.broadcast %broadcast_in_dim3A_553 : f32 to vector<16xf32>
    %swap3A_555 = arith.constant 1472 : index
    %swap3A_556 = tpu.vector_load %arg41[%swap3A_555] {strides = array<i32>} : memref<2560xf32, #tpu.memory_space<vmem>>, vector<16xf32>,
    %swap3A_557 = vector.shape_cast %swap3A_556 : vector<16xf32> to vector<16xf32>
    %swap3A_558 = vector.shape_cast %broadcast_in_dim3A_554 : vector<16xf32> to vector<16xf32>
    tpu.vector_store %arg41[%swap3A_555], %swap3A_558 {strides = array<i32>} : memref<2560xf32, #tpu.memory_space<vmem>>, vector<16xf32>,
    %broadcast_in_dim3A_559 = arith.constant 1.000000e+00 : f32
    %broadcast_in_dim3A_560 = vector.broadcast %broadcast_in_dim3A_559 : f32 to vector<16xf32>
    %swap3A_561 = arith.constant 1488 : index
    %swap3A_562 = tpu.vector_load %arg41[%swap3A_561] {strides = array<i32>} : memref<2560xf32, #tpu.memory_space<vmem>>, vector<16xf32>,
    %swap3A_563 = vector.shape_cast %swap3A_562 : vector<16xf32> to vector<16xf32>
    %swap3A_564 = vector.shape_cast %broadcast_in_dim3A_560 : vector<16xf32> to vector<16xf32>
    tpu.vector_store %arg41[%swap3A_561], %swap3A_564 {strides = array<i32>} : memref<2560xf32, #tpu.memory_space<vmem>>, vector<16xf32>,
    %broadcast_in_dim3A_565 = arith.constant 1.000000e+00 : f32
    %broadcast_in_dim3A_566 = vector.broadcast %broadcast_in_dim3A_565 : f32 to vector<16xf32>
    %swap3A_567 = arith.constant 1504 : index
    %swap3A_568 = tpu.vector_load %arg41[%swap3A_567] {strides = array<i32>} : memref<2560xf32, #tpu.memory_space<vmem>>, vector<16xf32>,
    %swap3A_569 = vector.shape_cast %swap3A_568 : vector<16xf32> to vector<16xf32>
    %swap3A_570 = vector.shape_cast %broadcast_in_dim3A_566 : vector<16xf32> to vector<16xf32>
    tpu.vector_store %arg41[%swap3A_567], %swap3A_570 {strides = array<i32>} : memref<2560xf32, #tpu.memory_space<vmem>>, vector<16xf32>,
    %broadcast_in_dim3A_571 = arith.constant 1.000000e+00 : f32
    %broadcast_in_dim3A_572 = vector.broadcast %broadcast_in_dim3A_571 : f32 to vector<16xf32>
    %swap3A_573 = arith.constant 1520 : index
    %swap3A_574 = tpu.vector_load %arg41[%swap3A_573] {strides = array<i32>} : memref<2560xf32, #tpu.memory_space<vmem>>, vector<16xf32>,
    %swap3A_575 = vector.shape_cast %swap3A_574 : vector<16xf32> to vector<16xf32>
    %swap3A_576 = vector.shape_cast %broadcast_in_dim3A_572 : vector<16xf32> to vector<16xf32>
    tpu.vector_store %arg41[%swap3A_573], %swap3A_576 {strides = array<i32>} : memref<2560xf32, #tpu.memory_space<vmem>>, vector<16xf32>,
    %broadcast_in_dim3A_577 = arith.constant 1.000000e+00 : f32
    %broadcast_in_dim3A_578 = vector.broadcast %broadcast_in_dim3A_577 : f32 to vector<16xf32>
    %swap3A_579 = arith.constant 1536 : index
    %swap3A_580 = tpu.vector_load %arg41[%swap3A_579] {strides = array<i32>} : memref<2560xf32, #tpu.memory_space<vmem>>, vector<16xf32>,
    %swap3A_581 = vector.shape_cast %swap3A_580 : vector<16xf32> to vector<16xf32>
    %swap3A_582 = vector.shape_cast %broadcast_in_dim3A_578 : vector<16xf32> to vector<16xf32>
    tpu.vector_store %arg41[%swap3A_579], %swap3A_582 {strides = array<i32>} : memref<2560xf32, #tpu.memory_space<vmem>>, vector<16xf32>,
    %broadcast_in_dim3A_583 = arith.constant 1.000000e+00 : f32
    %broadcast_in_dim3A_584 = vector.broadcast %broadcast_in_dim3A_583 : f32 to vector<16xf32>
    %swap3A_585 = arith.constant 1552 : index
    %swap3A_586 = tpu.vector_load %arg41[%swap3A_585] {strides = array<i32>} : memref<2560xf32, #tpu.memory_space<vmem>>, vector<16xf32>,
    %swap3A_587 = vector.shape_cast %swap3A_586 : vector<16xf32> to vector<16xf32>
    %swap3A_588 = vector.shape_cast %broadcast_in_dim3A_584 : vector<16xf32> to vector<16xf32>
    tpu.vector_store %arg41[%swap3A_585], %swap3A_588 {strides = array<i32>} : memref<2560xf32, #tpu.memory_space<vmem>>, vector<16xf32>,
    %broadcast_in_dim3A_589 = arith.constant 1.000000e+00 : f32
    %broadcast_in_dim3A_590 = vector.broadcast %broadcast_in_dim3A_589 : f32 to vector<16xf32>
    %swap3A_591 = arith.constant 1568 : index
    %swap3A_592 = tpu.vector_load %arg41[%swap3A_591] {strides = array<i32>} : memref<2560xf32, #tpu.memory_space<vmem>>, vector<16xf32>,
    %swap3A_593 = vector.shape_cast %swap3A_592 : vector<16xf32> to vector<16xf32>
    %swap3A_594 = vector.shape_cast %broadcast_in_dim3A_590 : vector<16xf32> to vector<16xf32>
    tpu.vector_store %arg41[%swap3A_591], %swap3A_594 {strides = array<i32>} : memref<2560xf32, #tpu.memory_space<vmem>>, vector<16xf32>,
    %broadcast_in_dim3A_595 = arith.constant 1.000000e+00 : f32
    %broadcast_in_dim3A_596 = vector.broadcast %broadcast_in_dim3A_595 : f32 to vector<16xf32>
    %swap3A_597 = arith.constant 1584 : index
    %swap3A_598 = tpu.vector_load %arg41[%swap3A_597] {strides = array<i32>} : memref<2560xf32, #tpu.memory_space<vmem>>, vector<16xf32>,
    %swap3A_599 = vector.shape_cast %swap3A_598 : vector<16xf32> to vector<16xf32>
    %swap3A_600 = vector.shape_cast %broadcast_in_dim3A_596 : vector<16xf32> to vector<16xf32>
    tpu.vector_store %arg41[%swap3A_597], %swap3A_600 {strides = array<i32>} : memref<2560xf32, #tpu.memory_space<vmem>>, vector<16xf32>,
    %broadcast_in_dim3A_601 = arith.constant 1.000000e+00 : f32
    %broadcast_in_dim3A_602 = vector.broadcast %broadcast_in_dim3A_601 : f32 to vector<16xf32>
    %swap3A_603 = arith.constant 1600 : index
    %swap3A_604 = tpu.vector_load %arg41[%swap3A_603] {strides = array<i32>} : memref<2560xf32, #tpu.memory_space<vmem>>, vector<16xf32>,
    %swap3A_605 = vector.shape_cast %swap3A_604 : vector<16xf32> to vector<16xf32>
    %swap3A_606 = vector.shape_cast %broadcast_in_dim3A_602 : vector<16xf32> to vector<16xf32>
    tpu.vector_store %arg41[%swap3A_603], %swap3A_606 {strides = array<i32>} : memref<2560xf32, #tpu.memory_space<vmem>>, vector<16xf32>,
    %broadcast_in_dim3A_607 = arith.constant 1.000000e+00 : f32
    %broadcast_in_dim3A_608 = vector.broadcast %broadcast_in_dim3A_607 : f32 to vector<16xf32>
    %swap3A_609 = arith.constant 1616 : index
    %swap3A_610 = tpu.vector_load %arg41[%swap3A_609] {strides = array<i32>} : memref<2560xf32, #tpu.memory_space<vmem>>, vector<16xf32>,
    %swap3A_611 = vector.shape_cast %swap3A_610 : vector<16xf32> to vector<16xf32>
    %swap3A_612 = vector.shape_cast %broadcast_in_dim3A_608 : vector<16xf32> to vector<16xf32>
    tpu.vector_store %arg41[%swap3A_609], %swap3A_612 {strides = array<i32>} : memref<2560xf32, #tpu.memory_space<vmem>>, vector<16xf32>,
    %broadcast_in_dim3A_613 = arith.constant 1.000000e+00 : f32
    %broadcast_in_dim3A_614 = vector.broadcast %broadcast_in_dim3A_613 : f32 to vector<16xf32>
    %swap3A_615 = arith.constant 1632 : index
    %swap3A_616 = tpu.vector_load %arg41[%swap3A_615] {strides = array<i32>} : memref<2560xf32, #tpu.memory_space<vmem>>, vector<16xf32>,
    %swap3A_617 = vector.shape_cast %swap3A_616 : vector<16xf32> to vector<16xf32>
    %swap3A_618 = vector.shape_cast %broadcast_in_dim3A_614 : vector<16xf32> to vector<16xf32>
    tpu.vector_store %arg41[%swap3A_615], %swap3A_618 {strides = array<i32>} : memref<2560xf32, #tpu.memory_space<vmem>>, vector<16xf32>,
    %broadcast_in_dim3A_619 = arith.constant 1.000000e+00 : f32
    %broadcast_in_dim3A_620 = vector.broadcast %broadcast_in_dim3A_619 : f32 to vector<16xf32>
    %swap3A_621 = arith.constant 1648 : index
    %swap3A_622 = tpu.vector_load %arg41[%swap3A_621] {strides = array<i32>} : memref<2560xf32, #tpu.memory_space<vmem>>, vector<16xf32>,
    %swap3A_623 = vector.shape_cast %swap3A_622 : vector<16xf32> to vector<16xf32>
    %swap3A_624 = vector.shape_cast %broadcast_in_dim3A_620 : vector<16xf32> to vector<16xf32>
    tpu.vector_store %arg41[%swap3A_621], %swap3A_624 {strides = array<i32>} : memref<2560xf32, #tpu.memory_space<vmem>>, vector<16xf32>,
    %broadcast_in_dim3A_625 = arith.constant 1.000000e+00 : f32
    %broadcast_in_dim3A_626 = vector.broadcast %broadcast_in_dim3A_625 : f32 to vector<16xf32>
    %swap3A_627 = arith.constant 1664 : index
    %swap3A_628 = tpu.vector_load %arg41[%swap3A_627] {strides = array<i32>} : memref<2560xf32, #tpu.memory_space<vmem>>, vector<16xf32>,
    %swap3A_629 = vector.shape_cast %swap3A_628 : vector<16xf32> to vector<16xf32>
    %swap3A_630 = vector.shape_cast %broadcast_in_dim3A_626 : vector<16xf32> to vector<16xf32>
    tpu.vector_store %arg41[%swap3A_627], %swap3A_630 {strides = array<i32>} : memref<2560xf32, #tpu.memory_space<vmem>>, vector<16xf32>,
    %broadcast_in_dim3A_631 = arith.constant 1.000000e+00 : f32
    %broadcast_in_dim3A_632 = vector.broadcast %broadcast_in_dim3A_631 : f32 to vector<16xf32>
    %swap3A_633 = arith.constant 1680 : index
    %swap3A_634 = tpu.vector_load %arg41[%swap3A_633] {strides = array<i32>} : memref<2560xf32, #tpu.memory_space<vmem>>, vector<16xf32>,
    %swap3A_635 = vector.shape_cast %swap3A_634 : vector<16xf32> to vector<16xf32>
    %swap3A_636 = vector.shape_cast %broadcast_in_dim3A_632 : vector<16xf32> to vector<16xf32>
    tpu.vector_store %arg41[%swap3A_633], %swap3A_636 {strides = array<i32>} : memref<2560xf32, #tpu.memory_space<vmem>>, vector<16xf32>,
    %broadcast_in_dim3A_637 = arith.constant 1.000000e+00 : f32
    %broadcast_in_dim3A_638 = vector.broadcast %broadcast_in_dim3A_637 : f32 to vector<16xf32>
    %swap3A_639 = arith.constant 1696 : index
    %swap3A_640 = tpu.vector_load %arg41[%swap3A_639] {strides = array<i32>} : memref<2560xf32, #tpu.memory_space<vmem>>, vector<16xf32>,
    %swap3A_641 = vector.shape_cast %swap3A_640 : vector<16xf32> to vector<16xf32>
    %swap3A_642 = vector.shape_cast %broadcast_in_dim3A_638 : vector<16xf32> to vector<16xf32>
    tpu.vector_store %arg41[%swap3A_639], %swap3A_642 {strides = array<i32>} : memref<2560xf32, #tpu.memory_space<vmem>>, vector<16xf32>,
    %broadcast_in_dim3A_643 = arith.constant 1.000000e+00 : f32
    %broadcast_in_dim3A_644 = vector.broadcast %broadcast_in_dim3A_643 : f32 to vector<16xf32>
    %swap3A_645 = arith.constant 1712 : index
    %swap3A_646 = tpu.vector_load %arg41[%swap3A_645] {strides = array<i32>} : memref<2560xf32, #tpu.memory_space<vmem>>, vector<16xf32>,
    %swap3A_647 = vector.shape_cast %swap3A_646 : vector<16xf32> to vector<16xf32>
    %swap3A_648 = vector.shape_cast %broadcast_in_dim3A_644 : vector<16xf32> to vector<16xf32>
    tpu.vector_store %arg41[%swap3A_645], %swap3A_648 {strides = array<i32>} : memref<2560xf32, #tpu.memory_space<vmem>>, vector<16xf32>,
    %broadcast_in_dim3A_649 = arith.constant 1.000000e+00 : f32
    %broadcast_in_dim3A_650 = vector.broadcast %broadcast_in_dim3A_649 : f32 to vector<16xf32>
    %swap3A_651 = arith.constant 1728 : index
    %swap3A_652 = tpu.vector_load %arg41[%swap3A_651] {strides = array<i32>} : memref<2560xf32, #tpu.memory_space<vmem>>, vector<16xf32>,
    %swap3A_653 = vector.shape_cast %swap3A_652 : vector<16xf32> to vector<16xf32>
    %swap3A_654 = vector.shape_cast %broadcast_in_dim3A_650 : vector<16xf32> to vector<16xf32>
    tpu.vector_store %arg41[%swap3A_651], %swap3A_654 {strides = array<i32>} : memref<2560xf32, #tpu.memory_space<vmem>>, vector<16xf32>,
    %broadcast_in_dim3A_655 = arith.constant 1.000000e+00 : f32
    %broadcast_in_dim3A_656 = vector.broadcast %broadcast_in_dim3A_655 : f32 to vector<16xf32>
    %swap3A_657 = arith.constant 1744 : index
    %swap3A_658 = tpu.vector_load %arg41[%swap3A_657] {strides = array<i32>} : memref<2560xf32, #tpu.memory_space<vmem>>, vector<16xf32>,
    %swap3A_659 = vector.shape_cast %swap3A_658 : vector<16xf32> to vector<16xf32>
    %swap3A_660 = vector.shape_cast %broadcast_in_dim3A_656 : vector<16xf32> to vector<16xf32>
    tpu.vector_store %arg41[%swap3A_657], %swap3A_660 {strides = array<i32>} : memref<2560xf32, #tpu.memory_space<vmem>>, vector<16xf32>,
    %broadcast_in_dim3A_661 = arith.constant 1.000000e+00 : f32
    %broadcast_in_dim3A_662 = vector.broadcast %broadcast_in_dim3A_661 : f32 to vector<16xf32>
    %swap3A_663 = arith.constant 1760 : index
    %swap3A_664 = tpu.vector_load %arg41[%swap3A_663] {strides = array<i32>} : memref<2560xf32, #tpu.memory_space<vmem>>, vector<16xf32>,
    %swap3A_665 = vector.shape_cast %swap3A_664 : vector<16xf32> to vector<16xf32>
    %swap3A_666 = vector.shape_cast %broadcast_in_dim3A_662 : vector<16xf32> to vector<16xf32>
    tpu.vector_store %arg41[%swap3A_663], %swap3A_666 {strides = array<i32>} : memref<2560xf32, #tpu.memory_space<vmem>>, vector<16xf32>,
    %broadcast_in_dim3A_667 = arith.constant 1.000000e+00 : f32
    %broadcast_in_dim3A_668 = vector.broadcast %broadcast_in_dim3A_667 : f32 to vector<16xf32>
    %swap3A_669 = arith.constant 1776 : index
    %swap3A_670 = tpu.vector_load %arg41[%swap3A_669] {strides = array<i32>} : memref<2560xf32, #tpu.memory_space<vmem>>, vector<16xf32>,
    %swap3A_671 = vector.shape_cast %swap3A_670 : vector<16xf32> to vector<16xf32>
    %swap3A_672 = vector.shape_cast %broadcast_in_dim3A_668 : vector<16xf32> to vector<16xf32>
    tpu.vector_store %arg41[%swap3A_669], %swap3A_672 {strides = array<i32>} : memref<2560xf32, #tpu.memory_space<vmem>>, vector<16xf32>,
    %broadcast_in_dim3A_673 = arith.constant 1.000000e+00 : f32
    %broadcast_in_dim3A_674 = vector.broadcast %broadcast_in_dim3A_673 : f32 to vector<16xf32>
    %swap3A_675 = arith.constant 1792 : index
    %swap3A_676 = tpu.vector_load %arg41[%swap3A_675] {strides = array<i32>} : memref<2560xf32, #tpu.memory_space<vmem>>, vector<16xf32>,
    %swap3A_677 = vector.shape_cast %swap3A_676 : vector<16xf32> to vector<16xf32>
    %swap3A_678 = vector.shape_cast %broadcast_in_dim3A_674 : vector<16xf32> to vector<16xf32>
    tpu.vector_store %arg41[%swap3A_675], %swap3A_678 {strides = array<i32>} : memref<2560xf32, #tpu.memory_space<vmem>>, vector<16xf32>,
    %broadcast_in_dim3A_679 = arith.constant 1.000000e+00 : f32
    %broadcast_in_dim3A_680 = vector.broadcast %broadcast_in_dim3A_679 : f32 to vector<16xf32>
    %swap3A_681 = arith.constant 1808 : index
    %swap3A_682 = tpu.vector_load %arg41[%swap3A_681] {strides = array<i32>} : memref<2560xf32, #tpu.memory_space<vmem>>, vector<16xf32>,
    %swap3A_683 = vector.shape_cast %swap3A_682 : vector<16xf32> to vector<16xf32>
    %swap3A_684 = vector.shape_cast %broadcast_in_dim3A_680 : vector<16xf32> to vector<16xf32>
    tpu.vector_store %arg41[%swap3A_681], %swap3A_684 {strides = array<i32>} : memref<2560xf32, #tpu.memory_space<vmem>>, vector<16xf32>,
    %broadcast_in_dim3A_685 = arith.constant 1.000000e+00 : f32
    %broadcast_in_dim3A_686 = vector.broadcast %broadcast_in_dim3A_685 : f32 to vector<16xf32>
    %swap3A_687 = arith.constant 1824 : index
    %swap3A_688 = tpu.vector_load %arg41[%swap3A_687] {strides = array<i32>} : memref<2560xf32, #tpu.memory_space<vmem>>, vector<16xf32>,
    %swap3A_689 = vector.shape_cast %swap3A_688 : vector<16xf32> to vector<16xf32>
    %swap3A_690 = vector.shape_cast %broadcast_in_dim3A_686 : vector<16xf32> to vector<16xf32>
    tpu.vector_store %arg41[%swap3A_687], %swap3A_690 {strides = array<i32>} : memref<2560xf32, #tpu.memory_space<vmem>>, vector<16xf32>,
    %broadcast_in_dim3A_691 = arith.constant 1.000000e+00 : f32
    %broadcast_in_dim3A_692 = vector.broadcast %broadcast_in_dim3A_691 : f32 to vector<16xf32>
    %swap3A_693 = arith.constant 1840 : index
    %swap3A_694 = tpu.vector_load %arg41[%swap3A_693] {strides = array<i32>} : memref<2560xf32, #tpu.memory_space<vmem>>, vector<16xf32>,
    %swap3A_695 = vector.shape_cast %swap3A_694 : vector<16xf32> to vector<16xf32>
    %swap3A_696 = vector.shape_cast %broadcast_in_dim3A_692 : vector<16xf32> to vector<16xf32>
    tpu.vector_store %arg41[%swap3A_693], %swap3A_696 {strides = array<i32>} : memref<2560xf32, #tpu.memory_space<vmem>>, vector<16xf32>,
    %broadcast_in_dim3A_697 = arith.constant 1.000000e+00 : f32
    %broadcast_in_dim3A_698 = vector.broadcast %broadcast_in_dim3A_697 : f32 to vector<16xf32>
    %swap3A_699 = arith.constant 1856 : index
    %swap3A_700 = tpu.vector_load %arg41[%swap3A_699] {strides = array<i32>} : memref<2560xf32, #tpu.memory_space<vmem>>, vector<16xf32>,
    %swap3A_701 = vector.shape_cast %swap3A_700 : vector<16xf32> to vector<16xf32>
    %swap3A_702 = vector.shape_cast %broadcast_in_dim3A_698 : vector<16xf32> to vector<16xf32>
    tpu.vector_store %arg41[%swap3A_699], %swap3A_702 {strides = array<i32>} : memref<2560xf32, #tpu.memory_space<vmem>>, vector<16xf32>,
    %broadcast_in_dim3A_703 = arith.constant 1.000000e+00 : f32
    %broadcast_in_dim3A_704 = vector.broadcast %broadcast_in_dim3A_703 : f32 to vector<16xf32>
    %swap3A_705 = arith.constant 1872 : index
    %swap3A_706 = tpu.vector_load %arg41[%swap3A_705] {strides = array<i32>} : memref<2560xf32, #tpu.memory_space<vmem>>, vector<16xf32>,
    %swap3A_707 = vector.shape_cast %swap3A_706 : vector<16xf32> to vector<16xf32>
    %swap3A_708 = vector.shape_cast %broadcast_in_dim3A_704 : vector<16xf32> to vector<16xf32>
    tpu.vector_store %arg41[%swap3A_705], %swap3A_708 {strides = array<i32>} : memref<2560xf32, #tpu.memory_space<vmem>>, vector<16xf32>,
    %broadcast_in_dim3A_709 = arith.constant 1.000000e+00 : f32
    %broadcast_in_dim3A_710 = vector.broadcast %broadcast_in_dim3A_709 : f32 to vector<16xf32>
    %swap3A_711 = arith.constant 1888 : index
    %swap3A_712 = tpu.vector_load %arg41[%swap3A_711] {strides = array<i32>} : memref<2560xf32, #tpu.memory_space<vmem>>, vector<16xf32>,
    %swap3A_713 = vector.shape_cast %swap3A_712 : vector<16xf32> to vector<16xf32>
    %swap3A_714 = vector.shape_cast %broadcast_in_dim3A_710 : vector<16xf32> to vector<16xf32>
    tpu.vector_store %arg41[%swap3A_711], %swap3A_714 {strides = array<i32>} : memref<2560xf32, #tpu.memory_space<vmem>>, vector<16xf32>,
    %broadcast_in_dim3A_715 = arith.constant 1.000000e+00 : f32
    %broadcast_in_dim3A_716 = vector.broadcast %broadcast_in_dim3A_715 : f32 to vector<16xf32>
    %swap3A_717 = arith.constant 1904 : index
    %swap3A_718 = tpu.vector_load %arg41[%swap3A_717] {strides = array<i32>} : memref<2560xf32, #tpu.memory_space<vmem>>, vector<16xf32>,
    %swap3A_719 = vector.shape_cast %swap3A_718 : vector<16xf32> to vector<16xf32>
    %swap3A_720 = vector.shape_cast %broadcast_in_dim3A_716 : vector<16xf32> to vector<16xf32>
    tpu.vector_store %arg41[%swap3A_717], %swap3A_720 {strides = array<i32>} : memref<2560xf32, #tpu.memory_space<vmem>>, vector<16xf32>,
    %broadcast_in_dim3A_721 = arith.constant 1.000000e+00 : f32
    %broadcast_in_dim3A_722 = vector.broadcast %broadcast_in_dim3A_721 : f32 to vector<16xf32>
    %swap3A_723 = arith.constant 1920 : index
    %swap3A_724 = tpu.vector_load %arg41[%swap3A_723] {strides = array<i32>} : memref<2560xf32, #tpu.memory_space<vmem>>, vector<16xf32>,
    %swap3A_725 = vector.shape_cast %swap3A_724 : vector<16xf32> to vector<16xf32>
    %swap3A_726 = vector.shape_cast %broadcast_in_dim3A_722 : vector<16xf32> to vector<16xf32>
    tpu.vector_store %arg41[%swap3A_723], %swap3A_726 {strides = array<i32>} : memref<2560xf32, #tpu.memory_space<vmem>>, vector<16xf32>,
    %broadcast_in_dim3A_727 = arith.constant 1.000000e+00 : f32
    %broadcast_in_dim3A_728 = vector.broadcast %broadcast_in_dim3A_727 : f32 to vector<16xf32>
    %swap3A_729 = arith.constant 1936 : index
    %swap3A_730 = tpu.vector_load %arg41[%swap3A_729] {strides = array<i32>} : memref<2560xf32, #tpu.memory_space<vmem>>, vector<16xf32>,
    %swap3A_731 = vector.shape_cast %swap3A_730 : vector<16xf32> to vector<16xf32>
    %swap3A_732 = vector.shape_cast %broadcast_in_dim3A_728 : vector<16xf32> to vector<16xf32>
    tpu.vector_store %arg41[%swap3A_729], %swap3A_732 {strides = array<i32>} : memref<2560xf32, #tpu.memory_space<vmem>>, vector<16xf32>,
    %broadcast_in_dim3A_733 = arith.constant 1.000000e+00 : f32
    %broadcast_in_dim3A_734 = vector.broadcast %broadcast_in_dim3A_733 : f32 to vector<16xf32>
    %swap3A_735 = arith.constant 1952 : index
    %swap3A_736 = tpu.vector_load %arg41[%swap3A_735] {strides = array<i32>} : memref<2560xf32, #tpu.memory_space<vmem>>, vector<16xf32>,
    %swap3A_737 = vector.shape_cast %swap3A_736 : vector<16xf32> to vector<16xf32>
    %swap3A_738 = vector.shape_cast %broadcast_in_dim3A_734 : vector<16xf32> to vector<16xf32>
    tpu.vector_store %arg41[%swap3A_735], %swap3A_738 {strides = array<i32>} : memref<2560xf32, #tpu.memory_space<vmem>>, vector<16xf32>,
    %broadcast_in_dim3A_739 = arith.constant 1.000000e+00 : f32
    %broadcast_in_dim3A_740 = vector.broadcast %broadcast_in_dim3A_739 : f32 to vector<16xf32>
    %swap3A_741 = arith.constant 1968 : index
    %swap3A_742 = tpu.vector_load %arg41[%swap3A_741] {strides = array<i32>} : memref<2560xf32, #tpu.memory_space<vmem>>, vector<16xf32>,
    %swap3A_743 = vector.shape_cast %swap3A_742 : vector<16xf32> to vector<16xf32>
    %swap3A_744 = vector.shape_cast %broadcast_in_dim3A_740 : vector<16xf32> to vector<16xf32>
    tpu.vector_store %arg41[%swap3A_741], %swap3A_744 {strides = array<i32>} : memref<2560xf32, #tpu.memory_space<vmem>>, vector<16xf32>,
    %broadcast_in_dim3A_745 = arith.constant 1.000000e+00 : f32
    %broadcast_in_dim3A_746 = vector.broadcast %broadcast_in_dim3A_745 : f32 to vector<16xf32>
    %swap3A_747 = arith.constant 1984 : index
    %swap3A_748 = tpu.vector_load %arg41[%swap3A_747] {strides = array<i32>} : memref<2560xf32, #tpu.memory_space<vmem>>, vector<16xf32>,
    %swap3A_749 = vector.shape_cast %swap3A_748 : vector<16xf32> to vector<16xf32>
    %swap3A_750 = vector.shape_cast %broadcast_in_dim3A_746 : vector<16xf32> to vector<16xf32>
    tpu.vector_store %arg41[%swap3A_747], %swap3A_750 {strides = array<i32>} : memref<2560xf32, #tpu.memory_space<vmem>>, vector<16xf32>,
    %broadcast_in_dim3A_751 = arith.constant 1.000000e+00 : f32
    %broadcast_in_dim3A_752 = vector.broadcast %broadcast_in_dim3A_751 : f32 to vector<16xf32>
    %swap3A_753 = arith.constant 2000 : index
    %swap3A_754 = tpu.vector_load %arg41[%swap3A_753] {strides = array<i32>} : memref<2560xf32, #tpu.memory_space<vmem>>, vector<16xf32>,
    %swap3A_755 = vector.shape_cast %swap3A_754 : vector<16xf32> to vector<16xf32>
    %swap3A_756 = vector.shape_cast %broadcast_in_dim3A_752 : vector<16xf32> to vector<16xf32>
    tpu.vector_store %arg41[%swap3A_753], %swap3A_756 {strides = array<i32>} : memref<2560xf32, #tpu.memory_space<vmem>>, vector<16xf32>,
    %broadcast_in_dim3A_757 = arith.constant 1.000000e+00 : f32
    %broadcast_in_dim3A_758 = vector.broadcast %broadcast_in_dim3A_757 : f32 to vector<16xf32>
    %swap3A_759 = arith.constant 2016 : index
    %swap3A_760 = tpu.vector_load %arg41[%swap3A_759] {strides = array<i32>} : memref<2560xf32, #tpu.memory_space<vmem>>, vector<16xf32>,
    %swap3A_761 = vector.shape_cast %swap3A_760 : vector<16xf32> to vector<16xf32>
    %swap3A_762 = vector.shape_cast %broadcast_in_dim3A_758 : vector<16xf32> to vector<16xf32>
    tpu.vector_store %arg41[%swap3A_759], %swap3A_762 {strides = array<i32>} : memref<2560xf32, #tpu.memory_space<vmem>>, vector<16xf32>,
    %broadcast_in_dim3A_763 = arith.constant 1.000000e+00 : f32
    %broadcast_in_dim3A_764 = vector.broadcast %broadcast_in_dim3A_763 : f32 to vector<16xf32>
    %swap3A_765 = arith.constant 2032 : index
    %swap3A_766 = tpu.vector_load %arg41[%swap3A_765] {strides = array<i32>} : memref<2560xf32, #tpu.memory_space<vmem>>, vector<16xf32>,
    %swap3A_767 = vector.shape_cast %swap3A_766 : vector<16xf32> to vector<16xf32>
    %swap3A_768 = vector.shape_cast %broadcast_in_dim3A_764 : vector<16xf32> to vector<16xf32>
    tpu.vector_store %arg41[%swap3A_765], %swap3A_768 {strides = array<i32>} : memref<2560xf32, #tpu.memory_space<vmem>>, vector<16xf32>,
    %broadcast_in_dim3A_769 = arith.constant 1.000000e+00 : f32
    %broadcast_in_dim3A_770 = vector.broadcast %broadcast_in_dim3A_769 : f32 to vector<16xf32>
    %swap3A_771 = arith.constant 2048 : index
    %swap3A_772 = tpu.vector_load %arg41[%swap3A_771] {strides = array<i32>} : memref<2560xf32, #tpu.memory_space<vmem>>, vector<16xf32>,
    %swap3A_773 = vector.shape_cast %swap3A_772 : vector<16xf32> to vector<16xf32>
    %swap3A_774 = vector.shape_cast %broadcast_in_dim3A_770 : vector<16xf32> to vector<16xf32>
    tpu.vector_store %arg41[%swap3A_771], %swap3A_774 {strides = array<i32>} : memref<2560xf32, #tpu.memory_space<vmem>>, vector<16xf32>,
    %broadcast_in_dim3A_775 = arith.constant 1.000000e+00 : f32
    %broadcast_in_dim3A_776 = vector.broadcast %broadcast_in_dim3A_775 : f32 to vector<16xf32>
    %swap3A_777 = arith.constant 2064 : index
    %swap3A_778 = tpu.vector_load %arg41[%swap3A_777] {strides = array<i32>} : memref<2560xf32, #tpu.memory_space<vmem>>, vector<16xf32>,
    %swap3A_779 = vector.shape_cast %swap3A_778 : vector<16xf32> to vector<16xf32>
    %swap3A_780 = vector.shape_cast %broadcast_in_dim3A_776 : vector<16xf32> to vector<16xf32>
    tpu.vector_store %arg41[%swap3A_777], %swap3A_780 {strides = array<i32>} : memref<2560xf32, #tpu.memory_space<vmem>>, vector<16xf32>,
    %broadcast_in_dim3A_781 = arith.constant 1.000000e+00 : f32
    %broadcast_in_dim3A_782 = vector.broadcast %broadcast_in_dim3A_781 : f32 to vector<16xf32>
    %swap3A_783 = arith.constant 2080 : index
    %swap3A_784 = tpu.vector_load %arg41[%swap3A_783] {strides = array<i32>} : memref<2560xf32, #tpu.memory_space<vmem>>, vector<16xf32>,
    %swap3A_785 = vector.shape_cast %swap3A_784 : vector<16xf32> to vector<16xf32>
    %swap3A_786 = vector.shape_cast %broadcast_in_dim3A_782 : vector<16xf32> to vector<16xf32>
    tpu.vector_store %arg41[%swap3A_783], %swap3A_786 {strides = array<i32>} : memref<2560xf32, #tpu.memory_space<vmem>>, vector<16xf32>,
    %broadcast_in_dim3A_787 = arith.constant 1.000000e+00 : f32
    %broadcast_in_dim3A_788 = vector.broadcast %broadcast_in_dim3A_787 : f32 to vector<16xf32>
    %swap3A_789 = arith.constant 2096 : index
    %swap3A_790 = tpu.vector_load %arg41[%swap3A_789] {strides = array<i32>} : memref<2560xf32, #tpu.memory_space<vmem>>, vector<16xf32>,
    %swap3A_791 = vector.shape_cast %swap3A_790 : vector<16xf32> to vector<16xf32>
    %swap3A_792 = vector.shape_cast %broadcast_in_dim3A_788 : vector<16xf32> to vector<16xf32>
    tpu.vector_store %arg41[%swap3A_789], %swap3A_792 {strides = array<i32>} : memref<2560xf32, #tpu.memory_space<vmem>>, vector<16xf32>,
    %broadcast_in_dim3A_793 = arith.constant 1.000000e+00 : f32
    %broadcast_in_dim3A_794 = vector.broadcast %broadcast_in_dim3A_793 : f32 to vector<16xf32>
    %swap3A_795 = arith.constant 2112 : index
    %swap3A_796 = tpu.vector_load %arg41[%swap3A_795] {strides = array<i32>} : memref<2560xf32, #tpu.memory_space<vmem>>, vector<16xf32>,
    %swap3A_797 = vector.shape_cast %swap3A_796 : vector<16xf32> to vector<16xf32>
    %swap3A_798 = vector.shape_cast %broadcast_in_dim3A_794 : vector<16xf32> to vector<16xf32>
    tpu.vector_store %arg41[%swap3A_795], %swap3A_798 {strides = array<i32>} : memref<2560xf32, #tpu.memory_space<vmem>>, vector<16xf32>,
    %broadcast_in_dim3A_799 = arith.constant 1.000000e+00 : f32
    %broadcast_in_dim3A_800 = vector.broadcast %broadcast_in_dim3A_799 : f32 to vector<16xf32>
    %swap3A_801 = arith.constant 2128 : index
    %swap3A_802 = tpu.vector_load %arg41[%swap3A_801] {strides = array<i32>} : memref<2560xf32, #tpu.memory_space<vmem>>, vector<16xf32>,
    %swap3A_803 = vector.shape_cast %swap3A_802 : vector<16xf32> to vector<16xf32>
    %swap3A_804 = vector.shape_cast %broadcast_in_dim3A_800 : vector<16xf32> to vector<16xf32>
    tpu.vector_store %arg41[%swap3A_801], %swap3A_804 {strides = array<i32>} : memref<2560xf32, #tpu.memory_space<vmem>>, vector<16xf32>,
    %broadcast_in_dim3A_805 = arith.constant 1.000000e+00 : f32
    %broadcast_in_dim3A_806 = vector.broadcast %broadcast_in_dim3A_805 : f32 to vector<16xf32>
    %swap3A_807 = arith.constant 2144 : index
    %swap3A_808 = tpu.vector_load %arg41[%swap3A_807] {strides = array<i32>} : memref<2560xf32, #tpu.memory_space<vmem>>, vector<16xf32>,
    %swap3A_809 = vector.shape_cast %swap3A_808 : vector<16xf32> to vector<16xf32>
    %swap3A_810 = vector.shape_cast %broadcast_in_dim3A_806 : vector<16xf32> to vector<16xf32>
    tpu.vector_store %arg41[%swap3A_807], %swap3A_810 {strides = array<i32>} : memref<2560xf32, #tpu.memory_space<vmem>>, vector<16xf32>,
    %broadcast_in_dim3A_811 = arith.constant 1.000000e+00 : f32
    %broadcast_in_dim3A_812 = vector.broadcast %broadcast_in_dim3A_811 : f32 to vector<16xf32>
    %swap3A_813 = arith.constant 2160 : index
    %swap3A_814 = tpu.vector_load %arg41[%swap3A_813] {strides = array<i32>} : memref<2560xf32, #tpu.memory_space<vmem>>, vector<16xf32>,
    %swap3A_815 = vector.shape_cast %swap3A_814 : vector<16xf32> to vector<16xf32>
    %swap3A_816 = vector.shape_cast %broadcast_in_dim3A_812 : vector<16xf32> to vector<16xf32>
    tpu.vector_store %arg41[%swap3A_813], %swap3A_816 {strides = array<i32>} : memref<2560xf32, #tpu.memory_space<vmem>>, vector<16xf32>,
    %broadcast_in_dim3A_817 = arith.constant 1.000000e+00 : f32
    %broadcast_in_dim3A_818 = vector.broadcast %broadcast_in_dim3A_817 : f32 to vector<16xf32>
    %swap3A_819 = arith.constant 2176 : index
    %swap3A_820 = tpu.vector_load %arg41[%swap3A_819] {strides = array<i32>} : memref<2560xf32, #tpu.memory_space<vmem>>, vector<16xf32>,
    %swap3A_821 = vector.shape_cast %swap3A_820 : vector<16xf32> to vector<16xf32>
    %swap3A_822 = vector.shape_cast %broadcast_in_dim3A_818 : vector<16xf32> to vector<16xf32>
    tpu.vector_store %arg41[%swap3A_819], %swap3A_822 {strides = array<i32>} : memref<2560xf32, #tpu.memory_space<vmem>>, vector<16xf32>,
    %broadcast_in_dim3A_823 = arith.constant 1.000000e+00 : f32
    %broadcast_in_dim3A_824 = vector.broadcast %broadcast_in_dim3A_823 : f32 to vector<16xf32>
    %swap3A_825 = arith.constant 2192 : index
    %swap3A_826 = tpu.vector_load %arg41[%swap3A_825] {strides = array<i32>} : memref<2560xf32, #tpu.memory_space<vmem>>, vector<16xf32>,
    %swap3A_827 = vector.shape_cast %swap3A_826 : vector<16xf32> to vector<16xf32>
    %swap3A_828 = vector.shape_cast %broadcast_in_dim3A_824 : vector<16xf32> to vector<16xf32>
    tpu.vector_store %arg41[%swap3A_825], %swap3A_828 {strides = array<i32>} : memref<2560xf32, #tpu.memory_space<vmem>>, vector<16xf32>,
    %broadcast_in_dim3A_829 = arith.constant 1.000000e+00 : f32
    %broadcast_in_dim3A_830 = vector.broadcast %broadcast_in_dim3A_829 : f32 to vector<16xf32>
    %swap3A_831 = arith.constant 2208 : index
    %swap3A_832 = tpu.vector_load %arg41[%swap3A_831] {strides = array<i32>} : memref<2560xf32, #tpu.memory_space<vmem>>, vector<16xf32>,
    %swap3A_833 = vector.shape_cast %swap3A_832 : vector<16xf32> to vector<16xf32>
    %swap3A_834 = vector.shape_cast %broadcast_in_dim3A_830 : vector<16xf32> to vector<16xf32>
    tpu.vector_store %arg41[%swap3A_831], %swap3A_834 {strides = array<i32>} : memref<2560xf32, #tpu.memory_space<vmem>>, vector<16xf32>,
    %broadcast_in_dim3A_835 = arith.constant 1.000000e+00 : f32
    %broadcast_in_dim3A_836 = vector.broadcast %broadcast_in_dim3A_835 : f32 to vector<16xf32>
    %swap3A_837 = arith.constant 2224 : index
    %swap3A_838 = tpu.vector_load %arg41[%swap3A_837] {strides = array<i32>} : memref<2560xf32, #tpu.memory_space<vmem>>, vector<16xf32>,
    %swap3A_839 = vector.shape_cast %swap3A_838 : vector<16xf32> to vector<16xf32>
    %swap3A_840 = vector.shape_cast %broadcast_in_dim3A_836 : vector<16xf32> to vector<16xf32>
    tpu.vector_store %arg41[%swap3A_837], %swap3A_840 {strides = array<i32>} : memref<2560xf32, #tpu.memory_space<vmem>>, vector<16xf32>,
    %broadcast_in_dim3A_841 = arith.constant 1.000000e+00 : f32
    %broadcast_in_dim3A_842 = vector.broadcast %broadcast_in_dim3A_841 : f32 to vector<16xf32>
    %swap3A_843 = arith.constant 2240 : index
    %swap3A_844 = tpu.vector_load %arg41[%swap3A_843] {strides = array<i32>} : memref<2560xf32, #tpu.memory_space<vmem>>, vector<16xf32>,
    %swap3A_845 = vector.shape_cast %swap3A_844 : vector<16xf32> to vector<16xf32>
    %swap3A_846 = vector.shape_cast %broadcast_in_dim3A_842 : vector<16xf32> to vector<16xf32>
    tpu.vector_store %arg41[%swap3A_843], %swap3A_846 {strides = array<i32>} : memref<2560xf32, #tpu.memory_space<vmem>>, vector<16xf32>,
    %broadcast_in_dim3A_847 = arith.constant 1.000000e+00 : f32
    %broadcast_in_dim3A_848 = vector.broadcast %broadcast_in_dim3A_847 : f32 to vector<16xf32>
    %swap3A_849 = arith.constant 2256 : index
    %swap3A_850 = tpu.vector_load %arg41[%swap3A_849] {strides = array<i32>} : memref<2560xf32, #tpu.memory_space<vmem>>, vector<16xf32>,
    %swap3A_851 = vector.shape_cast %swap3A_850 : vector<16xf32> to vector<16xf32>
    %swap3A_852 = vector.shape_cast %broadcast_in_dim3A_848 : vector<16xf32> to vector<16xf32>
    tpu.vector_store %arg41[%swap3A_849], %swap3A_852 {strides = array<i32>} : memref<2560xf32, #tpu.memory_space<vmem>>, vector<16xf32>,
    %broadcast_in_dim3A_853 = arith.constant 1.000000e+00 : f32
    %broadcast_in_dim3A_854 = vector.broadcast %broadcast_in_dim3A_853 : f32 to vector<16xf32>
    %swap3A_855 = arith.constant 2272 : index
    %swap3A_856 = tpu.vector_load %arg41[%swap3A_855] {strides = array<i32>} : memref<2560xf32, #tpu.memory_space<vmem>>, vector<16xf32>,
    %swap3A_857 = vector.shape_cast %swap3A_856 : vector<16xf32> to vector<16xf32>
    %swap3A_858 = vector.shape_cast %broadcast_in_dim3A_854 : vector<16xf32> to vector<16xf32>
    tpu.vector_store %arg41[%swap3A_855], %swap3A_858 {strides = array<i32>} : memref<2560xf32, #tpu.memory_space<vmem>>, vector<16xf32>,
    %broadcast_in_dim3A_859 = arith.constant 1.000000e+00 : f32
    %broadcast_in_dim3A_860 = vector.broadcast %broadcast_in_dim3A_859 : f32 to vector<16xf32>
    %swap3A_861 = arith.constant 2288 : index
    %swap3A_862 = tpu.vector_load %arg41[%swap3A_861] {strides = array<i32>} : memref<2560xf32, #tpu.memory_space<vmem>>, vector<16xf32>,
    %swap3A_863 = vector.shape_cast %swap3A_862 : vector<16xf32> to vector<16xf32>
    %swap3A_864 = vector.shape_cast %broadcast_in_dim3A_860 : vector<16xf32> to vector<16xf32>
    tpu.vector_store %arg41[%swap3A_861], %swap3A_864 {strides = array<i32>} : memref<2560xf32, #tpu.memory_space<vmem>>, vector<16xf32>,
    %broadcast_in_dim3A_865 = arith.constant 1.000000e+00 : f32
    %broadcast_in_dim3A_866 = vector.broadcast %broadcast_in_dim3A_865 : f32 to vector<16xf32>
    %swap3A_867 = arith.constant 2304 : index
    %swap3A_868 = tpu.vector_load %arg41[%swap3A_867] {strides = array<i32>} : memref<2560xf32, #tpu.memory_space<vmem>>, vector<16xf32>,
    %swap3A_869 = vector.shape_cast %swap3A_868 : vector<16xf32> to vector<16xf32>
    %swap3A_870 = vector.shape_cast %broadcast_in_dim3A_866 : vector<16xf32> to vector<16xf32>
    tpu.vector_store %arg41[%swap3A_867], %swap3A_870 {strides = array<i32>} : memref<2560xf32, #tpu.memory_space<vmem>>, vector<16xf32>,
    %broadcast_in_dim3A_871 = arith.constant 1.000000e+00 : f32
    %broadcast_in_dim3A_872 = vector.broadcast %broadcast_in_dim3A_871 : f32 to vector<16xf32>
    %swap3A_873 = arith.constant 2320 : index
    %swap3A_874 = tpu.vector_load %arg41[%swap3A_873] {strides = array<i32>} : memref<2560xf32, #tpu.memory_space<vmem>>, vector<16xf32>,
    %swap3A_875 = vector.shape_cast %swap3A_874 : vector<16xf32> to vector<16xf32>
    %swap3A_876 = vector.shape_cast %broadcast_in_dim3A_872 : vector<16xf32> to vector<16xf32>
    tpu.vector_store %arg41[%swap3A_873], %swap3A_876 {strides = array<i32>} : memref<2560xf32, #tpu.memory_space<vmem>>, vector<16xf32>,
    %broadcast_in_dim3A_877 = arith.constant 1.000000e+00 : f32
    %broadcast_in_dim3A_878 = vector.broadcast %broadcast_in_dim3A_877 : f32 to vector<16xf32>
    %swap3A_879 = arith.constant 2336 : index
    %swap3A_880 = tpu.vector_load %arg41[%swap3A_879] {strides = array<i32>} : memref<2560xf32, #tpu.memory_space<vmem>>, vector<16xf32>,
    %swap3A_881 = vector.shape_cast %swap3A_880 : vector<16xf32> to vector<16xf32>
    %swap3A_882 = vector.shape_cast %broadcast_in_dim3A_878 : vector<16xf32> to vector<16xf32>
    tpu.vector_store %arg41[%swap3A_879], %swap3A_882 {strides = array<i32>} : memref<2560xf32, #tpu.memory_space<vmem>>, vector<16xf32>,
    %broadcast_in_dim3A_883 = arith.constant 1.000000e+00 : f32
    %broadcast_in_dim3A_884 = vector.broadcast %broadcast_in_dim3A_883 : f32 to vector<16xf32>
    %swap3A_885 = arith.constant 2352 : index
    %swap3A_886 = tpu.vector_load %arg41[%swap3A_885] {strides = array<i32>} : memref<2560xf32, #tpu.memory_space<vmem>>, vector<16xf32>,
    %swap3A_887 = vector.shape_cast %swap3A_886 : vector<16xf32> to vector<16xf32>
    %swap3A_888 = vector.shape_cast %broadcast_in_dim3A_884 : vector<16xf32> to vector<16xf32>
    tpu.vector_store %arg41[%swap3A_885], %swap3A_888 {strides = array<i32>} : memref<2560xf32, #tpu.memory_space<vmem>>, vector<16xf32>,
    %broadcast_in_dim3A_889 = arith.constant 1.000000e+00 : f32
    %broadcast_in_dim3A_890 = vector.broadcast %broadcast_in_dim3A_889 : f32 to vector<16xf32>
    %swap3A_891 = arith.constant 2368 : index
    %swap3A_892 = tpu.vector_load %arg41[%swap3A_891] {strides = array<i32>} : memref<2560xf32, #tpu.memory_space<vmem>>, vector<16xf32>,
    %swap3A_893 = vector.shape_cast %swap3A_892 : vector<16xf32> to vector<16xf32>
    %swap3A_894 = vector.shape_cast %broadcast_in_dim3A_890 : vector<16xf32> to vector<16xf32>
    tpu.vector_store %arg41[%swap3A_891], %swap3A_894 {strides = array<i32>} : memref<2560xf32, #tpu.memory_space<vmem>>, vector<16xf32>,
    %broadcast_in_dim3A_895 = arith.constant 1.000000e+00 : f32
    %broadcast_in_dim3A_896 = vector.broadcast %broadcast_in_dim3A_895 : f32 to vector<16xf32>
    %swap3A_897 = arith.constant 2384 : index
    %swap3A_898 = tpu.vector_load %arg41[%swap3A_897] {strides = array<i32>} : memref<2560xf32, #tpu.memory_space<vmem>>, vector<16xf32>,
    %swap3A_899 = vector.shape_cast %swap3A_898 : vector<16xf32> to vector<16xf32>
    %swap3A_900 = vector.shape_cast %broadcast_in_dim3A_896 : vector<16xf32> to vector<16xf32>
    tpu.vector_store %arg41[%swap3A_897], %swap3A_900 {strides = array<i32>} : memref<2560xf32, #tpu.memory_space<vmem>>, vector<16xf32>,
    %broadcast_in_dim3A_901 = arith.constant 1.000000e+00 : f32
    %broadcast_in_dim3A_902 = vector.broadcast %broadcast_in_dim3A_901 : f32 to vector<16xf32>
    %swap3A_903 = arith.constant 2400 : index
    %swap3A_904 = tpu.vector_load %arg41[%swap3A_903] {strides = array<i32>} : memref<2560xf32, #tpu.memory_space<vmem>>, vector<16xf32>,
    %swap3A_905 = vector.shape_cast %swap3A_904 : vector<16xf32> to vector<16xf32>
    %swap3A_906 = vector.shape_cast %broadcast_in_dim3A_902 : vector<16xf32> to vector<16xf32>
    tpu.vector_store %arg41[%swap3A_903], %swap3A_906 {strides = array<i32>} : memref<2560xf32, #tpu.memory_space<vmem>>, vector<16xf32>,
    %broadcast_in_dim3A_907 = arith.constant 1.000000e+00 : f32
    %broadcast_in_dim3A_908 = vector.broadcast %broadcast_in_dim3A_907 : f32 to vector<16xf32>
    %swap3A_909 = arith.constant 2416 : index
    %swap3A_910 = tpu.vector_load %arg41[%swap3A_909] {strides = array<i32>} : memref<2560xf32, #tpu.memory_space<vmem>>, vector<16xf32>,
    %swap3A_911 = vector.shape_cast %swap3A_910 : vector<16xf32> to vector<16xf32>
    %swap3A_912 = vector.shape_cast %broadcast_in_dim3A_908 : vector<16xf32> to vector<16xf32>
    tpu.vector_store %arg41[%swap3A_909], %swap3A_912 {strides = array<i32>} : memref<2560xf32, #tpu.memory_space<vmem>>, vector<16xf32>,
    %broadcast_in_dim3A_913 = arith.constant 1.000000e+00 : f32
    %broadcast_in_dim3A_914 = vector.broadcast %broadcast_in_dim3A_913 : f32 to vector<16xf32>
    %swap3A_915 = arith.constant 2432 : index
    %swap3A_916 = tpu.vector_load %arg41[%swap3A_915] {strides = array<i32>} : memref<2560xf32, #tpu.memory_space<vmem>>, vector<16xf32>,
    %swap3A_917 = vector.shape_cast %swap3A_916 : vector<16xf32> to vector<16xf32>
    %swap3A_918 = vector.shape_cast %broadcast_in_dim3A_914 : vector<16xf32> to vector<16xf32>
    tpu.vector_store %arg41[%swap3A_915], %swap3A_918 {strides = array<i32>} : memref<2560xf32, #tpu.memory_space<vmem>>, vector<16xf32>,
    %broadcast_in_dim3A_919 = arith.constant 1.000000e+00 : f32
    %broadcast_in_dim3A_920 = vector.broadcast %broadcast_in_dim3A_919 : f32 to vector<16xf32>
    %swap3A_921 = arith.constant 2448 : index
    %swap3A_922 = tpu.vector_load %arg41[%swap3A_921] {strides = array<i32>} : memref<2560xf32, #tpu.memory_space<vmem>>, vector<16xf32>,
    %swap3A_923 = vector.shape_cast %swap3A_922 : vector<16xf32> to vector<16xf32>
    %swap3A_924 = vector.shape_cast %broadcast_in_dim3A_920 : vector<16xf32> to vector<16xf32>
    tpu.vector_store %arg41[%swap3A_921], %swap3A_924 {strides = array<i32>} : memref<2560xf32, #tpu.memory_space<vmem>>, vector<16xf32>,
    %broadcast_in_dim3A_925 = arith.constant 1.000000e+00 : f32
    %broadcast_in_dim3A_926 = vector.broadcast %broadcast_in_dim3A_925 : f32 to vector<16xf32>
    %swap3A_927 = arith.constant 2464 : index
    %swap3A_928 = tpu.vector_load %arg41[%swap3A_927] {strides = array<i32>} : memref<2560xf32, #tpu.memory_space<vmem>>, vector<16xf32>,
    %swap3A_929 = vector.shape_cast %swap3A_928 : vector<16xf32> to vector<16xf32>
    %swap3A_930 = vector.shape_cast %broadcast_in_dim3A_926 : vector<16xf32> to vector<16xf32>
    tpu.vector_store %arg41[%swap3A_927], %swap3A_930 {strides = array<i32>} : memref<2560xf32, #tpu.memory_space<vmem>>, vector<16xf32>,
    %broadcast_in_dim3A_931 = arith.constant 1.000000e+00 : f32
    %broadcast_in_dim3A_932 = vector.broadcast %broadcast_in_dim3A_931 : f32 to vector<16xf32>
    %swap3A_933 = arith.constant 2480 : index
    %swap3A_934 = tpu.vector_load %arg41[%swap3A_933] {strides = array<i32>} : memref<2560xf32, #tpu.memory_space<vmem>>, vector<16xf32>,
    %swap3A_935 = vector.shape_cast %swap3A_934 : vector<16xf32> to vector<16xf32>
    %swap3A_936 = vector.shape_cast %broadcast_in_dim3A_932 : vector<16xf32> to vector<16xf32>
    tpu.vector_store %arg41[%swap3A_933], %swap3A_936 {strides = array<i32>} : memref<2560xf32, #tpu.memory_space<vmem>>, vector<16xf32>,
    %broadcast_in_dim3A_937 = arith.constant 1.000000e+00 : f32
    %broadcast_in_dim3A_938 = vector.broadcast %broadcast_in_dim3A_937 : f32 to vector<16xf32>
    %swap3A_939 = arith.constant 2496 : index
    %swap3A_940 = tpu.vector_load %arg41[%swap3A_939] {strides = array<i32>} : memref<2560xf32, #tpu.memory_space<vmem>>, vector<16xf32>,
    %swap3A_941 = vector.shape_cast %swap3A_940 : vector<16xf32> to vector<16xf32>
    %swap3A_942 = vector.shape_cast %broadcast_in_dim3A_938 : vector<16xf32> to vector<16xf32>
    tpu.vector_store %arg41[%swap3A_939], %swap3A_942 {strides = array<i32>} : memref<2560xf32, #tpu.memory_space<vmem>>, vector<16xf32>,
    %broadcast_in_dim3A_943 = arith.constant 1.000000e+00 : f32
    %broadcast_in_dim3A_944 = vector.broadcast %broadcast_in_dim3A_943 : f32 to vector<16xf32>
    %swap3A_945 = arith.constant 2512 : index
    %swap3A_946 = tpu.vector_load %arg41[%swap3A_945] {strides = array<i32>} : memref<2560xf32, #tpu.memory_space<vmem>>, vector<16xf32>,
    %swap3A_947 = vector.shape_cast %swap3A_946 : vector<16xf32> to vector<16xf32>
    %swap3A_948 = vector.shape_cast %broadcast_in_dim3A_944 : vector<16xf32> to vector<16xf32>
    tpu.vector_store %arg41[%swap3A_945], %swap3A_948 {strides = array<i32>} : memref<2560xf32, #tpu.memory_space<vmem>>, vector<16xf32>,
    %broadcast_in_dim3A_949 = arith.constant 1.000000e+00 : f32
    %broadcast_in_dim3A_950 = vector.broadcast %broadcast_in_dim3A_949 : f32 to vector<16xf32>
    %swap3A_951 = arith.constant 2528 : index
    %swap3A_952 = tpu.vector_load %arg41[%swap3A_951] {strides = array<i32>} : memref<2560xf32, #tpu.memory_space<vmem>>, vector<16xf32>,
    %swap3A_953 = vector.shape_cast %swap3A_952 : vector<16xf32> to vector<16xf32>
    %swap3A_954 = vector.shape_cast %broadcast_in_dim3A_950 : vector<16xf32> to vector<16xf32>
    tpu.vector_store %arg41[%swap3A_951], %swap3A_954 {strides = array<i32>} : memref<2560xf32, #tpu.memory_space<vmem>>, vector<16xf32>,
    %broadcast_in_dim3A_955 = arith.constant 1.000000e+00 : f32
    %broadcast_in_dim3A_956 = vector.broadcast %broadcast_in_dim3A_955 : f32 to vector<16xf32>
    %swap3A_957 = arith.constant 2544 : index
    %swap3A_958 = tpu.vector_load %arg41[%swap3A_957] {strides = array<i32>} : memref<2560xf32, #tpu.memory_space<vmem>>, vector<16xf32>,
    %swap3A_959 = vector.shape_cast %swap3A_958 : vector<16xf32> to vector<16xf32>
    %swap3A_960 = vector.shape_cast %broadcast_in_dim3A_956 : vector<16xf32> to vector<16xf32>
    tpu.vector_store %arg41[%swap3A_957], %swap3A_960 {strides = array<i32>} : memref<2560xf32, #tpu.memory_space<vmem>>, vector<16xf32>,
    %barrier3A = arith.constant 0 : index
    tpu.barrier barrier_id(%barrier3A)
    %add3A_961 = arith.constant 0 : i32
    %add3A_962 = arith.addi %add3A, %add3A_961 : i32
    %min3A = arith.constant 124 : i32
    %min3A_963 = arith.minsi %add3A_962, %min3A : i32
    %mul3A_964 = arith.constant 2560 : i32
    %mul3A_965 = arith.muli %min3A_963, %mul3A_964 : i32
    %multiple_of3A = tpu.assume_multiple %mul3A_965, 128 : i32
    %dma_start3A = arith.constant 0 : i32
    %dma_start3A_966 = tpu.memref_slice %arg2[%add3A_962, %dma_start3A] : memref<128x2560xi32, #tpu.memory_space<hbm>> -> memref<1x2560xi32, #tpu.memory_space<hbm>>
    %dma_start3A_967 = tpu.memref_squeeze %dma_start3A_966 : memref<1x2560xi32, #tpu.memory_space<hbm>> -> memref<2560xi32, #tpu.memory_space<hbm>>
    %dma_start3A_968 = arith.constant 0 : i32
    %dma_start3A_969 = tpu.memref_slice %arg2[%add3A_962, %dma_start3A_968] : memref<128x2560xi32, #tpu.memory_space<hbm>> -> memref<1x2560xi32, #tpu.memory_space<hbm>>
    %dma_start3A_970 = tpu.memref_squeeze %dma_start3A_969 : memref<1x2560xi32, #tpu.memory_space<hbm>> -> memref<2560xi32, #tpu.memory_space<hbm>>
    tpu.enqueue_dma source(%dma_start3A_970 : memref<2560xi32, #tpu.memory_space<hbm>>) target(%arg7 : memref<2560xi32, #tpu.memory_space<vmem>>) target_semaphore(%arg59 : memref<!tpu.dma_semaphore, #tpu.memory_space<semaphore_mem>>)
    %dma_start3A_971 = arith.constant 0 : i32
    %dma_start3A_972 = tpu.memref_slice %arg3[%dma_start3A_971, %multiple_of3A] : memref<16x320000xf32, #tpu.memory_space<hbm>> -> memref<1x2560xf32, #tpu.memory_space<hbm>>
    %dma_start3A_973 = tpu.memref_squeeze %dma_start3A_972 : memref<1x2560xf32, #tpu.memory_space<hbm>> -> memref<2560xf32, #tpu.memory_space<hbm>>
    %dma_start3A_974 = tpu.memref_slice %arg3[%dma_start3A_971, %multiple_of3A] : memref<16x320000xf32, #tpu.memory_space<hbm>> -> memref<1x2560xf32, #tpu.memory_space<hbm>>
    %dma_start3A_975 = tpu.memref_squeeze %dma_start3A_974 : memref<1x2560xf32, #tpu.memory_space<hbm>> -> memref<2560xf32, #tpu.memory_space<hbm>>
    tpu.enqueue_dma source(%dma_start3A_975 : memref<2560xf32, #tpu.memory_space<hbm>>) target(%arg9 : memref<2560xf32, #tpu.memory_space<vmem>>) target_semaphore(%arg59 : memref<!tpu.dma_semaphore, #tpu.memory_space<semaphore_mem>>)
    %dma_start3A_976 = arith.constant 1 : i32
    %dma_start3A_977 = tpu.memref_slice %arg3[%dma_start3A_976, %multiple_of3A] : memref<16x320000xf32, #tpu.memory_space<hbm>> -> memref<1x2560xf32, #tpu.memory_space<hbm>>
    %dma_start3A_978 = tpu.memref_squeeze %dma_start3A_977 : memref<1x2560xf32, #tpu.memory_space<hbm>> -> memref<2560xf32, #tpu.memory_space<hbm>>
    %dma_start3A_979 = tpu.memref_slice %arg3[%dma_start3A_976, %multiple_of3A] : memref<16x320000xf32, #tpu.memory_space<hbm>> -> memref<1x2560xf32, #tpu.memory_space<hbm>>
    %dma_start3A_980 = tpu.memref_squeeze %dma_start3A_979 : memref<1x2560xf32, #tpu.memory_space<hbm>> -> memref<2560xf32, #tpu.memory_space<hbm>>
    tpu.enqueue_dma source(%dma_start3A_980 : memref<2560xf32, #tpu.memory_space<hbm>>) target(%arg10 : memref<2560xf32, #tpu.memory_space<vmem>>) target_semaphore(%arg59 : memref<!tpu.dma_semaphore, #tpu.memory_space<semaphore_mem>>)
    %dma_start3A_981 = arith.constant 2 : i32
    %dma_start3A_982 = tpu.memref_slice %arg3[%dma_start3A_981, %multiple_of3A] : memref<16x320000xf32, #tpu.memory_space<hbm>> -> memref<1x2560xf32, #tpu.memory_space<hbm>>
    %dma_start3A_983 = tpu.memref_squeeze %dma_start3A_982 : memref<1x2560xf32, #tpu.memory_space<hbm>> -> memref<2560xf32, #tpu.memory_space<hbm>>
    %dma_start3A_984 = tpu.memref_slice %arg3[%dma_start3A_981, %multiple_of3A] : memref<16x320000xf32, #tpu.memory_space<hbm>> -> memref<1x2560xf32, #tpu.memory_space<hbm>>
    %dma_start3A_985 = tpu.memref_squeeze %dma_start3A_984 : memref<1x2560xf32, #tpu.memory_space<hbm>> -> memref<2560xf32, #tpu.memory_space<hbm>>
    tpu.enqueue_dma source(%dma_start3A_985 : memref<2560xf32, #tpu.memory_space<hbm>>) target(%arg11 : memref<2560xf32, #tpu.memory_space<vmem>>) target_semaphore(%arg59 : memref<!tpu.dma_semaphore, #tpu.memory_space<semaphore_mem>>)
    %dma_start3A_986 = arith.constant 3 : i32
    %dma_start3A_987 = tpu.memref_slice %arg3[%dma_start3A_986, %multiple_of3A] : memref<16x320000xf32, #tpu.memory_space<hbm>> -> memref<1x2560xf32, #tpu.memory_space<hbm>>
    %dma_start3A_988 = tpu.memref_squeeze %dma_start3A_987 : memref<1x2560xf32, #tpu.memory_space<hbm>> -> memref<2560xf32, #tpu.memory_space<hbm>>
    %dma_start3A_989 = tpu.memref_slice %arg3[%dma_start3A_986, %multiple_of3A] : memref<16x320000xf32, #tpu.memory_space<hbm>> -> memref<1x2560xf32, #tpu.memory_space<hbm>>
    %dma_start3A_990 = tpu.memref_squeeze %dma_start3A_989 : memref<1x2560xf32, #tpu.memory_space<hbm>> -> memref<2560xf32, #tpu.memory_space<hbm>>
    tpu.enqueue_dma source(%dma_start3A_990 : memref<2560xf32, #tpu.memory_space<hbm>>) target(%arg12 : memref<2560xf32, #tpu.memory_space<vmem>>) target_semaphore(%arg59 : memref<!tpu.dma_semaphore, #tpu.memory_space<semaphore_mem>>)
    %dma_start3A_991 = arith.constant 4 : i32
    %dma_start3A_992 = tpu.memref_slice %arg3[%dma_start3A_991, %multiple_of3A] : memref<16x320000xf32, #tpu.memory_space<hbm>> -> memref<1x2560xf32, #tpu.memory_space<hbm>>
    %dma_start3A_993 = tpu.memref_squeeze %dma_start3A_992 : memref<1x2560xf32, #tpu.memory_space<hbm>> -> memref<2560xf32, #tpu.memory_space<hbm>>
    %dma_start3A_994 = tpu.memref_slice %arg3[%dma_start3A_991, %multiple_of3A] : memref<16x320000xf32, #tpu.memory_space<hbm>> -> memref<1x2560xf32, #tpu.memory_space<hbm>>
    %dma_start3A_995 = tpu.memref_squeeze %dma_start3A_994 : memref<1x2560xf32, #tpu.memory_space<hbm>> -> memref<2560xf32, #tpu.memory_space<hbm>>
    tpu.enqueue_dma source(%dma_start3A_995 : memref<2560xf32, #tpu.memory_space<hbm>>) target(%arg13 : memref<2560xf32, #tpu.memory_space<vmem>>) target_semaphore(%arg59 : memref<!tpu.dma_semaphore, #tpu.memory_space<semaphore_mem>>)
    %dma_start3A_996 = arith.constant 5 : i32
    %dma_start3A_997 = tpu.memref_slice %arg3[%dma_start3A_996, %multiple_of3A] : memref<16x320000xf32, #tpu.memory_space<hbm>> -> memref<1x2560xf32, #tpu.memory_space<hbm>>
    %dma_start3A_998 = tpu.memref_squeeze %dma_start3A_997 : memref<1x2560xf32, #tpu.memory_space<hbm>> -> memref<2560xf32, #tpu.memory_space<hbm>>
    %dma_start3A_999 = tpu.memref_slice %arg3[%dma_start3A_996, %multiple_of3A] : memref<16x320000xf32, #tpu.memory_space<hbm>> -> memref<1x2560xf32, #tpu.memory_space<hbm>>
    %dma_start3A_1000 = tpu.memref_squeeze %dma_start3A_999 : memref<1x2560xf32, #tpu.memory_space<hbm>> -> memref<2560xf32, #tpu.memory_space<hbm>>
    tpu.enqueue_dma source(%dma_start3A_1000 : memref<2560xf32, #tpu.memory_space<hbm>>) target(%arg14 : memref<2560xf32, #tpu.memory_space<vmem>>) target_semaphore(%arg59 : memref<!tpu.dma_semaphore, #tpu.memory_space<semaphore_mem>>)
    %dma_start3A_1001 = arith.constant 6 : i32
    %dma_start3A_1002 = tpu.memref_slice %arg3[%dma_start3A_1001, %multiple_of3A] : memref<16x320000xf32, #tpu.memory_space<hbm>> -> memref<1x2560xf32, #tpu.memory_space<hbm>>
    %dma_start3A_1003 = tpu.memref_squeeze %dma_start3A_1002 : memref<1x2560xf32, #tpu.memory_space<hbm>> -> memref<2560xf32, #tpu.memory_space<hbm>>
    %dma_start3A_1004 = tpu.memref_slice %arg3[%dma_start3A_1001, %multiple_of3A] : memref<16x320000xf32, #tpu.memory_space<hbm>> -> memref<1x2560xf32, #tpu.memory_space<hbm>>
    %dma_start3A_1005 = tpu.memref_squeeze %dma_start3A_1004 : memref<1x2560xf32, #tpu.memory_space<hbm>> -> memref<2560xf32, #tpu.memory_space<hbm>>
    tpu.enqueue_dma source(%dma_start3A_1005 : memref<2560xf32, #tpu.memory_space<hbm>>) target(%arg15 : memref<2560xf32, #tpu.memory_space<vmem>>) target_semaphore(%arg59 : memref<!tpu.dma_semaphore, #tpu.memory_space<semaphore_mem>>)
    %dma_start3A_1006 = arith.constant 7 : i32
    %dma_start3A_1007 = tpu.memref_slice %arg3[%dma_start3A_1006, %multiple_of3A] : memref<16x320000xf32, #tpu.memory_space<hbm>> -> memref<1x2560xf32, #tpu.memory_space<hbm>>
    %dma_start3A_1008 = tpu.memref_squeeze %dma_start3A_1007 : memref<1x2560xf32, #tpu.memory_space<hbm>> -> memref<2560xf32, #tpu.memory_space<hbm>>
    %dma_start3A_1009 = tpu.memref_slice %arg3[%dma_start3A_1006, %multiple_of3A] : memref<16x320000xf32, #tpu.memory_space<hbm>> -> memref<1x2560xf32, #tpu.memory_space<hbm>>
    %dma_start3A_1010 = tpu.memref_squeeze %dma_start3A_1009 : memref<1x2560xf32, #tpu.memory_space<hbm>> -> memref<2560xf32, #tpu.memory_space<hbm>>
    tpu.enqueue_dma source(%dma_start3A_1010 : memref<2560xf32, #tpu.memory_space<hbm>>) target(%arg16 : memref<2560xf32, #tpu.memory_space<vmem>>) target_semaphore(%arg59 : memref<!tpu.dma_semaphore, #tpu.memory_space<semaphore_mem>>)
    %dma_start3A_1011 = arith.constant 8 : i32
    %dma_start3A_1012 = tpu.memref_slice %arg3[%dma_start3A_1011, %multiple_of3A] : memref<16x320000xf32, #tpu.memory_space<hbm>> -> memref<1x2560xf32, #tpu.memory_space<hbm>>
    %dma_start3A_1013 = tpu.memref_squeeze %dma_start3A_1012 : memref<1x2560xf32, #tpu.memory_space<hbm>> -> memref<2560xf32, #tpu.memory_space<hbm>>
    %dma_start3A_1014 = tpu.memref_slice %arg3[%dma_start3A_1011, %multiple_of3A] : memref<16x320000xf32, #tpu.memory_space<hbm>> -> memref<1x2560xf32, #tpu.memory_space<hbm>>
    %dma_start3A_1015 = tpu.memref_squeeze %dma_start3A_1014 : memref<1x2560xf32, #tpu.memory_space<hbm>> -> memref<2560xf32, #tpu.memory_space<hbm>>
    tpu.enqueue_dma source(%dma_start3A_1015 : memref<2560xf32, #tpu.memory_space<hbm>>) target(%arg17 : memref<2560xf32, #tpu.memory_space<vmem>>) target_semaphore(%arg59 : memref<!tpu.dma_semaphore, #tpu.memory_space<semaphore_mem>>)
    %dma_start3A_1016 = arith.constant 9 : i32
    %dma_start3A_1017 = tpu.memref_slice %arg3[%dma_start3A_1016, %multiple_of3A] : memref<16x320000xf32, #tpu.memory_space<hbm>> -> memref<1x2560xf32, #tpu.memory_space<hbm>>
    %dma_start3A_1018 = tpu.memref_squeeze %dma_start3A_1017 : memref<1x2560xf32, #tpu.memory_space<hbm>> -> memref<2560xf32, #tpu.memory_space<hbm>>
    %dma_start3A_1019 = tpu.memref_slice %arg3[%dma_start3A_1016, %multiple_of3A] : memref<16x320000xf32, #tpu.memory_space<hbm>> -> memref<1x2560xf32, #tpu.memory_space<hbm>>
    %dma_start3A_1020 = tpu.memref_squeeze %dma_start3A_1019 : memref<1x2560xf32, #tpu.memory_space<hbm>> -> memref<2560xf32, #tpu.memory_space<hbm>>
    tpu.enqueue_dma source(%dma_start3A_1020 : memref<2560xf32, #tpu.memory_space<hbm>>) target(%arg18 : memref<2560xf32, #tpu.memory_space<vmem>>) target_semaphore(%arg59 : memref<!tpu.dma_semaphore, #tpu.memory_space<semaphore_mem>>)
    %dma_start3A_1021 = arith.constant 10 : i32
    %dma_start3A_1022 = tpu.memref_slice %arg3[%dma_start3A_1021, %multiple_of3A] : memref<16x320000xf32, #tpu.memory_space<hbm>> -> memref<1x2560xf32, #tpu.memory_space<hbm>>
    %dma_start3A_1023 = tpu.memref_squeeze %dma_start3A_1022 : memref<1x2560xf32, #tpu.memory_space<hbm>> -> memref<2560xf32, #tpu.memory_space<hbm>>
    %dma_start3A_1024 = tpu.memref_slice %arg3[%dma_start3A_1021, %multiple_of3A] : memref<16x320000xf32, #tpu.memory_space<hbm>> -> memref<1x2560xf32, #tpu.memory_space<hbm>>
    %dma_start3A_1025 = tpu.memref_squeeze %dma_start3A_1024 : memref<1x2560xf32, #tpu.memory_space<hbm>> -> memref<2560xf32, #tpu.memory_space<hbm>>
    tpu.enqueue_dma source(%dma_start3A_1025 : memref<2560xf32, #tpu.memory_space<hbm>>) target(%arg19 : memref<2560xf32, #tpu.memory_space<vmem>>) target_semaphore(%arg59 : memref<!tpu.dma_semaphore, #tpu.memory_space<semaphore_mem>>)
    %dma_start3A_1026 = arith.constant 11 : i32
    %dma_start3A_1027 = tpu.memref_slice %arg3[%dma_start3A_1026, %multiple_of3A] : memref<16x320000xf32, #tpu.memory_space<hbm>> -> memref<1x2560xf32, #tpu.memory_space<hbm>>
    %dma_start3A_1028 = tpu.memref_squeeze %dma_start3A_1027 : memref<1x2560xf32, #tpu.memory_space<hbm>> -> memref<2560xf32, #tpu.memory_space<hbm>>
    %dma_start3A_1029 = tpu.memref_slice %arg3[%dma_start3A_1026, %multiple_of3A] : memref<16x320000xf32, #tpu.memory_space<hbm>> -> memref<1x2560xf32, #tpu.memory_space<hbm>>
    %dma_start3A_1030 = tpu.memref_squeeze %dma_start3A_1029 : memref<1x2560xf32, #tpu.memory_space<hbm>> -> memref<2560xf32, #tpu.memory_space<hbm>>
    tpu.enqueue_dma source(%dma_start3A_1030 : memref<2560xf32, #tpu.memory_space<hbm>>) target(%arg20 : memref<2560xf32, #tpu.memory_space<vmem>>) target_semaphore(%arg59 : memref<!tpu.dma_semaphore, #tpu.memory_space<semaphore_mem>>)
    %dma_start3A_1031 = arith.constant 12 : i32
    %dma_start3A_1032 = tpu.memref_slice %arg3[%dma_start3A_1031, %multiple_of3A] : memref<16x320000xf32, #tpu.memory_space<hbm>> -> memref<1x2560xf32, #tpu.memory_space<hbm>>
    %dma_start3A_1033 = tpu.memref_squeeze %dma_start3A_1032 : memref<1x2560xf32, #tpu.memory_space<hbm>> -> memref<2560xf32, #tpu.memory_space<hbm>>
    %dma_start3A_1034 = tpu.memref_slice %arg3[%dma_start3A_1031, %multiple_of3A] : memref<16x320000xf32, #tpu.memory_space<hbm>> -> memref<1x2560xf32, #tpu.memory_space<hbm>>
    %dma_start3A_1035 = tpu.memref_squeeze %dma_start3A_1034 : memref<1x2560xf32, #tpu.memory_space<hbm>> -> memref<2560xf32, #tpu.memory_space<hbm>>
    tpu.enqueue_dma source(%dma_start3A_1035 : memref<2560xf32, #tpu.memory_space<hbm>>) target(%arg21 : memref<2560xf32, #tpu.memory_space<vmem>>) target_semaphore(%arg59 : memref<!tpu.dma_semaphore, #tpu.memory_space<semaphore_mem>>)
    %dma_start3A_1036 = arith.constant 13 : i32
    %dma_start3A_1037 = tpu.memref_slice %arg3[%dma_start3A_1036, %multiple_of3A] : memref<16x320000xf32, #tpu.memory_space<hbm>> -> memref<1x2560xf32, #tpu.memory_space<hbm>>
    %dma_start3A_1038 = tpu.memref_squeeze %dma_start3A_1037 : memref<1x2560xf32, #tpu.memory_space<hbm>> -> memref<2560xf32, #tpu.memory_space<hbm>>
    %dma_start3A_1039 = tpu.memref_slice %arg3[%dma_start3A_1036, %multiple_of3A] : memref<16x320000xf32, #tpu.memory_space<hbm>> -> memref<1x2560xf32, #tpu.memory_space<hbm>>
    %dma_start3A_1040 = tpu.memref_squeeze %dma_start3A_1039 : memref<1x2560xf32, #tpu.memory_space<hbm>> -> memref<2560xf32, #tpu.memory_space<hbm>>
    tpu.enqueue_dma source(%dma_start3A_1040 : memref<2560xf32, #tpu.memory_space<hbm>>) target(%arg22 : memref<2560xf32, #tpu.memory_space<vmem>>) target_semaphore(%arg59 : memref<!tpu.dma_semaphore, #tpu.memory_space<semaphore_mem>>)
    %dma_start3A_1041 = arith.constant 14 : i32
    %dma_start3A_1042 = tpu.memref_slice %arg3[%dma_start3A_1041, %multiple_of3A] : memref<16x320000xf32, #tpu.memory_space<hbm>> -> memref<1x2560xf32, #tpu.memory_space<hbm>>
    %dma_start3A_1043 = tpu.memref_squeeze %dma_start3A_1042 : memref<1x2560xf32, #tpu.memory_space<hbm>> -> memref<2560xf32, #tpu.memory_space<hbm>>
    %dma_start3A_1044 = tpu.memref_slice %arg3[%dma_start3A_1041, %multiple_of3A] : memref<16x320000xf32, #tpu.memory_space<hbm>> -> memref<1x2560xf32, #tpu.memory_space<hbm>>
    %dma_start3A_1045 = tpu.memref_squeeze %dma_start3A_1044 : memref<1x2560xf32, #tpu.memory_space<hbm>> -> memref<2560xf32, #tpu.memory_space<hbm>>
    tpu.enqueue_dma source(%dma_start3A_1045 : memref<2560xf32, #tpu.memory_space<hbm>>) target(%arg23 : memref<2560xf32, #tpu.memory_space<vmem>>) target_semaphore(%arg59 : memref<!tpu.dma_semaphore, #tpu.memory_space<semaphore_mem>>)
    %dma_start3A_1046 = arith.constant 15 : i32
    %dma_start3A_1047 = tpu.memref_slice %arg3[%dma_start3A_1046, %multiple_of3A] : memref<16x320000xf32, #tpu.memory_space<hbm>> -> memref<1x2560xf32, #tpu.memory_space<hbm>>
    %dma_start3A_1048 = tpu.memref_squeeze %dma_start3A_1047 : memref<1x2560xf32, #tpu.memory_space<hbm>> -> memref<2560xf32, #tpu.memory_space<hbm>>
    %dma_start3A_1049 = tpu.memref_slice %arg3[%dma_start3A_1046, %multiple_of3A] : memref<16x320000xf32, #tpu.memory_space<hbm>> -> memref<1x2560xf32, #tpu.memory_space<hbm>>
    %dma_start3A_1050 = tpu.memref_squeeze %dma_start3A_1049 : memref<1x2560xf32, #tpu.memory_space<hbm>> -> memref<2560xf32, #tpu.memory_space<hbm>>
    tpu.enqueue_dma source(%dma_start3A_1050 : memref<2560xf32, #tpu.memory_space<hbm>>) target(%arg24 : memref<2560xf32, #tpu.memory_space<vmem>>) target_semaphore(%arg59 : memref<!tpu.dma_semaphore, #tpu.memory_space<semaphore_mem>>)
    %add3A_1051 = arith.constant 32 : i32
    %add3A_1052 = arith.addi %add3A, %add3A_1051 : i32
    %min3A_1053 = arith.constant 124 : i32
    %min3A_1054 = arith.minsi %add3A_1052, %min3A_1053 : i32
    %mul3A_1055 = arith.constant 2560 : i32
    %mul3A_1056 = arith.muli %min3A_1054, %mul3A_1055 : i32
    %multiple_of3A_1057 = tpu.assume_multiple %mul3A_1056, 128 : i32
    %dma_start3A_1058 = arith.constant 0 : i32
    %dma_start3A_1059 = tpu.memref_slice %arg2[%add3A_1052, %dma_start3A_1058] : memref<128x2560xi32, #tpu.memory_space<hbm>> -> memref<1x2560xi32, #tpu.memory_space<hbm>>
    %dma_start3A_1060 = tpu.memref_squeeze %dma_start3A_1059 : memref<1x2560xi32, #tpu.memory_space<hbm>> -> memref<2560xi32, #tpu.memory_space<hbm>>
    %dma_start3A_1061 = arith.constant 0 : i32
    %dma_start3A_1062 = tpu.memref_slice %arg2[%add3A_1052, %dma_start3A_1061] : memref<128x2560xi32, #tpu.memory_space<hbm>> -> memref<1x2560xi32, #tpu.memory_space<hbm>>
    %dma_start3A_1063 = tpu.memref_squeeze %dma_start3A_1062 : memref<1x2560xi32, #tpu.memory_space<hbm>> -> memref<2560xi32, #tpu.memory_space<hbm>>
    tpu.enqueue_dma source(%dma_start3A_1063 : memref<2560xi32, #tpu.memory_space<hbm>>) target(%arg8 : memref<2560xi32, #tpu.memory_space<vmem>>) target_semaphore(%arg60 : memref<!tpu.dma_semaphore, #tpu.memory_space<semaphore_mem>>)
    %dma_start3A_1064 = arith.constant 0 : i32
    %dma_start3A_1065 = tpu.memref_slice %arg3[%dma_start3A_1064, %multiple_of3A_1057] : memref<16x320000xf32, #tpu.memory_space<hbm>> -> memref<1x2560xf32, #tpu.memory_space<hbm>>
    %dma_start3A_1066 = tpu.memref_squeeze %dma_start3A_1065 : memref<1x2560xf32, #tpu.memory_space<hbm>> -> memref<2560xf32, #tpu.memory_space<hbm>>
    %dma_start3A_1067 = tpu.memref_slice %arg3[%dma_start3A_1064, %multiple_of3A_1057] : memref<16x320000xf32, #tpu.memory_space<hbm>> -> memref<1x2560xf32, #tpu.memory_space<hbm>>
    %dma_start3A_1068 = tpu.memref_squeeze %dma_start3A_1067 : memref<1x2560xf32, #tpu.memory_space<hbm>> -> memref<2560xf32, #tpu.memory_space<hbm>>
    tpu.enqueue_dma source(%dma_start3A_1068 : memref<2560xf32, #tpu.memory_space<hbm>>) target(%arg25 : memref<2560xf32, #tpu.memory_space<vmem>>) target_semaphore(%arg60 : memref<!tpu.dma_semaphore, #tpu.memory_space<semaphore_mem>>)
    %dma_start3A_1069 = arith.constant 1 : i32
    %dma_start3A_1070 = tpu.memref_slice %arg3[%dma_start3A_1069, %multiple_of3A_1057] : memref<16x320000xf32, #tpu.memory_space<hbm>> -> memref<1x2560xf32, #tpu.memory_space<hbm>>
    %dma_start3A_1071 = tpu.memref_squeeze %dma_start3A_1070 : memref<1x2560xf32, #tpu.memory_space<hbm>> -> memref<2560xf32, #tpu.memory_space<hbm>>
    %dma_start3A_1072 = tpu.memref_slice %arg3[%dma_start3A_1069, %multiple_of3A_1057] : memref<16x320000xf32, #tpu.memory_space<hbm>> -> memref<1x2560xf32, #tpu.memory_space<hbm>>
    %dma_start3A_1073 = tpu.memref_squeeze %dma_start3A_1072 : memref<1x2560xf32, #tpu.memory_space<hbm>> -> memref<2560xf32, #tpu.memory_space<hbm>>
    tpu.enqueue_dma source(%dma_start3A_1073 : memref<2560xf32, #tpu.memory_space<hbm>>) target(%arg26 : memref<2560xf32, #tpu.memory_space<vmem>>) target_semaphore(%arg60 : memref<!tpu.dma_semaphore, #tpu.memory_space<semaphore_mem>>)
    %dma_start3A_1074 = arith.constant 2 : i32
    %dma_start3A_1075 = tpu.memref_slice %arg3[%dma_start3A_1074, %multiple_of3A_1057] : memref<16x320000xf32, #tpu.memory_space<hbm>> -> memref<1x2560xf32, #tpu.memory_space<hbm>>
    %dma_start3A_1076 = tpu.memref_squeeze %dma_start3A_1075 : memref<1x2560xf32, #tpu.memory_space<hbm>> -> memref<2560xf32, #tpu.memory_space<hbm>>
    %dma_start3A_1077 = tpu.memref_slice %arg3[%dma_start3A_1074, %multiple_of3A_1057] : memref<16x320000xf32, #tpu.memory_space<hbm>> -> memref<1x2560xf32, #tpu.memory_space<hbm>>
    %dma_start3A_1078 = tpu.memref_squeeze %dma_start3A_1077 : memref<1x2560xf32, #tpu.memory_space<hbm>> -> memref<2560xf32, #tpu.memory_space<hbm>>
    tpu.enqueue_dma source(%dma_start3A_1078 : memref<2560xf32, #tpu.memory_space<hbm>>) target(%arg27 : memref<2560xf32, #tpu.memory_space<vmem>>) target_semaphore(%arg60 : memref<!tpu.dma_semaphore, #tpu.memory_space<semaphore_mem>>)
    %dma_start3A_1079 = arith.constant 3 : i32
    %dma_start3A_1080 = tpu.memref_slice %arg3[%dma_start3A_1079, %multiple_of3A_1057] : memref<16x320000xf32, #tpu.memory_space<hbm>> -> memref<1x2560xf32, #tpu.memory_space<hbm>>
    %dma_start3A_1081 = tpu.memref_squeeze %dma_start3A_1080 : memref<1x2560xf32, #tpu.memory_space<hbm>> -> memref<2560xf32, #tpu.memory_space<hbm>>
    %dma_start3A_1082 = tpu.memref_slice %arg3[%dma_start3A_1079, %multiple_of3A_1057] : memref<16x320000xf32, #tpu.memory_space<hbm>> -> memref<1x2560xf32, #tpu.memory_space<hbm>>
    %dma_start3A_1083 = tpu.memref_squeeze %dma_start3A_1082 : memref<1x2560xf32, #tpu.memory_space<hbm>> -> memref<2560xf32, #tpu.memory_space<hbm>>
    tpu.enqueue_dma source(%dma_start3A_1083 : memref<2560xf32, #tpu.memory_space<hbm>>) target(%arg28 : memref<2560xf32, #tpu.memory_space<vmem>>) target_semaphore(%arg60 : memref<!tpu.dma_semaphore, #tpu.memory_space<semaphore_mem>>)
    %dma_start3A_1084 = arith.constant 4 : i32
    %dma_start3A_1085 = tpu.memref_slice %arg3[%dma_start3A_1084, %multiple_of3A_1057] : memref<16x320000xf32, #tpu.memory_space<hbm>> -> memref<1x2560xf32, #tpu.memory_space<hbm>>
    %dma_start3A_1086 = tpu.memref_squeeze %dma_start3A_1085 : memref<1x2560xf32, #tpu.memory_space<hbm>> -> memref<2560xf32, #tpu.memory_space<hbm>>
    %dma_start3A_1087 = tpu.memref_slice %arg3[%dma_start3A_1084, %multiple_of3A_1057] : memref<16x320000xf32, #tpu.memory_space<hbm>> -> memref<1x2560xf32, #tpu.memory_space<hbm>>
    %dma_start3A_1088 = tpu.memref_squeeze %dma_start3A_1087 : memref<1x2560xf32, #tpu.memory_space<hbm>> -> memref<2560xf32, #tpu.memory_space<hbm>>
    tpu.enqueue_dma source(%dma_start3A_1088 : memref<2560xf32, #tpu.memory_space<hbm>>) target(%arg29 : memref<2560xf32, #tpu.memory_space<vmem>>) target_semaphore(%arg60 : memref<!tpu.dma_semaphore, #tpu.memory_space<semaphore_mem>>)
    %dma_start3A_1089 = arith.constant 5 : i32
    %dma_start3A_1090 = tpu.memref_slice %arg3[%dma_start3A_1089, %multiple_of3A_1057] : memref<16x320000xf32, #tpu.memory_space<hbm>> -> memref<1x2560xf32, #tpu.memory_space<hbm>>
    %dma_start3A_1091 = tpu.memref_squeeze %dma_start3A_1090 : memref<1x2560xf32, #tpu.memory_space<hbm>> -> memref<2560xf32, #tpu.memory_space<hbm>>
    %dma_start3A_1092 = tpu.memref_slice %arg3[%dma_start3A_1089, %multiple_of3A_1057] : memref<16x320000xf32, #tpu.memory_space<hbm>> -> memref<1x2560xf32, #tpu.memory_space<hbm>>
    %dma_start3A_1093 = tpu.memref_squeeze %dma_start3A_1092 : memref<1x2560xf32, #tpu.memory_space<hbm>> -> memref<2560xf32, #tpu.memory_space<hbm>>
    tpu.enqueue_dma source(%dma_start3A_1093 : memref<2560xf32, #tpu.memory_space<hbm>>) target(%arg30 : memref<2560xf32, #tpu.memory_space<vmem>>) target_semaphore(%arg60 : memref<!tpu.dma_semaphore, #tpu.memory_space<semaphore_mem>>)
    %dma_start3A_1094 = arith.constant 6 : i32
    %dma_start3A_1095 = tpu.memref_slice %arg3[%dma_start3A_1094, %multiple_of3A_1057] : memref<16x320000xf32, #tpu.memory_space<hbm>> -> memref<1x2560xf32, #tpu.memory_space<hbm>>
    %dma_start3A_1096 = tpu.memref_squeeze %dma_start3A_1095 : memref<1x2560xf32, #tpu.memory_space<hbm>> -> memref<2560xf32, #tpu.memory_space<hbm>>
    %dma_start3A_1097 = tpu.memref_slice %arg3[%dma_start3A_1094, %multiple_of3A_1057] : memref<16x320000xf32, #tpu.memory_space<hbm>> -> memref<1x2560xf32, #tpu.memory_space<hbm>>
    %dma_start3A_1098 = tpu.memref_squeeze %dma_start3A_1097 : memref<1x2560xf32, #tpu.memory_space<hbm>> -> memref<2560xf32, #tpu.memory_space<hbm>>
    tpu.enqueue_dma source(%dma_start3A_1098 : memref<2560xf32, #tpu.memory_space<hbm>>) target(%arg31 : memref<2560xf32, #tpu.memory_space<vmem>>) target_semaphore(%arg60 : memref<!tpu.dma_semaphore, #tpu.memory_space<semaphore_mem>>)
    %dma_start3A_1099 = arith.constant 7 : i32
    %dma_start3A_1100 = tpu.memref_slice %arg3[%dma_start3A_1099, %multiple_of3A_1057] : memref<16x320000xf32, #tpu.memory_space<hbm>> -> memref<1x2560xf32, #tpu.memory_space<hbm>>
    %dma_start3A_1101 = tpu.memref_squeeze %dma_start3A_1100 : memref<1x2560xf32, #tpu.memory_space<hbm>> -> memref<2560xf32, #tpu.memory_space<hbm>>
    %dma_start3A_1102 = tpu.memref_slice %arg3[%dma_start3A_1099, %multiple_of3A_1057] : memref<16x320000xf32, #tpu.memory_space<hbm>> -> memref<1x2560xf32, #tpu.memory_space<hbm>>
    %dma_start3A_1103 = tpu.memref_squeeze %dma_start3A_1102 : memref<1x2560xf32, #tpu.memory_space<hbm>> -> memref<2560xf32, #tpu.memory_space<hbm>>
    tpu.enqueue_dma source(%dma_start3A_1103 : memref<2560xf32, #tpu.memory_space<hbm>>) target(%arg32 : memref<2560xf32, #tpu.memory_space<vmem>>) target_semaphore(%arg60 : memref<!tpu.dma_semaphore, #tpu.memory_space<semaphore_mem>>)
    %dma_start3A_1104 = arith.constant 8 : i32
    %dma_start3A_1105 = tpu.memref_slice %arg3[%dma_start3A_1104, %multiple_of3A_1057] : memref<16x320000xf32, #tpu.memory_space<hbm>> -> memref<1x2560xf32, #tpu.memory_space<hbm>>
    %dma_start3A_1106 = tpu.memref_squeeze %dma_start3A_1105 : memref<1x2560xf32, #tpu.memory_space<hbm>> -> memref<2560xf32, #tpu.memory_space<hbm>>
    %dma_start3A_1107 = tpu.memref_slice %arg3[%dma_start3A_1104, %multiple_of3A_1057] : memref<16x320000xf32, #tpu.memory_space<hbm>> -> memref<1x2560xf32, #tpu.memory_space<hbm>>
    %dma_start3A_1108 = tpu.memref_squeeze %dma_start3A_1107 : memref<1x2560xf32, #tpu.memory_space<hbm>> -> memref<2560xf32, #tpu.memory_space<hbm>>
    tpu.enqueue_dma source(%dma_start3A_1108 : memref<2560xf32, #tpu.memory_space<hbm>>) target(%arg33 : memref<2560xf32, #tpu.memory_space<vmem>>) target_semaphore(%arg60 : memref<!tpu.dma_semaphore, #tpu.memory_space<semaphore_mem>>)
    %dma_start3A_1109 = arith.constant 9 : i32
    %dma_start3A_1110 = tpu.memref_slice %arg3[%dma_start3A_1109, %multiple_of3A_1057] : memref<16x320000xf32, #tpu.memory_space<hbm>> -> memref<1x2560xf32, #tpu.memory_space<hbm>>
    %dma_start3A_1111 = tpu.memref_squeeze %dma_start3A_1110 : memref<1x2560xf32, #tpu.memory_space<hbm>> -> memref<2560xf32, #tpu.memory_space<hbm>>
    %dma_start3A_1112 = tpu.memref_slice %arg3[%dma_start3A_1109, %multiple_of3A_1057] : memref<16x320000xf32, #tpu.memory_space<hbm>> -> memref<1x2560xf32, #tpu.memory_space<hbm>>
    %dma_start3A_1113 = tpu.memref_squeeze %dma_start3A_1112 : memref<1x2560xf32, #tpu.memory_space<hbm>> -> memref<2560xf32, #tpu.memory_space<hbm>>
    tpu.enqueue_dma source(%dma_start3A_1113 : memref<2560xf32, #tpu.memory_space<hbm>>) target(%arg34 : memref<2560xf32, #tpu.memory_space<vmem>>) target_semaphore(%arg60 : memref<!tpu.dma_semaphore, #tpu.memory_space<semaphore_mem>>)
    %dma_start3A_1114 = arith.constant 10 : i32
    %dma_start3A_1115 = tpu.memref_slice %arg3[%dma_start3A_1114, %multiple_of3A_1057] : memref<16x320000xf32, #tpu.memory_space<hbm>> -> memref<1x2560xf32, #tpu.memory_space<hbm>>
    %dma_start3A_1116 = tpu.memref_squeeze %dma_start3A_1115 : memref<1x2560xf32, #tpu.memory_space<hbm>> -> memref<2560xf32, #tpu.memory_space<hbm>>
    %dma_start3A_1117 = tpu.memref_slice %arg3[%dma_start3A_1114, %multiple_of3A_1057] : memref<16x320000xf32, #tpu.memory_space<hbm>> -> memref<1x2560xf32, #tpu.memory_space<hbm>>
    %dma_start3A_1118 = tpu.memref_squeeze %dma_start3A_1117 : memref<1x2560xf32, #tpu.memory_space<hbm>> -> memref<2560xf32, #tpu.memory_space<hbm>>
    tpu.enqueue_dma source(%dma_start3A_1118 : memref<2560xf32, #tpu.memory_space<hbm>>) target(%arg35 : memref<2560xf32, #tpu.memory_space<vmem>>) target_semaphore(%arg60 : memref<!tpu.dma_semaphore, #tpu.memory_space<semaphore_mem>>)
    %dma_start3A_1119 = arith.constant 11 : i32
    %dma_start3A_1120 = tpu.memref_slice %arg3[%dma_start3A_1119, %multiple_of3A_1057] : memref<16x320000xf32, #tpu.memory_space<hbm>> -> memref<1x2560xf32, #tpu.memory_space<hbm>>
    %dma_start3A_1121 = tpu.memref_squeeze %dma_start3A_1120 : memref<1x2560xf32, #tpu.memory_space<hbm>> -> memref<2560xf32, #tpu.memory_space<hbm>>
    %dma_start3A_1122 = tpu.memref_slice %arg3[%dma_start3A_1119, %multiple_of3A_1057] : memref<16x320000xf32, #tpu.memory_space<hbm>> -> memref<1x2560xf32, #tpu.memory_space<hbm>>
    %dma_start3A_1123 = tpu.memref_squeeze %dma_start3A_1122 : memref<1x2560xf32, #tpu.memory_space<hbm>> -> memref<2560xf32, #tpu.memory_space<hbm>>
    tpu.enqueue_dma source(%dma_start3A_1123 : memref<2560xf32, #tpu.memory_space<hbm>>) target(%arg36 : memref<2560xf32, #tpu.memory_space<vmem>>) target_semaphore(%arg60 : memref<!tpu.dma_semaphore, #tpu.memory_space<semaphore_mem>>)
    %dma_start3A_1124 = arith.constant 12 : i32
    %dma_start3A_1125 = tpu.memref_slice %arg3[%dma_start3A_1124, %multiple_of3A_1057] : memref<16x320000xf32, #tpu.memory_space<hbm>> -> memref<1x2560xf32, #tpu.memory_space<hbm>>
    %dma_start3A_1126 = tpu.memref_squeeze %dma_start3A_1125 : memref<1x2560xf32, #tpu.memory_space<hbm>> -> memref<2560xf32, #tpu.memory_space<hbm>>
    %dma_start3A_1127 = tpu.memref_slice %arg3[%dma_start3A_1124, %multiple_of3A_1057] : memref<16x320000xf32, #tpu.memory_space<hbm>> -> memref<1x2560xf32, #tpu.memory_space<hbm>>
    %dma_start3A_1128 = tpu.memref_squeeze %dma_start3A_1127 : memref<1x2560xf32, #tpu.memory_space<hbm>> -> memref<2560xf32, #tpu.memory_space<hbm>>
    tpu.enqueue_dma source(%dma_start3A_1128 : memref<2560xf32, #tpu.memory_space<hbm>>) target(%arg37 : memref<2560xf32, #tpu.memory_space<vmem>>) target_semaphore(%arg60 : memref<!tpu.dma_semaphore, #tpu.memory_space<semaphore_mem>>)
    %dma_start3A_1129 = arith.constant 13 : i32
    %dma_start3A_1130 = tpu.memref_slice %arg3[%dma_start3A_1129, %multiple_of3A_1057] : memref<16x320000xf32, #tpu.memory_space<hbm>> -> memref<1x2560xf32, #tpu.memory_space<hbm>>
    %dma_start3A_1131 = tpu.memref_squeeze %dma_start3A_1130 : memref<1x2560xf32, #tpu.memory_space<hbm>> -> memref<2560xf32, #tpu.memory_space<hbm>>
    %dma_start3A_1132 = tpu.memref_slice %arg3[%dma_start3A_1129, %multiple_of3A_1057] : memref<16x320000xf32, #tpu.memory_space<hbm>> -> memref<1x2560xf32, #tpu.memory_space<hbm>>
    %dma_start3A_1133 = tpu.memref_squeeze %dma_start3A_1132 : memref<1x2560xf32, #tpu.memory_space<hbm>> -> memref<2560xf32, #tpu.memory_space<hbm>>
    tpu.enqueue_dma source(%dma_start3A_1133 : memref<2560xf32, #tpu.memory_space<hbm>>) target(%arg38 : memref<2560xf32, #tpu.memory_space<vmem>>) target_semaphore(%arg60 : memref<!tpu.dma_semaphore, #tpu.memory_space<semaphore_mem>>)
    %dma_start3A_1134 = arith.constant 14 : i32
    %dma_start3A_1135 = tpu.memref_slice %arg3[%dma_start3A_1134, %multiple_of3A_1057] : memref<16x320000xf32, #tpu.memory_space<hbm>> -> memref<1x2560xf32, #tpu.memory_space<hbm>>
    %dma_start3A_1136 = tpu.memref_squeeze %dma_start3A_1135 : memref<1x2560xf32, #tpu.memory_space<hbm>> -> memref<2560xf32, #tpu.memory_space<hbm>>
    %dma_start3A_1137 = tpu.memref_slice %arg3[%dma_start3A_1134, %multiple_of3A_1057] : memref<16x320000xf32, #tpu.memory_space<hbm>> -> memref<1x2560xf32, #tpu.memory_space<hbm>>
    %dma_start3A_1138 = tpu.memref_squeeze %dma_start3A_1137 : memref<1x2560xf32, #tpu.memory_space<hbm>> -> memref<2560xf32, #tpu.memory_space<hbm>>
    tpu.enqueue_dma source(%dma_start3A_1138 : memref<2560xf32, #tpu.memory_space<hbm>>) target(%arg39 : memref<2560xf32, #tpu.memory_space<vmem>>) target_semaphore(%arg60 : memref<!tpu.dma_semaphore, #tpu.memory_space<semaphore_mem>>)
    %dma_start3A_1139 = arith.constant 15 : i32
    %dma_start3A_1140 = tpu.memref_slice %arg3[%dma_start3A_1139, %multiple_of3A_1057] : memref<16x320000xf32, #tpu.memory_space<hbm>> -> memref<1x2560xf32, #tpu.memory_space<hbm>>
    %dma_start3A_1141 = tpu.memref_squeeze %dma_start3A_1140 : memref<1x2560xf32, #tpu.memory_space<hbm>> -> memref<2560xf32, #tpu.memory_space<hbm>>
    %dma_start3A_1142 = tpu.memref_slice %arg3[%dma_start3A_1139, %multiple_of3A_1057] : memref<16x320000xf32, #tpu.memory_space<hbm>> -> memref<1x2560xf32, #tpu.memory_space<hbm>>
    %dma_start3A_1143 = tpu.memref_squeeze %dma_start3A_1142 : memref<1x2560xf32, #tpu.memory_space<hbm>> -> memref<2560xf32, #tpu.memory_space<hbm>>
    tpu.enqueue_dma source(%dma_start3A_1143 : memref<2560xf32, #tpu.memory_space<hbm>>) target(%arg40 : memref<2560xf32, #tpu.memory_space<vmem>>) target_semaphore(%arg60 : memref<!tpu.dma_semaphore, #tpu.memory_space<semaphore_mem>>)
    %dma_wait3A = arith.constant 0 : i32
    %dma_wait3A_1144 = tpu.memref_slice %arg2[%add3A_962, %dma_wait3A] : memref<128x2560xi32, #tpu.memory_space<hbm>> -> memref<1x2560xi32, #tpu.memory_space<hbm>>
    %dma_wait3A_1145 = tpu.memref_squeeze %dma_wait3A_1144 : memref<1x2560xi32, #tpu.memory_space<hbm>> -> memref<2560xi32, #tpu.memory_space<hbm>>
    %dma_wait3A_1146 = arith.constant 0 : i32
    %dma_wait3A_1147 = tpu.memref_slice %arg2[%add3A_962, %dma_wait3A_1146] : memref<128x2560xi32, #tpu.memory_space<hbm>> -> memref<1x2560xi32, #tpu.memory_space<hbm>>
    %dma_wait3A_1148 = tpu.memref_squeeze %dma_wait3A_1147 : memref<1x2560xi32, #tpu.memory_space<hbm>> -> memref<2560xi32, #tpu.memory_space<hbm>>
    tpu.wait_dma2 semaphore(%arg59 : memref<!tpu.dma_semaphore, #tpu.memory_space<semaphore_mem>>) src(%dma_wait3A_1148 : memref<2560xi32, #tpu.memory_space<hbm>>) dst(%arg7 : memref<2560xi32, #tpu.memory_space<vmem>>)
    %dma_wait3A_1149 = arith.constant 0 : i32
    %dma_wait3A_1150 = tpu.memref_slice %arg3[%dma_wait3A_1149, %multiple_of3A] : memref<16x320000xf32, #tpu.memory_space<hbm>> -> memref<1x2560xf32, #tpu.memory_space<hbm>>
    %dma_wait3A_1151 = tpu.memref_squeeze %dma_wait3A_1150 : memref<1x2560xf32, #tpu.memory_space<hbm>> -> memref<2560xf32, #tpu.memory_space<hbm>>
    %dma_wait3A_1152 = tpu.memref_slice %arg3[%dma_wait3A_1149, %multiple_of3A] : memref<16x320000xf32, #tpu.memory_space<hbm>> -> memref<1x2560xf32, #tpu.memory_space<hbm>>
    %dma_wait3A_1153 = tpu.memref_squeeze %dma_wait3A_1152 : memref<1x2560xf32, #tpu.memory_space<hbm>> -> memref<2560xf32, #tpu.memory_space<hbm>>
    tpu.wait_dma2 semaphore(%arg59 : memref<!tpu.dma_semaphore, #tpu.memory_space<semaphore_mem>>) src(%dma_wait3A_1153 : memref<2560xf32, #tpu.memory_space<hbm>>) dst(%arg9 : memref<2560xf32, #tpu.memory_space<vmem>>)
    %dma_wait3A_1154 = arith.constant 1 : i32
    %dma_wait3A_1155 = tpu.memref_slice %arg3[%dma_wait3A_1154, %multiple_of3A] : memref<16x320000xf32, #tpu.memory_space<hbm>> -> memref<1x2560xf32, #tpu.memory_space<hbm>>
    %dma_wait3A_1156 = tpu.memref_squeeze %dma_wait3A_1155 : memref<1x2560xf32, #tpu.memory_space<hbm>> -> memref<2560xf32, #tpu.memory_space<hbm>>
    %dma_wait3A_1157 = tpu.memref_slice %arg3[%dma_wait3A_1154, %multiple_of3A] : memref<16x320000xf32, #tpu.memory_space<hbm>> -> memref<1x2560xf32, #tpu.memory_space<hbm>>
    %dma_wait3A_1158 = tpu.memref_squeeze %dma_wait3A_1157 : memref<1x2560xf32, #tpu.memory_space<hbm>> -> memref<2560xf32, #tpu.memory_space<hbm>>
    tpu.wait_dma2 semaphore(%arg59 : memref<!tpu.dma_semaphore, #tpu.memory_space<semaphore_mem>>) src(%dma_wait3A_1158 : memref<2560xf32, #tpu.memory_space<hbm>>) dst(%arg10 : memref<2560xf32, #tpu.memory_space<vmem>>)
    %dma_wait3A_1159 = arith.constant 2 : i32
    %dma_wait3A_1160 = tpu.memref_slice %arg3[%dma_wait3A_1159, %multiple_of3A] : memref<16x320000xf32, #tpu.memory_space<hbm>> -> memref<1x2560xf32, #tpu.memory_space<hbm>>
    %dma_wait3A_1161 = tpu.memref_squeeze %dma_wait3A_1160 : memref<1x2560xf32, #tpu.memory_space<hbm>> -> memref<2560xf32, #tpu.memory_space<hbm>>
    %dma_wait3A_1162 = tpu.memref_slice %arg3[%dma_wait3A_1159, %multiple_of3A] : memref<16x320000xf32, #tpu.memory_space<hbm>> -> memref<1x2560xf32, #tpu.memory_space<hbm>>
    %dma_wait3A_1163 = tpu.memref_squeeze %dma_wait3A_1162 : memref<1x2560xf32, #tpu.memory_space<hbm>> -> memref<2560xf32, #tpu.memory_space<hbm>>
    tpu.wait_dma2 semaphore(%arg59 : memref<!tpu.dma_semaphore, #tpu.memory_space<semaphore_mem>>) src(%dma_wait3A_1163 : memref<2560xf32, #tpu.memory_space<hbm>>) dst(%arg11 : memref<2560xf32, #tpu.memory_space<vmem>>)
    %dma_wait3A_1164 = arith.constant 3 : i32
    %dma_wait3A_1165 = tpu.memref_slice %arg3[%dma_wait3A_1164, %multiple_of3A] : memref<16x320000xf32, #tpu.memory_space<hbm>> -> memref<1x2560xf32, #tpu.memory_space<hbm>>
    %dma_wait3A_1166 = tpu.memref_squeeze %dma_wait3A_1165 : memref<1x2560xf32, #tpu.memory_space<hbm>> -> memref<2560xf32, #tpu.memory_space<hbm>>
    %dma_wait3A_1167 = tpu.memref_slice %arg3[%dma_wait3A_1164, %multiple_of3A] : memref<16x320000xf32, #tpu.memory_space<hbm>> -> memref<1x2560xf32, #tpu.memory_space<hbm>>
    %dma_wait3A_1168 = tpu.memref_squeeze %dma_wait3A_1167 : memref<1x2560xf32, #tpu.memory_space<hbm>> -> memref<2560xf32, #tpu.memory_space<hbm>>
    tpu.wait_dma2 semaphore(%arg59 : memref<!tpu.dma_semaphore, #tpu.memory_space<semaphore_mem>>) src(%dma_wait3A_1168 : memref<2560xf32, #tpu.memory_space<hbm>>) dst(%arg12 : memref<2560xf32, #tpu.memory_space<vmem>>)
    %dma_wait3A_1169 = arith.constant 4 : i32
    %dma_wait3A_1170 = tpu.memref_slice %arg3[%dma_wait3A_1169, %multiple_of3A] : memref<16x320000xf32, #tpu.memory_space<hbm>> -> memref<1x2560xf32, #tpu.memory_space<hbm>>
    %dma_wait3A_1171 = tpu.memref_squeeze %dma_wait3A_1170 : memref<1x2560xf32, #tpu.memory_space<hbm>> -> memref<2560xf32, #tpu.memory_space<hbm>>
    %dma_wait3A_1172 = tpu.memref_slice %arg3[%dma_wait3A_1169, %multiple_of3A] : memref<16x320000xf32, #tpu.memory_space<hbm>> -> memref<1x2560xf32, #tpu.memory_space<hbm>>
    %dma_wait3A_1173 = tpu.memref_squeeze %dma_wait3A_1172 : memref<1x2560xf32, #tpu.memory_space<hbm>> -> memref<2560xf32, #tpu.memory_space<hbm>>
    tpu.wait_dma2 semaphore(%arg59 : memref<!tpu.dma_semaphore, #tpu.memory_space<semaphore_mem>>) src(%dma_wait3A_1173 : memref<2560xf32, #tpu.memory_space<hbm>>) dst(%arg13 : memref<2560xf32, #tpu.memory_space<vmem>>)
    %dma_wait3A_1174 = arith.constant 5 : i32
    %dma_wait3A_1175 = tpu.memref_slice %arg3[%dma_wait3A_1174, %multiple_of3A] : memref<16x320000xf32, #tpu.memory_space<hbm>> -> memref<1x2560xf32, #tpu.memory_space<hbm>>
    %dma_wait3A_1176 = tpu.memref_squeeze %dma_wait3A_1175 : memref<1x2560xf32, #tpu.memory_space<hbm>> -> memref<2560xf32, #tpu.memory_space<hbm>>
    %dma_wait3A_1177 = tpu.memref_slice %arg3[%dma_wait3A_1174, %multiple_of3A] : memref<16x320000xf32, #tpu.memory_space<hbm>> -> memref<1x2560xf32, #tpu.memory_space<hbm>>
    %dma_wait3A_1178 = tpu.memref_squeeze %dma_wait3A_1177 : memref<1x2560xf32, #tpu.memory_space<hbm>> -> memref<2560xf32, #tpu.memory_space<hbm>>
    tpu.wait_dma2 semaphore(%arg59 : memref<!tpu.dma_semaphore, #tpu.memory_space<semaphore_mem>>) src(%dma_wait3A_1178 : memref<2560xf32, #tpu.memory_space<hbm>>) dst(%arg14 : memref<2560xf32, #tpu.memory_space<vmem>>)
    %dma_wait3A_1179 = arith.constant 6 : i32
    %dma_wait3A_1180 = tpu.memref_slice %arg3[%dma_wait3A_1179, %multiple_of3A] : memref<16x320000xf32, #tpu.memory_space<hbm>> -> memref<1x2560xf32, #tpu.memory_space<hbm>>
    %dma_wait3A_1181 = tpu.memref_squeeze %dma_wait3A_1180 : memref<1x2560xf32, #tpu.memory_space<hbm>> -> memref<2560xf32, #tpu.memory_space<hbm>>
    %dma_wait3A_1182 = tpu.memref_slice %arg3[%dma_wait3A_1179, %multiple_of3A] : memref<16x320000xf32, #tpu.memory_space<hbm>> -> memref<1x2560xf32, #tpu.memory_space<hbm>>
    %dma_wait3A_1183 = tpu.memref_squeeze %dma_wait3A_1182 : memref<1x2560xf32, #tpu.memory_space<hbm>> -> memref<2560xf32, #tpu.memory_space<hbm>>
    tpu.wait_dma2 semaphore(%arg59 : memref<!tpu.dma_semaphore, #tpu.memory_space<semaphore_mem>>) src(%dma_wait3A_1183 : memref<2560xf32, #tpu.memory_space<hbm>>) dst(%arg15 : memref<2560xf32, #tpu.memory_space<vmem>>)
    %dma_wait3A_1184 = arith.constant 7 : i32
    %dma_wait3A_1185 = tpu.memref_slice %arg3[%dma_wait3A_1184, %multiple_of3A] : memref<16x320000xf32, #tpu.memory_space<hbm>> -> memref<1x2560xf32, #tpu.memory_space<hbm>>
    %dma_wait3A_1186 = tpu.memref_squeeze %dma_wait3A_1185 : memref<1x2560xf32, #tpu.memory_space<hbm>> -> memref<2560xf32, #tpu.memory_space<hbm>>
    %dma_wait3A_1187 = tpu.memref_slice %arg3[%dma_wait3A_1184, %multiple_of3A] : memref<16x320000xf32, #tpu.memory_space<hbm>> -> memref<1x2560xf32, #tpu.memory_space<hbm>>
    %dma_wait3A_1188 = tpu.memref_squeeze %dma_wait3A_1187 : memref<1x2560xf32, #tpu.memory_space<hbm>> -> memref<2560xf32, #tpu.memory_space<hbm>>
    tpu.wait_dma2 semaphore(%arg59 : memref<!tpu.dma_semaphore, #tpu.memory_space<semaphore_mem>>) src(%dma_wait3A_1188 : memref<2560xf32, #tpu.memory_space<hbm>>) dst(%arg16 : memref<2560xf32, #tpu.memory_space<vmem>>)
    %dma_wait3A_1189 = arith.constant 8 : i32
    %dma_wait3A_1190 = tpu.memref_slice %arg3[%dma_wait3A_1189, %multiple_of3A] : memref<16x320000xf32, #tpu.memory_space<hbm>> -> memref<1x2560xf32, #tpu.memory_space<hbm>>
    %dma_wait3A_1191 = tpu.memref_squeeze %dma_wait3A_1190 : memref<1x2560xf32, #tpu.memory_space<hbm>> -> memref<2560xf32, #tpu.memory_space<hbm>>
    %dma_wait3A_1192 = tpu.memref_slice %arg3[%dma_wait3A_1189, %multiple_of3A] : memref<16x320000xf32, #tpu.memory_space<hbm>> -> memref<1x2560xf32, #tpu.memory_space<hbm>>
    %dma_wait3A_1193 = tpu.memref_squeeze %dma_wait3A_1192 : memref<1x2560xf32, #tpu.memory_space<hbm>> -> memref<2560xf32, #tpu.memory_space<hbm>>
    tpu.wait_dma2 semaphore(%arg59 : memref<!tpu.dma_semaphore, #tpu.memory_space<semaphore_mem>>) src(%dma_wait3A_1193 : memref<2560xf32, #tpu.memory_space<hbm>>) dst(%arg17 : memref<2560xf32, #tpu.memory_space<vmem>>)
    %dma_wait3A_1194 = arith.constant 9 : i32
    %dma_wait3A_1195 = tpu.memref_slice %arg3[%dma_wait3A_1194, %multiple_of3A] : memref<16x320000xf32, #tpu.memory_space<hbm>> -> memref<1x2560xf32, #tpu.memory_space<hbm>>
    %dma_wait3A_1196 = tpu.memref_squeeze %dma_wait3A_1195 : memref<1x2560xf32, #tpu.memory_space<hbm>> -> memref<2560xf32, #tpu.memory_space<hbm>>
    %dma_wait3A_1197 = tpu.memref_slice %arg3[%dma_wait3A_1194, %multiple_of3A] : memref<16x320000xf32, #tpu.memory_space<hbm>> -> memref<1x2560xf32, #tpu.memory_space<hbm>>
    %dma_wait3A_1198 = tpu.memref_squeeze %dma_wait3A_1197 : memref<1x2560xf32, #tpu.memory_space<hbm>> -> memref<2560xf32, #tpu.memory_space<hbm>>
    tpu.wait_dma2 semaphore(%arg59 : memref<!tpu.dma_semaphore, #tpu.memory_space<semaphore_mem>>) src(%dma_wait3A_1198 : memref<2560xf32, #tpu.memory_space<hbm>>) dst(%arg18 : memref<2560xf32, #tpu.memory_space<vmem>>)
    %dma_wait3A_1199 = arith.constant 10 : i32
    %dma_wait3A_1200 = tpu.memref_slice %arg3[%dma_wait3A_1199, %multiple_of3A] : memref<16x320000xf32, #tpu.memory_space<hbm>> -> memref<1x2560xf32, #tpu.memory_space<hbm>>
    %dma_wait3A_1201 = tpu.memref_squeeze %dma_wait3A_1200 : memref<1x2560xf32, #tpu.memory_space<hbm>> -> memref<2560xf32, #tpu.memory_space<hbm>>
    %dma_wait3A_1202 = tpu.memref_slice %arg3[%dma_wait3A_1199, %multiple_of3A] : memref<16x320000xf32, #tpu.memory_space<hbm>> -> memref<1x2560xf32, #tpu.memory_space<hbm>>
    %dma_wait3A_1203 = tpu.memref_squeeze %dma_wait3A_1202 : memref<1x2560xf32, #tpu.memory_space<hbm>> -> memref<2560xf32, #tpu.memory_space<hbm>>
    tpu.wait_dma2 semaphore(%arg59 : memref<!tpu.dma_semaphore, #tpu.memory_space<semaphore_mem>>) src(%dma_wait3A_1203 : memref<2560xf32, #tpu.memory_space<hbm>>) dst(%arg19 : memref<2560xf32, #tpu.memory_space<vmem>>)
    %dma_wait3A_1204 = arith.constant 11 : i32
    %dma_wait3A_1205 = tpu.memref_slice %arg3[%dma_wait3A_1204, %multiple_of3A] : memref<16x320000xf32, #tpu.memory_space<hbm>> -> memref<1x2560xf32, #tpu.memory_space<hbm>>
    %dma_wait3A_1206 = tpu.memref_squeeze %dma_wait3A_1205 : memref<1x2560xf32, #tpu.memory_space<hbm>> -> memref<2560xf32, #tpu.memory_space<hbm>>
    %dma_wait3A_1207 = tpu.memref_slice %arg3[%dma_wait3A_1204, %multiple_of3A] : memref<16x320000xf32, #tpu.memory_space<hbm>> -> memref<1x2560xf32, #tpu.memory_space<hbm>>
    %dma_wait3A_1208 = tpu.memref_squeeze %dma_wait3A_1207 : memref<1x2560xf32, #tpu.memory_space<hbm>> -> memref<2560xf32, #tpu.memory_space<hbm>>
    tpu.wait_dma2 semaphore(%arg59 : memref<!tpu.dma_semaphore, #tpu.memory_space<semaphore_mem>>) src(%dma_wait3A_1208 : memref<2560xf32, #tpu.memory_space<hbm>>) dst(%arg20 : memref<2560xf32, #tpu.memory_space<vmem>>)
    %dma_wait3A_1209 = arith.constant 12 : i32
    %dma_wait3A_1210 = tpu.memref_slice %arg3[%dma_wait3A_1209, %multiple_of3A] : memref<16x320000xf32, #tpu.memory_space<hbm>> -> memref<1x2560xf32, #tpu.memory_space<hbm>>
    %dma_wait3A_1211 = tpu.memref_squeeze %dma_wait3A_1210 : memref<1x2560xf32, #tpu.memory_space<hbm>> -> memref<2560xf32, #tpu.memory_space<hbm>>
    %dma_wait3A_1212 = tpu.memref_slice %arg3[%dma_wait3A_1209, %multiple_of3A] : memref<16x320000xf32, #tpu.memory_space<hbm>> -> memref<1x2560xf32, #tpu.memory_space<hbm>>
    %dma_wait3A_1213 = tpu.memref_squeeze %dma_wait3A_1212 : memref<1x2560xf32, #tpu.memory_space<hbm>> -> memref<2560xf32, #tpu.memory_space<hbm>>
    tpu.wait_dma2 semaphore(%arg59 : memref<!tpu.dma_semaphore, #tpu.memory_space<semaphore_mem>>) src(%dma_wait3A_1213 : memref<2560xf32, #tpu.memory_space<hbm>>) dst(%arg21 : memref<2560xf32, #tpu.memory_space<vmem>>)
    %dma_wait3A_1214 = arith.constant 13 : i32
    %dma_wait3A_1215 = tpu.memref_slice %arg3[%dma_wait3A_1214, %multiple_of3A] : memref<16x320000xf32, #tpu.memory_space<hbm>> -> memref<1x2560xf32, #tpu.memory_space<hbm>>
    %dma_wait3A_1216 = tpu.memref_squeeze %dma_wait3A_1215 : memref<1x2560xf32, #tpu.memory_space<hbm>> -> memref<2560xf32, #tpu.memory_space<hbm>>
    %dma_wait3A_1217 = tpu.memref_slice %arg3[%dma_wait3A_1214, %multiple_of3A] : memref<16x320000xf32, #tpu.memory_space<hbm>> -> memref<1x2560xf32, #tpu.memory_space<hbm>>
    %dma_wait3A_1218 = tpu.memref_squeeze %dma_wait3A_1217 : memref<1x2560xf32, #tpu.memory_space<hbm>> -> memref<2560xf32, #tpu.memory_space<hbm>>
    tpu.wait_dma2 semaphore(%arg59 : memref<!tpu.dma_semaphore, #tpu.memory_space<semaphore_mem>>) src(%dma_wait3A_1218 : memref<2560xf32, #tpu.memory_space<hbm>>) dst(%arg22 : memref<2560xf32, #tpu.memory_space<vmem>>)
    %dma_wait3A_1219 = arith.constant 14 : i32
    %dma_wait3A_1220 = tpu.memref_slice %arg3[%dma_wait3A_1219, %multiple_of3A] : memref<16x320000xf32, #tpu.memory_space<hbm>> -> memref<1x2560xf32, #tpu.memory_space<hbm>>
    %dma_wait3A_1221 = tpu.memref_squeeze %dma_wait3A_1220 : memref<1x2560xf32, #tpu.memory_space<hbm>> -> memref<2560xf32, #tpu.memory_space<hbm>>
    %dma_wait3A_1222 = tpu.memref_slice %arg3[%dma_wait3A_1219, %multiple_of3A] : memref<16x320000xf32, #tpu.memory_space<hbm>> -> memref<1x2560xf32, #tpu.memory_space<hbm>>
    %dma_wait3A_1223 = tpu.memref_squeeze %dma_wait3A_1222 : memref<1x2560xf32, #tpu.memory_space<hbm>> -> memref<2560xf32, #tpu.memory_space<hbm>>
    tpu.wait_dma2 semaphore(%arg59 : memref<!tpu.dma_semaphore, #tpu.memory_space<semaphore_mem>>) src(%dma_wait3A_1223 : memref<2560xf32, #tpu.memory_space<hbm>>) dst(%arg23 : memref<2560xf32, #tpu.memory_space<vmem>>)
    %dma_wait3A_1224 = arith.constant 15 : i32
    %dma_wait3A_1225 = tpu.memref_slice %arg3[%dma_wait3A_1224, %multiple_of3A] : memref<16x320000xf32, #tpu.memory_space<hbm>> -> memref<1x2560xf32, #tpu.memory_space<hbm>>
    %dma_wait3A_1226 = tpu.memref_squeeze %dma_wait3A_1225 : memref<1x2560xf32, #tpu.memory_space<hbm>> -> memref<2560xf32, #tpu.memory_space<hbm>>
    %dma_wait3A_1227 = tpu.memref_slice %arg3[%dma_wait3A_1224, %multiple_of3A] : memref<16x320000xf32, #tpu.memory_space<hbm>> -> memref<1x2560xf32, #tpu.memory_space<hbm>>
    %dma_wait3A_1228 = tpu.memref_squeeze %dma_wait3A_1227 : memref<1x2560xf32, #tpu.memory_space<hbm>> -> memref<2560xf32, #tpu.memory_space<hbm>>
    tpu.wait_dma2 semaphore(%arg59 : memref<!tpu.dma_semaphore, #tpu.memory_space<semaphore_mem>>) src(%dma_wait3A_1228 : memref<2560xf32, #tpu.memory_space<hbm>>) dst(%arg24 : memref<2560xf32, #tpu.memory_space<vmem>>)
    %dma_start3A_1229 = arith.constant 0 : i32
    %dma_start3A_1230 = tpu.memref_slice %arg42[%dma_start3A_1229] : memref<10128xf32, #tpu.memory_space<vmem_shared>> -> memref<10128xf32, #tpu.memory_space<vmem_shared>>
    tpu.enqueue_indirect_dma source(%arg9 : memref<2560xf32, #tpu.memory_space<vmem>>) target(%dma_start3A_1230 : memref<10128xf32, #tpu.memory_space<vmem_shared>>) offsets(%arg7 : memref<2560xi32, #tpu.memory_space<vmem>>) semaphore(%arg61 : memref<!tpu.dma_semaphore, #tpu.memory_space<semaphore_mem>>) {add = true}
    %dma_start3A_1231 = arith.constant 0 : i32
    %dma_start3A_1232 = tpu.memref_slice %arg43[%dma_start3A_1231] : memref<10128xf32, #tpu.memory_space<vmem_shared>> -> memref<10128xf32, #tpu.memory_space<vmem_shared>>
    tpu.enqueue_indirect_dma source(%arg10 : memref<2560xf32, #tpu.memory_space<vmem>>) target(%dma_start3A_1232 : memref<10128xf32, #tpu.memory_space<vmem_shared>>) offsets(%arg7 : memref<2560xi32, #tpu.memory_space<vmem>>) semaphore(%arg61 : memref<!tpu.dma_semaphore, #tpu.memory_space<semaphore_mem>>) {add = true}
    %dma_start3A_1233 = arith.constant 0 : i32
    %dma_start3A_1234 = tpu.memref_slice %arg44[%dma_start3A_1233] : memref<10128xf32, #tpu.memory_space<vmem_shared>> -> memref<10128xf32, #tpu.memory_space<vmem_shared>>
    tpu.enqueue_indirect_dma source(%arg11 : memref<2560xf32, #tpu.memory_space<vmem>>) target(%dma_start3A_1234 : memref<10128xf32, #tpu.memory_space<vmem_shared>>) offsets(%arg7 : memref<2560xi32, #tpu.memory_space<vmem>>) semaphore(%arg61 : memref<!tpu.dma_semaphore, #tpu.memory_space<semaphore_mem>>) {add = true}
    %dma_start3A_1235 = arith.constant 0 : i32
    %dma_start3A_1236 = tpu.memref_slice %arg45[%dma_start3A_1235] : memref<10128xf32, #tpu.memory_space<vmem_shared>> -> memref<10128xf32, #tpu.memory_space<vmem_shared>>
    tpu.enqueue_indirect_dma source(%arg12 : memref<2560xf32, #tpu.memory_space<vmem>>) target(%dma_start3A_1236 : memref<10128xf32, #tpu.memory_space<vmem_shared>>) offsets(%arg7 : memref<2560xi32, #tpu.memory_space<vmem>>) semaphore(%arg61 : memref<!tpu.dma_semaphore, #tpu.memory_space<semaphore_mem>>) {add = true}
    %dma_start3A_1237 = arith.constant 0 : i32
    %dma_start3A_1238 = tpu.memref_slice %arg46[%dma_start3A_1237] : memref<10128xf32, #tpu.memory_space<vmem_shared>> -> memref<10128xf32, #tpu.memory_space<vmem_shared>>
    tpu.enqueue_indirect_dma source(%arg13 : memref<2560xf32, #tpu.memory_space<vmem>>) target(%dma_start3A_1238 : memref<10128xf32, #tpu.memory_space<vmem_shared>>) offsets(%arg7 : memref<2560xi32, #tpu.memory_space<vmem>>) semaphore(%arg61 : memref<!tpu.dma_semaphore, #tpu.memory_space<semaphore_mem>>) {add = true}
    %dma_start3A_1239 = arith.constant 0 : i32
    %dma_start3A_1240 = tpu.memref_slice %arg47[%dma_start3A_1239] : memref<10128xf32, #tpu.memory_space<vmem_shared>> -> memref<10128xf32, #tpu.memory_space<vmem_shared>>
    tpu.enqueue_indirect_dma source(%arg14 : memref<2560xf32, #tpu.memory_space<vmem>>) target(%dma_start3A_1240 : memref<10128xf32, #tpu.memory_space<vmem_shared>>) offsets(%arg7 : memref<2560xi32, #tpu.memory_space<vmem>>) semaphore(%arg61 : memref<!tpu.dma_semaphore, #tpu.memory_space<semaphore_mem>>) {add = true}
    %dma_start3A_1241 = arith.constant 0 : i32
    %dma_start3A_1242 = tpu.memref_slice %arg48[%dma_start3A_1241] : memref<10128xf32, #tpu.memory_space<vmem_shared>> -> memref<10128xf32, #tpu.memory_space<vmem_shared>>
    tpu.enqueue_indirect_dma source(%arg15 : memref<2560xf32, #tpu.memory_space<vmem>>) target(%dma_start3A_1242 : memref<10128xf32, #tpu.memory_space<vmem_shared>>) offsets(%arg7 : memref<2560xi32, #tpu.memory_space<vmem>>) semaphore(%arg61 : memref<!tpu.dma_semaphore, #tpu.memory_space<semaphore_mem>>) {add = true}
    %dma_start3A_1243 = arith.constant 0 : i32
    %dma_start3A_1244 = tpu.memref_slice %arg49[%dma_start3A_1243] : memref<10128xf32, #tpu.memory_space<vmem_shared>> -> memref<10128xf32, #tpu.memory_space<vmem_shared>>
    tpu.enqueue_indirect_dma source(%arg16 : memref<2560xf32, #tpu.memory_space<vmem>>) target(%dma_start3A_1244 : memref<10128xf32, #tpu.memory_space<vmem_shared>>) offsets(%arg7 : memref<2560xi32, #tpu.memory_space<vmem>>) semaphore(%arg61 : memref<!tpu.dma_semaphore, #tpu.memory_space<semaphore_mem>>) {add = true}
    %dma_start3A_1245 = arith.constant 0 : i32
    %dma_start3A_1246 = tpu.memref_slice %arg50[%dma_start3A_1245] : memref<10128xf32, #tpu.memory_space<vmem_shared>> -> memref<10128xf32, #tpu.memory_space<vmem_shared>>
    tpu.enqueue_indirect_dma source(%arg17 : memref<2560xf32, #tpu.memory_space<vmem>>) target(%dma_start3A_1246 : memref<10128xf32, #tpu.memory_space<vmem_shared>>) offsets(%arg7 : memref<2560xi32, #tpu.memory_space<vmem>>) semaphore(%arg61 : memref<!tpu.dma_semaphore, #tpu.memory_space<semaphore_mem>>) {add = true}
    %dma_start3A_1247 = arith.constant 0 : i32
    %dma_start3A_1248 = tpu.memref_slice %arg51[%dma_start3A_1247] : memref<10128xf32, #tpu.memory_space<vmem_shared>> -> memref<10128xf32, #tpu.memory_space<vmem_shared>>
    tpu.enqueue_indirect_dma source(%arg18 : memref<2560xf32, #tpu.memory_space<vmem>>) target(%dma_start3A_1248 : memref<10128xf32, #tpu.memory_space<vmem_shared>>) offsets(%arg7 : memref<2560xi32, #tpu.memory_space<vmem>>) semaphore(%arg61 : memref<!tpu.dma_semaphore, #tpu.memory_space<semaphore_mem>>) {add = true}
    %dma_start3A_1249 = arith.constant 0 : i32
    %dma_start3A_1250 = tpu.memref_slice %arg52[%dma_start3A_1249] : memref<10128xf32, #tpu.memory_space<vmem_shared>> -> memref<10128xf32, #tpu.memory_space<vmem_shared>>
    tpu.enqueue_indirect_dma source(%arg19 : memref<2560xf32, #tpu.memory_space<vmem>>) target(%dma_start3A_1250 : memref<10128xf32, #tpu.memory_space<vmem_shared>>) offsets(%arg7 : memref<2560xi32, #tpu.memory_space<vmem>>) semaphore(%arg61 : memref<!tpu.dma_semaphore, #tpu.memory_space<semaphore_mem>>) {add = true}
    %dma_start3A_1251 = arith.constant 0 : i32
    %dma_start3A_1252 = tpu.memref_slice %arg53[%dma_start3A_1251] : memref<10128xf32, #tpu.memory_space<vmem_shared>> -> memref<10128xf32, #tpu.memory_space<vmem_shared>>
    tpu.enqueue_indirect_dma source(%arg20 : memref<2560xf32, #tpu.memory_space<vmem>>) target(%dma_start3A_1252 : memref<10128xf32, #tpu.memory_space<vmem_shared>>) offsets(%arg7 : memref<2560xi32, #tpu.memory_space<vmem>>) semaphore(%arg61 : memref<!tpu.dma_semaphore, #tpu.memory_space<semaphore_mem>>) {add = true}
    %dma_start3A_1253 = arith.constant 0 : i32
    %dma_start3A_1254 = tpu.memref_slice %arg54[%dma_start3A_1253] : memref<10128xf32, #tpu.memory_space<vmem_shared>> -> memref<10128xf32, #tpu.memory_space<vmem_shared>>
    tpu.enqueue_indirect_dma source(%arg21 : memref<2560xf32, #tpu.memory_space<vmem>>) target(%dma_start3A_1254 : memref<10128xf32, #tpu.memory_space<vmem_shared>>) offsets(%arg7 : memref<2560xi32, #tpu.memory_space<vmem>>) semaphore(%arg61 : memref<!tpu.dma_semaphore, #tpu.memory_space<semaphore_mem>>) {add = true}
    %dma_start3A_1255 = arith.constant 0 : i32
    %dma_start3A_1256 = tpu.memref_slice %arg55[%dma_start3A_1255] : memref<10128xf32, #tpu.memory_space<vmem_shared>> -> memref<10128xf32, #tpu.memory_space<vmem_shared>>
    tpu.enqueue_indirect_dma source(%arg22 : memref<2560xf32, #tpu.memory_space<vmem>>) target(%dma_start3A_1256 : memref<10128xf32, #tpu.memory_space<vmem_shared>>) offsets(%arg7 : memref<2560xi32, #tpu.memory_space<vmem>>) semaphore(%arg61 : memref<!tpu.dma_semaphore, #tpu.memory_space<semaphore_mem>>) {add = true}
    %dma_start3A_1257 = arith.constant 0 : i32
    %dma_start3A_1258 = tpu.memref_slice %arg56[%dma_start3A_1257] : memref<10128xf32, #tpu.memory_space<vmem_shared>> -> memref<10128xf32, #tpu.memory_space<vmem_shared>>
    tpu.enqueue_indirect_dma source(%arg23 : memref<2560xf32, #tpu.memory_space<vmem>>) target(%dma_start3A_1258 : memref<10128xf32, #tpu.memory_space<vmem_shared>>) offsets(%arg7 : memref<2560xi32, #tpu.memory_space<vmem>>) semaphore(%arg61 : memref<!tpu.dma_semaphore, #tpu.memory_space<semaphore_mem>>) {add = true}
    %dma_start3A_1259 = arith.constant 0 : i32
    %dma_start3A_1260 = tpu.memref_slice %arg57[%dma_start3A_1259] : memref<10128xf32, #tpu.memory_space<vmem_shared>> -> memref<10128xf32, #tpu.memory_space<vmem_shared>>
    tpu.enqueue_indirect_dma source(%arg24 : memref<2560xf32, #tpu.memory_space<vmem>>) target(%dma_start3A_1260 : memref<10128xf32, #tpu.memory_space<vmem_shared>>) offsets(%arg7 : memref<2560xi32, #tpu.memory_space<vmem>>) semaphore(%arg61 : memref<!tpu.dma_semaphore, #tpu.memory_space<semaphore_mem>>) {add = true}
    %dma_start3A_1261 = arith.constant 0 : i32
    %dma_start3A_1262 = tpu.memref_slice %arg58[%dma_start3A_1261] : memref<10128xf32, #tpu.memory_space<vmem_shared>> -> memref<10128xf32, #tpu.memory_space<vmem_shared>>
    tpu.enqueue_indirect_dma source(%arg41 : memref<2560xf32, #tpu.memory_space<vmem>>) target(%dma_start3A_1262 : memref<10128xf32, #tpu.memory_space<vmem_shared>>) offsets(%arg7 : memref<2560xi32, #tpu.memory_space<vmem>>) semaphore(%arg61 : memref<!tpu.dma_semaphore, #tpu.memory_space<semaphore_mem>>) {add = true}
    %dma_wait3A_1263 = arith.constant 0 : i32
    %dma_wait3A_1264 = tpu.memref_slice %arg42[%dma_wait3A_1263] : memref<10128xf32, #tpu.memory_space<vmem_shared>> -> memref<10128xf32, #tpu.memory_space<vmem_shared>>
    tpu.wait_indirect_dma semaphore(%arg61 : memref<!tpu.dma_semaphore, #tpu.memory_space<semaphore_mem>>) src(%arg9 : memref<2560xf32, #tpu.memory_space<vmem>>) dst(%dma_wait3A_1264 : memref<10128xf32, #tpu.memory_space<vmem_shared>>)
    %dma_wait3A_1265 = arith.constant 0 : i32
    %dma_wait3A_1266 = tpu.memref_slice %arg43[%dma_wait3A_1265] : memref<10128xf32, #tpu.memory_space<vmem_shared>> -> memref<10128xf32, #tpu.memory_space<vmem_shared>>
    tpu.wait_indirect_dma semaphore(%arg61 : memref<!tpu.dma_semaphore, #tpu.memory_space<semaphore_mem>>) src(%arg10 : memref<2560xf32, #tpu.memory_space<vmem>>) dst(%dma_wait3A_1266 : memref<10128xf32, #tpu.memory_space<vmem_shared>>)
    %dma_wait3A_1267 = arith.constant 0 : i32
    %dma_wait3A_1268 = tpu.memref_slice %arg44[%dma_wait3A_1267] : memref<10128xf32, #tpu.memory_space<vmem_shared>> -> memref<10128xf32, #tpu.memory_space<vmem_shared>>
    tpu.wait_indirect_dma semaphore(%arg61 : memref<!tpu.dma_semaphore, #tpu.memory_space<semaphore_mem>>) src(%arg11 : memref<2560xf32, #tpu.memory_space<vmem>>) dst(%dma_wait3A_1268 : memref<10128xf32, #tpu.memory_space<vmem_shared>>)
    %dma_wait3A_1269 = arith.constant 0 : i32
    %dma_wait3A_1270 = tpu.memref_slice %arg45[%dma_wait3A_1269] : memref<10128xf32, #tpu.memory_space<vmem_shared>> -> memref<10128xf32, #tpu.memory_space<vmem_shared>>
    tpu.wait_indirect_dma semaphore(%arg61 : memref<!tpu.dma_semaphore, #tpu.memory_space<semaphore_mem>>) src(%arg12 : memref<2560xf32, #tpu.memory_space<vmem>>) dst(%dma_wait3A_1270 : memref<10128xf32, #tpu.memory_space<vmem_shared>>)
    %dma_wait3A_1271 = arith.constant 0 : i32
    %dma_wait3A_1272 = tpu.memref_slice %arg46[%dma_wait3A_1271] : memref<10128xf32, #tpu.memory_space<vmem_shared>> -> memref<10128xf32, #tpu.memory_space<vmem_shared>>
    tpu.wait_indirect_dma semaphore(%arg61 : memref<!tpu.dma_semaphore, #tpu.memory_space<semaphore_mem>>) src(%arg13 : memref<2560xf32, #tpu.memory_space<vmem>>) dst(%dma_wait3A_1272 : memref<10128xf32, #tpu.memory_space<vmem_shared>>)
    %dma_wait3A_1273 = arith.constant 0 : i32
    %dma_wait3A_1274 = tpu.memref_slice %arg47[%dma_wait3A_1273] : memref<10128xf32, #tpu.memory_space<vmem_shared>> -> memref<10128xf32, #tpu.memory_space<vmem_shared>>
    tpu.wait_indirect_dma semaphore(%arg61 : memref<!tpu.dma_semaphore, #tpu.memory_space<semaphore_mem>>) src(%arg14 : memref<2560xf32, #tpu.memory_space<vmem>>) dst(%dma_wait3A_1274 : memref<10128xf32, #tpu.memory_space<vmem_shared>>)
    %dma_wait3A_1275 = arith.constant 0 : i32
    %dma_wait3A_1276 = tpu.memref_slice %arg48[%dma_wait3A_1275] : memref<10128xf32, #tpu.memory_space<vmem_shared>> -> memref<10128xf32, #tpu.memory_space<vmem_shared>>
    tpu.wait_indirect_dma semaphore(%arg61 : memref<!tpu.dma_semaphore, #tpu.memory_space<semaphore_mem>>) src(%arg15 : memref<2560xf32, #tpu.memory_space<vmem>>) dst(%dma_wait3A_1276 : memref<10128xf32, #tpu.memory_space<vmem_shared>>)
    %dma_wait3A_1277 = arith.constant 0 : i32
    %dma_wait3A_1278 = tpu.memref_slice %arg49[%dma_wait3A_1277] : memref<10128xf32, #tpu.memory_space<vmem_shared>> -> memref<10128xf32, #tpu.memory_space<vmem_shared>>
    tpu.wait_indirect_dma semaphore(%arg61 : memref<!tpu.dma_semaphore, #tpu.memory_space<semaphore_mem>>) src(%arg16 : memref<2560xf32, #tpu.memory_space<vmem>>) dst(%dma_wait3A_1278 : memref<10128xf32, #tpu.memory_space<vmem_shared>>)
    %dma_wait3A_1279 = arith.constant 0 : i32
    %dma_wait3A_1280 = tpu.memref_slice %arg50[%dma_wait3A_1279] : memref<10128xf32, #tpu.memory_space<vmem_shared>> -> memref<10128xf32, #tpu.memory_space<vmem_shared>>
    tpu.wait_indirect_dma semaphore(%arg61 : memref<!tpu.dma_semaphore, #tpu.memory_space<semaphore_mem>>) src(%arg17 : memref<2560xf32, #tpu.memory_space<vmem>>) dst(%dma_wait3A_1280 : memref<10128xf32, #tpu.memory_space<vmem_shared>>)
    %dma_wait3A_1281 = arith.constant 0 : i32
    %dma_wait3A_1282 = tpu.memref_slice %arg51[%dma_wait3A_1281] : memref<10128xf32, #tpu.memory_space<vmem_shared>> -> memref<10128xf32, #tpu.memory_space<vmem_shared>>
    tpu.wait_indirect_dma semaphore(%arg61 : memref<!tpu.dma_semaphore, #tpu.memory_space<semaphore_mem>>) src(%arg18 : memref<2560xf32, #tpu.memory_space<vmem>>) dst(%dma_wait3A_1282 : memref<10128xf32, #tpu.memory_space<vmem_shared>>)
    %dma_wait3A_1283 = arith.constant 0 : i32
    %dma_wait3A_1284 = tpu.memref_slice %arg52[%dma_wait3A_1283] : memref<10128xf32, #tpu.memory_space<vmem_shared>> -> memref<10128xf32, #tpu.memory_space<vmem_shared>>
    tpu.wait_indirect_dma semaphore(%arg61 : memref<!tpu.dma_semaphore, #tpu.memory_space<semaphore_mem>>) src(%arg19 : memref<2560xf32, #tpu.memory_space<vmem>>) dst(%dma_wait3A_1284 : memref<10128xf32, #tpu.memory_space<vmem_shared>>)
    %dma_wait3A_1285 = arith.constant 0 : i32
    %dma_wait3A_1286 = tpu.memref_slice %arg53[%dma_wait3A_1285] : memref<10128xf32, #tpu.memory_space<vmem_shared>> -> memref<10128xf32, #tpu.memory_space<vmem_shared>>
    tpu.wait_indirect_dma semaphore(%arg61 : memref<!tpu.dma_semaphore, #tpu.memory_space<semaphore_mem>>) src(%arg20 : memref<2560xf32, #tpu.memory_space<vmem>>) dst(%dma_wait3A_1286 : memref<10128xf32, #tpu.memory_space<vmem_shared>>)
    %dma_wait3A_1287 = arith.constant 0 : i32
    %dma_wait3A_1288 = tpu.memref_slice %arg54[%dma_wait3A_1287] : memref<10128xf32, #tpu.memory_space<vmem_shared>> -> memref<10128xf32, #tpu.memory_space<vmem_shared>>
    tpu.wait_indirect_dma semaphore(%arg61 : memref<!tpu.dma_semaphore, #tpu.memory_space<semaphore_mem>>) src(%arg21 : memref<2560xf32, #tpu.memory_space<vmem>>) dst(%dma_wait3A_1288 : memref<10128xf32, #tpu.memory_space<vmem_shared>>)
    %dma_wait3A_1289 = arith.constant 0 : i32
    %dma_wait3A_1290 = tpu.memref_slice %arg55[%dma_wait3A_1289] : memref<10128xf32, #tpu.memory_space<vmem_shared>> -> memref<10128xf32, #tpu.memory_space<vmem_shared>>
    tpu.wait_indirect_dma semaphore(%arg61 : memref<!tpu.dma_semaphore, #tpu.memory_space<semaphore_mem>>) src(%arg22 : memref<2560xf32, #tpu.memory_space<vmem>>) dst(%dma_wait3A_1290 : memref<10128xf32, #tpu.memory_space<vmem_shared>>)
    %dma_wait3A_1291 = arith.constant 0 : i32
    %dma_wait3A_1292 = tpu.memref_slice %arg56[%dma_wait3A_1291] : memref<10128xf32, #tpu.memory_space<vmem_shared>> -> memref<10128xf32, #tpu.memory_space<vmem_shared>>
    tpu.wait_indirect_dma semaphore(%arg61 : memref<!tpu.dma_semaphore, #tpu.memory_space<semaphore_mem>>) src(%arg23 : memref<2560xf32, #tpu.memory_space<vmem>>) dst(%dma_wait3A_1292 : memref<10128xf32, #tpu.memory_space<vmem_shared>>)
    %dma_wait3A_1293 = arith.constant 0 : i32
    %dma_wait3A_1294 = tpu.memref_slice %arg57[%dma_wait3A_1293] : memref<10128xf32, #tpu.memory_space<vmem_shared>> -> memref<10128xf32, #tpu.memory_space<vmem_shared>>
    tpu.wait_indirect_dma semaphore(%arg61 : memref<!tpu.dma_semaphore, #tpu.memory_space<semaphore_mem>>) src(%arg24 : memref<2560xf32, #tpu.memory_space<vmem>>) dst(%dma_wait3A_1294 : memref<10128xf32, #tpu.memory_space<vmem_shared>>)
    %dma_wait3A_1295 = arith.constant 0 : i32
    %dma_wait3A_1296 = tpu.memref_slice %arg58[%dma_wait3A_1295] : memref<10128xf32, #tpu.memory_space<vmem_shared>> -> memref<10128xf32, #tpu.memory_space<vmem_shared>>
    tpu.wait_indirect_dma semaphore(%arg61 : memref<!tpu.dma_semaphore, #tpu.memory_space<semaphore_mem>>) src(%arg41 : memref<2560xf32, #tpu.memory_space<vmem>>) dst(%dma_wait3A_1296 : memref<10128xf32, #tpu.memory_space<vmem_shared>>)
    %add3A_1297 = arith.constant 64 : i32
    %add3A_1298 = arith.addi %add3A, %add3A_1297 : i32
    %min3A_1299 = arith.constant 124 : i32
    %min3A_1300 = arith.minsi %add3A_1298, %min3A_1299 : i32
    %mul3A_1301 = arith.constant 2560 : i32
    %mul3A_1302 = arith.muli %min3A_1300, %mul3A_1301 : i32
    %multiple_of3A_1303 = tpu.assume_multiple %mul3A_1302, 128 : i32
    %dma_start3A_1304 = arith.constant 0 : i32
    %dma_start3A_1305 = tpu.memref_slice %arg2[%add3A_1298, %dma_start3A_1304] : memref<128x2560xi32, #tpu.memory_space<hbm>> -> memref<1x2560xi32, #tpu.memory_space<hbm>>
    %dma_start3A_1306 = tpu.memref_squeeze %dma_start3A_1305 : memref<1x2560xi32, #tpu.memory_space<hbm>> -> memref<2560xi32, #tpu.memory_space<hbm>>
    %dma_start3A_1307 = arith.constant 0 : i32
    %dma_start3A_1308 = tpu.memref_slice %arg2[%add3A_1298, %dma_start3A_1307] : memref<128x2560xi32, #tpu.memory_space<hbm>> -> memref<1x2560xi32, #tpu.memory_space<hbm>>
    %dma_start3A_1309 = tpu.memref_squeeze %dma_start3A_1308 : memref<1x2560xi32, #tpu.memory_space<hbm>> -> memref<2560xi32, #tpu.memory_space<hbm>>
    tpu.enqueue_dma source(%dma_start3A_1309 : memref<2560xi32, #tpu.memory_space<hbm>>) target(%arg7 : memref<2560xi32, #tpu.memory_space<vmem>>) target_semaphore(%arg59 : memref<!tpu.dma_semaphore, #tpu.memory_space<semaphore_mem>>)
    %dma_start3A_1310 = arith.constant 0 : i32
    %dma_start3A_1311 = tpu.memref_slice %arg3[%dma_start3A_1310, %multiple_of3A_1303] : memref<16x320000xf32, #tpu.memory_space<hbm>> -> memref<1x2560xf32, #tpu.memory_space<hbm>>
    %dma_start3A_1312 = tpu.memref_squeeze %dma_start3A_1311 : memref<1x2560xf32, #tpu.memory_space<hbm>> -> memref<2560xf32, #tpu.memory_space<hbm>>
    %dma_start3A_1313 = tpu.memref_slice %arg3[%dma_start3A_1310, %multiple_of3A_1303] : memref<16x320000xf32, #tpu.memory_space<hbm>> -> memref<1x2560xf32, #tpu.memory_space<hbm>>
    %dma_start3A_1314 = tpu.memref_squeeze %dma_start3A_1313 : memref<1x2560xf32, #tpu.memory_space<hbm>> -> memref<2560xf32, #tpu.memory_space<hbm>>
    tpu.enqueue_dma source(%dma_start3A_1314 : memref<2560xf32, #tpu.memory_space<hbm>>) target(%arg9 : memref<2560xf32, #tpu.memory_space<vmem>>) target_semaphore(%arg59 : memref<!tpu.dma_semaphore, #tpu.memory_space<semaphore_mem>>)
    %dma_start3A_1315 = arith.constant 1 : i32
    %dma_start3A_1316 = tpu.memref_slice %arg3[%dma_start3A_1315, %multiple_of3A_1303] : memref<16x320000xf32, #tpu.memory_space<hbm>> -> memref<1x2560xf32, #tpu.memory_space<hbm>>
    %dma_start3A_1317 = tpu.memref_squeeze %dma_start3A_1316 : memref<1x2560xf32, #tpu.memory_space<hbm>> -> memref<2560xf32, #tpu.memory_space<hbm>>
    %dma_start3A_1318 = tpu.memref_slice %arg3[%dma_start3A_1315, %multiple_of3A_1303] : memref<16x320000xf32, #tpu.memory_space<hbm>> -> memref<1x2560xf32, #tpu.memory_space<hbm>>
    %dma_start3A_1319 = tpu.memref_squeeze %dma_start3A_1318 : memref<1x2560xf32, #tpu.memory_space<hbm>> -> memref<2560xf32, #tpu.memory_space<hbm>>
    tpu.enqueue_dma source(%dma_start3A_1319 : memref<2560xf32, #tpu.memory_space<hbm>>) target(%arg10 : memref<2560xf32, #tpu.memory_space<vmem>>) target_semaphore(%arg59 : memref<!tpu.dma_semaphore, #tpu.memory_space<semaphore_mem>>)
    %dma_start3A_1320 = arith.constant 2 : i32
    %dma_start3A_1321 = tpu.memref_slice %arg3[%dma_start3A_1320, %multiple_of3A_1303] : memref<16x320000xf32, #tpu.memory_space<hbm>> -> memref<1x2560xf32, #tpu.memory_space<hbm>>
    %dma_start3A_1322 = tpu.memref_squeeze %dma_start3A_1321 : memref<1x2560xf32, #tpu.memory_space<hbm>> -> memref<2560xf32, #tpu.memory_space<hbm>>
    %dma_start3A_1323 = tpu.memref_slice %arg3[%dma_start3A_1320, %multiple_of3A_1303] : memref<16x320000xf32, #tpu.memory_space<hbm>> -> memref<1x2560xf32, #tpu.memory_space<hbm>>
    %dma_start3A_1324 = tpu.memref_squeeze %dma_start3A_1323 : memref<1x2560xf32, #tpu.memory_space<hbm>> -> memref<2560xf32, #tpu.memory_space<hbm>>
    tpu.enqueue_dma source(%dma_start3A_1324 : memref<2560xf32, #tpu.memory_space<hbm>>) target(%arg11 : memref<2560xf32, #tpu.memory_space<vmem>>) target_semaphore(%arg59 : memref<!tpu.dma_semaphore, #tpu.memory_space<semaphore_mem>>)
    %dma_start3A_1325 = arith.constant 3 : i32
    %dma_start3A_1326 = tpu.memref_slice %arg3[%dma_start3A_1325, %multiple_of3A_1303] : memref<16x320000xf32, #tpu.memory_space<hbm>> -> memref<1x2560xf32, #tpu.memory_space<hbm>>
    %dma_start3A_1327 = tpu.memref_squeeze %dma_start3A_1326 : memref<1x2560xf32, #tpu.memory_space<hbm>> -> memref<2560xf32, #tpu.memory_space<hbm>>
    %dma_start3A_1328 = tpu.memref_slice %arg3[%dma_start3A_1325, %multiple_of3A_1303] : memref<16x320000xf32, #tpu.memory_space<hbm>> -> memref<1x2560xf32, #tpu.memory_space<hbm>>
    %dma_start3A_1329 = tpu.memref_squeeze %dma_start3A_1328 : memref<1x2560xf32, #tpu.memory_space<hbm>> -> memref<2560xf32, #tpu.memory_space<hbm>>
    tpu.enqueue_dma source(%dma_start3A_1329 : memref<2560xf32, #tpu.memory_space<hbm>>) target(%arg12 : memref<2560xf32, #tpu.memory_space<vmem>>) target_semaphore(%arg59 : memref<!tpu.dma_semaphore, #tpu.memory_space<semaphore_mem>>)
    %dma_start3A_1330 = arith.constant 4 : i32
    %dma_start3A_1331 = tpu.memref_slice %arg3[%dma_start3A_1330, %multiple_of3A_1303] : memref<16x320000xf32, #tpu.memory_space<hbm>> -> memref<1x2560xf32, #tpu.memory_space<hbm>>
    %dma_start3A_1332 = tpu.memref_squeeze %dma_start3A_1331 : memref<1x2560xf32, #tpu.memory_space<hbm>> -> memref<2560xf32, #tpu.memory_space<hbm>>
    %dma_start3A_1333 = tpu.memref_slice %arg3[%dma_start3A_1330, %multiple_of3A_1303] : memref<16x320000xf32, #tpu.memory_space<hbm>> -> memref<1x2560xf32, #tpu.memory_space<hbm>>
    %dma_start3A_1334 = tpu.memref_squeeze %dma_start3A_1333 : memref<1x2560xf32, #tpu.memory_space<hbm>> -> memref<2560xf32, #tpu.memory_space<hbm>>
    tpu.enqueue_dma source(%dma_start3A_1334 : memref<2560xf32, #tpu.memory_space<hbm>>) target(%arg13 : memref<2560xf32, #tpu.memory_space<vmem>>) target_semaphore(%arg59 : memref<!tpu.dma_semaphore, #tpu.memory_space<semaphore_mem>>)
    %dma_start3A_1335 = arith.constant 5 : i32
    %dma_start3A_1336 = tpu.memref_slice %arg3[%dma_start3A_1335, %multiple_of3A_1303] : memref<16x320000xf32, #tpu.memory_space<hbm>> -> memref<1x2560xf32, #tpu.memory_space<hbm>>
    %dma_start3A_1337 = tpu.memref_squeeze %dma_start3A_1336 : memref<1x2560xf32, #tpu.memory_space<hbm>> -> memref<2560xf32, #tpu.memory_space<hbm>>
    %dma_start3A_1338 = tpu.memref_slice %arg3[%dma_start3A_1335, %multiple_of3A_1303] : memref<16x320000xf32, #tpu.memory_space<hbm>> -> memref<1x2560xf32, #tpu.memory_space<hbm>>
    %dma_start3A_1339 = tpu.memref_squeeze %dma_start3A_1338 : memref<1x2560xf32, #tpu.memory_space<hbm>> -> memref<2560xf32, #tpu.memory_space<hbm>>
    tpu.enqueue_dma source(%dma_start3A_1339 : memref<2560xf32, #tpu.memory_space<hbm>>) target(%arg14 : memref<2560xf32, #tpu.memory_space<vmem>>) target_semaphore(%arg59 : memref<!tpu.dma_semaphore, #tpu.memory_space<semaphore_mem>>)
    %dma_start3A_1340 = arith.constant 6 : i32
    %dma_start3A_1341 = tpu.memref_slice %arg3[%dma_start3A_1340, %multiple_of3A_1303] : memref<16x320000xf32, #tpu.memory_space<hbm>> -> memref<1x2560xf32, #tpu.memory_space<hbm>>
    %dma_start3A_1342 = tpu.memref_squeeze %dma_start3A_1341 : memref<1x2560xf32, #tpu.memory_space<hbm>> -> memref<2560xf32, #tpu.memory_space<hbm>>
    %dma_start3A_1343 = tpu.memref_slice %arg3[%dma_start3A_1340, %multiple_of3A_1303] : memref<16x320000xf32, #tpu.memory_space<hbm>> -> memref<1x2560xf32, #tpu.memory_space<hbm>>
    %dma_start3A_1344 = tpu.memref_squeeze %dma_start3A_1343 : memref<1x2560xf32, #tpu.memory_space<hbm>> -> memref<2560xf32, #tpu.memory_space<hbm>>
    tpu.enqueue_dma source(%dma_start3A_1344 : memref<2560xf32, #tpu.memory_space<hbm>>) target(%arg15 : memref<2560xf32, #tpu.memory_space<vmem>>) target_semaphore(%arg59 : memref<!tpu.dma_semaphore, #tpu.memory_space<semaphore_mem>>)
    %dma_start3A_1345 = arith.constant 7 : i32
    %dma_start3A_1346 = tpu.memref_slice %arg3[%dma_start3A_1345, %multiple_of3A_1303] : memref<16x320000xf32, #tpu.memory_space<hbm>> -> memref<1x2560xf32, #tpu.memory_space<hbm>>
    %dma_start3A_1347 = tpu.memref_squeeze %dma_start3A_1346 : memref<1x2560xf32, #tpu.memory_space<hbm>> -> memref<2560xf32, #tpu.memory_space<hbm>>
    %dma_start3A_1348 = tpu.memref_slice %arg3[%dma_start3A_1345, %multiple_of3A_1303] : memref<16x320000xf32, #tpu.memory_space<hbm>> -> memref<1x2560xf32, #tpu.memory_space<hbm>>
    %dma_start3A_1349 = tpu.memref_squeeze %dma_start3A_1348 : memref<1x2560xf32, #tpu.memory_space<hbm>> -> memref<2560xf32, #tpu.memory_space<hbm>>
    tpu.enqueue_dma source(%dma_start3A_1349 : memref<2560xf32, #tpu.memory_space<hbm>>) target(%arg16 : memref<2560xf32, #tpu.memory_space<vmem>>) target_semaphore(%arg59 : memref<!tpu.dma_semaphore, #tpu.memory_space<semaphore_mem>>)
    %dma_start3A_1350 = arith.constant 8 : i32
    %dma_start3A_1351 = tpu.memref_slice %arg3[%dma_start3A_1350, %multiple_of3A_1303] : memref<16x320000xf32, #tpu.memory_space<hbm>> -> memref<1x2560xf32, #tpu.memory_space<hbm>>
    %dma_start3A_1352 = tpu.memref_squeeze %dma_start3A_1351 : memref<1x2560xf32, #tpu.memory_space<hbm>> -> memref<2560xf32, #tpu.memory_space<hbm>>
    %dma_start3A_1353 = tpu.memref_slice %arg3[%dma_start3A_1350, %multiple_of3A_1303] : memref<16x320000xf32, #tpu.memory_space<hbm>> -> memref<1x2560xf32, #tpu.memory_space<hbm>>
    %dma_start3A_1354 = tpu.memref_squeeze %dma_start3A_1353 : memref<1x2560xf32, #tpu.memory_space<hbm>> -> memref<2560xf32, #tpu.memory_space<hbm>>
    tpu.enqueue_dma source(%dma_start3A_1354 : memref<2560xf32, #tpu.memory_space<hbm>>) target(%arg17 : memref<2560xf32, #tpu.memory_space<vmem>>) target_semaphore(%arg59 : memref<!tpu.dma_semaphore, #tpu.memory_space<semaphore_mem>>)
    %dma_start3A_1355 = arith.constant 9 : i32
    %dma_start3A_1356 = tpu.memref_slice %arg3[%dma_start3A_1355, %multiple_of3A_1303] : memref<16x320000xf32, #tpu.memory_space<hbm>> -> memref<1x2560xf32, #tpu.memory_space<hbm>>
    %dma_start3A_1357 = tpu.memref_squeeze %dma_start3A_1356 : memref<1x2560xf32, #tpu.memory_space<hbm>> -> memref<2560xf32, #tpu.memory_space<hbm>>
    %dma_start3A_1358 = tpu.memref_slice %arg3[%dma_start3A_1355, %multiple_of3A_1303] : memref<16x320000xf32, #tpu.memory_space<hbm>> -> memref<1x2560xf32, #tpu.memory_space<hbm>>
    %dma_start3A_1359 = tpu.memref_squeeze %dma_start3A_1358 : memref<1x2560xf32, #tpu.memory_space<hbm>> -> memref<2560xf32, #tpu.memory_space<hbm>>
    tpu.enqueue_dma source(%dma_start3A_1359 : memref<2560xf32, #tpu.memory_space<hbm>>) target(%arg18 : memref<2560xf32, #tpu.memory_space<vmem>>) target_semaphore(%arg59 : memref<!tpu.dma_semaphore, #tpu.memory_space<semaphore_mem>>)
    %dma_start3A_1360 = arith.constant 10 : i32
    %dma_start3A_1361 = tpu.memref_slice %arg3[%dma_start3A_1360, %multiple_of3A_1303] : memref<16x320000xf32, #tpu.memory_space<hbm>> -> memref<1x2560xf32, #tpu.memory_space<hbm>>
    %dma_start3A_1362 = tpu.memref_squeeze %dma_start3A_1361 : memref<1x2560xf32, #tpu.memory_space<hbm>> -> memref<2560xf32, #tpu.memory_space<hbm>>
    %dma_start3A_1363 = tpu.memref_slice %arg3[%dma_start3A_1360, %multiple_of3A_1303] : memref<16x320000xf32, #tpu.memory_space<hbm>> -> memref<1x2560xf32, #tpu.memory_space<hbm>>
    %dma_start3A_1364 = tpu.memref_squeeze %dma_start3A_1363 : memref<1x2560xf32, #tpu.memory_space<hbm>> -> memref<2560xf32, #tpu.memory_space<hbm>>
    tpu.enqueue_dma source(%dma_start3A_1364 : memref<2560xf32, #tpu.memory_space<hbm>>) target(%arg19 : memref<2560xf32, #tpu.memory_space<vmem>>) target_semaphore(%arg59 : memref<!tpu.dma_semaphore, #tpu.memory_space<semaphore_mem>>)
    %dma_start3A_1365 = arith.constant 11 : i32
    %dma_start3A_1366 = tpu.memref_slice %arg3[%dma_start3A_1365, %multiple_of3A_1303] : memref<16x320000xf32, #tpu.memory_space<hbm>> -> memref<1x2560xf32, #tpu.memory_space<hbm>>
    %dma_start3A_1367 = tpu.memref_squeeze %dma_start3A_1366 : memref<1x2560xf32, #tpu.memory_space<hbm>> -> memref<2560xf32, #tpu.memory_space<hbm>>
    %dma_start3A_1368 = tpu.memref_slice %arg3[%dma_start3A_1365, %multiple_of3A_1303] : memref<16x320000xf32, #tpu.memory_space<hbm>> -> memref<1x2560xf32, #tpu.memory_space<hbm>>
    %dma_start3A_1369 = tpu.memref_squeeze %dma_start3A_1368 : memref<1x2560xf32, #tpu.memory_space<hbm>> -> memref<2560xf32, #tpu.memory_space<hbm>>
    tpu.enqueue_dma source(%dma_start3A_1369 : memref<2560xf32, #tpu.memory_space<hbm>>) target(%arg20 : memref<2560xf32, #tpu.memory_space<vmem>>) target_semaphore(%arg59 : memref<!tpu.dma_semaphore, #tpu.memory_space<semaphore_mem>>)
    %dma_start3A_1370 = arith.constant 12 : i32
    %dma_start3A_1371 = tpu.memref_slice %arg3[%dma_start3A_1370, %multiple_of3A_1303] : memref<16x320000xf32, #tpu.memory_space<hbm>> -> memref<1x2560xf32, #tpu.memory_space<hbm>>
    %dma_start3A_1372 = tpu.memref_squeeze %dma_start3A_1371 : memref<1x2560xf32, #tpu.memory_space<hbm>> -> memref<2560xf32, #tpu.memory_space<hbm>>
    %dma_start3A_1373 = tpu.memref_slice %arg3[%dma_start3A_1370, %multiple_of3A_1303] : memref<16x320000xf32, #tpu.memory_space<hbm>> -> memref<1x2560xf32, #tpu.memory_space<hbm>>
    %dma_start3A_1374 = tpu.memref_squeeze %dma_start3A_1373 : memref<1x2560xf32, #tpu.memory_space<hbm>> -> memref<2560xf32, #tpu.memory_space<hbm>>
    tpu.enqueue_dma source(%dma_start3A_1374 : memref<2560xf32, #tpu.memory_space<hbm>>) target(%arg21 : memref<2560xf32, #tpu.memory_space<vmem>>) target_semaphore(%arg59 : memref<!tpu.dma_semaphore, #tpu.memory_space<semaphore_mem>>)
    %dma_start3A_1375 = arith.constant 13 : i32
    %dma_start3A_1376 = tpu.memref_slice %arg3[%dma_start3A_1375, %multiple_of3A_1303] : memref<16x320000xf32, #tpu.memory_space<hbm>> -> memref<1x2560xf32, #tpu.memory_space<hbm>>
    %dma_start3A_1377 = tpu.memref_squeeze %dma_start3A_1376 : memref<1x2560xf32, #tpu.memory_space<hbm>> -> memref<2560xf32, #tpu.memory_space<hbm>>
    %dma_start3A_1378 = tpu.memref_slice %arg3[%dma_start3A_1375, %multiple_of3A_1303] : memref<16x320000xf32, #tpu.memory_space<hbm>> -> memref<1x2560xf32, #tpu.memory_space<hbm>>
    %dma_start3A_1379 = tpu.memref_squeeze %dma_start3A_1378 : memref<1x2560xf32, #tpu.memory_space<hbm>> -> memref<2560xf32, #tpu.memory_space<hbm>>
    tpu.enqueue_dma source(%dma_start3A_1379 : memref<2560xf32, #tpu.memory_space<hbm>>) target(%arg22 : memref<2560xf32, #tpu.memory_space<vmem>>) target_semaphore(%arg59 : memref<!tpu.dma_semaphore, #tpu.memory_space<semaphore_mem>>)
    %dma_start3A_1380 = arith.constant 14 : i32
    %dma_start3A_1381 = tpu.memref_slice %arg3[%dma_start3A_1380, %multiple_of3A_1303] : memref<16x320000xf32, #tpu.memory_space<hbm>> -> memref<1x2560xf32, #tpu.memory_space<hbm>>
    %dma_start3A_1382 = tpu.memref_squeeze %dma_start3A_1381 : memref<1x2560xf32, #tpu.memory_space<hbm>> -> memref<2560xf32, #tpu.memory_space<hbm>>
    %dma_start3A_1383 = tpu.memref_slice %arg3[%dma_start3A_1380, %multiple_of3A_1303] : memref<16x320000xf32, #tpu.memory_space<hbm>> -> memref<1x2560xf32, #tpu.memory_space<hbm>>
    %dma_start3A_1384 = tpu.memref_squeeze %dma_start3A_1383 : memref<1x2560xf32, #tpu.memory_space<hbm>> -> memref<2560xf32, #tpu.memory_space<hbm>>
    tpu.enqueue_dma source(%dma_start3A_1384 : memref<2560xf32, #tpu.memory_space<hbm>>) target(%arg23 : memref<2560xf32, #tpu.memory_space<vmem>>) target_semaphore(%arg59 : memref<!tpu.dma_semaphore, #tpu.memory_space<semaphore_mem>>)
    %dma_start3A_1385 = arith.constant 15 : i32
    %dma_start3A_1386 = tpu.memref_slice %arg3[%dma_start3A_1385, %multiple_of3A_1303] : memref<16x320000xf32, #tpu.memory_space<hbm>> -> memref<1x2560xf32, #tpu.memory_space<hbm>>
    %dma_start3A_1387 = tpu.memref_squeeze %dma_start3A_1386 : memref<1x2560xf32, #tpu.memory_space<hbm>> -> memref<2560xf32, #tpu.memory_space<hbm>>
    %dma_start3A_1388 = tpu.memref_slice %arg3[%dma_start3A_1385, %multiple_of3A_1303] : memref<16x320000xf32, #tpu.memory_space<hbm>> -> memref<1x2560xf32, #tpu.memory_space<hbm>>
    %dma_start3A_1389 = tpu.memref_squeeze %dma_start3A_1388 : memref<1x2560xf32, #tpu.memory_space<hbm>> -> memref<2560xf32, #tpu.memory_space<hbm>>
    tpu.enqueue_dma source(%dma_start3A_1389 : memref<2560xf32, #tpu.memory_space<hbm>>) target(%arg24 : memref<2560xf32, #tpu.memory_space<vmem>>) target_semaphore(%arg59 : memref<!tpu.dma_semaphore, #tpu.memory_space<semaphore_mem>>)
    %dma_wait3A_1390 = arith.constant 0 : i32
    %dma_wait3A_1391 = tpu.memref_slice %arg2[%add3A_1052, %dma_wait3A_1390] : memref<128x2560xi32, #tpu.memory_space<hbm>> -> memref<1x2560xi32, #tpu.memory_space<hbm>>
    %dma_wait3A_1392 = tpu.memref_squeeze %dma_wait3A_1391 : memref<1x2560xi32, #tpu.memory_space<hbm>> -> memref<2560xi32, #tpu.memory_space<hbm>>
    %dma_wait3A_1393 = arith.constant 0 : i32
    %dma_wait3A_1394 = tpu.memref_slice %arg2[%add3A_1052, %dma_wait3A_1393] : memref<128x2560xi32, #tpu.memory_space<hbm>> -> memref<1x2560xi32, #tpu.memory_space<hbm>>
    %dma_wait3A_1395 = tpu.memref_squeeze %dma_wait3A_1394 : memref<1x2560xi32, #tpu.memory_space<hbm>> -> memref<2560xi32, #tpu.memory_space<hbm>>
    tpu.wait_dma2 semaphore(%arg60 : memref<!tpu.dma_semaphore, #tpu.memory_space<semaphore_mem>>) src(%dma_wait3A_1395 : memref<2560xi32, #tpu.memory_space<hbm>>) dst(%arg8 : memref<2560xi32, #tpu.memory_space<vmem>>)
    %dma_wait3A_1396 = arith.constant 0 : i32
    %dma_wait3A_1397 = tpu.memref_slice %arg3[%dma_wait3A_1396, %multiple_of3A_1057] : memref<16x320000xf32, #tpu.memory_space<hbm>> -> memref<1x2560xf32, #tpu.memory_space<hbm>>
    %dma_wait3A_1398 = tpu.memref_squeeze %dma_wait3A_1397 : memref<1x2560xf32, #tpu.memory_space<hbm>> -> memref<2560xf32, #tpu.memory_space<hbm>>
    %dma_wait3A_1399 = tpu.memref_slice %arg3[%dma_wait3A_1396, %multiple_of3A_1057] : memref<16x320000xf32, #tpu.memory_space<hbm>> -> memref<1x2560xf32, #tpu.memory_space<hbm>>
    %dma_wait3A_1400 = tpu.memref_squeeze %dma_wait3A_1399 : memref<1x2560xf32, #tpu.memory_space<hbm>> -> memref<2560xf32, #tpu.memory_space<hbm>>
    tpu.wait_dma2 semaphore(%arg60 : memref<!tpu.dma_semaphore, #tpu.memory_space<semaphore_mem>>) src(%dma_wait3A_1400 : memref<2560xf32, #tpu.memory_space<hbm>>) dst(%arg25 : memref<2560xf32, #tpu.memory_space<vmem>>)
    %dma_wait3A_1401 = arith.constant 1 : i32
    %dma_wait3A_1402 = tpu.memref_slice %arg3[%dma_wait3A_1401, %multiple_of3A_1057] : memref<16x320000xf32, #tpu.memory_space<hbm>> -> memref<1x2560xf32, #tpu.memory_space<hbm>>
    %dma_wait3A_1403 = tpu.memref_squeeze %dma_wait3A_1402 : memref<1x2560xf32, #tpu.memory_space<hbm>> -> memref<2560xf32, #tpu.memory_space<hbm>>
    %dma_wait3A_1404 = tpu.memref_slice %arg3[%dma_wait3A_1401, %multiple_of3A_1057] : memref<16x320000xf32, #tpu.memory_space<hbm>> -> memref<1x2560xf32, #tpu.memory_space<hbm>>
    %dma_wait3A_1405 = tpu.memref_squeeze %dma_wait3A_1404 : memref<1x2560xf32, #tpu.memory_space<hbm>> -> memref<2560xf32, #tpu.memory_space<hbm>>
    tpu.wait_dma2 semaphore(%arg60 : memref<!tpu.dma_semaphore, #tpu.memory_space<semaphore_mem>>) src(%dma_wait3A_1405 : memref<2560xf32, #tpu.memory_space<hbm>>) dst(%arg26 : memref<2560xf32, #tpu.memory_space<vmem>>)
    %dma_wait3A_1406 = arith.constant 2 : i32
    %dma_wait3A_1407 = tpu.memref_slice %arg3[%dma_wait3A_1406, %multiple_of3A_1057] : memref<16x320000xf32, #tpu.memory_space<hbm>> -> memref<1x2560xf32, #tpu.memory_space<hbm>>
    %dma_wait3A_1408 = tpu.memref_squeeze %dma_wait3A_1407 : memref<1x2560xf32, #tpu.memory_space<hbm>> -> memref<2560xf32, #tpu.memory_space<hbm>>
    %dma_wait3A_1409 = tpu.memref_slice %arg3[%dma_wait3A_1406, %multiple_of3A_1057] : memref<16x320000xf32, #tpu.memory_space<hbm>> -> memref<1x2560xf32, #tpu.memory_space<hbm>>
    %dma_wait3A_1410 = tpu.memref_squeeze %dma_wait3A_1409 : memref<1x2560xf32, #tpu.memory_space<hbm>> -> memref<2560xf32, #tpu.memory_space<hbm>>
    tpu.wait_dma2 semaphore(%arg60 : memref<!tpu.dma_semaphore, #tpu.memory_space<semaphore_mem>>) src(%dma_wait3A_1410 : memref<2560xf32, #tpu.memory_space<hbm>>) dst(%arg27 : memref<2560xf32, #tpu.memory_space<vmem>>)
    %dma_wait3A_1411 = arith.constant 3 : i32
    %dma_wait3A_1412 = tpu.memref_slice %arg3[%dma_wait3A_1411, %multiple_of3A_1057] : memref<16x320000xf32, #tpu.memory_space<hbm>> -> memref<1x2560xf32, #tpu.memory_space<hbm>>
    %dma_wait3A_1413 = tpu.memref_squeeze %dma_wait3A_1412 : memref<1x2560xf32, #tpu.memory_space<hbm>> -> memref<2560xf32, #tpu.memory_space<hbm>>
    %dma_wait3A_1414 = tpu.memref_slice %arg3[%dma_wait3A_1411, %multiple_of3A_1057] : memref<16x320000xf32, #tpu.memory_space<hbm>> -> memref<1x2560xf32, #tpu.memory_space<hbm>>
    %dma_wait3A_1415 = tpu.memref_squeeze %dma_wait3A_1414 : memref<1x2560xf32, #tpu.memory_space<hbm>> -> memref<2560xf32, #tpu.memory_space<hbm>>
    tpu.wait_dma2 semaphore(%arg60 : memref<!tpu.dma_semaphore, #tpu.memory_space<semaphore_mem>>) src(%dma_wait3A_1415 : memref<2560xf32, #tpu.memory_space<hbm>>) dst(%arg28 : memref<2560xf32, #tpu.memory_space<vmem>>)
    %dma_wait3A_1416 = arith.constant 4 : i32
    %dma_wait3A_1417 = tpu.memref_slice %arg3[%dma_wait3A_1416, %multiple_of3A_1057] : memref<16x320000xf32, #tpu.memory_space<hbm>> -> memref<1x2560xf32, #tpu.memory_space<hbm>>
    %dma_wait3A_1418 = tpu.memref_squeeze %dma_wait3A_1417 : memref<1x2560xf32, #tpu.memory_space<hbm>> -> memref<2560xf32, #tpu.memory_space<hbm>>
    %dma_wait3A_1419 = tpu.memref_slice %arg3[%dma_wait3A_1416, %multiple_of3A_1057] : memref<16x320000xf32, #tpu.memory_space<hbm>> -> memref<1x2560xf32, #tpu.memory_space<hbm>>
    %dma_wait3A_1420 = tpu.memref_squeeze %dma_wait3A_1419 : memref<1x2560xf32, #tpu.memory_space<hbm>> -> memref<2560xf32, #tpu.memory_space<hbm>>
    tpu.wait_dma2 semaphore(%arg60 : memref<!tpu.dma_semaphore, #tpu.memory_space<semaphore_mem>>) src(%dma_wait3A_1420 : memref<2560xf32, #tpu.memory_space<hbm>>) dst(%arg29 : memref<2560xf32, #tpu.memory_space<vmem>>)
    %dma_wait3A_1421 = arith.constant 5 : i32
    %dma_wait3A_1422 = tpu.memref_slice %arg3[%dma_wait3A_1421, %multiple_of3A_1057] : memref<16x320000xf32, #tpu.memory_space<hbm>> -> memref<1x2560xf32, #tpu.memory_space<hbm>>
    %dma_wait3A_1423 = tpu.memref_squeeze %dma_wait3A_1422 : memref<1x2560xf32, #tpu.memory_space<hbm>> -> memref<2560xf32, #tpu.memory_space<hbm>>
    %dma_wait3A_1424 = tpu.memref_slice %arg3[%dma_wait3A_1421, %multiple_of3A_1057] : memref<16x320000xf32, #tpu.memory_space<hbm>> -> memref<1x2560xf32, #tpu.memory_space<hbm>>
    %dma_wait3A_1425 = tpu.memref_squeeze %dma_wait3A_1424 : memref<1x2560xf32, #tpu.memory_space<hbm>> -> memref<2560xf32, #tpu.memory_space<hbm>>
    tpu.wait_dma2 semaphore(%arg60 : memref<!tpu.dma_semaphore, #tpu.memory_space<semaphore_mem>>) src(%dma_wait3A_1425 : memref<2560xf32, #tpu.memory_space<hbm>>) dst(%arg30 : memref<2560xf32, #tpu.memory_space<vmem>>)
    %dma_wait3A_1426 = arith.constant 6 : i32
    %dma_wait3A_1427 = tpu.memref_slice %arg3[%dma_wait3A_1426, %multiple_of3A_1057] : memref<16x320000xf32, #tpu.memory_space<hbm>> -> memref<1x2560xf32, #tpu.memory_space<hbm>>
    %dma_wait3A_1428 = tpu.memref_squeeze %dma_wait3A_1427 : memref<1x2560xf32, #tpu.memory_space<hbm>> -> memref<2560xf32, #tpu.memory_space<hbm>>
    %dma_wait3A_1429 = tpu.memref_slice %arg3[%dma_wait3A_1426, %multiple_of3A_1057] : memref<16x320000xf32, #tpu.memory_space<hbm>> -> memref<1x2560xf32, #tpu.memory_space<hbm>>
    %dma_wait3A_1430 = tpu.memref_squeeze %dma_wait3A_1429 : memref<1x2560xf32, #tpu.memory_space<hbm>> -> memref<2560xf32, #tpu.memory_space<hbm>>
    tpu.wait_dma2 semaphore(%arg60 : memref<!tpu.dma_semaphore, #tpu.memory_space<semaphore_mem>>) src(%dma_wait3A_1430 : memref<2560xf32, #tpu.memory_space<hbm>>) dst(%arg31 : memref<2560xf32, #tpu.memory_space<vmem>>)
    %dma_wait3A_1431 = arith.constant 7 : i32
    %dma_wait3A_1432 = tpu.memref_slice %arg3[%dma_wait3A_1431, %multiple_of3A_1057] : memref<16x320000xf32, #tpu.memory_space<hbm>> -> memref<1x2560xf32, #tpu.memory_space<hbm>>
    %dma_wait3A_1433 = tpu.memref_squeeze %dma_wait3A_1432 : memref<1x2560xf32, #tpu.memory_space<hbm>> -> memref<2560xf32, #tpu.memory_space<hbm>>
    %dma_wait3A_1434 = tpu.memref_slice %arg3[%dma_wait3A_1431, %multiple_of3A_1057] : memref<16x320000xf32, #tpu.memory_space<hbm>> -> memref<1x2560xf32, #tpu.memory_space<hbm>>
    %dma_wait3A_1435 = tpu.memref_squeeze %dma_wait3A_1434 : memref<1x2560xf32, #tpu.memory_space<hbm>> -> memref<2560xf32, #tpu.memory_space<hbm>>
    tpu.wait_dma2 semaphore(%arg60 : memref<!tpu.dma_semaphore, #tpu.memory_space<semaphore_mem>>) src(%dma_wait3A_1435 : memref<2560xf32, #tpu.memory_space<hbm>>) dst(%arg32 : memref<2560xf32, #tpu.memory_space<vmem>>)
    %dma_wait3A_1436 = arith.constant 8 : i32
    %dma_wait3A_1437 = tpu.memref_slice %arg3[%dma_wait3A_1436, %multiple_of3A_1057] : memref<16x320000xf32, #tpu.memory_space<hbm>> -> memref<1x2560xf32, #tpu.memory_space<hbm>>
    %dma_wait3A_1438 = tpu.memref_squeeze %dma_wait3A_1437 : memref<1x2560xf32, #tpu.memory_space<hbm>> -> memref<2560xf32, #tpu.memory_space<hbm>>
    %dma_wait3A_1439 = tpu.memref_slice %arg3[%dma_wait3A_1436, %multiple_of3A_1057] : memref<16x320000xf32, #tpu.memory_space<hbm>> -> memref<1x2560xf32, #tpu.memory_space<hbm>>
    %dma_wait3A_1440 = tpu.memref_squeeze %dma_wait3A_1439 : memref<1x2560xf32, #tpu.memory_space<hbm>> -> memref<2560xf32, #tpu.memory_space<hbm>>
    tpu.wait_dma2 semaphore(%arg60 : memref<!tpu.dma_semaphore, #tpu.memory_space<semaphore_mem>>) src(%dma_wait3A_1440 : memref<2560xf32, #tpu.memory_space<hbm>>) dst(%arg33 : memref<2560xf32, #tpu.memory_space<vmem>>)
    %dma_wait3A_1441 = arith.constant 9 : i32
    %dma_wait3A_1442 = tpu.memref_slice %arg3[%dma_wait3A_1441, %multiple_of3A_1057] : memref<16x320000xf32, #tpu.memory_space<hbm>> -> memref<1x2560xf32, #tpu.memory_space<hbm>>
    %dma_wait3A_1443 = tpu.memref_squeeze %dma_wait3A_1442 : memref<1x2560xf32, #tpu.memory_space<hbm>> -> memref<2560xf32, #tpu.memory_space<hbm>>
    %dma_wait3A_1444 = tpu.memref_slice %arg3[%dma_wait3A_1441, %multiple_of3A_1057] : memref<16x320000xf32, #tpu.memory_space<hbm>> -> memref<1x2560xf32, #tpu.memory_space<hbm>>
    %dma_wait3A_1445 = tpu.memref_squeeze %dma_wait3A_1444 : memref<1x2560xf32, #tpu.memory_space<hbm>> -> memref<2560xf32, #tpu.memory_space<hbm>>
    tpu.wait_dma2 semaphore(%arg60 : memref<!tpu.dma_semaphore, #tpu.memory_space<semaphore_mem>>) src(%dma_wait3A_1445 : memref<2560xf32, #tpu.memory_space<hbm>>) dst(%arg34 : memref<2560xf32, #tpu.memory_space<vmem>>)
    %dma_wait3A_1446 = arith.constant 10 : i32
    %dma_wait3A_1447 = tpu.memref_slice %arg3[%dma_wait3A_1446, %multiple_of3A_1057] : memref<16x320000xf32, #tpu.memory_space<hbm>> -> memref<1x2560xf32, #tpu.memory_space<hbm>>
    %dma_wait3A_1448 = tpu.memref_squeeze %dma_wait3A_1447 : memref<1x2560xf32, #tpu.memory_space<hbm>> -> memref<2560xf32, #tpu.memory_space<hbm>>
    %dma_wait3A_1449 = tpu.memref_slice %arg3[%dma_wait3A_1446, %multiple_of3A_1057] : memref<16x320000xf32, #tpu.memory_space<hbm>> -> memref<1x2560xf32, #tpu.memory_space<hbm>>
    %dma_wait3A_1450 = tpu.memref_squeeze %dma_wait3A_1449 : memref<1x2560xf32, #tpu.memory_space<hbm>> -> memref<2560xf32, #tpu.memory_space<hbm>>
    tpu.wait_dma2 semaphore(%arg60 : memref<!tpu.dma_semaphore, #tpu.memory_space<semaphore_mem>>) src(%dma_wait3A_1450 : memref<2560xf32, #tpu.memory_space<hbm>>) dst(%arg35 : memref<2560xf32, #tpu.memory_space<vmem>>)
    %dma_wait3A_1451 = arith.constant 11 : i32
    %dma_wait3A_1452 = tpu.memref_slice %arg3[%dma_wait3A_1451, %multiple_of3A_1057] : memref<16x320000xf32, #tpu.memory_space<hbm>> -> memref<1x2560xf32, #tpu.memory_space<hbm>>
    %dma_wait3A_1453 = tpu.memref_squeeze %dma_wait3A_1452 : memref<1x2560xf32, #tpu.memory_space<hbm>> -> memref<2560xf32, #tpu.memory_space<hbm>>
    %dma_wait3A_1454 = tpu.memref_slice %arg3[%dma_wait3A_1451, %multiple_of3A_1057] : memref<16x320000xf32, #tpu.memory_space<hbm>> -> memref<1x2560xf32, #tpu.memory_space<hbm>>
    %dma_wait3A_1455 = tpu.memref_squeeze %dma_wait3A_1454 : memref<1x2560xf32, #tpu.memory_space<hbm>> -> memref<2560xf32, #tpu.memory_space<hbm>>
    tpu.wait_dma2 semaphore(%arg60 : memref<!tpu.dma_semaphore, #tpu.memory_space<semaphore_mem>>) src(%dma_wait3A_1455 : memref<2560xf32, #tpu.memory_space<hbm>>) dst(%arg36 : memref<2560xf32, #tpu.memory_space<vmem>>)
    %dma_wait3A_1456 = arith.constant 12 : i32
    %dma_wait3A_1457 = tpu.memref_slice %arg3[%dma_wait3A_1456, %multiple_of3A_1057] : memref<16x320000xf32, #tpu.memory_space<hbm>> -> memref<1x2560xf32, #tpu.memory_space<hbm>>
    %dma_wait3A_1458 = tpu.memref_squeeze %dma_wait3A_1457 : memref<1x2560xf32, #tpu.memory_space<hbm>> -> memref<2560xf32, #tpu.memory_space<hbm>>
    %dma_wait3A_1459 = tpu.memref_slice %arg3[%dma_wait3A_1456, %multiple_of3A_1057] : memref<16x320000xf32, #tpu.memory_space<hbm>> -> memref<1x2560xf32, #tpu.memory_space<hbm>>
    %dma_wait3A_1460 = tpu.memref_squeeze %dma_wait3A_1459 : memref<1x2560xf32, #tpu.memory_space<hbm>> -> memref<2560xf32, #tpu.memory_space<hbm>>
    tpu.wait_dma2 semaphore(%arg60 : memref<!tpu.dma_semaphore, #tpu.memory_space<semaphore_mem>>) src(%dma_wait3A_1460 : memref<2560xf32, #tpu.memory_space<hbm>>) dst(%arg37 : memref<2560xf32, #tpu.memory_space<vmem>>)
    %dma_wait3A_1461 = arith.constant 13 : i32
    %dma_wait3A_1462 = tpu.memref_slice %arg3[%dma_wait3A_1461, %multiple_of3A_1057] : memref<16x320000xf32, #tpu.memory_space<hbm>> -> memref<1x2560xf32, #tpu.memory_space<hbm>>
    %dma_wait3A_1463 = tpu.memref_squeeze %dma_wait3A_1462 : memref<1x2560xf32, #tpu.memory_space<hbm>> -> memref<2560xf32, #tpu.memory_space<hbm>>
    %dma_wait3A_1464 = tpu.memref_slice %arg3[%dma_wait3A_1461, %multiple_of3A_1057] : memref<16x320000xf32, #tpu.memory_space<hbm>> -> memref<1x2560xf32, #tpu.memory_space<hbm>>
    %dma_wait3A_1465 = tpu.memref_squeeze %dma_wait3A_1464 : memref<1x2560xf32, #tpu.memory_space<hbm>> -> memref<2560xf32, #tpu.memory_space<hbm>>
    tpu.wait_dma2 semaphore(%arg60 : memref<!tpu.dma_semaphore, #tpu.memory_space<semaphore_mem>>) src(%dma_wait3A_1465 : memref<2560xf32, #tpu.memory_space<hbm>>) dst(%arg38 : memref<2560xf32, #tpu.memory_space<vmem>>)
    %dma_wait3A_1466 = arith.constant 14 : i32
    %dma_wait3A_1467 = tpu.memref_slice %arg3[%dma_wait3A_1466, %multiple_of3A_1057] : memref<16x320000xf32, #tpu.memory_space<hbm>> -> memref<1x2560xf32, #tpu.memory_space<hbm>>
    %dma_wait3A_1468 = tpu.memref_squeeze %dma_wait3A_1467 : memref<1x2560xf32, #tpu.memory_space<hbm>> -> memref<2560xf32, #tpu.memory_space<hbm>>
    %dma_wait3A_1469 = tpu.memref_slice %arg3[%dma_wait3A_1466, %multiple_of3A_1057] : memref<16x320000xf32, #tpu.memory_space<hbm>> -> memref<1x2560xf32, #tpu.memory_space<hbm>>
    %dma_wait3A_1470 = tpu.memref_squeeze %dma_wait3A_1469 : memref<1x2560xf32, #tpu.memory_space<hbm>> -> memref<2560xf32, #tpu.memory_space<hbm>>
    tpu.wait_dma2 semaphore(%arg60 : memref<!tpu.dma_semaphore, #tpu.memory_space<semaphore_mem>>) src(%dma_wait3A_1470 : memref<2560xf32, #tpu.memory_space<hbm>>) dst(%arg39 : memref<2560xf32, #tpu.memory_space<vmem>>)
    %dma_wait3A_1471 = arith.constant 15 : i32
    %dma_wait3A_1472 = tpu.memref_slice %arg3[%dma_wait3A_1471, %multiple_of3A_1057] : memref<16x320000xf32, #tpu.memory_space<hbm>> -> memref<1x2560xf32, #tpu.memory_space<hbm>>
    %dma_wait3A_1473 = tpu.memref_squeeze %dma_wait3A_1472 : memref<1x2560xf32, #tpu.memory_space<hbm>> -> memref<2560xf32, #tpu.memory_space<hbm>>
    %dma_wait3A_1474 = tpu.memref_slice %arg3[%dma_wait3A_1471, %multiple_of3A_1057] : memref<16x320000xf32, #tpu.memory_space<hbm>> -> memref<1x2560xf32, #tpu.memory_space<hbm>>
    %dma_wait3A_1475 = tpu.memref_squeeze %dma_wait3A_1474 : memref<1x2560xf32, #tpu.memory_space<hbm>> -> memref<2560xf32, #tpu.memory_space<hbm>>
    tpu.wait_dma2 semaphore(%arg60 : memref<!tpu.dma_semaphore, #tpu.memory_space<semaphore_mem>>) src(%dma_wait3A_1475 : memref<2560xf32, #tpu.memory_space<hbm>>) dst(%arg40 : memref<2560xf32, #tpu.memory_space<vmem>>)
    %dma_start3A_1476 = arith.constant 0 : i32
    %dma_start3A_1477 = tpu.memref_slice %arg42[%dma_start3A_1476] : memref<10128xf32, #tpu.memory_space<vmem_shared>> -> memref<10128xf32, #tpu.memory_space<vmem_shared>>
    tpu.enqueue_indirect_dma source(%arg25 : memref<2560xf32, #tpu.memory_space<vmem>>) target(%dma_start3A_1477 : memref<10128xf32, #tpu.memory_space<vmem_shared>>) offsets(%arg8 : memref<2560xi32, #tpu.memory_space<vmem>>) semaphore(%arg61 : memref<!tpu.dma_semaphore, #tpu.memory_space<semaphore_mem>>) {add = true}
    %dma_start3A_1478 = arith.constant 0 : i32
    %dma_start3A_1479 = tpu.memref_slice %arg43[%dma_start3A_1478] : memref<10128xf32, #tpu.memory_space<vmem_shared>> -> memref<10128xf32, #tpu.memory_space<vmem_shared>>
    tpu.enqueue_indirect_dma source(%arg26 : memref<2560xf32, #tpu.memory_space<vmem>>) target(%dma_start3A_1479 : memref<10128xf32, #tpu.memory_space<vmem_shared>>) offsets(%arg8 : memref<2560xi32, #tpu.memory_space<vmem>>) semaphore(%arg61 : memref<!tpu.dma_semaphore, #tpu.memory_space<semaphore_mem>>) {add = true}
    %dma_start3A_1480 = arith.constant 0 : i32
    %dma_start3A_1481 = tpu.memref_slice %arg44[%dma_start3A_1480] : memref<10128xf32, #tpu.memory_space<vmem_shared>> -> memref<10128xf32, #tpu.memory_space<vmem_shared>>
    tpu.enqueue_indirect_dma source(%arg27 : memref<2560xf32, #tpu.memory_space<vmem>>) target(%dma_start3A_1481 : memref<10128xf32, #tpu.memory_space<vmem_shared>>) offsets(%arg8 : memref<2560xi32, #tpu.memory_space<vmem>>) semaphore(%arg61 : memref<!tpu.dma_semaphore, #tpu.memory_space<semaphore_mem>>) {add = true}
    %dma_start3A_1482 = arith.constant 0 : i32
    %dma_start3A_1483 = tpu.memref_slice %arg45[%dma_start3A_1482] : memref<10128xf32, #tpu.memory_space<vmem_shared>> -> memref<10128xf32, #tpu.memory_space<vmem_shared>>
    tpu.enqueue_indirect_dma source(%arg28 : memref<2560xf32, #tpu.memory_space<vmem>>) target(%dma_start3A_1483 : memref<10128xf32, #tpu.memory_space<vmem_shared>>) offsets(%arg8 : memref<2560xi32, #tpu.memory_space<vmem>>) semaphore(%arg61 : memref<!tpu.dma_semaphore, #tpu.memory_space<semaphore_mem>>) {add = true}
    %dma_start3A_1484 = arith.constant 0 : i32
    %dma_start3A_1485 = tpu.memref_slice %arg46[%dma_start3A_1484] : memref<10128xf32, #tpu.memory_space<vmem_shared>> -> memref<10128xf32, #tpu.memory_space<vmem_shared>>
    tpu.enqueue_indirect_dma source(%arg29 : memref<2560xf32, #tpu.memory_space<vmem>>) target(%dma_start3A_1485 : memref<10128xf32, #tpu.memory_space<vmem_shared>>) offsets(%arg8 : memref<2560xi32, #tpu.memory_space<vmem>>) semaphore(%arg61 : memref<!tpu.dma_semaphore, #tpu.memory_space<semaphore_mem>>) {add = true}
    %dma_start3A_1486 = arith.constant 0 : i32
    %dma_start3A_1487 = tpu.memref_slice %arg47[%dma_start3A_1486] : memref<10128xf32, #tpu.memory_space<vmem_shared>> -> memref<10128xf32, #tpu.memory_space<vmem_shared>>
    tpu.enqueue_indirect_dma source(%arg30 : memref<2560xf32, #tpu.memory_space<vmem>>) target(%dma_start3A_1487 : memref<10128xf32, #tpu.memory_space<vmem_shared>>) offsets(%arg8 : memref<2560xi32, #tpu.memory_space<vmem>>) semaphore(%arg61 : memref<!tpu.dma_semaphore, #tpu.memory_space<semaphore_mem>>) {add = true}
    %dma_start3A_1488 = arith.constant 0 : i32
    %dma_start3A_1489 = tpu.memref_slice %arg48[%dma_start3A_1488] : memref<10128xf32, #tpu.memory_space<vmem_shared>> -> memref<10128xf32, #tpu.memory_space<vmem_shared>>
    tpu.enqueue_indirect_dma source(%arg31 : memref<2560xf32, #tpu.memory_space<vmem>>) target(%dma_start3A_1489 : memref<10128xf32, #tpu.memory_space<vmem_shared>>) offsets(%arg8 : memref<2560xi32, #tpu.memory_space<vmem>>) semaphore(%arg61 : memref<!tpu.dma_semaphore, #tpu.memory_space<semaphore_mem>>) {add = true}
    %dma_start3A_1490 = arith.constant 0 : i32
    %dma_start3A_1491 = tpu.memref_slice %arg49[%dma_start3A_1490] : memref<10128xf32, #tpu.memory_space<vmem_shared>> -> memref<10128xf32, #tpu.memory_space<vmem_shared>>
    tpu.enqueue_indirect_dma source(%arg32 : memref<2560xf32, #tpu.memory_space<vmem>>) target(%dma_start3A_1491 : memref<10128xf32, #tpu.memory_space<vmem_shared>>) offsets(%arg8 : memref<2560xi32, #tpu.memory_space<vmem>>) semaphore(%arg61 : memref<!tpu.dma_semaphore, #tpu.memory_space<semaphore_mem>>) {add = true}
    %dma_start3A_1492 = arith.constant 0 : i32
    %dma_start3A_1493 = tpu.memref_slice %arg50[%dma_start3A_1492] : memref<10128xf32, #tpu.memory_space<vmem_shared>> -> memref<10128xf32, #tpu.memory_space<vmem_shared>>
    tpu.enqueue_indirect_dma source(%arg33 : memref<2560xf32, #tpu.memory_space<vmem>>) target(%dma_start3A_1493 : memref<10128xf32, #tpu.memory_space<vmem_shared>>) offsets(%arg8 : memref<2560xi32, #tpu.memory_space<vmem>>) semaphore(%arg61 : memref<!tpu.dma_semaphore, #tpu.memory_space<semaphore_mem>>) {add = true}
    %dma_start3A_1494 = arith.constant 0 : i32
    %dma_start3A_1495 = tpu.memref_slice %arg51[%dma_start3A_1494] : memref<10128xf32, #tpu.memory_space<vmem_shared>> -> memref<10128xf32, #tpu.memory_space<vmem_shared>>
    tpu.enqueue_indirect_dma source(%arg34 : memref<2560xf32, #tpu.memory_space<vmem>>) target(%dma_start3A_1495 : memref<10128xf32, #tpu.memory_space<vmem_shared>>) offsets(%arg8 : memref<2560xi32, #tpu.memory_space<vmem>>) semaphore(%arg61 : memref<!tpu.dma_semaphore, #tpu.memory_space<semaphore_mem>>) {add = true}
    %dma_start3A_1496 = arith.constant 0 : i32
    %dma_start3A_1497 = tpu.memref_slice %arg52[%dma_start3A_1496] : memref<10128xf32, #tpu.memory_space<vmem_shared>> -> memref<10128xf32, #tpu.memory_space<vmem_shared>>
    tpu.enqueue_indirect_dma source(%arg35 : memref<2560xf32, #tpu.memory_space<vmem>>) target(%dma_start3A_1497 : memref<10128xf32, #tpu.memory_space<vmem_shared>>) offsets(%arg8 : memref<2560xi32, #tpu.memory_space<vmem>>) semaphore(%arg61 : memref<!tpu.dma_semaphore, #tpu.memory_space<semaphore_mem>>) {add = true}
    %dma_start3A_1498 = arith.constant 0 : i32
    %dma_start3A_1499 = tpu.memref_slice %arg53[%dma_start3A_1498] : memref<10128xf32, #tpu.memory_space<vmem_shared>> -> memref<10128xf32, #tpu.memory_space<vmem_shared>>
    tpu.enqueue_indirect_dma source(%arg36 : memref<2560xf32, #tpu.memory_space<vmem>>) target(%dma_start3A_1499 : memref<10128xf32, #tpu.memory_space<vmem_shared>>) offsets(%arg8 : memref<2560xi32, #tpu.memory_space<vmem>>) semaphore(%arg61 : memref<!tpu.dma_semaphore, #tpu.memory_space<semaphore_mem>>) {add = true}
    %dma_start3A_1500 = arith.constant 0 : i32
    %dma_start3A_1501 = tpu.memref_slice %arg54[%dma_start3A_1500] : memref<10128xf32, #tpu.memory_space<vmem_shared>> -> memref<10128xf32, #tpu.memory_space<vmem_shared>>
    tpu.enqueue_indirect_dma source(%arg37 : memref<2560xf32, #tpu.memory_space<vmem>>) target(%dma_start3A_1501 : memref<10128xf32, #tpu.memory_space<vmem_shared>>) offsets(%arg8 : memref<2560xi32, #tpu.memory_space<vmem>>) semaphore(%arg61 : memref<!tpu.dma_semaphore, #tpu.memory_space<semaphore_mem>>) {add = true}
    %dma_start3A_1502 = arith.constant 0 : i32
    %dma_start3A_1503 = tpu.memref_slice %arg55[%dma_start3A_1502] : memref<10128xf32, #tpu.memory_space<vmem_shared>> -> memref<10128xf32, #tpu.memory_space<vmem_shared>>
    tpu.enqueue_indirect_dma source(%arg38 : memref<2560xf32, #tpu.memory_space<vmem>>) target(%dma_start3A_1503 : memref<10128xf32, #tpu.memory_space<vmem_shared>>) offsets(%arg8 : memref<2560xi32, #tpu.memory_space<vmem>>) semaphore(%arg61 : memref<!tpu.dma_semaphore, #tpu.memory_space<semaphore_mem>>) {add = true}
    %dma_start3A_1504 = arith.constant 0 : i32
    %dma_start3A_1505 = tpu.memref_slice %arg56[%dma_start3A_1504] : memref<10128xf32, #tpu.memory_space<vmem_shared>> -> memref<10128xf32, #tpu.memory_space<vmem_shared>>
    tpu.enqueue_indirect_dma source(%arg39 : memref<2560xf32, #tpu.memory_space<vmem>>) target(%dma_start3A_1505 : memref<10128xf32, #tpu.memory_space<vmem_shared>>) offsets(%arg8 : memref<2560xi32, #tpu.memory_space<vmem>>) semaphore(%arg61 : memref<!tpu.dma_semaphore, #tpu.memory_space<semaphore_mem>>) {add = true}
    %dma_start3A_1506 = arith.constant 0 : i32
    %dma_start3A_1507 = tpu.memref_slice %arg57[%dma_start3A_1506] : memref<10128xf32, #tpu.memory_space<vmem_shared>> -> memref<10128xf32, #tpu.memory_space<vmem_shared>>
    tpu.enqueue_indirect_dma source(%arg40 : memref<2560xf32, #tpu.memory_space<vmem>>) target(%dma_start3A_1507 : memref<10128xf32, #tpu.memory_space<vmem_shared>>) offsets(%arg8 : memref<2560xi32, #tpu.memory_space<vmem>>) semaphore(%arg61 : memref<!tpu.dma_semaphore, #tpu.memory_space<semaphore_mem>>) {add = true}
    %dma_start3A_1508 = arith.constant 0 : i32
    %dma_start3A_1509 = tpu.memref_slice %arg58[%dma_start3A_1508] : memref<10128xf32, #tpu.memory_space<vmem_shared>> -> memref<10128xf32, #tpu.memory_space<vmem_shared>>
    tpu.enqueue_indirect_dma source(%arg41 : memref<2560xf32, #tpu.memory_space<vmem>>) target(%dma_start3A_1509 : memref<10128xf32, #tpu.memory_space<vmem_shared>>) offsets(%arg8 : memref<2560xi32, #tpu.memory_space<vmem>>) semaphore(%arg61 : memref<!tpu.dma_semaphore, #tpu.memory_space<semaphore_mem>>) {add = true}
    %dma_wait3A_1510 = arith.constant 0 : i32
    %dma_wait3A_1511 = tpu.memref_slice %arg42[%dma_wait3A_1510] : memref<10128xf32, #tpu.memory_space<vmem_shared>> -> memref<10128xf32, #tpu.memory_space<vmem_shared>>
    tpu.wait_indirect_dma semaphore(%arg61 : memref<!tpu.dma_semaphore, #tpu.memory_space<semaphore_mem>>) src(%arg25 : memref<2560xf32, #tpu.memory_space<vmem>>) dst(%dma_wait3A_1511 : memref<10128xf32, #tpu.memory_space<vmem_shared>>)
    %dma_wait3A_1512 = arith.constant 0 : i32
    %dma_wait3A_1513 = tpu.memref_slice %arg43[%dma_wait3A_1512] : memref<10128xf32, #tpu.memory_space<vmem_shared>> -> memref<10128xf32, #tpu.memory_space<vmem_shared>>
    tpu.wait_indirect_dma semaphore(%arg61 : memref<!tpu.dma_semaphore, #tpu.memory_space<semaphore_mem>>) src(%arg26 : memref<2560xf32, #tpu.memory_space<vmem>>) dst(%dma_wait3A_1513 : memref<10128xf32, #tpu.memory_space<vmem_shared>>)
    %dma_wait3A_1514 = arith.constant 0 : i32
    %dma_wait3A_1515 = tpu.memref_slice %arg44[%dma_wait3A_1514] : memref<10128xf32, #tpu.memory_space<vmem_shared>> -> memref<10128xf32, #tpu.memory_space<vmem_shared>>
    tpu.wait_indirect_dma semaphore(%arg61 : memref<!tpu.dma_semaphore, #tpu.memory_space<semaphore_mem>>) src(%arg27 : memref<2560xf32, #tpu.memory_space<vmem>>) dst(%dma_wait3A_1515 : memref<10128xf32, #tpu.memory_space<vmem_shared>>)
    %dma_wait3A_1516 = arith.constant 0 : i32
    %dma_wait3A_1517 = tpu.memref_slice %arg45[%dma_wait3A_1516] : memref<10128xf32, #tpu.memory_space<vmem_shared>> -> memref<10128xf32, #tpu.memory_space<vmem_shared>>
    tpu.wait_indirect_dma semaphore(%arg61 : memref<!tpu.dma_semaphore, #tpu.memory_space<semaphore_mem>>) src(%arg28 : memref<2560xf32, #tpu.memory_space<vmem>>) dst(%dma_wait3A_1517 : memref<10128xf32, #tpu.memory_space<vmem_shared>>)
    %dma_wait3A_1518 = arith.constant 0 : i32
    %dma_wait3A_1519 = tpu.memref_slice %arg46[%dma_wait3A_1518] : memref<10128xf32, #tpu.memory_space<vmem_shared>> -> memref<10128xf32, #tpu.memory_space<vmem_shared>>
    tpu.wait_indirect_dma semaphore(%arg61 : memref<!tpu.dma_semaphore, #tpu.memory_space<semaphore_mem>>) src(%arg29 : memref<2560xf32, #tpu.memory_space<vmem>>) dst(%dma_wait3A_1519 : memref<10128xf32, #tpu.memory_space<vmem_shared>>)
    %dma_wait3A_1520 = arith.constant 0 : i32
    %dma_wait3A_1521 = tpu.memref_slice %arg47[%dma_wait3A_1520] : memref<10128xf32, #tpu.memory_space<vmem_shared>> -> memref<10128xf32, #tpu.memory_space<vmem_shared>>
    tpu.wait_indirect_dma semaphore(%arg61 : memref<!tpu.dma_semaphore, #tpu.memory_space<semaphore_mem>>) src(%arg30 : memref<2560xf32, #tpu.memory_space<vmem>>) dst(%dma_wait3A_1521 : memref<10128xf32, #tpu.memory_space<vmem_shared>>)
    %dma_wait3A_1522 = arith.constant 0 : i32
    %dma_wait3A_1523 = tpu.memref_slice %arg48[%dma_wait3A_1522] : memref<10128xf32, #tpu.memory_space<vmem_shared>> -> memref<10128xf32, #tpu.memory_space<vmem_shared>>
    tpu.wait_indirect_dma semaphore(%arg61 : memref<!tpu.dma_semaphore, #tpu.memory_space<semaphore_mem>>) src(%arg31 : memref<2560xf32, #tpu.memory_space<vmem>>) dst(%dma_wait3A_1523 : memref<10128xf32, #tpu.memory_space<vmem_shared>>)
    %dma_wait3A_1524 = arith.constant 0 : i32
    %dma_wait3A_1525 = tpu.memref_slice %arg49[%dma_wait3A_1524] : memref<10128xf32, #tpu.memory_space<vmem_shared>> -> memref<10128xf32, #tpu.memory_space<vmem_shared>>
    tpu.wait_indirect_dma semaphore(%arg61 : memref<!tpu.dma_semaphore, #tpu.memory_space<semaphore_mem>>) src(%arg32 : memref<2560xf32, #tpu.memory_space<vmem>>) dst(%dma_wait3A_1525 : memref<10128xf32, #tpu.memory_space<vmem_shared>>)
    %dma_wait3A_1526 = arith.constant 0 : i32
    %dma_wait3A_1527 = tpu.memref_slice %arg50[%dma_wait3A_1526] : memref<10128xf32, #tpu.memory_space<vmem_shared>> -> memref<10128xf32, #tpu.memory_space<vmem_shared>>
    tpu.wait_indirect_dma semaphore(%arg61 : memref<!tpu.dma_semaphore, #tpu.memory_space<semaphore_mem>>) src(%arg33 : memref<2560xf32, #tpu.memory_space<vmem>>) dst(%dma_wait3A_1527 : memref<10128xf32, #tpu.memory_space<vmem_shared>>)
    %dma_wait3A_1528 = arith.constant 0 : i32
    %dma_wait3A_1529 = tpu.memref_slice %arg51[%dma_wait3A_1528] : memref<10128xf32, #tpu.memory_space<vmem_shared>> -> memref<10128xf32, #tpu.memory_space<vmem_shared>>
    tpu.wait_indirect_dma semaphore(%arg61 : memref<!tpu.dma_semaphore, #tpu.memory_space<semaphore_mem>>) src(%arg34 : memref<2560xf32, #tpu.memory_space<vmem>>) dst(%dma_wait3A_1529 : memref<10128xf32, #tpu.memory_space<vmem_shared>>)
    %dma_wait3A_1530 = arith.constant 0 : i32
    %dma_wait3A_1531 = tpu.memref_slice %arg52[%dma_wait3A_1530] : memref<10128xf32, #tpu.memory_space<vmem_shared>> -> memref<10128xf32, #tpu.memory_space<vmem_shared>>
    tpu.wait_indirect_dma semaphore(%arg61 : memref<!tpu.dma_semaphore, #tpu.memory_space<semaphore_mem>>) src(%arg35 : memref<2560xf32, #tpu.memory_space<vmem>>) dst(%dma_wait3A_1531 : memref<10128xf32, #tpu.memory_space<vmem_shared>>)
    %dma_wait3A_1532 = arith.constant 0 : i32
    %dma_wait3A_1533 = tpu.memref_slice %arg53[%dma_wait3A_1532] : memref<10128xf32, #tpu.memory_space<vmem_shared>> -> memref<10128xf32, #tpu.memory_space<vmem_shared>>
    tpu.wait_indirect_dma semaphore(%arg61 : memref<!tpu.dma_semaphore, #tpu.memory_space<semaphore_mem>>) src(%arg36 : memref<2560xf32, #tpu.memory_space<vmem>>) dst(%dma_wait3A_1533 : memref<10128xf32, #tpu.memory_space<vmem_shared>>)
    %dma_wait3A_1534 = arith.constant 0 : i32
    %dma_wait3A_1535 = tpu.memref_slice %arg54[%dma_wait3A_1534] : memref<10128xf32, #tpu.memory_space<vmem_shared>> -> memref<10128xf32, #tpu.memory_space<vmem_shared>>
    tpu.wait_indirect_dma semaphore(%arg61 : memref<!tpu.dma_semaphore, #tpu.memory_space<semaphore_mem>>) src(%arg37 : memref<2560xf32, #tpu.memory_space<vmem>>) dst(%dma_wait3A_1535 : memref<10128xf32, #tpu.memory_space<vmem_shared>>)
    %dma_wait3A_1536 = arith.constant 0 : i32
    %dma_wait3A_1537 = tpu.memref_slice %arg55[%dma_wait3A_1536] : memref<10128xf32, #tpu.memory_space<vmem_shared>> -> memref<10128xf32, #tpu.memory_space<vmem_shared>>
    tpu.wait_indirect_dma semaphore(%arg61 : memref<!tpu.dma_semaphore, #tpu.memory_space<semaphore_mem>>) src(%arg38 : memref<2560xf32, #tpu.memory_space<vmem>>) dst(%dma_wait3A_1537 : memref<10128xf32, #tpu.memory_space<vmem_shared>>)
    %dma_wait3A_1538 = arith.constant 0 : i32
    %dma_wait3A_1539 = tpu.memref_slice %arg56[%dma_wait3A_1538] : memref<10128xf32, #tpu.memory_space<vmem_shared>> -> memref<10128xf32, #tpu.memory_space<vmem_shared>>
    tpu.wait_indirect_dma semaphore(%arg61 : memref<!tpu.dma_semaphore, #tpu.memory_space<semaphore_mem>>) src(%arg39 : memref<2560xf32, #tpu.memory_space<vmem>>) dst(%dma_wait3A_1539 : memref<10128xf32, #tpu.memory_space<vmem_shared>>)
    %dma_wait3A_1540 = arith.constant 0 : i32
    %dma_wait3A_1541 = tpu.memref_slice %arg57[%dma_wait3A_1540] : memref<10128xf32, #tpu.memory_space<vmem_shared>> -> memref<10128xf32, #tpu.memory_space<vmem_shared>>
    tpu.wait_indirect_dma semaphore(%arg61 : memref<!tpu.dma_semaphore, #tpu.memory_space<semaphore_mem>>) src(%arg40 : memref<2560xf32, #tpu.memory_space<vmem>>) dst(%dma_wait3A_1541 : memref<10128xf32, #tpu.memory_space<vmem_shared>>)
    %dma_wait3A_1542 = arith.constant 0 : i32
    %dma_wait3A_1543 = tpu.memref_slice %arg58[%dma_wait3A_1542] : memref<10128xf32, #tpu.memory_space<vmem_shared>> -> memref<10128xf32, #tpu.memory_space<vmem_shared>>
    tpu.wait_indirect_dma semaphore(%arg61 : memref<!tpu.dma_semaphore, #tpu.memory_space<semaphore_mem>>) src(%arg41 : memref<2560xf32, #tpu.memory_space<vmem>>) dst(%dma_wait3A_1543 : memref<10128xf32, #tpu.memory_space<vmem_shared>>)
    %add3A_1544 = arith.constant 96 : i32
    %add3A_1545 = arith.addi %add3A, %add3A_1544 : i32
    %min3A_1546 = arith.constant 124 : i32
    %min3A_1547 = arith.minsi %add3A_1545, %min3A_1546 : i32
    %mul3A_1548 = arith.constant 2560 : i32
    %mul3A_1549 = arith.muli %min3A_1547, %mul3A_1548 : i32
    %multiple_of3A_1550 = tpu.assume_multiple %mul3A_1549, 128 : i32
    %dma_start3A_1551 = arith.constant 0 : i32
    %dma_start3A_1552 = tpu.memref_slice %arg2[%add3A_1545, %dma_start3A_1551] : memref<128x2560xi32, #tpu.memory_space<hbm>> -> memref<1x2560xi32, #tpu.memory_space<hbm>>
    %dma_start3A_1553 = tpu.memref_squeeze %dma_start3A_1552 : memref<1x2560xi32, #tpu.memory_space<hbm>> -> memref<2560xi32, #tpu.memory_space<hbm>>
    %dma_start3A_1554 = arith.constant 0 : i32
    %dma_start3A_1555 = tpu.memref_slice %arg2[%add3A_1545, %dma_start3A_1554] : memref<128x2560xi32, #tpu.memory_space<hbm>> -> memref<1x2560xi32, #tpu.memory_space<hbm>>
    %dma_start3A_1556 = tpu.memref_squeeze %dma_start3A_1555 : memref<1x2560xi32, #tpu.memory_space<hbm>> -> memref<2560xi32, #tpu.memory_space<hbm>>
    tpu.enqueue_dma source(%dma_start3A_1556 : memref<2560xi32, #tpu.memory_space<hbm>>) target(%arg8 : memref<2560xi32, #tpu.memory_space<vmem>>) target_semaphore(%arg60 : memref<!tpu.dma_semaphore, #tpu.memory_space<semaphore_mem>>)
    %dma_start3A_1557 = arith.constant 0 : i32
    %dma_start3A_1558 = tpu.memref_slice %arg3[%dma_start3A_1557, %multiple_of3A_1550] : memref<16x320000xf32, #tpu.memory_space<hbm>> -> memref<1x2560xf32, #tpu.memory_space<hbm>>
    %dma_start3A_1559 = tpu.memref_squeeze %dma_start3A_1558 : memref<1x2560xf32, #tpu.memory_space<hbm>> -> memref<2560xf32, #tpu.memory_space<hbm>>
    %dma_start3A_1560 = tpu.memref_slice %arg3[%dma_start3A_1557, %multiple_of3A_1550] : memref<16x320000xf32, #tpu.memory_space<hbm>> -> memref<1x2560xf32, #tpu.memory_space<hbm>>
    %dma_start3A_1561 = tpu.memref_squeeze %dma_start3A_1560 : memref<1x2560xf32, #tpu.memory_space<hbm>> -> memref<2560xf32, #tpu.memory_space<hbm>>
    tpu.enqueue_dma source(%dma_start3A_1561 : memref<2560xf32, #tpu.memory_space<hbm>>) target(%arg25 : memref<2560xf32, #tpu.memory_space<vmem>>) target_semaphore(%arg60 : memref<!tpu.dma_semaphore, #tpu.memory_space<semaphore_mem>>)
    %dma_start3A_1562 = arith.constant 1 : i32
    %dma_start3A_1563 = tpu.memref_slice %arg3[%dma_start3A_1562, %multiple_of3A_1550] : memref<16x320000xf32, #tpu.memory_space<hbm>> -> memref<1x2560xf32, #tpu.memory_space<hbm>>
    %dma_start3A_1564 = tpu.memref_squeeze %dma_start3A_1563 : memref<1x2560xf32, #tpu.memory_space<hbm>> -> memref<2560xf32, #tpu.memory_space<hbm>>
    %dma_start3A_1565 = tpu.memref_slice %arg3[%dma_start3A_1562, %multiple_of3A_1550] : memref<16x320000xf32, #tpu.memory_space<hbm>> -> memref<1x2560xf32, #tpu.memory_space<hbm>>
    %dma_start3A_1566 = tpu.memref_squeeze %dma_start3A_1565 : memref<1x2560xf32, #tpu.memory_space<hbm>> -> memref<2560xf32, #tpu.memory_space<hbm>>
    tpu.enqueue_dma source(%dma_start3A_1566 : memref<2560xf32, #tpu.memory_space<hbm>>) target(%arg26 : memref<2560xf32, #tpu.memory_space<vmem>>) target_semaphore(%arg60 : memref<!tpu.dma_semaphore, #tpu.memory_space<semaphore_mem>>)
    %dma_start3A_1567 = arith.constant 2 : i32
    %dma_start3A_1568 = tpu.memref_slice %arg3[%dma_start3A_1567, %multiple_of3A_1550] : memref<16x320000xf32, #tpu.memory_space<hbm>> -> memref<1x2560xf32, #tpu.memory_space<hbm>>
    %dma_start3A_1569 = tpu.memref_squeeze %dma_start3A_1568 : memref<1x2560xf32, #tpu.memory_space<hbm>> -> memref<2560xf32, #tpu.memory_space<hbm>>
    %dma_start3A_1570 = tpu.memref_slice %arg3[%dma_start3A_1567, %multiple_of3A_1550] : memref<16x320000xf32, #tpu.memory_space<hbm>> -> memref<1x2560xf32, #tpu.memory_space<hbm>>
    %dma_start3A_1571 = tpu.memref_squeeze %dma_start3A_1570 : memref<1x2560xf32, #tpu.memory_space<hbm>> -> memref<2560xf32, #tpu.memory_space<hbm>>
    tpu.enqueue_dma source(%dma_start3A_1571 : memref<2560xf32, #tpu.memory_space<hbm>>) target(%arg27 : memref<2560xf32, #tpu.memory_space<vmem>>) target_semaphore(%arg60 : memref<!tpu.dma_semaphore, #tpu.memory_space<semaphore_mem>>)
    %dma_start3A_1572 = arith.constant 3 : i32
    %dma_start3A_1573 = tpu.memref_slice %arg3[%dma_start3A_1572, %multiple_of3A_1550] : memref<16x320000xf32, #tpu.memory_space<hbm>> -> memref<1x2560xf32, #tpu.memory_space<hbm>>
    %dma_start3A_1574 = tpu.memref_squeeze %dma_start3A_1573 : memref<1x2560xf32, #tpu.memory_space<hbm>> -> memref<2560xf32, #tpu.memory_space<hbm>>
    %dma_start3A_1575 = tpu.memref_slice %arg3[%dma_start3A_1572, %multiple_of3A_1550] : memref<16x320000xf32, #tpu.memory_space<hbm>> -> memref<1x2560xf32, #tpu.memory_space<hbm>>
    %dma_start3A_1576 = tpu.memref_squeeze %dma_start3A_1575 : memref<1x2560xf32, #tpu.memory_space<hbm>> -> memref<2560xf32, #tpu.memory_space<hbm>>
    tpu.enqueue_dma source(%dma_start3A_1576 : memref<2560xf32, #tpu.memory_space<hbm>>) target(%arg28 : memref<2560xf32, #tpu.memory_space<vmem>>) target_semaphore(%arg60 : memref<!tpu.dma_semaphore, #tpu.memory_space<semaphore_mem>>)
    %dma_start3A_1577 = arith.constant 4 : i32
    %dma_start3A_1578 = tpu.memref_slice %arg3[%dma_start3A_1577, %multiple_of3A_1550] : memref<16x320000xf32, #tpu.memory_space<hbm>> -> memref<1x2560xf32, #tpu.memory_space<hbm>>
    %dma_start3A_1579 = tpu.memref_squeeze %dma_start3A_1578 : memref<1x2560xf32, #tpu.memory_space<hbm>> -> memref<2560xf32, #tpu.memory_space<hbm>>
    %dma_start3A_1580 = tpu.memref_slice %arg3[%dma_start3A_1577, %multiple_of3A_1550] : memref<16x320000xf32, #tpu.memory_space<hbm>> -> memref<1x2560xf32, #tpu.memory_space<hbm>>
    %dma_start3A_1581 = tpu.memref_squeeze %dma_start3A_1580 : memref<1x2560xf32, #tpu.memory_space<hbm>> -> memref<2560xf32, #tpu.memory_space<hbm>>
    tpu.enqueue_dma source(%dma_start3A_1581 : memref<2560xf32, #tpu.memory_space<hbm>>) target(%arg29 : memref<2560xf32, #tpu.memory_space<vmem>>) target_semaphore(%arg60 : memref<!tpu.dma_semaphore, #tpu.memory_space<semaphore_mem>>)
    %dma_start3A_1582 = arith.constant 5 : i32
    %dma_start3A_1583 = tpu.memref_slice %arg3[%dma_start3A_1582, %multiple_of3A_1550] : memref<16x320000xf32, #tpu.memory_space<hbm>> -> memref<1x2560xf32, #tpu.memory_space<hbm>>
    %dma_start3A_1584 = tpu.memref_squeeze %dma_start3A_1583 : memref<1x2560xf32, #tpu.memory_space<hbm>> -> memref<2560xf32, #tpu.memory_space<hbm>>
    %dma_start3A_1585 = tpu.memref_slice %arg3[%dma_start3A_1582, %multiple_of3A_1550] : memref<16x320000xf32, #tpu.memory_space<hbm>> -> memref<1x2560xf32, #tpu.memory_space<hbm>>
    %dma_start3A_1586 = tpu.memref_squeeze %dma_start3A_1585 : memref<1x2560xf32, #tpu.memory_space<hbm>> -> memref<2560xf32, #tpu.memory_space<hbm>>
    tpu.enqueue_dma source(%dma_start3A_1586 : memref<2560xf32, #tpu.memory_space<hbm>>) target(%arg30 : memref<2560xf32, #tpu.memory_space<vmem>>) target_semaphore(%arg60 : memref<!tpu.dma_semaphore, #tpu.memory_space<semaphore_mem>>)
    %dma_start3A_1587 = arith.constant 6 : i32
    %dma_start3A_1588 = tpu.memref_slice %arg3[%dma_start3A_1587, %multiple_of3A_1550] : memref<16x320000xf32, #tpu.memory_space<hbm>> -> memref<1x2560xf32, #tpu.memory_space<hbm>>
    %dma_start3A_1589 = tpu.memref_squeeze %dma_start3A_1588 : memref<1x2560xf32, #tpu.memory_space<hbm>> -> memref<2560xf32, #tpu.memory_space<hbm>>
    %dma_start3A_1590 = tpu.memref_slice %arg3[%dma_start3A_1587, %multiple_of3A_1550] : memref<16x320000xf32, #tpu.memory_space<hbm>> -> memref<1x2560xf32, #tpu.memory_space<hbm>>
    %dma_start3A_1591 = tpu.memref_squeeze %dma_start3A_1590 : memref<1x2560xf32, #tpu.memory_space<hbm>> -> memref<2560xf32, #tpu.memory_space<hbm>>
    tpu.enqueue_dma source(%dma_start3A_1591 : memref<2560xf32, #tpu.memory_space<hbm>>) target(%arg31 : memref<2560xf32, #tpu.memory_space<vmem>>) target_semaphore(%arg60 : memref<!tpu.dma_semaphore, #tpu.memory_space<semaphore_mem>>)
    %dma_start3A_1592 = arith.constant 7 : i32
    %dma_start3A_1593 = tpu.memref_slice %arg3[%dma_start3A_1592, %multiple_of3A_1550] : memref<16x320000xf32, #tpu.memory_space<hbm>> -> memref<1x2560xf32, #tpu.memory_space<hbm>>
    %dma_start3A_1594 = tpu.memref_squeeze %dma_start3A_1593 : memref<1x2560xf32, #tpu.memory_space<hbm>> -> memref<2560xf32, #tpu.memory_space<hbm>>
    %dma_start3A_1595 = tpu.memref_slice %arg3[%dma_start3A_1592, %multiple_of3A_1550] : memref<16x320000xf32, #tpu.memory_space<hbm>> -> memref<1x2560xf32, #tpu.memory_space<hbm>>
    %dma_start3A_1596 = tpu.memref_squeeze %dma_start3A_1595 : memref<1x2560xf32, #tpu.memory_space<hbm>> -> memref<2560xf32, #tpu.memory_space<hbm>>
    tpu.enqueue_dma source(%dma_start3A_1596 : memref<2560xf32, #tpu.memory_space<hbm>>) target(%arg32 : memref<2560xf32, #tpu.memory_space<vmem>>) target_semaphore(%arg60 : memref<!tpu.dma_semaphore, #tpu.memory_space<semaphore_mem>>)
    %dma_start3A_1597 = arith.constant 8 : i32
    %dma_start3A_1598 = tpu.memref_slice %arg3[%dma_start3A_1597, %multiple_of3A_1550] : memref<16x320000xf32, #tpu.memory_space<hbm>> -> memref<1x2560xf32, #tpu.memory_space<hbm>>
    %dma_start3A_1599 = tpu.memref_squeeze %dma_start3A_1598 : memref<1x2560xf32, #tpu.memory_space<hbm>> -> memref<2560xf32, #tpu.memory_space<hbm>>
    %dma_start3A_1600 = tpu.memref_slice %arg3[%dma_start3A_1597, %multiple_of3A_1550] : memref<16x320000xf32, #tpu.memory_space<hbm>> -> memref<1x2560xf32, #tpu.memory_space<hbm>>
    %dma_start3A_1601 = tpu.memref_squeeze %dma_start3A_1600 : memref<1x2560xf32, #tpu.memory_space<hbm>> -> memref<2560xf32, #tpu.memory_space<hbm>>
    tpu.enqueue_dma source(%dma_start3A_1601 : memref<2560xf32, #tpu.memory_space<hbm>>) target(%arg33 : memref<2560xf32, #tpu.memory_space<vmem>>) target_semaphore(%arg60 : memref<!tpu.dma_semaphore, #tpu.memory_space<semaphore_mem>>)
    %dma_start3A_1602 = arith.constant 9 : i32
    %dma_start3A_1603 = tpu.memref_slice %arg3[%dma_start3A_1602, %multiple_of3A_1550] : memref<16x320000xf32, #tpu.memory_space<hbm>> -> memref<1x2560xf32, #tpu.memory_space<hbm>>
    %dma_start3A_1604 = tpu.memref_squeeze %dma_start3A_1603 : memref<1x2560xf32, #tpu.memory_space<hbm>> -> memref<2560xf32, #tpu.memory_space<hbm>>
    %dma_start3A_1605 = tpu.memref_slice %arg3[%dma_start3A_1602, %multiple_of3A_1550] : memref<16x320000xf32, #tpu.memory_space<hbm>> -> memref<1x2560xf32, #tpu.memory_space<hbm>>
    %dma_start3A_1606 = tpu.memref_squeeze %dma_start3A_1605 : memref<1x2560xf32, #tpu.memory_space<hbm>> -> memref<2560xf32, #tpu.memory_space<hbm>>
    tpu.enqueue_dma source(%dma_start3A_1606 : memref<2560xf32, #tpu.memory_space<hbm>>) target(%arg34 : memref<2560xf32, #tpu.memory_space<vmem>>) target_semaphore(%arg60 : memref<!tpu.dma_semaphore, #tpu.memory_space<semaphore_mem>>)
    %dma_start3A_1607 = arith.constant 10 : i32
    %dma_start3A_1608 = tpu.memref_slice %arg3[%dma_start3A_1607, %multiple_of3A_1550] : memref<16x320000xf32, #tpu.memory_space<hbm>> -> memref<1x2560xf32, #tpu.memory_space<hbm>>
    %dma_start3A_1609 = tpu.memref_squeeze %dma_start3A_1608 : memref<1x2560xf32, #tpu.memory_space<hbm>> -> memref<2560xf32, #tpu.memory_space<hbm>>
    %dma_start3A_1610 = tpu.memref_slice %arg3[%dma_start3A_1607, %multiple_of3A_1550] : memref<16x320000xf32, #tpu.memory_space<hbm>> -> memref<1x2560xf32, #tpu.memory_space<hbm>>
    %dma_start3A_1611 = tpu.memref_squeeze %dma_start3A_1610 : memref<1x2560xf32, #tpu.memory_space<hbm>> -> memref<2560xf32, #tpu.memory_space<hbm>>
    tpu.enqueue_dma source(%dma_start3A_1611 : memref<2560xf32, #tpu.memory_space<hbm>>) target(%arg35 : memref<2560xf32, #tpu.memory_space<vmem>>) target_semaphore(%arg60 : memref<!tpu.dma_semaphore, #tpu.memory_space<semaphore_mem>>)
    %dma_start3A_1612 = arith.constant 11 : i32
    %dma_start3A_1613 = tpu.memref_slice %arg3[%dma_start3A_1612, %multiple_of3A_1550] : memref<16x320000xf32, #tpu.memory_space<hbm>> -> memref<1x2560xf32, #tpu.memory_space<hbm>>
    %dma_start3A_1614 = tpu.memref_squeeze %dma_start3A_1613 : memref<1x2560xf32, #tpu.memory_space<hbm>> -> memref<2560xf32, #tpu.memory_space<hbm>>
    %dma_start3A_1615 = tpu.memref_slice %arg3[%dma_start3A_1612, %multiple_of3A_1550] : memref<16x320000xf32, #tpu.memory_space<hbm>> -> memref<1x2560xf32, #tpu.memory_space<hbm>>
    %dma_start3A_1616 = tpu.memref_squeeze %dma_start3A_1615 : memref<1x2560xf32, #tpu.memory_space<hbm>> -> memref<2560xf32, #tpu.memory_space<hbm>>
    tpu.enqueue_dma source(%dma_start3A_1616 : memref<2560xf32, #tpu.memory_space<hbm>>) target(%arg36 : memref<2560xf32, #tpu.memory_space<vmem>>) target_semaphore(%arg60 : memref<!tpu.dma_semaphore, #tpu.memory_space<semaphore_mem>>)
    %dma_start3A_1617 = arith.constant 12 : i32
    %dma_start3A_1618 = tpu.memref_slice %arg3[%dma_start3A_1617, %multiple_of3A_1550] : memref<16x320000xf32, #tpu.memory_space<hbm>> -> memref<1x2560xf32, #tpu.memory_space<hbm>>
    %dma_start3A_1619 = tpu.memref_squeeze %dma_start3A_1618 : memref<1x2560xf32, #tpu.memory_space<hbm>> -> memref<2560xf32, #tpu.memory_space<hbm>>
    %dma_start3A_1620 = tpu.memref_slice %arg3[%dma_start3A_1617, %multiple_of3A_1550] : memref<16x320000xf32, #tpu.memory_space<hbm>> -> memref<1x2560xf32, #tpu.memory_space<hbm>>
    %dma_start3A_1621 = tpu.memref_squeeze %dma_start3A_1620 : memref<1x2560xf32, #tpu.memory_space<hbm>> -> memref<2560xf32, #tpu.memory_space<hbm>>
    tpu.enqueue_dma source(%dma_start3A_1621 : memref<2560xf32, #tpu.memory_space<hbm>>) target(%arg37 : memref<2560xf32, #tpu.memory_space<vmem>>) target_semaphore(%arg60 : memref<!tpu.dma_semaphore, #tpu.memory_space<semaphore_mem>>)
    %dma_start3A_1622 = arith.constant 13 : i32
    %dma_start3A_1623 = tpu.memref_slice %arg3[%dma_start3A_1622, %multiple_of3A_1550] : memref<16x320000xf32, #tpu.memory_space<hbm>> -> memref<1x2560xf32, #tpu.memory_space<hbm>>
    %dma_start3A_1624 = tpu.memref_squeeze %dma_start3A_1623 : memref<1x2560xf32, #tpu.memory_space<hbm>> -> memref<2560xf32, #tpu.memory_space<hbm>>
    %dma_start3A_1625 = tpu.memref_slice %arg3[%dma_start3A_1622, %multiple_of3A_1550] : memref<16x320000xf32, #tpu.memory_space<hbm>> -> memref<1x2560xf32, #tpu.memory_space<hbm>>
    %dma_start3A_1626 = tpu.memref_squeeze %dma_start3A_1625 : memref<1x2560xf32, #tpu.memory_space<hbm>> -> memref<2560xf32, #tpu.memory_space<hbm>>
    tpu.enqueue_dma source(%dma_start3A_1626 : memref<2560xf32, #tpu.memory_space<hbm>>) target(%arg38 : memref<2560xf32, #tpu.memory_space<vmem>>) target_semaphore(%arg60 : memref<!tpu.dma_semaphore, #tpu.memory_space<semaphore_mem>>)
    %dma_start3A_1627 = arith.constant 14 : i32
    %dma_start3A_1628 = tpu.memref_slice %arg3[%dma_start3A_1627, %multiple_of3A_1550] : memref<16x320000xf32, #tpu.memory_space<hbm>> -> memref<1x2560xf32, #tpu.memory_space<hbm>>
    %dma_start3A_1629 = tpu.memref_squeeze %dma_start3A_1628 : memref<1x2560xf32, #tpu.memory_space<hbm>> -> memref<2560xf32, #tpu.memory_space<hbm>>
    %dma_start3A_1630 = tpu.memref_slice %arg3[%dma_start3A_1627, %multiple_of3A_1550] : memref<16x320000xf32, #tpu.memory_space<hbm>> -> memref<1x2560xf32, #tpu.memory_space<hbm>>
    %dma_start3A_1631 = tpu.memref_squeeze %dma_start3A_1630 : memref<1x2560xf32, #tpu.memory_space<hbm>> -> memref<2560xf32, #tpu.memory_space<hbm>>
    tpu.enqueue_dma source(%dma_start3A_1631 : memref<2560xf32, #tpu.memory_space<hbm>>) target(%arg39 : memref<2560xf32, #tpu.memory_space<vmem>>) target_semaphore(%arg60 : memref<!tpu.dma_semaphore, #tpu.memory_space<semaphore_mem>>)
    %dma_start3A_1632 = arith.constant 15 : i32
    %dma_start3A_1633 = tpu.memref_slice %arg3[%dma_start3A_1632, %multiple_of3A_1550] : memref<16x320000xf32, #tpu.memory_space<hbm>> -> memref<1x2560xf32, #tpu.memory_space<hbm>>
    %dma_start3A_1634 = tpu.memref_squeeze %dma_start3A_1633 : memref<1x2560xf32, #tpu.memory_space<hbm>> -> memref<2560xf32, #tpu.memory_space<hbm>>
    %dma_start3A_1635 = tpu.memref_slice %arg3[%dma_start3A_1632, %multiple_of3A_1550] : memref<16x320000xf32, #tpu.memory_space<hbm>> -> memref<1x2560xf32, #tpu.memory_space<hbm>>
    %dma_start3A_1636 = tpu.memref_squeeze %dma_start3A_1635 : memref<1x2560xf32, #tpu.memory_space<hbm>> -> memref<2560xf32, #tpu.memory_space<hbm>>
    tpu.enqueue_dma source(%dma_start3A_1636 : memref<2560xf32, #tpu.memory_space<hbm>>) target(%arg40 : memref<2560xf32, #tpu.memory_space<vmem>>) target_semaphore(%arg60 : memref<!tpu.dma_semaphore, #tpu.memory_space<semaphore_mem>>)
    %dma_wait3A_1637 = arith.constant 0 : i32
    %dma_wait3A_1638 = tpu.memref_slice %arg2[%add3A_1298, %dma_wait3A_1637] : memref<128x2560xi32, #tpu.memory_space<hbm>> -> memref<1x2560xi32, #tpu.memory_space<hbm>>
    %dma_wait3A_1639 = tpu.memref_squeeze %dma_wait3A_1638 : memref<1x2560xi32, #tpu.memory_space<hbm>> -> memref<2560xi32, #tpu.memory_space<hbm>>
    %dma_wait3A_1640 = arith.constant 0 : i32
    %dma_wait3A_1641 = tpu.memref_slice %arg2[%add3A_1298, %dma_wait3A_1640] : memref<128x2560xi32, #tpu.memory_space<hbm>> -> memref<1x2560xi32, #tpu.memory_space<hbm>>
    %dma_wait3A_1642 = tpu.memref_squeeze %dma_wait3A_1641 : memref<1x2560xi32, #tpu.memory_space<hbm>> -> memref<2560xi32, #tpu.memory_space<hbm>>
    tpu.wait_dma2 semaphore(%arg59 : memref<!tpu.dma_semaphore, #tpu.memory_space<semaphore_mem>>) src(%dma_wait3A_1642 : memref<2560xi32, #tpu.memory_space<hbm>>) dst(%arg7 : memref<2560xi32, #tpu.memory_space<vmem>>)
    %dma_wait3A_1643 = arith.constant 0 : i32
    %dma_wait3A_1644 = tpu.memref_slice %arg3[%dma_wait3A_1643, %multiple_of3A_1303] : memref<16x320000xf32, #tpu.memory_space<hbm>> -> memref<1x2560xf32, #tpu.memory_space<hbm>>
    %dma_wait3A_1645 = tpu.memref_squeeze %dma_wait3A_1644 : memref<1x2560xf32, #tpu.memory_space<hbm>> -> memref<2560xf32, #tpu.memory_space<hbm>>
    %dma_wait3A_1646 = tpu.memref_slice %arg3[%dma_wait3A_1643, %multiple_of3A_1303] : memref<16x320000xf32, #tpu.memory_space<hbm>> -> memref<1x2560xf32, #tpu.memory_space<hbm>>
    %dma_wait3A_1647 = tpu.memref_squeeze %dma_wait3A_1646 : memref<1x2560xf32, #tpu.memory_space<hbm>> -> memref<2560xf32, #tpu.memory_space<hbm>>
    tpu.wait_dma2 semaphore(%arg59 : memref<!tpu.dma_semaphore, #tpu.memory_space<semaphore_mem>>) src(%dma_wait3A_1647 : memref<2560xf32, #tpu.memory_space<hbm>>) dst(%arg9 : memref<2560xf32, #tpu.memory_space<vmem>>)
    %dma_wait3A_1648 = arith.constant 1 : i32
    %dma_wait3A_1649 = tpu.memref_slice %arg3[%dma_wait3A_1648, %multiple_of3A_1303] : memref<16x320000xf32, #tpu.memory_space<hbm>> -> memref<1x2560xf32, #tpu.memory_space<hbm>>
    %dma_wait3A_1650 = tpu.memref_squeeze %dma_wait3A_1649 : memref<1x2560xf32, #tpu.memory_space<hbm>> -> memref<2560xf32, #tpu.memory_space<hbm>>
    %dma_wait3A_1651 = tpu.memref_slice %arg3[%dma_wait3A_1648, %multiple_of3A_1303] : memref<16x320000xf32, #tpu.memory_space<hbm>> -> memref<1x2560xf32, #tpu.memory_space<hbm>>
    %dma_wait3A_1652 = tpu.memref_squeeze %dma_wait3A_1651 : memref<1x2560xf32, #tpu.memory_space<hbm>> -> memref<2560xf32, #tpu.memory_space<hbm>>
    tpu.wait_dma2 semaphore(%arg59 : memref<!tpu.dma_semaphore, #tpu.memory_space<semaphore_mem>>) src(%dma_wait3A_1652 : memref<2560xf32, #tpu.memory_space<hbm>>) dst(%arg10 : memref<2560xf32, #tpu.memory_space<vmem>>)
    %dma_wait3A_1653 = arith.constant 2 : i32
    %dma_wait3A_1654 = tpu.memref_slice %arg3[%dma_wait3A_1653, %multiple_of3A_1303] : memref<16x320000xf32, #tpu.memory_space<hbm>> -> memref<1x2560xf32, #tpu.memory_space<hbm>>
    %dma_wait3A_1655 = tpu.memref_squeeze %dma_wait3A_1654 : memref<1x2560xf32, #tpu.memory_space<hbm>> -> memref<2560xf32, #tpu.memory_space<hbm>>
    %dma_wait3A_1656 = tpu.memref_slice %arg3[%dma_wait3A_1653, %multiple_of3A_1303] : memref<16x320000xf32, #tpu.memory_space<hbm>> -> memref<1x2560xf32, #tpu.memory_space<hbm>>
    %dma_wait3A_1657 = tpu.memref_squeeze %dma_wait3A_1656 : memref<1x2560xf32, #tpu.memory_space<hbm>> -> memref<2560xf32, #tpu.memory_space<hbm>>
    tpu.wait_dma2 semaphore(%arg59 : memref<!tpu.dma_semaphore, #tpu.memory_space<semaphore_mem>>) src(%dma_wait3A_1657 : memref<2560xf32, #tpu.memory_space<hbm>>) dst(%arg11 : memref<2560xf32, #tpu.memory_space<vmem>>)
    %dma_wait3A_1658 = arith.constant 3 : i32
    %dma_wait3A_1659 = tpu.memref_slice %arg3[%dma_wait3A_1658, %multiple_of3A_1303] : memref<16x320000xf32, #tpu.memory_space<hbm>> -> memref<1x2560xf32, #tpu.memory_space<hbm>>
    %dma_wait3A_1660 = tpu.memref_squeeze %dma_wait3A_1659 : memref<1x2560xf32, #tpu.memory_space<hbm>> -> memref<2560xf32, #tpu.memory_space<hbm>>
    %dma_wait3A_1661 = tpu.memref_slice %arg3[%dma_wait3A_1658, %multiple_of3A_1303] : memref<16x320000xf32, #tpu.memory_space<hbm>> -> memref<1x2560xf32, #tpu.memory_space<hbm>>
    %dma_wait3A_1662 = tpu.memref_squeeze %dma_wait3A_1661 : memref<1x2560xf32, #tpu.memory_space<hbm>> -> memref<2560xf32, #tpu.memory_space<hbm>>
    tpu.wait_dma2 semaphore(%arg59 : memref<!tpu.dma_semaphore, #tpu.memory_space<semaphore_mem>>) src(%dma_wait3A_1662 : memref<2560xf32, #tpu.memory_space<hbm>>) dst(%arg12 : memref<2560xf32, #tpu.memory_space<vmem>>)
    %dma_wait3A_1663 = arith.constant 4 : i32
    %dma_wait3A_1664 = tpu.memref_slice %arg3[%dma_wait3A_1663, %multiple_of3A_1303] : memref<16x320000xf32, #tpu.memory_space<hbm>> -> memref<1x2560xf32, #tpu.memory_space<hbm>>
    %dma_wait3A_1665 = tpu.memref_squeeze %dma_wait3A_1664 : memref<1x2560xf32, #tpu.memory_space<hbm>> -> memref<2560xf32, #tpu.memory_space<hbm>>
    %dma_wait3A_1666 = tpu.memref_slice %arg3[%dma_wait3A_1663, %multiple_of3A_1303] : memref<16x320000xf32, #tpu.memory_space<hbm>> -> memref<1x2560xf32, #tpu.memory_space<hbm>>
    %dma_wait3A_1667 = tpu.memref_squeeze %dma_wait3A_1666 : memref<1x2560xf32, #tpu.memory_space<hbm>> -> memref<2560xf32, #tpu.memory_space<hbm>>
    tpu.wait_dma2 semaphore(%arg59 : memref<!tpu.dma_semaphore, #tpu.memory_space<semaphore_mem>>) src(%dma_wait3A_1667 : memref<2560xf32, #tpu.memory_space<hbm>>) dst(%arg13 : memref<2560xf32, #tpu.memory_space<vmem>>)
    %dma_wait3A_1668 = arith.constant 5 : i32
    %dma_wait3A_1669 = tpu.memref_slice %arg3[%dma_wait3A_1668, %multiple_of3A_1303] : memref<16x320000xf32, #tpu.memory_space<hbm>> -> memref<1x2560xf32, #tpu.memory_space<hbm>>
    %dma_wait3A_1670 = tpu.memref_squeeze %dma_wait3A_1669 : memref<1x2560xf32, #tpu.memory_space<hbm>> -> memref<2560xf32, #tpu.memory_space<hbm>>
    %dma_wait3A_1671 = tpu.memref_slice %arg3[%dma_wait3A_1668, %multiple_of3A_1303] : memref<16x320000xf32, #tpu.memory_space<hbm>> -> memref<1x2560xf32, #tpu.memory_space<hbm>>
    %dma_wait3A_1672 = tpu.memref_squeeze %dma_wait3A_1671 : memref<1x2560xf32, #tpu.memory_space<hbm>> -> memref<2560xf32, #tpu.memory_space<hbm>>
    tpu.wait_dma2 semaphore(%arg59 : memref<!tpu.dma_semaphore, #tpu.memory_space<semaphore_mem>>) src(%dma_wait3A_1672 : memref<2560xf32, #tpu.memory_space<hbm>>) dst(%arg14 : memref<2560xf32, #tpu.memory_space<vmem>>)
    %dma_wait3A_1673 = arith.constant 6 : i32
    %dma_wait3A_1674 = tpu.memref_slice %arg3[%dma_wait3A_1673, %multiple_of3A_1303] : memref<16x320000xf32, #tpu.memory_space<hbm>> -> memref<1x2560xf32, #tpu.memory_space<hbm>>
    %dma_wait3A_1675 = tpu.memref_squeeze %dma_wait3A_1674 : memref<1x2560xf32, #tpu.memory_space<hbm>> -> memref<2560xf32, #tpu.memory_space<hbm>>
    %dma_wait3A_1676 = tpu.memref_slice %arg3[%dma_wait3A_1673, %multiple_of3A_1303] : memref<16x320000xf32, #tpu.memory_space<hbm>> -> memref<1x2560xf32, #tpu.memory_space<hbm>>
    %dma_wait3A_1677 = tpu.memref_squeeze %dma_wait3A_1676 : memref<1x2560xf32, #tpu.memory_space<hbm>> -> memref<2560xf32, #tpu.memory_space<hbm>>
    tpu.wait_dma2 semaphore(%arg59 : memref<!tpu.dma_semaphore, #tpu.memory_space<semaphore_mem>>) src(%dma_wait3A_1677 : memref<2560xf32, #tpu.memory_space<hbm>>) dst(%arg15 : memref<2560xf32, #tpu.memory_space<vmem>>)
    %dma_wait3A_1678 = arith.constant 7 : i32
    %dma_wait3A_1679 = tpu.memref_slice %arg3[%dma_wait3A_1678, %multiple_of3A_1303] : memref<16x320000xf32, #tpu.memory_space<hbm>> -> memref<1x2560xf32, #tpu.memory_space<hbm>>
    %dma_wait3A_1680 = tpu.memref_squeeze %dma_wait3A_1679 : memref<1x2560xf32, #tpu.memory_space<hbm>> -> memref<2560xf32, #tpu.memory_space<hbm>>
    %dma_wait3A_1681 = tpu.memref_slice %arg3[%dma_wait3A_1678, %multiple_of3A_1303] : memref<16x320000xf32, #tpu.memory_space<hbm>> -> memref<1x2560xf32, #tpu.memory_space<hbm>>
    %dma_wait3A_1682 = tpu.memref_squeeze %dma_wait3A_1681 : memref<1x2560xf32, #tpu.memory_space<hbm>> -> memref<2560xf32, #tpu.memory_space<hbm>>
    tpu.wait_dma2 semaphore(%arg59 : memref<!tpu.dma_semaphore, #tpu.memory_space<semaphore_mem>>) src(%dma_wait3A_1682 : memref<2560xf32, #tpu.memory_space<hbm>>) dst(%arg16 : memref<2560xf32, #tpu.memory_space<vmem>>)
    %dma_wait3A_1683 = arith.constant 8 : i32
    %dma_wait3A_1684 = tpu.memref_slice %arg3[%dma_wait3A_1683, %multiple_of3A_1303] : memref<16x320000xf32, #tpu.memory_space<hbm>> -> memref<1x2560xf32, #tpu.memory_space<hbm>>
    %dma_wait3A_1685 = tpu.memref_squeeze %dma_wait3A_1684 : memref<1x2560xf32, #tpu.memory_space<hbm>> -> memref<2560xf32, #tpu.memory_space<hbm>>
    %dma_wait3A_1686 = tpu.memref_slice %arg3[%dma_wait3A_1683, %multiple_of3A_1303] : memref<16x320000xf32, #tpu.memory_space<hbm>> -> memref<1x2560xf32, #tpu.memory_space<hbm>>
    %dma_wait3A_1687 = tpu.memref_squeeze %dma_wait3A_1686 : memref<1x2560xf32, #tpu.memory_space<hbm>> -> memref<2560xf32, #tpu.memory_space<hbm>>
    tpu.wait_dma2 semaphore(%arg59 : memref<!tpu.dma_semaphore, #tpu.memory_space<semaphore_mem>>) src(%dma_wait3A_1687 : memref<2560xf32, #tpu.memory_space<hbm>>) dst(%arg17 : memref<2560xf32, #tpu.memory_space<vmem>>)
    %dma_wait3A_1688 = arith.constant 9 : i32
    %dma_wait3A_1689 = tpu.memref_slice %arg3[%dma_wait3A_1688, %multiple_of3A_1303] : memref<16x320000xf32, #tpu.memory_space<hbm>> -> memref<1x2560xf32, #tpu.memory_space<hbm>>
    %dma_wait3A_1690 = tpu.memref_squeeze %dma_wait3A_1689 : memref<1x2560xf32, #tpu.memory_space<hbm>> -> memref<2560xf32, #tpu.memory_space<hbm>>
    %dma_wait3A_1691 = tpu.memref_slice %arg3[%dma_wait3A_1688, %multiple_of3A_1303] : memref<16x320000xf32, #tpu.memory_space<hbm>> -> memref<1x2560xf32, #tpu.memory_space<hbm>>
    %dma_wait3A_1692 = tpu.memref_squeeze %dma_wait3A_1691 : memref<1x2560xf32, #tpu.memory_space<hbm>> -> memref<2560xf32, #tpu.memory_space<hbm>>
    tpu.wait_dma2 semaphore(%arg59 : memref<!tpu.dma_semaphore, #tpu.memory_space<semaphore_mem>>) src(%dma_wait3A_1692 : memref<2560xf32, #tpu.memory_space<hbm>>) dst(%arg18 : memref<2560xf32, #tpu.memory_space<vmem>>)
    %dma_wait3A_1693 = arith.constant 10 : i32
    %dma_wait3A_1694 = tpu.memref_slice %arg3[%dma_wait3A_1693, %multiple_of3A_1303] : memref<16x320000xf32, #tpu.memory_space<hbm>> -> memref<1x2560xf32, #tpu.memory_space<hbm>>
    %dma_wait3A_1695 = tpu.memref_squeeze %dma_wait3A_1694 : memref<1x2560xf32, #tpu.memory_space<hbm>> -> memref<2560xf32, #tpu.memory_space<hbm>>
    %dma_wait3A_1696 = tpu.memref_slice %arg3[%dma_wait3A_1693, %multiple_of3A_1303] : memref<16x320000xf32, #tpu.memory_space<hbm>> -> memref<1x2560xf32, #tpu.memory_space<hbm>>
    %dma_wait3A_1697 = tpu.memref_squeeze %dma_wait3A_1696 : memref<1x2560xf32, #tpu.memory_space<hbm>> -> memref<2560xf32, #tpu.memory_space<hbm>>
    tpu.wait_dma2 semaphore(%arg59 : memref<!tpu.dma_semaphore, #tpu.memory_space<semaphore_mem>>) src(%dma_wait3A_1697 : memref<2560xf32, #tpu.memory_space<hbm>>) dst(%arg19 : memref<2560xf32, #tpu.memory_space<vmem>>)
    %dma_wait3A_1698 = arith.constant 11 : i32
    %dma_wait3A_1699 = tpu.memref_slice %arg3[%dma_wait3A_1698, %multiple_of3A_1303] : memref<16x320000xf32, #tpu.memory_space<hbm>> -> memref<1x2560xf32, #tpu.memory_space<hbm>>
    %dma_wait3A_1700 = tpu.memref_squeeze %dma_wait3A_1699 : memref<1x2560xf32, #tpu.memory_space<hbm>> -> memref<2560xf32, #tpu.memory_space<hbm>>
    %dma_wait3A_1701 = tpu.memref_slice %arg3[%dma_wait3A_1698, %multiple_of3A_1303] : memref<16x320000xf32, #tpu.memory_space<hbm>> -> memref<1x2560xf32, #tpu.memory_space<hbm>>
    %dma_wait3A_1702 = tpu.memref_squeeze %dma_wait3A_1701 : memref<1x2560xf32, #tpu.memory_space<hbm>> -> memref<2560xf32, #tpu.memory_space<hbm>>
    tpu.wait_dma2 semaphore(%arg59 : memref<!tpu.dma_semaphore, #tpu.memory_space<semaphore_mem>>) src(%dma_wait3A_1702 : memref<2560xf32, #tpu.memory_space<hbm>>) dst(%arg20 : memref<2560xf32, #tpu.memory_space<vmem>>)
    %dma_wait3A_1703 = arith.constant 12 : i32
    %dma_wait3A_1704 = tpu.memref_slice %arg3[%dma_wait3A_1703, %multiple_of3A_1303] : memref<16x320000xf32, #tpu.memory_space<hbm>> -> memref<1x2560xf32, #tpu.memory_space<hbm>>
    %dma_wait3A_1705 = tpu.memref_squeeze %dma_wait3A_1704 : memref<1x2560xf32, #tpu.memory_space<hbm>> -> memref<2560xf32, #tpu.memory_space<hbm>>
    %dma_wait3A_1706 = tpu.memref_slice %arg3[%dma_wait3A_1703, %multiple_of3A_1303] : memref<16x320000xf32, #tpu.memory_space<hbm>> -> memref<1x2560xf32, #tpu.memory_space<hbm>>
    %dma_wait3A_1707 = tpu.memref_squeeze %dma_wait3A_1706 : memref<1x2560xf32, #tpu.memory_space<hbm>> -> memref<2560xf32, #tpu.memory_space<hbm>>
    tpu.wait_dma2 semaphore(%arg59 : memref<!tpu.dma_semaphore, #tpu.memory_space<semaphore_mem>>) src(%dma_wait3A_1707 : memref<2560xf32, #tpu.memory_space<hbm>>) dst(%arg21 : memref<2560xf32, #tpu.memory_space<vmem>>)
    %dma_wait3A_1708 = arith.constant 13 : i32
    %dma_wait3A_1709 = tpu.memref_slice %arg3[%dma_wait3A_1708, %multiple_of3A_1303] : memref<16x320000xf32, #tpu.memory_space<hbm>> -> memref<1x2560xf32, #tpu.memory_space<hbm>>
    %dma_wait3A_1710 = tpu.memref_squeeze %dma_wait3A_1709 : memref<1x2560xf32, #tpu.memory_space<hbm>> -> memref<2560xf32, #tpu.memory_space<hbm>>
    %dma_wait3A_1711 = tpu.memref_slice %arg3[%dma_wait3A_1708, %multiple_of3A_1303] : memref<16x320000xf32, #tpu.memory_space<hbm>> -> memref<1x2560xf32, #tpu.memory_space<hbm>>
    %dma_wait3A_1712 = tpu.memref_squeeze %dma_wait3A_1711 : memref<1x2560xf32, #tpu.memory_space<hbm>> -> memref<2560xf32, #tpu.memory_space<hbm>>
    tpu.wait_dma2 semaphore(%arg59 : memref<!tpu.dma_semaphore, #tpu.memory_space<semaphore_mem>>) src(%dma_wait3A_1712 : memref<2560xf32, #tpu.memory_space<hbm>>) dst(%arg22 : memref<2560xf32, #tpu.memory_space<vmem>>)
    %dma_wait3A_1713 = arith.constant 14 : i32
    %dma_wait3A_1714 = tpu.memref_slice %arg3[%dma_wait3A_1713, %multiple_of3A_1303] : memref<16x320000xf32, #tpu.memory_space<hbm>> -> memref<1x2560xf32, #tpu.memory_space<hbm>>
    %dma_wait3A_1715 = tpu.memref_squeeze %dma_wait3A_1714 : memref<1x2560xf32, #tpu.memory_space<hbm>> -> memref<2560xf32, #tpu.memory_space<hbm>>
    %dma_wait3A_1716 = tpu.memref_slice %arg3[%dma_wait3A_1713, %multiple_of3A_1303] : memref<16x320000xf32, #tpu.memory_space<hbm>> -> memref<1x2560xf32, #tpu.memory_space<hbm>>
    %dma_wait3A_1717 = tpu.memref_squeeze %dma_wait3A_1716 : memref<1x2560xf32, #tpu.memory_space<hbm>> -> memref<2560xf32, #tpu.memory_space<hbm>>
    tpu.wait_dma2 semaphore(%arg59 : memref<!tpu.dma_semaphore, #tpu.memory_space<semaphore_mem>>) src(%dma_wait3A_1717 : memref<2560xf32, #tpu.memory_space<hbm>>) dst(%arg23 : memref<2560xf32, #tpu.memory_space<vmem>>)
    %dma_wait3A_1718 = arith.constant 15 : i32
    %dma_wait3A_1719 = tpu.memref_slice %arg3[%dma_wait3A_1718, %multiple_of3A_1303] : memref<16x320000xf32, #tpu.memory_space<hbm>> -> memref<1x2560xf32, #tpu.memory_space<hbm>>
    %dma_wait3A_1720 = tpu.memref_squeeze %dma_wait3A_1719 : memref<1x2560xf32, #tpu.memory_space<hbm>> -> memref<2560xf32, #tpu.memory_space<hbm>>
    %dma_wait3A_1721 = tpu.memref_slice %arg3[%dma_wait3A_1718, %multiple_of3A_1303] : memref<16x320000xf32, #tpu.memory_space<hbm>> -> memref<1x2560xf32, #tpu.memory_space<hbm>>
    %dma_wait3A_1722 = tpu.memref_squeeze %dma_wait3A_1721 : memref<1x2560xf32, #tpu.memory_space<hbm>> -> memref<2560xf32, #tpu.memory_space<hbm>>
    tpu.wait_dma2 semaphore(%arg59 : memref<!tpu.dma_semaphore, #tpu.memory_space<semaphore_mem>>) src(%dma_wait3A_1722 : memref<2560xf32, #tpu.memory_space<hbm>>) dst(%arg24 : memref<2560xf32, #tpu.memory_space<vmem>>)
    %dma_start3A_1723 = arith.constant 0 : i32
    %dma_start3A_1724 = tpu.memref_slice %arg42[%dma_start3A_1723] : memref<10128xf32, #tpu.memory_space<vmem_shared>> -> memref<10128xf32, #tpu.memory_space<vmem_shared>>
    tpu.enqueue_indirect_dma source(%arg9 : memref<2560xf32, #tpu.memory_space<vmem>>) target(%dma_start3A_1724 : memref<10128xf32, #tpu.memory_space<vmem_shared>>) offsets(%arg7 : memref<2560xi32, #tpu.memory_space<vmem>>) semaphore(%arg61 : memref<!tpu.dma_semaphore, #tpu.memory_space<semaphore_mem>>) {add = true}
    %dma_start3A_1725 = arith.constant 0 : i32
    %dma_start3A_1726 = tpu.memref_slice %arg43[%dma_start3A_1725] : memref<10128xf32, #tpu.memory_space<vmem_shared>> -> memref<10128xf32, #tpu.memory_space<vmem_shared>>
    tpu.enqueue_indirect_dma source(%arg10 : memref<2560xf32, #tpu.memory_space<vmem>>) target(%dma_start3A_1726 : memref<10128xf32, #tpu.memory_space<vmem_shared>>) offsets(%arg7 : memref<2560xi32, #tpu.memory_space<vmem>>) semaphore(%arg61 : memref<!tpu.dma_semaphore, #tpu.memory_space<semaphore_mem>>) {add = true}
    %dma_start3A_1727 = arith.constant 0 : i32
    %dma_start3A_1728 = tpu.memref_slice %arg44[%dma_start3A_1727] : memref<10128xf32, #tpu.memory_space<vmem_shared>> -> memref<10128xf32, #tpu.memory_space<vmem_shared>>
    tpu.enqueue_indirect_dma source(%arg11 : memref<2560xf32, #tpu.memory_space<vmem>>) target(%dma_start3A_1728 : memref<10128xf32, #tpu.memory_space<vmem_shared>>) offsets(%arg7 : memref<2560xi32, #tpu.memory_space<vmem>>) semaphore(%arg61 : memref<!tpu.dma_semaphore, #tpu.memory_space<semaphore_mem>>) {add = true}
    %dma_start3A_1729 = arith.constant 0 : i32
    %dma_start3A_1730 = tpu.memref_slice %arg45[%dma_start3A_1729] : memref<10128xf32, #tpu.memory_space<vmem_shared>> -> memref<10128xf32, #tpu.memory_space<vmem_shared>>
    tpu.enqueue_indirect_dma source(%arg12 : memref<2560xf32, #tpu.memory_space<vmem>>) target(%dma_start3A_1730 : memref<10128xf32, #tpu.memory_space<vmem_shared>>) offsets(%arg7 : memref<2560xi32, #tpu.memory_space<vmem>>) semaphore(%arg61 : memref<!tpu.dma_semaphore, #tpu.memory_space<semaphore_mem>>) {add = true}
    %dma_start3A_1731 = arith.constant 0 : i32
    %dma_start3A_1732 = tpu.memref_slice %arg46[%dma_start3A_1731] : memref<10128xf32, #tpu.memory_space<vmem_shared>> -> memref<10128xf32, #tpu.memory_space<vmem_shared>>
    tpu.enqueue_indirect_dma source(%arg13 : memref<2560xf32, #tpu.memory_space<vmem>>) target(%dma_start3A_1732 : memref<10128xf32, #tpu.memory_space<vmem_shared>>) offsets(%arg7 : memref<2560xi32, #tpu.memory_space<vmem>>) semaphore(%arg61 : memref<!tpu.dma_semaphore, #tpu.memory_space<semaphore_mem>>) {add = true}
    %dma_start3A_1733 = arith.constant 0 : i32
    %dma_start3A_1734 = tpu.memref_slice %arg47[%dma_start3A_1733] : memref<10128xf32, #tpu.memory_space<vmem_shared>> -> memref<10128xf32, #tpu.memory_space<vmem_shared>>
    tpu.enqueue_indirect_dma source(%arg14 : memref<2560xf32, #tpu.memory_space<vmem>>) target(%dma_start3A_1734 : memref<10128xf32, #tpu.memory_space<vmem_shared>>) offsets(%arg7 : memref<2560xi32, #tpu.memory_space<vmem>>) semaphore(%arg61 : memref<!tpu.dma_semaphore, #tpu.memory_space<semaphore_mem>>) {add = true}
    %dma_start3A_1735 = arith.constant 0 : i32
    %dma_start3A_1736 = tpu.memref_slice %arg48[%dma_start3A_1735] : memref<10128xf32, #tpu.memory_space<vmem_shared>> -> memref<10128xf32, #tpu.memory_space<vmem_shared>>
    tpu.enqueue_indirect_dma source(%arg15 : memref<2560xf32, #tpu.memory_space<vmem>>) target(%dma_start3A_1736 : memref<10128xf32, #tpu.memory_space<vmem_shared>>) offsets(%arg7 : memref<2560xi32, #tpu.memory_space<vmem>>) semaphore(%arg61 : memref<!tpu.dma_semaphore, #tpu.memory_space<semaphore_mem>>) {add = true}
    %dma_start3A_1737 = arith.constant 0 : i32
    %dma_start3A_1738 = tpu.memref_slice %arg49[%dma_start3A_1737] : memref<10128xf32, #tpu.memory_space<vmem_shared>> -> memref<10128xf32, #tpu.memory_space<vmem_shared>>
    tpu.enqueue_indirect_dma source(%arg16 : memref<2560xf32, #tpu.memory_space<vmem>>) target(%dma_start3A_1738 : memref<10128xf32, #tpu.memory_space<vmem_shared>>) offsets(%arg7 : memref<2560xi32, #tpu.memory_space<vmem>>) semaphore(%arg61 : memref<!tpu.dma_semaphore, #tpu.memory_space<semaphore_mem>>) {add = true}
    %dma_start3A_1739 = arith.constant 0 : i32
    %dma_start3A_1740 = tpu.memref_slice %arg50[%dma_start3A_1739] : memref<10128xf32, #tpu.memory_space<vmem_shared>> -> memref<10128xf32, #tpu.memory_space<vmem_shared>>
    tpu.enqueue_indirect_dma source(%arg17 : memref<2560xf32, #tpu.memory_space<vmem>>) target(%dma_start3A_1740 : memref<10128xf32, #tpu.memory_space<vmem_shared>>) offsets(%arg7 : memref<2560xi32, #tpu.memory_space<vmem>>) semaphore(%arg61 : memref<!tpu.dma_semaphore, #tpu.memory_space<semaphore_mem>>) {add = true}
    %dma_start3A_1741 = arith.constant 0 : i32
    %dma_start3A_1742 = tpu.memref_slice %arg51[%dma_start3A_1741] : memref<10128xf32, #tpu.memory_space<vmem_shared>> -> memref<10128xf32, #tpu.memory_space<vmem_shared>>
    tpu.enqueue_indirect_dma source(%arg18 : memref<2560xf32, #tpu.memory_space<vmem>>) target(%dma_start3A_1742 : memref<10128xf32, #tpu.memory_space<vmem_shared>>) offsets(%arg7 : memref<2560xi32, #tpu.memory_space<vmem>>) semaphore(%arg61 : memref<!tpu.dma_semaphore, #tpu.memory_space<semaphore_mem>>) {add = true}
    %dma_start3A_1743 = arith.constant 0 : i32
    %dma_start3A_1744 = tpu.memref_slice %arg52[%dma_start3A_1743] : memref<10128xf32, #tpu.memory_space<vmem_shared>> -> memref<10128xf32, #tpu.memory_space<vmem_shared>>
    tpu.enqueue_indirect_dma source(%arg19 : memref<2560xf32, #tpu.memory_space<vmem>>) target(%dma_start3A_1744 : memref<10128xf32, #tpu.memory_space<vmem_shared>>) offsets(%arg7 : memref<2560xi32, #tpu.memory_space<vmem>>) semaphore(%arg61 : memref<!tpu.dma_semaphore, #tpu.memory_space<semaphore_mem>>) {add = true}
    %dma_start3A_1745 = arith.constant 0 : i32
    %dma_start3A_1746 = tpu.memref_slice %arg53[%dma_start3A_1745] : memref<10128xf32, #tpu.memory_space<vmem_shared>> -> memref<10128xf32, #tpu.memory_space<vmem_shared>>
    tpu.enqueue_indirect_dma source(%arg20 : memref<2560xf32, #tpu.memory_space<vmem>>) target(%dma_start3A_1746 : memref<10128xf32, #tpu.memory_space<vmem_shared>>) offsets(%arg7 : memref<2560xi32, #tpu.memory_space<vmem>>) semaphore(%arg61 : memref<!tpu.dma_semaphore, #tpu.memory_space<semaphore_mem>>) {add = true}
    %dma_start3A_1747 = arith.constant 0 : i32
    %dma_start3A_1748 = tpu.memref_slice %arg54[%dma_start3A_1747] : memref<10128xf32, #tpu.memory_space<vmem_shared>> -> memref<10128xf32, #tpu.memory_space<vmem_shared>>
    tpu.enqueue_indirect_dma source(%arg21 : memref<2560xf32, #tpu.memory_space<vmem>>) target(%dma_start3A_1748 : memref<10128xf32, #tpu.memory_space<vmem_shared>>) offsets(%arg7 : memref<2560xi32, #tpu.memory_space<vmem>>) semaphore(%arg61 : memref<!tpu.dma_semaphore, #tpu.memory_space<semaphore_mem>>) {add = true}
    %dma_start3A_1749 = arith.constant 0 : i32
    %dma_start3A_1750 = tpu.memref_slice %arg55[%dma_start3A_1749] : memref<10128xf32, #tpu.memory_space<vmem_shared>> -> memref<10128xf32, #tpu.memory_space<vmem_shared>>
    tpu.enqueue_indirect_dma source(%arg22 : memref<2560xf32, #tpu.memory_space<vmem>>) target(%dma_start3A_1750 : memref<10128xf32, #tpu.memory_space<vmem_shared>>) offsets(%arg7 : memref<2560xi32, #tpu.memory_space<vmem>>) semaphore(%arg61 : memref<!tpu.dma_semaphore, #tpu.memory_space<semaphore_mem>>) {add = true}
    %dma_start3A_1751 = arith.constant 0 : i32
    %dma_start3A_1752 = tpu.memref_slice %arg56[%dma_start3A_1751] : memref<10128xf32, #tpu.memory_space<vmem_shared>> -> memref<10128xf32, #tpu.memory_space<vmem_shared>>
    tpu.enqueue_indirect_dma source(%arg23 : memref<2560xf32, #tpu.memory_space<vmem>>) target(%dma_start3A_1752 : memref<10128xf32, #tpu.memory_space<vmem_shared>>) offsets(%arg7 : memref<2560xi32, #tpu.memory_space<vmem>>) semaphore(%arg61 : memref<!tpu.dma_semaphore, #tpu.memory_space<semaphore_mem>>) {add = true}
    %dma_start3A_1753 = arith.constant 0 : i32
    %dma_start3A_1754 = tpu.memref_slice %arg57[%dma_start3A_1753] : memref<10128xf32, #tpu.memory_space<vmem_shared>> -> memref<10128xf32, #tpu.memory_space<vmem_shared>>
    tpu.enqueue_indirect_dma source(%arg24 : memref<2560xf32, #tpu.memory_space<vmem>>) target(%dma_start3A_1754 : memref<10128xf32, #tpu.memory_space<vmem_shared>>) offsets(%arg7 : memref<2560xi32, #tpu.memory_space<vmem>>) semaphore(%arg61 : memref<!tpu.dma_semaphore, #tpu.memory_space<semaphore_mem>>) {add = true}
    %dma_start3A_1755 = arith.constant 0 : i32
    %dma_start3A_1756 = tpu.memref_slice %arg58[%dma_start3A_1755] : memref<10128xf32, #tpu.memory_space<vmem_shared>> -> memref<10128xf32, #tpu.memory_space<vmem_shared>>
    tpu.enqueue_indirect_dma source(%arg41 : memref<2560xf32, #tpu.memory_space<vmem>>) target(%dma_start3A_1756 : memref<10128xf32, #tpu.memory_space<vmem_shared>>) offsets(%arg7 : memref<2560xi32, #tpu.memory_space<vmem>>) semaphore(%arg61 : memref<!tpu.dma_semaphore, #tpu.memory_space<semaphore_mem>>) {add = true}
    %dma_wait3A_1757 = arith.constant 0 : i32
    %dma_wait3A_1758 = tpu.memref_slice %arg42[%dma_wait3A_1757] : memref<10128xf32, #tpu.memory_space<vmem_shared>> -> memref<10128xf32, #tpu.memory_space<vmem_shared>>
    tpu.wait_indirect_dma semaphore(%arg61 : memref<!tpu.dma_semaphore, #tpu.memory_space<semaphore_mem>>) src(%arg9 : memref<2560xf32, #tpu.memory_space<vmem>>) dst(%dma_wait3A_1758 : memref<10128xf32, #tpu.memory_space<vmem_shared>>)
    %dma_wait3A_1759 = arith.constant 0 : i32
    %dma_wait3A_1760 = tpu.memref_slice %arg43[%dma_wait3A_1759] : memref<10128xf32, #tpu.memory_space<vmem_shared>> -> memref<10128xf32, #tpu.memory_space<vmem_shared>>
    tpu.wait_indirect_dma semaphore(%arg61 : memref<!tpu.dma_semaphore, #tpu.memory_space<semaphore_mem>>) src(%arg10 : memref<2560xf32, #tpu.memory_space<vmem>>) dst(%dma_wait3A_1760 : memref<10128xf32, #tpu.memory_space<vmem_shared>>)
    %dma_wait3A_1761 = arith.constant 0 : i32
    %dma_wait3A_1762 = tpu.memref_slice %arg44[%dma_wait3A_1761] : memref<10128xf32, #tpu.memory_space<vmem_shared>> -> memref<10128xf32, #tpu.memory_space<vmem_shared>>
    tpu.wait_indirect_dma semaphore(%arg61 : memref<!tpu.dma_semaphore, #tpu.memory_space<semaphore_mem>>) src(%arg11 : memref<2560xf32, #tpu.memory_space<vmem>>) dst(%dma_wait3A_1762 : memref<10128xf32, #tpu.memory_space<vmem_shared>>)
    %dma_wait3A_1763 = arith.constant 0 : i32
    %dma_wait3A_1764 = tpu.memref_slice %arg45[%dma_wait3A_1763] : memref<10128xf32, #tpu.memory_space<vmem_shared>> -> memref<10128xf32, #tpu.memory_space<vmem_shared>>
    tpu.wait_indirect_dma semaphore(%arg61 : memref<!tpu.dma_semaphore, #tpu.memory_space<semaphore_mem>>) src(%arg12 : memref<2560xf32, #tpu.memory_space<vmem>>) dst(%dma_wait3A_1764 : memref<10128xf32, #tpu.memory_space<vmem_shared>>)
    %dma_wait3A_1765 = arith.constant 0 : i32
    %dma_wait3A_1766 = tpu.memref_slice %arg46[%dma_wait3A_1765] : memref<10128xf32, #tpu.memory_space<vmem_shared>> -> memref<10128xf32, #tpu.memory_space<vmem_shared>>
    tpu.wait_indirect_dma semaphore(%arg61 : memref<!tpu.dma_semaphore, #tpu.memory_space<semaphore_mem>>) src(%arg13 : memref<2560xf32, #tpu.memory_space<vmem>>) dst(%dma_wait3A_1766 : memref<10128xf32, #tpu.memory_space<vmem_shared>>)
    %dma_wait3A_1767 = arith.constant 0 : i32
    %dma_wait3A_1768 = tpu.memref_slice %arg47[%dma_wait3A_1767] : memref<10128xf32, #tpu.memory_space<vmem_shared>> -> memref<10128xf32, #tpu.memory_space<vmem_shared>>
    tpu.wait_indirect_dma semaphore(%arg61 : memref<!tpu.dma_semaphore, #tpu.memory_space<semaphore_mem>>) src(%arg14 : memref<2560xf32, #tpu.memory_space<vmem>>) dst(%dma_wait3A_1768 : memref<10128xf32, #tpu.memory_space<vmem_shared>>)
    %dma_wait3A_1769 = arith.constant 0 : i32
    %dma_wait3A_1770 = tpu.memref_slice %arg48[%dma_wait3A_1769] : memref<10128xf32, #tpu.memory_space<vmem_shared>> -> memref<10128xf32, #tpu.memory_space<vmem_shared>>
    tpu.wait_indirect_dma semaphore(%arg61 : memref<!tpu.dma_semaphore, #tpu.memory_space<semaphore_mem>>) src(%arg15 : memref<2560xf32, #tpu.memory_space<vmem>>) dst(%dma_wait3A_1770 : memref<10128xf32, #tpu.memory_space<vmem_shared>>)
    %dma_wait3A_1771 = arith.constant 0 : i32
    %dma_wait3A_1772 = tpu.memref_slice %arg49[%dma_wait3A_1771] : memref<10128xf32, #tpu.memory_space<vmem_shared>> -> memref<10128xf32, #tpu.memory_space<vmem_shared>>
    tpu.wait_indirect_dma semaphore(%arg61 : memref<!tpu.dma_semaphore, #tpu.memory_space<semaphore_mem>>) src(%arg16 : memref<2560xf32, #tpu.memory_space<vmem>>) dst(%dma_wait3A_1772 : memref<10128xf32, #tpu.memory_space<vmem_shared>>)
    %dma_wait3A_1773 = arith.constant 0 : i32
    %dma_wait3A_1774 = tpu.memref_slice %arg50[%dma_wait3A_1773] : memref<10128xf32, #tpu.memory_space<vmem_shared>> -> memref<10128xf32, #tpu.memory_space<vmem_shared>>
    tpu.wait_indirect_dma semaphore(%arg61 : memref<!tpu.dma_semaphore, #tpu.memory_space<semaphore_mem>>) src(%arg17 : memref<2560xf32, #tpu.memory_space<vmem>>) dst(%dma_wait3A_1774 : memref<10128xf32, #tpu.memory_space<vmem_shared>>)
    %dma_wait3A_1775 = arith.constant 0 : i32
    %dma_wait3A_1776 = tpu.memref_slice %arg51[%dma_wait3A_1775] : memref<10128xf32, #tpu.memory_space<vmem_shared>> -> memref<10128xf32, #tpu.memory_space<vmem_shared>>
    tpu.wait_indirect_dma semaphore(%arg61 : memref<!tpu.dma_semaphore, #tpu.memory_space<semaphore_mem>>) src(%arg18 : memref<2560xf32, #tpu.memory_space<vmem>>) dst(%dma_wait3A_1776 : memref<10128xf32, #tpu.memory_space<vmem_shared>>)
    %dma_wait3A_1777 = arith.constant 0 : i32
    %dma_wait3A_1778 = tpu.memref_slice %arg52[%dma_wait3A_1777] : memref<10128xf32, #tpu.memory_space<vmem_shared>> -> memref<10128xf32, #tpu.memory_space<vmem_shared>>
    tpu.wait_indirect_dma semaphore(%arg61 : memref<!tpu.dma_semaphore, #tpu.memory_space<semaphore_mem>>) src(%arg19 : memref<2560xf32, #tpu.memory_space<vmem>>) dst(%dma_wait3A_1778 : memref<10128xf32, #tpu.memory_space<vmem_shared>>)
    %dma_wait3A_1779 = arith.constant 0 : i32
    %dma_wait3A_1780 = tpu.memref_slice %arg53[%dma_wait3A_1779] : memref<10128xf32, #tpu.memory_space<vmem_shared>> -> memref<10128xf32, #tpu.memory_space<vmem_shared>>
    tpu.wait_indirect_dma semaphore(%arg61 : memref<!tpu.dma_semaphore, #tpu.memory_space<semaphore_mem>>) src(%arg20 : memref<2560xf32, #tpu.memory_space<vmem>>) dst(%dma_wait3A_1780 : memref<10128xf32, #tpu.memory_space<vmem_shared>>)
    %dma_wait3A_1781 = arith.constant 0 : i32
    %dma_wait3A_1782 = tpu.memref_slice %arg54[%dma_wait3A_1781] : memref<10128xf32, #tpu.memory_space<vmem_shared>> -> memref<10128xf32, #tpu.memory_space<vmem_shared>>
    tpu.wait_indirect_dma semaphore(%arg61 : memref<!tpu.dma_semaphore, #tpu.memory_space<semaphore_mem>>) src(%arg21 : memref<2560xf32, #tpu.memory_space<vmem>>) dst(%dma_wait3A_1782 : memref<10128xf32, #tpu.memory_space<vmem_shared>>)
    %dma_wait3A_1783 = arith.constant 0 : i32
    %dma_wait3A_1784 = tpu.memref_slice %arg55[%dma_wait3A_1783] : memref<10128xf32, #tpu.memory_space<vmem_shared>> -> memref<10128xf32, #tpu.memory_space<vmem_shared>>
    tpu.wait_indirect_dma semaphore(%arg61 : memref<!tpu.dma_semaphore, #tpu.memory_space<semaphore_mem>>) src(%arg22 : memref<2560xf32, #tpu.memory_space<vmem>>) dst(%dma_wait3A_1784 : memref<10128xf32, #tpu.memory_space<vmem_shared>>)
    %dma_wait3A_1785 = arith.constant 0 : i32
    %dma_wait3A_1786 = tpu.memref_slice %arg56[%dma_wait3A_1785] : memref<10128xf32, #tpu.memory_space<vmem_shared>> -> memref<10128xf32, #tpu.memory_space<vmem_shared>>
    tpu.wait_indirect_dma semaphore(%arg61 : memref<!tpu.dma_semaphore, #tpu.memory_space<semaphore_mem>>) src(%arg23 : memref<2560xf32, #tpu.memory_space<vmem>>) dst(%dma_wait3A_1786 : memref<10128xf32, #tpu.memory_space<vmem_shared>>)
    %dma_wait3A_1787 = arith.constant 0 : i32
    %dma_wait3A_1788 = tpu.memref_slice %arg57[%dma_wait3A_1787] : memref<10128xf32, #tpu.memory_space<vmem_shared>> -> memref<10128xf32, #tpu.memory_space<vmem_shared>>
    tpu.wait_indirect_dma semaphore(%arg61 : memref<!tpu.dma_semaphore, #tpu.memory_space<semaphore_mem>>) src(%arg24 : memref<2560xf32, #tpu.memory_space<vmem>>) dst(%dma_wait3A_1788 : memref<10128xf32, #tpu.memory_space<vmem_shared>>)
    %dma_wait3A_1789 = arith.constant 0 : i32
    %dma_wait3A_1790 = tpu.memref_slice %arg58[%dma_wait3A_1789] : memref<10128xf32, #tpu.memory_space<vmem_shared>> -> memref<10128xf32, #tpu.memory_space<vmem_shared>>
    tpu.wait_indirect_dma semaphore(%arg61 : memref<!tpu.dma_semaphore, #tpu.memory_space<semaphore_mem>>) src(%arg41 : memref<2560xf32, #tpu.memory_space<vmem>>) dst(%dma_wait3A_1790 : memref<10128xf32, #tpu.memory_space<vmem_shared>>)
    %dma_wait3A_1791 = arith.constant 0 : i32
    %dma_wait3A_1792 = tpu.memref_slice %arg2[%add3A_1545, %dma_wait3A_1791] : memref<128x2560xi32, #tpu.memory_space<hbm>> -> memref<1x2560xi32, #tpu.memory_space<hbm>>
    %dma_wait3A_1793 = tpu.memref_squeeze %dma_wait3A_1792 : memref<1x2560xi32, #tpu.memory_space<hbm>> -> memref<2560xi32, #tpu.memory_space<hbm>>
    %dma_wait3A_1794 = arith.constant 0 : i32
    %dma_wait3A_1795 = tpu.memref_slice %arg2[%add3A_1545, %dma_wait3A_1794] : memref<128x2560xi32, #tpu.memory_space<hbm>> -> memref<1x2560xi32, #tpu.memory_space<hbm>>
    %dma_wait3A_1796 = tpu.memref_squeeze %dma_wait3A_1795 : memref<1x2560xi32, #tpu.memory_space<hbm>> -> memref<2560xi32, #tpu.memory_space<hbm>>
    tpu.wait_dma2 semaphore(%arg60 : memref<!tpu.dma_semaphore, #tpu.memory_space<semaphore_mem>>) src(%dma_wait3A_1796 : memref<2560xi32, #tpu.memory_space<hbm>>) dst(%arg8 : memref<2560xi32, #tpu.memory_space<vmem>>)
    %dma_wait3A_1797 = arith.constant 0 : i32
    %dma_wait3A_1798 = tpu.memref_slice %arg3[%dma_wait3A_1797, %multiple_of3A_1550] : memref<16x320000xf32, #tpu.memory_space<hbm>> -> memref<1x2560xf32, #tpu.memory_space<hbm>>
    %dma_wait3A_1799 = tpu.memref_squeeze %dma_wait3A_1798 : memref<1x2560xf32, #tpu.memory_space<hbm>> -> memref<2560xf32, #tpu.memory_space<hbm>>
    %dma_wait3A_1800 = tpu.memref_slice %arg3[%dma_wait3A_1797, %multiple_of3A_1550] : memref<16x320000xf32, #tpu.memory_space<hbm>> -> memref<1x2560xf32, #tpu.memory_space<hbm>>
    %dma_wait3A_1801 = tpu.memref_squeeze %dma_wait3A_1800 : memref<1x2560xf32, #tpu.memory_space<hbm>> -> memref<2560xf32, #tpu.memory_space<hbm>>
    tpu.wait_dma2 semaphore(%arg60 : memref<!tpu.dma_semaphore, #tpu.memory_space<semaphore_mem>>) src(%dma_wait3A_1801 : memref<2560xf32, #tpu.memory_space<hbm>>) dst(%arg25 : memref<2560xf32, #tpu.memory_space<vmem>>)
    %dma_wait3A_1802 = arith.constant 1 : i32
    %dma_wait3A_1803 = tpu.memref_slice %arg3[%dma_wait3A_1802, %multiple_of3A_1550] : memref<16x320000xf32, #tpu.memory_space<hbm>> -> memref<1x2560xf32, #tpu.memory_space<hbm>>
    %dma_wait3A_1804 = tpu.memref_squeeze %dma_wait3A_1803 : memref<1x2560xf32, #tpu.memory_space<hbm>> -> memref<2560xf32, #tpu.memory_space<hbm>>
    %dma_wait3A_1805 = tpu.memref_slice %arg3[%dma_wait3A_1802, %multiple_of3A_1550] : memref<16x320000xf32, #tpu.memory_space<hbm>> -> memref<1x2560xf32, #tpu.memory_space<hbm>>
    %dma_wait3A_1806 = tpu.memref_squeeze %dma_wait3A_1805 : memref<1x2560xf32, #tpu.memory_space<hbm>> -> memref<2560xf32, #tpu.memory_space<hbm>>
    tpu.wait_dma2 semaphore(%arg60 : memref<!tpu.dma_semaphore, #tpu.memory_space<semaphore_mem>>) src(%dma_wait3A_1806 : memref<2560xf32, #tpu.memory_space<hbm>>) dst(%arg26 : memref<2560xf32, #tpu.memory_space<vmem>>)
    %dma_wait3A_1807 = arith.constant 2 : i32
    %dma_wait3A_1808 = tpu.memref_slice %arg3[%dma_wait3A_1807, %multiple_of3A_1550] : memref<16x320000xf32, #tpu.memory_space<hbm>> -> memref<1x2560xf32, #tpu.memory_space<hbm>>
    %dma_wait3A_1809 = tpu.memref_squeeze %dma_wait3A_1808 : memref<1x2560xf32, #tpu.memory_space<hbm>> -> memref<2560xf32, #tpu.memory_space<hbm>>
    %dma_wait3A_1810 = tpu.memref_slice %arg3[%dma_wait3A_1807, %multiple_of3A_1550] : memref<16x320000xf32, #tpu.memory_space<hbm>> -> memref<1x2560xf32, #tpu.memory_space<hbm>>
    %dma_wait3A_1811 = tpu.memref_squeeze %dma_wait3A_1810 : memref<1x2560xf32, #tpu.memory_space<hbm>> -> memref<2560xf32, #tpu.memory_space<hbm>>
    tpu.wait_dma2 semaphore(%arg60 : memref<!tpu.dma_semaphore, #tpu.memory_space<semaphore_mem>>) src(%dma_wait3A_1811 : memref<2560xf32, #tpu.memory_space<hbm>>) dst(%arg27 : memref<2560xf32, #tpu.memory_space<vmem>>)
    %dma_wait3A_1812 = arith.constant 3 : i32
    %dma_wait3A_1813 = tpu.memref_slice %arg3[%dma_wait3A_1812, %multiple_of3A_1550] : memref<16x320000xf32, #tpu.memory_space<hbm>> -> memref<1x2560xf32, #tpu.memory_space<hbm>>
    %dma_wait3A_1814 = tpu.memref_squeeze %dma_wait3A_1813 : memref<1x2560xf32, #tpu.memory_space<hbm>> -> memref<2560xf32, #tpu.memory_space<hbm>>
    %dma_wait3A_1815 = tpu.memref_slice %arg3[%dma_wait3A_1812, %multiple_of3A_1550] : memref<16x320000xf32, #tpu.memory_space<hbm>> -> memref<1x2560xf32, #tpu.memory_space<hbm>>
    %dma_wait3A_1816 = tpu.memref_squeeze %dma_wait3A_1815 : memref<1x2560xf32, #tpu.memory_space<hbm>> -> memref<2560xf32, #tpu.memory_space<hbm>>
    tpu.wait_dma2 semaphore(%arg60 : memref<!tpu.dma_semaphore, #tpu.memory_space<semaphore_mem>>) src(%dma_wait3A_1816 : memref<2560xf32, #tpu.memory_space<hbm>>) dst(%arg28 : memref<2560xf32, #tpu.memory_space<vmem>>)
    %dma_wait3A_1817 = arith.constant 4 : i32
    %dma_wait3A_1818 = tpu.memref_slice %arg3[%dma_wait3A_1817, %multiple_of3A_1550] : memref<16x320000xf32, #tpu.memory_space<hbm>> -> memref<1x2560xf32, #tpu.memory_space<hbm>>
    %dma_wait3A_1819 = tpu.memref_squeeze %dma_wait3A_1818 : memref<1x2560xf32, #tpu.memory_space<hbm>> -> memref<2560xf32, #tpu.memory_space<hbm>>
    %dma_wait3A_1820 = tpu.memref_slice %arg3[%dma_wait3A_1817, %multiple_of3A_1550] : memref<16x320000xf32, #tpu.memory_space<hbm>> -> memref<1x2560xf32, #tpu.memory_space<hbm>>
    %dma_wait3A_1821 = tpu.memref_squeeze %dma_wait3A_1820 : memref<1x2560xf32, #tpu.memory_space<hbm>> -> memref<2560xf32, #tpu.memory_space<hbm>>
    tpu.wait_dma2 semaphore(%arg60 : memref<!tpu.dma_semaphore, #tpu.memory_space<semaphore_mem>>) src(%dma_wait3A_1821 : memref<2560xf32, #tpu.memory_space<hbm>>) dst(%arg29 : memref<2560xf32, #tpu.memory_space<vmem>>)
    %dma_wait3A_1822 = arith.constant 5 : i32
    %dma_wait3A_1823 = tpu.memref_slice %arg3[%dma_wait3A_1822, %multiple_of3A_1550] : memref<16x320000xf32, #tpu.memory_space<hbm>> -> memref<1x2560xf32, #tpu.memory_space<hbm>>
    %dma_wait3A_1824 = tpu.memref_squeeze %dma_wait3A_1823 : memref<1x2560xf32, #tpu.memory_space<hbm>> -> memref<2560xf32, #tpu.memory_space<hbm>>
    %dma_wait3A_1825 = tpu.memref_slice %arg3[%dma_wait3A_1822, %multiple_of3A_1550] : memref<16x320000xf32, #tpu.memory_space<hbm>> -> memref<1x2560xf32, #tpu.memory_space<hbm>>
    %dma_wait3A_1826 = tpu.memref_squeeze %dma_wait3A_1825 : memref<1x2560xf32, #tpu.memory_space<hbm>> -> memref<2560xf32, #tpu.memory_space<hbm>>
    tpu.wait_dma2 semaphore(%arg60 : memref<!tpu.dma_semaphore, #tpu.memory_space<semaphore_mem>>) src(%dma_wait3A_1826 : memref<2560xf32, #tpu.memory_space<hbm>>) dst(%arg30 : memref<2560xf32, #tpu.memory_space<vmem>>)
    %dma_wait3A_1827 = arith.constant 6 : i32
    %dma_wait3A_1828 = tpu.memref_slice %arg3[%dma_wait3A_1827, %multiple_of3A_1550] : memref<16x320000xf32, #tpu.memory_space<hbm>> -> memref<1x2560xf32, #tpu.memory_space<hbm>>
    %dma_wait3A_1829 = tpu.memref_squeeze %dma_wait3A_1828 : memref<1x2560xf32, #tpu.memory_space<hbm>> -> memref<2560xf32, #tpu.memory_space<hbm>>
    %dma_wait3A_1830 = tpu.memref_slice %arg3[%dma_wait3A_1827, %multiple_of3A_1550] : memref<16x320000xf32, #tpu.memory_space<hbm>> -> memref<1x2560xf32, #tpu.memory_space<hbm>>
    %dma_wait3A_1831 = tpu.memref_squeeze %dma_wait3A_1830 : memref<1x2560xf32, #tpu.memory_space<hbm>> -> memref<2560xf32, #tpu.memory_space<hbm>>
    tpu.wait_dma2 semaphore(%arg60 : memref<!tpu.dma_semaphore, #tpu.memory_space<semaphore_mem>>) src(%dma_wait3A_1831 : memref<2560xf32, #tpu.memory_space<hbm>>) dst(%arg31 : memref<2560xf32, #tpu.memory_space<vmem>>)
    %dma_wait3A_1832 = arith.constant 7 : i32
    %dma_wait3A_1833 = tpu.memref_slice %arg3[%dma_wait3A_1832, %multiple_of3A_1550] : memref<16x320000xf32, #tpu.memory_space<hbm>> -> memref<1x2560xf32, #tpu.memory_space<hbm>>
    %dma_wait3A_1834 = tpu.memref_squeeze %dma_wait3A_1833 : memref<1x2560xf32, #tpu.memory_space<hbm>> -> memref<2560xf32, #tpu.memory_space<hbm>>
    %dma_wait3A_1835 = tpu.memref_slice %arg3[%dma_wait3A_1832, %multiple_of3A_1550] : memref<16x320000xf32, #tpu.memory_space<hbm>> -> memref<1x2560xf32, #tpu.memory_space<hbm>>
    %dma_wait3A_1836 = tpu.memref_squeeze %dma_wait3A_1835 : memref<1x2560xf32, #tpu.memory_space<hbm>> -> memref<2560xf32, #tpu.memory_space<hbm>>
    tpu.wait_dma2 semaphore(%arg60 : memref<!tpu.dma_semaphore, #tpu.memory_space<semaphore_mem>>) src(%dma_wait3A_1836 : memref<2560xf32, #tpu.memory_space<hbm>>) dst(%arg32 : memref<2560xf32, #tpu.memory_space<vmem>>)
    %dma_wait3A_1837 = arith.constant 8 : i32
    %dma_wait3A_1838 = tpu.memref_slice %arg3[%dma_wait3A_1837, %multiple_of3A_1550] : memref<16x320000xf32, #tpu.memory_space<hbm>> -> memref<1x2560xf32, #tpu.memory_space<hbm>>
    %dma_wait3A_1839 = tpu.memref_squeeze %dma_wait3A_1838 : memref<1x2560xf32, #tpu.memory_space<hbm>> -> memref<2560xf32, #tpu.memory_space<hbm>>
    %dma_wait3A_1840 = tpu.memref_slice %arg3[%dma_wait3A_1837, %multiple_of3A_1550] : memref<16x320000xf32, #tpu.memory_space<hbm>> -> memref<1x2560xf32, #tpu.memory_space<hbm>>
    %dma_wait3A_1841 = tpu.memref_squeeze %dma_wait3A_1840 : memref<1x2560xf32, #tpu.memory_space<hbm>> -> memref<2560xf32, #tpu.memory_space<hbm>>
    tpu.wait_dma2 semaphore(%arg60 : memref<!tpu.dma_semaphore, #tpu.memory_space<semaphore_mem>>) src(%dma_wait3A_1841 : memref<2560xf32, #tpu.memory_space<hbm>>) dst(%arg33 : memref<2560xf32, #tpu.memory_space<vmem>>)
    %dma_wait3A_1842 = arith.constant 9 : i32
    %dma_wait3A_1843 = tpu.memref_slice %arg3[%dma_wait3A_1842, %multiple_of3A_1550] : memref<16x320000xf32, #tpu.memory_space<hbm>> -> memref<1x2560xf32, #tpu.memory_space<hbm>>
    %dma_wait3A_1844 = tpu.memref_squeeze %dma_wait3A_1843 : memref<1x2560xf32, #tpu.memory_space<hbm>> -> memref<2560xf32, #tpu.memory_space<hbm>>
    %dma_wait3A_1845 = tpu.memref_slice %arg3[%dma_wait3A_1842, %multiple_of3A_1550] : memref<16x320000xf32, #tpu.memory_space<hbm>> -> memref<1x2560xf32, #tpu.memory_space<hbm>>
    %dma_wait3A_1846 = tpu.memref_squeeze %dma_wait3A_1845 : memref<1x2560xf32, #tpu.memory_space<hbm>> -> memref<2560xf32, #tpu.memory_space<hbm>>
    tpu.wait_dma2 semaphore(%arg60 : memref<!tpu.dma_semaphore, #tpu.memory_space<semaphore_mem>>) src(%dma_wait3A_1846 : memref<2560xf32, #tpu.memory_space<hbm>>) dst(%arg34 : memref<2560xf32, #tpu.memory_space<vmem>>)
    %dma_wait3A_1847 = arith.constant 10 : i32
    %dma_wait3A_1848 = tpu.memref_slice %arg3[%dma_wait3A_1847, %multiple_of3A_1550] : memref<16x320000xf32, #tpu.memory_space<hbm>> -> memref<1x2560xf32, #tpu.memory_space<hbm>>
    %dma_wait3A_1849 = tpu.memref_squeeze %dma_wait3A_1848 : memref<1x2560xf32, #tpu.memory_space<hbm>> -> memref<2560xf32, #tpu.memory_space<hbm>>
    %dma_wait3A_1850 = tpu.memref_slice %arg3[%dma_wait3A_1847, %multiple_of3A_1550] : memref<16x320000xf32, #tpu.memory_space<hbm>> -> memref<1x2560xf32, #tpu.memory_space<hbm>>
    %dma_wait3A_1851 = tpu.memref_squeeze %dma_wait3A_1850 : memref<1x2560xf32, #tpu.memory_space<hbm>> -> memref<2560xf32, #tpu.memory_space<hbm>>
    tpu.wait_dma2 semaphore(%arg60 : memref<!tpu.dma_semaphore, #tpu.memory_space<semaphore_mem>>) src(%dma_wait3A_1851 : memref<2560xf32, #tpu.memory_space<hbm>>) dst(%arg35 : memref<2560xf32, #tpu.memory_space<vmem>>)
    %dma_wait3A_1852 = arith.constant 11 : i32
    %dma_wait3A_1853 = tpu.memref_slice %arg3[%dma_wait3A_1852, %multiple_of3A_1550] : memref<16x320000xf32, #tpu.memory_space<hbm>> -> memref<1x2560xf32, #tpu.memory_space<hbm>>
    %dma_wait3A_1854 = tpu.memref_squeeze %dma_wait3A_1853 : memref<1x2560xf32, #tpu.memory_space<hbm>> -> memref<2560xf32, #tpu.memory_space<hbm>>
    %dma_wait3A_1855 = tpu.memref_slice %arg3[%dma_wait3A_1852, %multiple_of3A_1550] : memref<16x320000xf32, #tpu.memory_space<hbm>> -> memref<1x2560xf32, #tpu.memory_space<hbm>>
    %dma_wait3A_1856 = tpu.memref_squeeze %dma_wait3A_1855 : memref<1x2560xf32, #tpu.memory_space<hbm>> -> memref<2560xf32, #tpu.memory_space<hbm>>
    tpu.wait_dma2 semaphore(%arg60 : memref<!tpu.dma_semaphore, #tpu.memory_space<semaphore_mem>>) src(%dma_wait3A_1856 : memref<2560xf32, #tpu.memory_space<hbm>>) dst(%arg36 : memref<2560xf32, #tpu.memory_space<vmem>>)
    %dma_wait3A_1857 = arith.constant 12 : i32
    %dma_wait3A_1858 = tpu.memref_slice %arg3[%dma_wait3A_1857, %multiple_of3A_1550] : memref<16x320000xf32, #tpu.memory_space<hbm>> -> memref<1x2560xf32, #tpu.memory_space<hbm>>
    %dma_wait3A_1859 = tpu.memref_squeeze %dma_wait3A_1858 : memref<1x2560xf32, #tpu.memory_space<hbm>> -> memref<2560xf32, #tpu.memory_space<hbm>>
    %dma_wait3A_1860 = tpu.memref_slice %arg3[%dma_wait3A_1857, %multiple_of3A_1550] : memref<16x320000xf32, #tpu.memory_space<hbm>> -> memref<1x2560xf32, #tpu.memory_space<hbm>>
    %dma_wait3A_1861 = tpu.memref_squeeze %dma_wait3A_1860 : memref<1x2560xf32, #tpu.memory_space<hbm>> -> memref<2560xf32, #tpu.memory_space<hbm>>
    tpu.wait_dma2 semaphore(%arg60 : memref<!tpu.dma_semaphore, #tpu.memory_space<semaphore_mem>>) src(%dma_wait3A_1861 : memref<2560xf32, #tpu.memory_space<hbm>>) dst(%arg37 : memref<2560xf32, #tpu.memory_space<vmem>>)
    %dma_wait3A_1862 = arith.constant 13 : i32
    %dma_wait3A_1863 = tpu.memref_slice %arg3[%dma_wait3A_1862, %multiple_of3A_1550] : memref<16x320000xf32, #tpu.memory_space<hbm>> -> memref<1x2560xf32, #tpu.memory_space<hbm>>
    %dma_wait3A_1864 = tpu.memref_squeeze %dma_wait3A_1863 : memref<1x2560xf32, #tpu.memory_space<hbm>> -> memref<2560xf32, #tpu.memory_space<hbm>>
    %dma_wait3A_1865 = tpu.memref_slice %arg3[%dma_wait3A_1862, %multiple_of3A_1550] : memref<16x320000xf32, #tpu.memory_space<hbm>> -> memref<1x2560xf32, #tpu.memory_space<hbm>>
    %dma_wait3A_1866 = tpu.memref_squeeze %dma_wait3A_1865 : memref<1x2560xf32, #tpu.memory_space<hbm>> -> memref<2560xf32, #tpu.memory_space<hbm>>
    tpu.wait_dma2 semaphore(%arg60 : memref<!tpu.dma_semaphore, #tpu.memory_space<semaphore_mem>>) src(%dma_wait3A_1866 : memref<2560xf32, #tpu.memory_space<hbm>>) dst(%arg38 : memref<2560xf32, #tpu.memory_space<vmem>>)
    %dma_wait3A_1867 = arith.constant 14 : i32
    %dma_wait3A_1868 = tpu.memref_slice %arg3[%dma_wait3A_1867, %multiple_of3A_1550] : memref<16x320000xf32, #tpu.memory_space<hbm>> -> memref<1x2560xf32, #tpu.memory_space<hbm>>
    %dma_wait3A_1869 = tpu.memref_squeeze %dma_wait3A_1868 : memref<1x2560xf32, #tpu.memory_space<hbm>> -> memref<2560xf32, #tpu.memory_space<hbm>>
    %dma_wait3A_1870 = tpu.memref_slice %arg3[%dma_wait3A_1867, %multiple_of3A_1550] : memref<16x320000xf32, #tpu.memory_space<hbm>> -> memref<1x2560xf32, #tpu.memory_space<hbm>>
    %dma_wait3A_1871 = tpu.memref_squeeze %dma_wait3A_1870 : memref<1x2560xf32, #tpu.memory_space<hbm>> -> memref<2560xf32, #tpu.memory_space<hbm>>
    tpu.wait_dma2 semaphore(%arg60 : memref<!tpu.dma_semaphore, #tpu.memory_space<semaphore_mem>>) src(%dma_wait3A_1871 : memref<2560xf32, #tpu.memory_space<hbm>>) dst(%arg39 : memref<2560xf32, #tpu.memory_space<vmem>>)
    %dma_wait3A_1872 = arith.constant 15 : i32
    %dma_wait3A_1873 = tpu.memref_slice %arg3[%dma_wait3A_1872, %multiple_of3A_1550] : memref<16x320000xf32, #tpu.memory_space<hbm>> -> memref<1x2560xf32, #tpu.memory_space<hbm>>
    %dma_wait3A_1874 = tpu.memref_squeeze %dma_wait3A_1873 : memref<1x2560xf32, #tpu.memory_space<hbm>> -> memref<2560xf32, #tpu.memory_space<hbm>>
    %dma_wait3A_1875 = tpu.memref_slice %arg3[%dma_wait3A_1872, %multiple_of3A_1550] : memref<16x320000xf32, #tpu.memory_space<hbm>> -> memref<1x2560xf32, #tpu.memory_space<hbm>>
    %dma_wait3A_1876 = tpu.memref_squeeze %dma_wait3A_1875 : memref<1x2560xf32, #tpu.memory_space<hbm>> -> memref<2560xf32, #tpu.memory_space<hbm>>
    tpu.wait_dma2 semaphore(%arg60 : memref<!tpu.dma_semaphore, #tpu.memory_space<semaphore_mem>>) src(%dma_wait3A_1876 : memref<2560xf32, #tpu.memory_space<hbm>>) dst(%arg40 : memref<2560xf32, #tpu.memory_space<vmem>>)
    %dma_start3A_1877 = arith.constant 0 : i32
    %dma_start3A_1878 = tpu.memref_slice %arg42[%dma_start3A_1877] : memref<10128xf32, #tpu.memory_space<vmem_shared>> -> memref<10128xf32, #tpu.memory_space<vmem_shared>>
    tpu.enqueue_indirect_dma source(%arg25 : memref<2560xf32, #tpu.memory_space<vmem>>) target(%dma_start3A_1878 : memref<10128xf32, #tpu.memory_space<vmem_shared>>) offsets(%arg8 : memref<2560xi32, #tpu.memory_space<vmem>>) semaphore(%arg61 : memref<!tpu.dma_semaphore, #tpu.memory_space<semaphore_mem>>) {add = true}
    %dma_start3A_1879 = arith.constant 0 : i32
    %dma_start3A_1880 = tpu.memref_slice %arg43[%dma_start3A_1879] : memref<10128xf32, #tpu.memory_space<vmem_shared>> -> memref<10128xf32, #tpu.memory_space<vmem_shared>>
    tpu.enqueue_indirect_dma source(%arg26 : memref<2560xf32, #tpu.memory_space<vmem>>) target(%dma_start3A_1880 : memref<10128xf32, #tpu.memory_space<vmem_shared>>) offsets(%arg8 : memref<2560xi32, #tpu.memory_space<vmem>>) semaphore(%arg61 : memref<!tpu.dma_semaphore, #tpu.memory_space<semaphore_mem>>) {add = true}
    %dma_start3A_1881 = arith.constant 0 : i32
    %dma_start3A_1882 = tpu.memref_slice %arg44[%dma_start3A_1881] : memref<10128xf32, #tpu.memory_space<vmem_shared>> -> memref<10128xf32, #tpu.memory_space<vmem_shared>>
    tpu.enqueue_indirect_dma source(%arg27 : memref<2560xf32, #tpu.memory_space<vmem>>) target(%dma_start3A_1882 : memref<10128xf32, #tpu.memory_space<vmem_shared>>) offsets(%arg8 : memref<2560xi32, #tpu.memory_space<vmem>>) semaphore(%arg61 : memref<!tpu.dma_semaphore, #tpu.memory_space<semaphore_mem>>) {add = true}
    %dma_start3A_1883 = arith.constant 0 : i32
    %dma_start3A_1884 = tpu.memref_slice %arg45[%dma_start3A_1883] : memref<10128xf32, #tpu.memory_space<vmem_shared>> -> memref<10128xf32, #tpu.memory_space<vmem_shared>>
    tpu.enqueue_indirect_dma source(%arg28 : memref<2560xf32, #tpu.memory_space<vmem>>) target(%dma_start3A_1884 : memref<10128xf32, #tpu.memory_space<vmem_shared>>) offsets(%arg8 : memref<2560xi32, #tpu.memory_space<vmem>>) semaphore(%arg61 : memref<!tpu.dma_semaphore, #tpu.memory_space<semaphore_mem>>) {add = true}
    %dma_start3A_1885 = arith.constant 0 : i32
    %dma_start3A_1886 = tpu.memref_slice %arg46[%dma_start3A_1885] : memref<10128xf32, #tpu.memory_space<vmem_shared>> -> memref<10128xf32, #tpu.memory_space<vmem_shared>>
    tpu.enqueue_indirect_dma source(%arg29 : memref<2560xf32, #tpu.memory_space<vmem>>) target(%dma_start3A_1886 : memref<10128xf32, #tpu.memory_space<vmem_shared>>) offsets(%arg8 : memref<2560xi32, #tpu.memory_space<vmem>>) semaphore(%arg61 : memref<!tpu.dma_semaphore, #tpu.memory_space<semaphore_mem>>) {add = true}
    %dma_start3A_1887 = arith.constant 0 : i32
    %dma_start3A_1888 = tpu.memref_slice %arg47[%dma_start3A_1887] : memref<10128xf32, #tpu.memory_space<vmem_shared>> -> memref<10128xf32, #tpu.memory_space<vmem_shared>>
    tpu.enqueue_indirect_dma source(%arg30 : memref<2560xf32, #tpu.memory_space<vmem>>) target(%dma_start3A_1888 : memref<10128xf32, #tpu.memory_space<vmem_shared>>) offsets(%arg8 : memref<2560xi32, #tpu.memory_space<vmem>>) semaphore(%arg61 : memref<!tpu.dma_semaphore, #tpu.memory_space<semaphore_mem>>) {add = true}
    %dma_start3A_1889 = arith.constant 0 : i32
    %dma_start3A_1890 = tpu.memref_slice %arg48[%dma_start3A_1889] : memref<10128xf32, #tpu.memory_space<vmem_shared>> -> memref<10128xf32, #tpu.memory_space<vmem_shared>>
    tpu.enqueue_indirect_dma source(%arg31 : memref<2560xf32, #tpu.memory_space<vmem>>) target(%dma_start3A_1890 : memref<10128xf32, #tpu.memory_space<vmem_shared>>) offsets(%arg8 : memref<2560xi32, #tpu.memory_space<vmem>>) semaphore(%arg61 : memref<!tpu.dma_semaphore, #tpu.memory_space<semaphore_mem>>) {add = true}
    %dma_start3A_1891 = arith.constant 0 : i32
    %dma_start3A_1892 = tpu.memref_slice %arg49[%dma_start3A_1891] : memref<10128xf32, #tpu.memory_space<vmem_shared>> -> memref<10128xf32, #tpu.memory_space<vmem_shared>>
    tpu.enqueue_indirect_dma source(%arg32 : memref<2560xf32, #tpu.memory_space<vmem>>) target(%dma_start3A_1892 : memref<10128xf32, #tpu.memory_space<vmem_shared>>) offsets(%arg8 : memref<2560xi32, #tpu.memory_space<vmem>>) semaphore(%arg61 : memref<!tpu.dma_semaphore, #tpu.memory_space<semaphore_mem>>) {add = true}
    %dma_start3A_1893 = arith.constant 0 : i32
    %dma_start3A_1894 = tpu.memref_slice %arg50[%dma_start3A_1893] : memref<10128xf32, #tpu.memory_space<vmem_shared>> -> memref<10128xf32, #tpu.memory_space<vmem_shared>>
    tpu.enqueue_indirect_dma source(%arg33 : memref<2560xf32, #tpu.memory_space<vmem>>) target(%dma_start3A_1894 : memref<10128xf32, #tpu.memory_space<vmem_shared>>) offsets(%arg8 : memref<2560xi32, #tpu.memory_space<vmem>>) semaphore(%arg61 : memref<!tpu.dma_semaphore, #tpu.memory_space<semaphore_mem>>) {add = true}
    %dma_start3A_1895 = arith.constant 0 : i32
    %dma_start3A_1896 = tpu.memref_slice %arg51[%dma_start3A_1895] : memref<10128xf32, #tpu.memory_space<vmem_shared>> -> memref<10128xf32, #tpu.memory_space<vmem_shared>>
    tpu.enqueue_indirect_dma source(%arg34 : memref<2560xf32, #tpu.memory_space<vmem>>) target(%dma_start3A_1896 : memref<10128xf32, #tpu.memory_space<vmem_shared>>) offsets(%arg8 : memref<2560xi32, #tpu.memory_space<vmem>>) semaphore(%arg61 : memref<!tpu.dma_semaphore, #tpu.memory_space<semaphore_mem>>) {add = true}
    %dma_start3A_1897 = arith.constant 0 : i32
    %dma_start3A_1898 = tpu.memref_slice %arg52[%dma_start3A_1897] : memref<10128xf32, #tpu.memory_space<vmem_shared>> -> memref<10128xf32, #tpu.memory_space<vmem_shared>>
    tpu.enqueue_indirect_dma source(%arg35 : memref<2560xf32, #tpu.memory_space<vmem>>) target(%dma_start3A_1898 : memref<10128xf32, #tpu.memory_space<vmem_shared>>) offsets(%arg8 : memref<2560xi32, #tpu.memory_space<vmem>>) semaphore(%arg61 : memref<!tpu.dma_semaphore, #tpu.memory_space<semaphore_mem>>) {add = true}
    %dma_start3A_1899 = arith.constant 0 : i32
    %dma_start3A_1900 = tpu.memref_slice %arg53[%dma_start3A_1899] : memref<10128xf32, #tpu.memory_space<vmem_shared>> -> memref<10128xf32, #tpu.memory_space<vmem_shared>>
    tpu.enqueue_indirect_dma source(%arg36 : memref<2560xf32, #tpu.memory_space<vmem>>) target(%dma_start3A_1900 : memref<10128xf32, #tpu.memory_space<vmem_shared>>) offsets(%arg8 : memref<2560xi32, #tpu.memory_space<vmem>>) semaphore(%arg61 : memref<!tpu.dma_semaphore, #tpu.memory_space<semaphore_mem>>) {add = true}
    %dma_start3A_1901 = arith.constant 0 : i32
    %dma_start3A_1902 = tpu.memref_slice %arg54[%dma_start3A_1901] : memref<10128xf32, #tpu.memory_space<vmem_shared>> -> memref<10128xf32, #tpu.memory_space<vmem_shared>>
    tpu.enqueue_indirect_dma source(%arg37 : memref<2560xf32, #tpu.memory_space<vmem>>) target(%dma_start3A_1902 : memref<10128xf32, #tpu.memory_space<vmem_shared>>) offsets(%arg8 : memref<2560xi32, #tpu.memory_space<vmem>>) semaphore(%arg61 : memref<!tpu.dma_semaphore, #tpu.memory_space<semaphore_mem>>) {add = true}
    %dma_start3A_1903 = arith.constant 0 : i32
    %dma_start3A_1904 = tpu.memref_slice %arg55[%dma_start3A_1903] : memref<10128xf32, #tpu.memory_space<vmem_shared>> -> memref<10128xf32, #tpu.memory_space<vmem_shared>>
    tpu.enqueue_indirect_dma source(%arg38 : memref<2560xf32, #tpu.memory_space<vmem>>) target(%dma_start3A_1904 : memref<10128xf32, #tpu.memory_space<vmem_shared>>) offsets(%arg8 : memref<2560xi32, #tpu.memory_space<vmem>>) semaphore(%arg61 : memref<!tpu.dma_semaphore, #tpu.memory_space<semaphore_mem>>) {add = true}
    %dma_start3A_1905 = arith.constant 0 : i32
    %dma_start3A_1906 = tpu.memref_slice %arg56[%dma_start3A_1905] : memref<10128xf32, #tpu.memory_space<vmem_shared>> -> memref<10128xf32, #tpu.memory_space<vmem_shared>>
    tpu.enqueue_indirect_dma source(%arg39 : memref<2560xf32, #tpu.memory_space<vmem>>) target(%dma_start3A_1906 : memref<10128xf32, #tpu.memory_space<vmem_shared>>) offsets(%arg8 : memref<2560xi32, #tpu.memory_space<vmem>>) semaphore(%arg61 : memref<!tpu.dma_semaphore, #tpu.memory_space<semaphore_mem>>) {add = true}
    %dma_start3A_1907 = arith.constant 0 : i32
    %dma_start3A_1908 = tpu.memref_slice %arg57[%dma_start3A_1907] : memref<10128xf32, #tpu.memory_space<vmem_shared>> -> memref<10128xf32, #tpu.memory_space<vmem_shared>>
    tpu.enqueue_indirect_dma source(%arg40 : memref<2560xf32, #tpu.memory_space<vmem>>) target(%dma_start3A_1908 : memref<10128xf32, #tpu.memory_space<vmem_shared>>) offsets(%arg8 : memref<2560xi32, #tpu.memory_space<vmem>>) semaphore(%arg61 : memref<!tpu.dma_semaphore, #tpu.memory_space<semaphore_mem>>) {add = true}
    %dma_start3A_1909 = arith.constant 0 : i32
    %dma_start3A_1910 = tpu.memref_slice %arg58[%dma_start3A_1909] : memref<10128xf32, #tpu.memory_space<vmem_shared>> -> memref<10128xf32, #tpu.memory_space<vmem_shared>>
    tpu.enqueue_indirect_dma source(%arg41 : memref<2560xf32, #tpu.memory_space<vmem>>) target(%dma_start3A_1910 : memref<10128xf32, #tpu.memory_space<vmem_shared>>) offsets(%arg8 : memref<2560xi32, #tpu.memory_space<vmem>>) semaphore(%arg61 : memref<!tpu.dma_semaphore, #tpu.memory_space<semaphore_mem>>) {add = true}
    %dma_wait3A_1911 = arith.constant 0 : i32
    %dma_wait3A_1912 = tpu.memref_slice %arg42[%dma_wait3A_1911] : memref<10128xf32, #tpu.memory_space<vmem_shared>> -> memref<10128xf32, #tpu.memory_space<vmem_shared>>
    tpu.wait_indirect_dma semaphore(%arg61 : memref<!tpu.dma_semaphore, #tpu.memory_space<semaphore_mem>>) src(%arg25 : memref<2560xf32, #tpu.memory_space<vmem>>) dst(%dma_wait3A_1912 : memref<10128xf32, #tpu.memory_space<vmem_shared>>)
    %dma_wait3A_1913 = arith.constant 0 : i32
    %dma_wait3A_1914 = tpu.memref_slice %arg43[%dma_wait3A_1913] : memref<10128xf32, #tpu.memory_space<vmem_shared>> -> memref<10128xf32, #tpu.memory_space<vmem_shared>>
    tpu.wait_indirect_dma semaphore(%arg61 : memref<!tpu.dma_semaphore, #tpu.memory_space<semaphore_mem>>) src(%arg26 : memref<2560xf32, #tpu.memory_space<vmem>>) dst(%dma_wait3A_1914 : memref<10128xf32, #tpu.memory_space<vmem_shared>>)
    %dma_wait3A_1915 = arith.constant 0 : i32
    %dma_wait3A_1916 = tpu.memref_slice %arg44[%dma_wait3A_1915] : memref<10128xf32, #tpu.memory_space<vmem_shared>> -> memref<10128xf32, #tpu.memory_space<vmem_shared>>
    tpu.wait_indirect_dma semaphore(%arg61 : memref<!tpu.dma_semaphore, #tpu.memory_space<semaphore_mem>>) src(%arg27 : memref<2560xf32, #tpu.memory_space<vmem>>) dst(%dma_wait3A_1916 : memref<10128xf32, #tpu.memory_space<vmem_shared>>)
    %dma_wait3A_1917 = arith.constant 0 : i32
    %dma_wait3A_1918 = tpu.memref_slice %arg45[%dma_wait3A_1917] : memref<10128xf32, #tpu.memory_space<vmem_shared>> -> memref<10128xf32, #tpu.memory_space<vmem_shared>>
    tpu.wait_indirect_dma semaphore(%arg61 : memref<!tpu.dma_semaphore, #tpu.memory_space<semaphore_mem>>) src(%arg28 : memref<2560xf32, #tpu.memory_space<vmem>>) dst(%dma_wait3A_1918 : memref<10128xf32, #tpu.memory_space<vmem_shared>>)
    %dma_wait3A_1919 = arith.constant 0 : i32
    %dma_wait3A_1920 = tpu.memref_slice %arg46[%dma_wait3A_1919] : memref<10128xf32, #tpu.memory_space<vmem_shared>> -> memref<10128xf32, #tpu.memory_space<vmem_shared>>
    tpu.wait_indirect_dma semaphore(%arg61 : memref<!tpu.dma_semaphore, #tpu.memory_space<semaphore_mem>>) src(%arg29 : memref<2560xf32, #tpu.memory_space<vmem>>) dst(%dma_wait3A_1920 : memref<10128xf32, #tpu.memory_space<vmem_shared>>)
    %dma_wait3A_1921 = arith.constant 0 : i32
    %dma_wait3A_1922 = tpu.memref_slice %arg47[%dma_wait3A_1921] : memref<10128xf32, #tpu.memory_space<vmem_shared>> -> memref<10128xf32, #tpu.memory_space<vmem_shared>>
    tpu.wait_indirect_dma semaphore(%arg61 : memref<!tpu.dma_semaphore, #tpu.memory_space<semaphore_mem>>) src(%arg30 : memref<2560xf32, #tpu.memory_space<vmem>>) dst(%dma_wait3A_1922 : memref<10128xf32, #tpu.memory_space<vmem_shared>>)
    %dma_wait3A_1923 = arith.constant 0 : i32
    %dma_wait3A_1924 = tpu.memref_slice %arg48[%dma_wait3A_1923] : memref<10128xf32, #tpu.memory_space<vmem_shared>> -> memref<10128xf32, #tpu.memory_space<vmem_shared>>
    tpu.wait_indirect_dma semaphore(%arg61 : memref<!tpu.dma_semaphore, #tpu.memory_space<semaphore_mem>>) src(%arg31 : memref<2560xf32, #tpu.memory_space<vmem>>) dst(%dma_wait3A_1924 : memref<10128xf32, #tpu.memory_space<vmem_shared>>)
    %dma_wait3A_1925 = arith.constant 0 : i32
    %dma_wait3A_1926 = tpu.memref_slice %arg49[%dma_wait3A_1925] : memref<10128xf32, #tpu.memory_space<vmem_shared>> -> memref<10128xf32, #tpu.memory_space<vmem_shared>>
    tpu.wait_indirect_dma semaphore(%arg61 : memref<!tpu.dma_semaphore, #tpu.memory_space<semaphore_mem>>) src(%arg32 : memref<2560xf32, #tpu.memory_space<vmem>>) dst(%dma_wait3A_1926 : memref<10128xf32, #tpu.memory_space<vmem_shared>>)
    %dma_wait3A_1927 = arith.constant 0 : i32
    %dma_wait3A_1928 = tpu.memref_slice %arg50[%dma_wait3A_1927] : memref<10128xf32, #tpu.memory_space<vmem_shared>> -> memref<10128xf32, #tpu.memory_space<vmem_shared>>
    tpu.wait_indirect_dma semaphore(%arg61 : memref<!tpu.dma_semaphore, #tpu.memory_space<semaphore_mem>>) src(%arg33 : memref<2560xf32, #tpu.memory_space<vmem>>) dst(%dma_wait3A_1928 : memref<10128xf32, #tpu.memory_space<vmem_shared>>)
    %dma_wait3A_1929 = arith.constant 0 : i32
    %dma_wait3A_1930 = tpu.memref_slice %arg51[%dma_wait3A_1929] : memref<10128xf32, #tpu.memory_space<vmem_shared>> -> memref<10128xf32, #tpu.memory_space<vmem_shared>>
    tpu.wait_indirect_dma semaphore(%arg61 : memref<!tpu.dma_semaphore, #tpu.memory_space<semaphore_mem>>) src(%arg34 : memref<2560xf32, #tpu.memory_space<vmem>>) dst(%dma_wait3A_1930 : memref<10128xf32, #tpu.memory_space<vmem_shared>>)
    %dma_wait3A_1931 = arith.constant 0 : i32
    %dma_wait3A_1932 = tpu.memref_slice %arg52[%dma_wait3A_1931] : memref<10128xf32, #tpu.memory_space<vmem_shared>> -> memref<10128xf32, #tpu.memory_space<vmem_shared>>
    tpu.wait_indirect_dma semaphore(%arg61 : memref<!tpu.dma_semaphore, #tpu.memory_space<semaphore_mem>>) src(%arg35 : memref<2560xf32, #tpu.memory_space<vmem>>) dst(%dma_wait3A_1932 : memref<10128xf32, #tpu.memory_space<vmem_shared>>)
    %dma_wait3A_1933 = arith.constant 0 : i32
    %dma_wait3A_1934 = tpu.memref_slice %arg53[%dma_wait3A_1933] : memref<10128xf32, #tpu.memory_space<vmem_shared>> -> memref<10128xf32, #tpu.memory_space<vmem_shared>>
    tpu.wait_indirect_dma semaphore(%arg61 : memref<!tpu.dma_semaphore, #tpu.memory_space<semaphore_mem>>) src(%arg36 : memref<2560xf32, #tpu.memory_space<vmem>>) dst(%dma_wait3A_1934 : memref<10128xf32, #tpu.memory_space<vmem_shared>>)
    %dma_wait3A_1935 = arith.constant 0 : i32
    %dma_wait3A_1936 = tpu.memref_slice %arg54[%dma_wait3A_1935] : memref<10128xf32, #tpu.memory_space<vmem_shared>> -> memref<10128xf32, #tpu.memory_space<vmem_shared>>
    tpu.wait_indirect_dma semaphore(%arg61 : memref<!tpu.dma_semaphore, #tpu.memory_space<semaphore_mem>>) src(%arg37 : memref<2560xf32, #tpu.memory_space<vmem>>) dst(%dma_wait3A_1936 : memref<10128xf32, #tpu.memory_space<vmem_shared>>)
    %dma_wait3A_1937 = arith.constant 0 : i32
    %dma_wait3A_1938 = tpu.memref_slice %arg55[%dma_wait3A_1937] : memref<10128xf32, #tpu.memory_space<vmem_shared>> -> memref<10128xf32, #tpu.memory_space<vmem_shared>>
    tpu.wait_indirect_dma semaphore(%arg61 : memref<!tpu.dma_semaphore, #tpu.memory_space<semaphore_mem>>) src(%arg38 : memref<2560xf32, #tpu.memory_space<vmem>>) dst(%dma_wait3A_1938 : memref<10128xf32, #tpu.memory_space<vmem_shared>>)
    %dma_wait3A_1939 = arith.constant 0 : i32
    %dma_wait3A_1940 = tpu.memref_slice %arg56[%dma_wait3A_1939] : memref<10128xf32, #tpu.memory_space<vmem_shared>> -> memref<10128xf32, #tpu.memory_space<vmem_shared>>
    tpu.wait_indirect_dma semaphore(%arg61 : memref<!tpu.dma_semaphore, #tpu.memory_space<semaphore_mem>>) src(%arg39 : memref<2560xf32, #tpu.memory_space<vmem>>) dst(%dma_wait3A_1940 : memref<10128xf32, #tpu.memory_space<vmem_shared>>)
    %dma_wait3A_1941 = arith.constant 0 : i32
    %dma_wait3A_1942 = tpu.memref_slice %arg57[%dma_wait3A_1941] : memref<10128xf32, #tpu.memory_space<vmem_shared>> -> memref<10128xf32, #tpu.memory_space<vmem_shared>>
    tpu.wait_indirect_dma semaphore(%arg61 : memref<!tpu.dma_semaphore, #tpu.memory_space<semaphore_mem>>) src(%arg40 : memref<2560xf32, #tpu.memory_space<vmem>>) dst(%dma_wait3A_1942 : memref<10128xf32, #tpu.memory_space<vmem_shared>>)
    %dma_wait3A_1943 = arith.constant 0 : i32
    %dma_wait3A_1944 = tpu.memref_slice %arg58[%dma_wait3A_1943] : memref<10128xf32, #tpu.memory_space<vmem_shared>> -> memref<10128xf32, #tpu.memory_space<vmem_shared>>
    tpu.wait_indirect_dma semaphore(%arg61 : memref<!tpu.dma_semaphore, #tpu.memory_space<semaphore_mem>>) src(%arg41 : memref<2560xf32, #tpu.memory_space<vmem>>) dst(%dma_wait3A_1944 : memref<10128xf32, #tpu.memory_space<vmem_shared>>)
    %barrier3A_1945 = arith.constant 0 : index
    tpu.barrier barrier_id(%barrier3A_1945)
    %eq3A_1946 = arith.constant 0 : i32
    %eq3A_1947 = arith.cmpi eq, %arg1, %eq3A_1946 : i32
    %convert_element_type3A_1948 = arith.extui %eq3A_1947 : i1 to i32
    %cond3A_1949 = arith.constant 0 : i32
    %cond3A_1950 = arith.cmpi ne, %convert_element_type3A_1948, %cond3A_1949 : i32
    scf.if %cond3A_1950 {
      %run_scoped3A = arith.constant 0 : i32
      "tpu.region"() ({
        %run_scoped3A_1966 = tpu.sem_alloc : memref<!tpu.dma_semaphore, #tpu.memory_space<semaphore_mem>>
        %dma_start3A_1967 = arith.constant 0 : i32
        %dma_start3A_1968 = tpu.memref_slice %arg5[%arg0, %run_scoped3A, %dma_start3A_1967] : memref<2x16x10128xf32, #tpu.memory_space<hbm>> -> memref<1x1x10128xf32, #tpu.memory_space<hbm>>
        %dma_start3A_1969 = tpu.memref_squeeze %dma_start3A_1968 : memref<1x1x10128xf32, #tpu.memory_space<hbm>> -> memref<10128xf32, #tpu.memory_space<hbm>>
        tpu.enqueue_dma source(%arg42 : memref<10128xf32, #tpu.memory_space<vmem_shared>>) target(%dma_start3A_1969 : memref<10128xf32, #tpu.memory_space<hbm>>) target_semaphore(%run_scoped3A_1966 : memref<!tpu.dma_semaphore, #tpu.memory_space<semaphore_mem>>)
        %dma_wait3A_1970 = arith.constant 0 : i32
        %dma_wait3A_1971 = tpu.memref_slice %arg5[%arg0, %run_scoped3A, %dma_wait3A_1970] : memref<2x16x10128xf32, #tpu.memory_space<hbm>> -> memref<1x1x10128xf32, #tpu.memory_space<hbm>>
        %dma_wait3A_1972 = tpu.memref_squeeze %dma_wait3A_1971 : memref<1x1x10128xf32, #tpu.memory_space<hbm>> -> memref<10128xf32, #tpu.memory_space<hbm>>
        tpu.wait_dma2 semaphore(%run_scoped3A_1966 : memref<!tpu.dma_semaphore, #tpu.memory_space<semaphore_mem>>) src(%arg42 : memref<10128xf32, #tpu.memory_space<vmem_shared>>) dst(%dma_wait3A_1972 : memref<10128xf32, #tpu.memory_space<hbm>>)
        tpu.yield
      }) : () -> ()
      %run_scoped3A_1951 = arith.constant 1 : i32
      "tpu.region"() ({
        %run_scoped3A_1966 = tpu.sem_alloc : memref<!tpu.dma_semaphore, #tpu.memory_space<semaphore_mem>>
        %dma_start3A_1967 = arith.constant 0 : i32
        %dma_start3A_1968 = tpu.memref_slice %arg5[%arg0, %run_scoped3A_1951, %dma_start3A_1967] : memref<2x16x10128xf32, #tpu.memory_space<hbm>> -> memref<1x1x10128xf32, #tpu.memory_space<hbm>>
        %dma_start3A_1969 = tpu.memref_squeeze %dma_start3A_1968 : memref<1x1x10128xf32, #tpu.memory_space<hbm>> -> memref<10128xf32, #tpu.memory_space<hbm>>
        tpu.enqueue_dma source(%arg43 : memref<10128xf32, #tpu.memory_space<vmem_shared>>) target(%dma_start3A_1969 : memref<10128xf32, #tpu.memory_space<hbm>>) target_semaphore(%run_scoped3A_1966 : memref<!tpu.dma_semaphore, #tpu.memory_space<semaphore_mem>>)
        %dma_wait3A_1970 = arith.constant 0 : i32
        %dma_wait3A_1971 = tpu.memref_slice %arg5[%arg0, %run_scoped3A_1951, %dma_wait3A_1970] : memref<2x16x10128xf32, #tpu.memory_space<hbm>> -> memref<1x1x10128xf32, #tpu.memory_space<hbm>>
        %dma_wait3A_1972 = tpu.memref_squeeze %dma_wait3A_1971 : memref<1x1x10128xf32, #tpu.memory_space<hbm>> -> memref<10128xf32, #tpu.memory_space<hbm>>
        tpu.wait_dma2 semaphore(%run_scoped3A_1966 : memref<!tpu.dma_semaphore, #tpu.memory_space<semaphore_mem>>) src(%arg43 : memref<10128xf32, #tpu.memory_space<vmem_shared>>) dst(%dma_wait3A_1972 : memref<10128xf32, #tpu.memory_space<hbm>>)
        tpu.yield
      }) : () -> ()
      %run_scoped3A_1952 = arith.constant 2 : i32
      "tpu.region"() ({
        %run_scoped3A_1966 = tpu.sem_alloc : memref<!tpu.dma_semaphore, #tpu.memory_space<semaphore_mem>>
        %dma_start3A_1967 = arith.constant 0 : i32
        %dma_start3A_1968 = tpu.memref_slice %arg5[%arg0, %run_scoped3A_1952, %dma_start3A_1967] : memref<2x16x10128xf32, #tpu.memory_space<hbm>> -> memref<1x1x10128xf32, #tpu.memory_space<hbm>>
        %dma_start3A_1969 = tpu.memref_squeeze %dma_start3A_1968 : memref<1x1x10128xf32, #tpu.memory_space<hbm>> -> memref<10128xf32, #tpu.memory_space<hbm>>
        tpu.enqueue_dma source(%arg44 : memref<10128xf32, #tpu.memory_space<vmem_shared>>) target(%dma_start3A_1969 : memref<10128xf32, #tpu.memory_space<hbm>>) target_semaphore(%run_scoped3A_1966 : memref<!tpu.dma_semaphore, #tpu.memory_space<semaphore_mem>>)
        %dma_wait3A_1970 = arith.constant 0 : i32
        %dma_wait3A_1971 = tpu.memref_slice %arg5[%arg0, %run_scoped3A_1952, %dma_wait3A_1970] : memref<2x16x10128xf32, #tpu.memory_space<hbm>> -> memref<1x1x10128xf32, #tpu.memory_space<hbm>>
        %dma_wait3A_1972 = tpu.memref_squeeze %dma_wait3A_1971 : memref<1x1x10128xf32, #tpu.memory_space<hbm>> -> memref<10128xf32, #tpu.memory_space<hbm>>
        tpu.wait_dma2 semaphore(%run_scoped3A_1966 : memref<!tpu.dma_semaphore, #tpu.memory_space<semaphore_mem>>) src(%arg44 : memref<10128xf32, #tpu.memory_space<vmem_shared>>) dst(%dma_wait3A_1972 : memref<10128xf32, #tpu.memory_space<hbm>>)
        tpu.yield
      }) : () -> ()
      %run_scoped3A_1953 = arith.constant 3 : i32
      "tpu.region"() ({
        %run_scoped3A_1966 = tpu.sem_alloc : memref<!tpu.dma_semaphore, #tpu.memory_space<semaphore_mem>>
        %dma_start3A_1967 = arith.constant 0 : i32
        %dma_start3A_1968 = tpu.memref_slice %arg5[%arg0, %run_scoped3A_1953, %dma_start3A_1967] : memref<2x16x10128xf32, #tpu.memory_space<hbm>> -> memref<1x1x10128xf32, #tpu.memory_space<hbm>>
        %dma_start3A_1969 = tpu.memref_squeeze %dma_start3A_1968 : memref<1x1x10128xf32, #tpu.memory_space<hbm>> -> memref<10128xf32, #tpu.memory_space<hbm>>
        tpu.enqueue_dma source(%arg45 : memref<10128xf32, #tpu.memory_space<vmem_shared>>) target(%dma_start3A_1969 : memref<10128xf32, #tpu.memory_space<hbm>>) target_semaphore(%run_scoped3A_1966 : memref<!tpu.dma_semaphore, #tpu.memory_space<semaphore_mem>>)
        %dma_wait3A_1970 = arith.constant 0 : i32
        %dma_wait3A_1971 = tpu.memref_slice %arg5[%arg0, %run_scoped3A_1953, %dma_wait3A_1970] : memref<2x16x10128xf32, #tpu.memory_space<hbm>> -> memref<1x1x10128xf32, #tpu.memory_space<hbm>>
        %dma_wait3A_1972 = tpu.memref_squeeze %dma_wait3A_1971 : memref<1x1x10128xf32, #tpu.memory_space<hbm>> -> memref<10128xf32, #tpu.memory_space<hbm>>
        tpu.wait_dma2 semaphore(%run_scoped3A_1966 : memref<!tpu.dma_semaphore, #tpu.memory_space<semaphore_mem>>) src(%arg45 : memref<10128xf32, #tpu.memory_space<vmem_shared>>) dst(%dma_wait3A_1972 : memref<10128xf32, #tpu.memory_space<hbm>>)
        tpu.yield
      }) : () -> ()
      %run_scoped3A_1954 = arith.constant 4 : i32
      "tpu.region"() ({
        %run_scoped3A_1966 = tpu.sem_alloc : memref<!tpu.dma_semaphore, #tpu.memory_space<semaphore_mem>>
        %dma_start3A_1967 = arith.constant 0 : i32
        %dma_start3A_1968 = tpu.memref_slice %arg5[%arg0, %run_scoped3A_1954, %dma_start3A_1967] : memref<2x16x10128xf32, #tpu.memory_space<hbm>> -> memref<1x1x10128xf32, #tpu.memory_space<hbm>>
        %dma_start3A_1969 = tpu.memref_squeeze %dma_start3A_1968 : memref<1x1x10128xf32, #tpu.memory_space<hbm>> -> memref<10128xf32, #tpu.memory_space<hbm>>
        tpu.enqueue_dma source(%arg46 : memref<10128xf32, #tpu.memory_space<vmem_shared>>) target(%dma_start3A_1969 : memref<10128xf32, #tpu.memory_space<hbm>>) target_semaphore(%run_scoped3A_1966 : memref<!tpu.dma_semaphore, #tpu.memory_space<semaphore_mem>>)
        %dma_wait3A_1970 = arith.constant 0 : i32
        %dma_wait3A_1971 = tpu.memref_slice %arg5[%arg0, %run_scoped3A_1954, %dma_wait3A_1970] : memref<2x16x10128xf32, #tpu.memory_space<hbm>> -> memref<1x1x10128xf32, #tpu.memory_space<hbm>>
        %dma_wait3A_1972 = tpu.memref_squeeze %dma_wait3A_1971 : memref<1x1x10128xf32, #tpu.memory_space<hbm>> -> memref<10128xf32, #tpu.memory_space<hbm>>
        tpu.wait_dma2 semaphore(%run_scoped3A_1966 : memref<!tpu.dma_semaphore, #tpu.memory_space<semaphore_mem>>) src(%arg46 : memref<10128xf32, #tpu.memory_space<vmem_shared>>) dst(%dma_wait3A_1972 : memref<10128xf32, #tpu.memory_space<hbm>>)
        tpu.yield
      }) : () -> ()
      %run_scoped3A_1955 = arith.constant 5 : i32
      "tpu.region"() ({
        %run_scoped3A_1966 = tpu.sem_alloc : memref<!tpu.dma_semaphore, #tpu.memory_space<semaphore_mem>>
        %dma_start3A_1967 = arith.constant 0 : i32
        %dma_start3A_1968 = tpu.memref_slice %arg5[%arg0, %run_scoped3A_1955, %dma_start3A_1967] : memref<2x16x10128xf32, #tpu.memory_space<hbm>> -> memref<1x1x10128xf32, #tpu.memory_space<hbm>>
        %dma_start3A_1969 = tpu.memref_squeeze %dma_start3A_1968 : memref<1x1x10128xf32, #tpu.memory_space<hbm>> -> memref<10128xf32, #tpu.memory_space<hbm>>
        tpu.enqueue_dma source(%arg47 : memref<10128xf32, #tpu.memory_space<vmem_shared>>) target(%dma_start3A_1969 : memref<10128xf32, #tpu.memory_space<hbm>>) target_semaphore(%run_scoped3A_1966 : memref<!tpu.dma_semaphore, #tpu.memory_space<semaphore_mem>>)
        %dma_wait3A_1970 = arith.constant 0 : i32
        %dma_wait3A_1971 = tpu.memref_slice %arg5[%arg0, %run_scoped3A_1955, %dma_wait3A_1970] : memref<2x16x10128xf32, #tpu.memory_space<hbm>> -> memref<1x1x10128xf32, #tpu.memory_space<hbm>>
        %dma_wait3A_1972 = tpu.memref_squeeze %dma_wait3A_1971 : memref<1x1x10128xf32, #tpu.memory_space<hbm>> -> memref<10128xf32, #tpu.memory_space<hbm>>
        tpu.wait_dma2 semaphore(%run_scoped3A_1966 : memref<!tpu.dma_semaphore, #tpu.memory_space<semaphore_mem>>) src(%arg47 : memref<10128xf32, #tpu.memory_space<vmem_shared>>) dst(%dma_wait3A_1972 : memref<10128xf32, #tpu.memory_space<hbm>>)
        tpu.yield
      }) : () -> ()
      %run_scoped3A_1956 = arith.constant 6 : i32
      "tpu.region"() ({
        %run_scoped3A_1966 = tpu.sem_alloc : memref<!tpu.dma_semaphore, #tpu.memory_space<semaphore_mem>>
        %dma_start3A_1967 = arith.constant 0 : i32
        %dma_start3A_1968 = tpu.memref_slice %arg5[%arg0, %run_scoped3A_1956, %dma_start3A_1967] : memref<2x16x10128xf32, #tpu.memory_space<hbm>> -> memref<1x1x10128xf32, #tpu.memory_space<hbm>>
        %dma_start3A_1969 = tpu.memref_squeeze %dma_start3A_1968 : memref<1x1x10128xf32, #tpu.memory_space<hbm>> -> memref<10128xf32, #tpu.memory_space<hbm>>
        tpu.enqueue_dma source(%arg48 : memref<10128xf32, #tpu.memory_space<vmem_shared>>) target(%dma_start3A_1969 : memref<10128xf32, #tpu.memory_space<hbm>>) target_semaphore(%run_scoped3A_1966 : memref<!tpu.dma_semaphore, #tpu.memory_space<semaphore_mem>>)
        %dma_wait3A_1970 = arith.constant 0 : i32
        %dma_wait3A_1971 = tpu.memref_slice %arg5[%arg0, %run_scoped3A_1956, %dma_wait3A_1970] : memref<2x16x10128xf32, #tpu.memory_space<hbm>> -> memref<1x1x10128xf32, #tpu.memory_space<hbm>>
        %dma_wait3A_1972 = tpu.memref_squeeze %dma_wait3A_1971 : memref<1x1x10128xf32, #tpu.memory_space<hbm>> -> memref<10128xf32, #tpu.memory_space<hbm>>
        tpu.wait_dma2 semaphore(%run_scoped3A_1966 : memref<!tpu.dma_semaphore, #tpu.memory_space<semaphore_mem>>) src(%arg48 : memref<10128xf32, #tpu.memory_space<vmem_shared>>) dst(%dma_wait3A_1972 : memref<10128xf32, #tpu.memory_space<hbm>>)
        tpu.yield
      }) : () -> ()
      %run_scoped3A_1957 = arith.constant 7 : i32
      "tpu.region"() ({
        %run_scoped3A_1966 = tpu.sem_alloc : memref<!tpu.dma_semaphore, #tpu.memory_space<semaphore_mem>>
        %dma_start3A_1967 = arith.constant 0 : i32
        %dma_start3A_1968 = tpu.memref_slice %arg5[%arg0, %run_scoped3A_1957, %dma_start3A_1967] : memref<2x16x10128xf32, #tpu.memory_space<hbm>> -> memref<1x1x10128xf32, #tpu.memory_space<hbm>>
        %dma_start3A_1969 = tpu.memref_squeeze %dma_start3A_1968 : memref<1x1x10128xf32, #tpu.memory_space<hbm>> -> memref<10128xf32, #tpu.memory_space<hbm>>
        tpu.enqueue_dma source(%arg49 : memref<10128xf32, #tpu.memory_space<vmem_shared>>) target(%dma_start3A_1969 : memref<10128xf32, #tpu.memory_space<hbm>>) target_semaphore(%run_scoped3A_1966 : memref<!tpu.dma_semaphore, #tpu.memory_space<semaphore_mem>>)
        %dma_wait3A_1970 = arith.constant 0 : i32
        %dma_wait3A_1971 = tpu.memref_slice %arg5[%arg0, %run_scoped3A_1957, %dma_wait3A_1970] : memref<2x16x10128xf32, #tpu.memory_space<hbm>> -> memref<1x1x10128xf32, #tpu.memory_space<hbm>>
        %dma_wait3A_1972 = tpu.memref_squeeze %dma_wait3A_1971 : memref<1x1x10128xf32, #tpu.memory_space<hbm>> -> memref<10128xf32, #tpu.memory_space<hbm>>
        tpu.wait_dma2 semaphore(%run_scoped3A_1966 : memref<!tpu.dma_semaphore, #tpu.memory_space<semaphore_mem>>) src(%arg49 : memref<10128xf32, #tpu.memory_space<vmem_shared>>) dst(%dma_wait3A_1972 : memref<10128xf32, #tpu.memory_space<hbm>>)
        tpu.yield
      }) : () -> ()
      %run_scoped3A_1958 = arith.constant 8 : i32
      "tpu.region"() ({
        %run_scoped3A_1966 = tpu.sem_alloc : memref<!tpu.dma_semaphore, #tpu.memory_space<semaphore_mem>>
        %dma_start3A_1967 = arith.constant 0 : i32
        %dma_start3A_1968 = tpu.memref_slice %arg5[%arg0, %run_scoped3A_1958, %dma_start3A_1967] : memref<2x16x10128xf32, #tpu.memory_space<hbm>> -> memref<1x1x10128xf32, #tpu.memory_space<hbm>>
        %dma_start3A_1969 = tpu.memref_squeeze %dma_start3A_1968 : memref<1x1x10128xf32, #tpu.memory_space<hbm>> -> memref<10128xf32, #tpu.memory_space<hbm>>
        tpu.enqueue_dma source(%arg50 : memref<10128xf32, #tpu.memory_space<vmem_shared>>) target(%dma_start3A_1969 : memref<10128xf32, #tpu.memory_space<hbm>>) target_semaphore(%run_scoped3A_1966 : memref<!tpu.dma_semaphore, #tpu.memory_space<semaphore_mem>>)
        %dma_wait3A_1970 = arith.constant 0 : i32
        %dma_wait3A_1971 = tpu.memref_slice %arg5[%arg0, %run_scoped3A_1958, %dma_wait3A_1970] : memref<2x16x10128xf32, #tpu.memory_space<hbm>> -> memref<1x1x10128xf32, #tpu.memory_space<hbm>>
        %dma_wait3A_1972 = tpu.memref_squeeze %dma_wait3A_1971 : memref<1x1x10128xf32, #tpu.memory_space<hbm>> -> memref<10128xf32, #tpu.memory_space<hbm>>
        tpu.wait_dma2 semaphore(%run_scoped3A_1966 : memref<!tpu.dma_semaphore, #tpu.memory_space<semaphore_mem>>) src(%arg50 : memref<10128xf32, #tpu.memory_space<vmem_shared>>) dst(%dma_wait3A_1972 : memref<10128xf32, #tpu.memory_space<hbm>>)
        tpu.yield
      }) : () -> ()
      %run_scoped3A_1959 = arith.constant 9 : i32
      "tpu.region"() ({
        %run_scoped3A_1966 = tpu.sem_alloc : memref<!tpu.dma_semaphore, #tpu.memory_space<semaphore_mem>>
        %dma_start3A_1967 = arith.constant 0 : i32
        %dma_start3A_1968 = tpu.memref_slice %arg5[%arg0, %run_scoped3A_1959, %dma_start3A_1967] : memref<2x16x10128xf32, #tpu.memory_space<hbm>> -> memref<1x1x10128xf32, #tpu.memory_space<hbm>>
        %dma_start3A_1969 = tpu.memref_squeeze %dma_start3A_1968 : memref<1x1x10128xf32, #tpu.memory_space<hbm>> -> memref<10128xf32, #tpu.memory_space<hbm>>
        tpu.enqueue_dma source(%arg51 : memref<10128xf32, #tpu.memory_space<vmem_shared>>) target(%dma_start3A_1969 : memref<10128xf32, #tpu.memory_space<hbm>>) target_semaphore(%run_scoped3A_1966 : memref<!tpu.dma_semaphore, #tpu.memory_space<semaphore_mem>>)
        %dma_wait3A_1970 = arith.constant 0 : i32
        %dma_wait3A_1971 = tpu.memref_slice %arg5[%arg0, %run_scoped3A_1959, %dma_wait3A_1970] : memref<2x16x10128xf32, #tpu.memory_space<hbm>> -> memref<1x1x10128xf32, #tpu.memory_space<hbm>>
        %dma_wait3A_1972 = tpu.memref_squeeze %dma_wait3A_1971 : memref<1x1x10128xf32, #tpu.memory_space<hbm>> -> memref<10128xf32, #tpu.memory_space<hbm>>
        tpu.wait_dma2 semaphore(%run_scoped3A_1966 : memref<!tpu.dma_semaphore, #tpu.memory_space<semaphore_mem>>) src(%arg51 : memref<10128xf32, #tpu.memory_space<vmem_shared>>) dst(%dma_wait3A_1972 : memref<10128xf32, #tpu.memory_space<hbm>>)
        tpu.yield
      }) : () -> ()
      %run_scoped3A_1960 = arith.constant 10 : i32
      "tpu.region"() ({
        %run_scoped3A_1966 = tpu.sem_alloc : memref<!tpu.dma_semaphore, #tpu.memory_space<semaphore_mem>>
        %dma_start3A_1967 = arith.constant 0 : i32
        %dma_start3A_1968 = tpu.memref_slice %arg5[%arg0, %run_scoped3A_1960, %dma_start3A_1967] : memref<2x16x10128xf32, #tpu.memory_space<hbm>> -> memref<1x1x10128xf32, #tpu.memory_space<hbm>>
        %dma_start3A_1969 = tpu.memref_squeeze %dma_start3A_1968 : memref<1x1x10128xf32, #tpu.memory_space<hbm>> -> memref<10128xf32, #tpu.memory_space<hbm>>
        tpu.enqueue_dma source(%arg52 : memref<10128xf32, #tpu.memory_space<vmem_shared>>) target(%dma_start3A_1969 : memref<10128xf32, #tpu.memory_space<hbm>>) target_semaphore(%run_scoped3A_1966 : memref<!tpu.dma_semaphore, #tpu.memory_space<semaphore_mem>>)
        %dma_wait3A_1970 = arith.constant 0 : i32
        %dma_wait3A_1971 = tpu.memref_slice %arg5[%arg0, %run_scoped3A_1960, %dma_wait3A_1970] : memref<2x16x10128xf32, #tpu.memory_space<hbm>> -> memref<1x1x10128xf32, #tpu.memory_space<hbm>>
        %dma_wait3A_1972 = tpu.memref_squeeze %dma_wait3A_1971 : memref<1x1x10128xf32, #tpu.memory_space<hbm>> -> memref<10128xf32, #tpu.memory_space<hbm>>
        tpu.wait_dma2 semaphore(%run_scoped3A_1966 : memref<!tpu.dma_semaphore, #tpu.memory_space<semaphore_mem>>) src(%arg52 : memref<10128xf32, #tpu.memory_space<vmem_shared>>) dst(%dma_wait3A_1972 : memref<10128xf32, #tpu.memory_space<hbm>>)
        tpu.yield
      }) : () -> ()
      %run_scoped3A_1961 = arith.constant 11 : i32
      "tpu.region"() ({
        %run_scoped3A_1966 = tpu.sem_alloc : memref<!tpu.dma_semaphore, #tpu.memory_space<semaphore_mem>>
        %dma_start3A_1967 = arith.constant 0 : i32
        %dma_start3A_1968 = tpu.memref_slice %arg5[%arg0, %run_scoped3A_1961, %dma_start3A_1967] : memref<2x16x10128xf32, #tpu.memory_space<hbm>> -> memref<1x1x10128xf32, #tpu.memory_space<hbm>>
        %dma_start3A_1969 = tpu.memref_squeeze %dma_start3A_1968 : memref<1x1x10128xf32, #tpu.memory_space<hbm>> -> memref<10128xf32, #tpu.memory_space<hbm>>
        tpu.enqueue_dma source(%arg53 : memref<10128xf32, #tpu.memory_space<vmem_shared>>) target(%dma_start3A_1969 : memref<10128xf32, #tpu.memory_space<hbm>>) target_semaphore(%run_scoped3A_1966 : memref<!tpu.dma_semaphore, #tpu.memory_space<semaphore_mem>>)
        %dma_wait3A_1970 = arith.constant 0 : i32
        %dma_wait3A_1971 = tpu.memref_slice %arg5[%arg0, %run_scoped3A_1961, %dma_wait3A_1970] : memref<2x16x10128xf32, #tpu.memory_space<hbm>> -> memref<1x1x10128xf32, #tpu.memory_space<hbm>>
        %dma_wait3A_1972 = tpu.memref_squeeze %dma_wait3A_1971 : memref<1x1x10128xf32, #tpu.memory_space<hbm>> -> memref<10128xf32, #tpu.memory_space<hbm>>
        tpu.wait_dma2 semaphore(%run_scoped3A_1966 : memref<!tpu.dma_semaphore, #tpu.memory_space<semaphore_mem>>) src(%arg53 : memref<10128xf32, #tpu.memory_space<vmem_shared>>) dst(%dma_wait3A_1972 : memref<10128xf32, #tpu.memory_space<hbm>>)
        tpu.yield
      }) : () -> ()
      %run_scoped3A_1962 = arith.constant 12 : i32
      "tpu.region"() ({
        %run_scoped3A_1966 = tpu.sem_alloc : memref<!tpu.dma_semaphore, #tpu.memory_space<semaphore_mem>>
        %dma_start3A_1967 = arith.constant 0 : i32
        %dma_start3A_1968 = tpu.memref_slice %arg5[%arg0, %run_scoped3A_1962, %dma_start3A_1967] : memref<2x16x10128xf32, #tpu.memory_space<hbm>> -> memref<1x1x10128xf32, #tpu.memory_space<hbm>>
        %dma_start3A_1969 = tpu.memref_squeeze %dma_start3A_1968 : memref<1x1x10128xf32, #tpu.memory_space<hbm>> -> memref<10128xf32, #tpu.memory_space<hbm>>
        tpu.enqueue_dma source(%arg54 : memref<10128xf32, #tpu.memory_space<vmem_shared>>) target(%dma_start3A_1969 : memref<10128xf32, #tpu.memory_space<hbm>>) target_semaphore(%run_scoped3A_1966 : memref<!tpu.dma_semaphore, #tpu.memory_space<semaphore_mem>>)
        %dma_wait3A_1970 = arith.constant 0 : i32
        %dma_wait3A_1971 = tpu.memref_slice %arg5[%arg0, %run_scoped3A_1962, %dma_wait3A_1970] : memref<2x16x10128xf32, #tpu.memory_space<hbm>> -> memref<1x1x10128xf32, #tpu.memory_space<hbm>>
        %dma_wait3A_1972 = tpu.memref_squeeze %dma_wait3A_1971 : memref<1x1x10128xf32, #tpu.memory_space<hbm>> -> memref<10128xf32, #tpu.memory_space<hbm>>
        tpu.wait_dma2 semaphore(%run_scoped3A_1966 : memref<!tpu.dma_semaphore, #tpu.memory_space<semaphore_mem>>) src(%arg54 : memref<10128xf32, #tpu.memory_space<vmem_shared>>) dst(%dma_wait3A_1972 : memref<10128xf32, #tpu.memory_space<hbm>>)
        tpu.yield
      }) : () -> ()
      %run_scoped3A_1963 = arith.constant 13 : i32
      "tpu.region"() ({
        %run_scoped3A_1966 = tpu.sem_alloc : memref<!tpu.dma_semaphore, #tpu.memory_space<semaphore_mem>>
        %dma_start3A_1967 = arith.constant 0 : i32
        %dma_start3A_1968 = tpu.memref_slice %arg5[%arg0, %run_scoped3A_1963, %dma_start3A_1967] : memref<2x16x10128xf32, #tpu.memory_space<hbm>> -> memref<1x1x10128xf32, #tpu.memory_space<hbm>>
        %dma_start3A_1969 = tpu.memref_squeeze %dma_start3A_1968 : memref<1x1x10128xf32, #tpu.memory_space<hbm>> -> memref<10128xf32, #tpu.memory_space<hbm>>
        tpu.enqueue_dma source(%arg55 : memref<10128xf32, #tpu.memory_space<vmem_shared>>) target(%dma_start3A_1969 : memref<10128xf32, #tpu.memory_space<hbm>>) target_semaphore(%run_scoped3A_1966 : memref<!tpu.dma_semaphore, #tpu.memory_space<semaphore_mem>>)
        %dma_wait3A_1970 = arith.constant 0 : i32
        %dma_wait3A_1971 = tpu.memref_slice %arg5[%arg0, %run_scoped3A_1963, %dma_wait3A_1970] : memref<2x16x10128xf32, #tpu.memory_space<hbm>> -> memref<1x1x10128xf32, #tpu.memory_space<hbm>>
        %dma_wait3A_1972 = tpu.memref_squeeze %dma_wait3A_1971 : memref<1x1x10128xf32, #tpu.memory_space<hbm>> -> memref<10128xf32, #tpu.memory_space<hbm>>
        tpu.wait_dma2 semaphore(%run_scoped3A_1966 : memref<!tpu.dma_semaphore, #tpu.memory_space<semaphore_mem>>) src(%arg55 : memref<10128xf32, #tpu.memory_space<vmem_shared>>) dst(%dma_wait3A_1972 : memref<10128xf32, #tpu.memory_space<hbm>>)
        tpu.yield
      }) : () -> ()
      %run_scoped3A_1964 = arith.constant 14 : i32
      "tpu.region"() ({
        %run_scoped3A_1966 = tpu.sem_alloc : memref<!tpu.dma_semaphore, #tpu.memory_space<semaphore_mem>>
        %dma_start3A_1967 = arith.constant 0 : i32
        %dma_start3A_1968 = tpu.memref_slice %arg5[%arg0, %run_scoped3A_1964, %dma_start3A_1967] : memref<2x16x10128xf32, #tpu.memory_space<hbm>> -> memref<1x1x10128xf32, #tpu.memory_space<hbm>>
        %dma_start3A_1969 = tpu.memref_squeeze %dma_start3A_1968 : memref<1x1x10128xf32, #tpu.memory_space<hbm>> -> memref<10128xf32, #tpu.memory_space<hbm>>
        tpu.enqueue_dma source(%arg56 : memref<10128xf32, #tpu.memory_space<vmem_shared>>) target(%dma_start3A_1969 : memref<10128xf32, #tpu.memory_space<hbm>>) target_semaphore(%run_scoped3A_1966 : memref<!tpu.dma_semaphore, #tpu.memory_space<semaphore_mem>>)
        %dma_wait3A_1970 = arith.constant 0 : i32
        %dma_wait3A_1971 = tpu.memref_slice %arg5[%arg0, %run_scoped3A_1964, %dma_wait3A_1970] : memref<2x16x10128xf32, #tpu.memory_space<hbm>> -> memref<1x1x10128xf32, #tpu.memory_space<hbm>>
        %dma_wait3A_1972 = tpu.memref_squeeze %dma_wait3A_1971 : memref<1x1x10128xf32, #tpu.memory_space<hbm>> -> memref<10128xf32, #tpu.memory_space<hbm>>
        tpu.wait_dma2 semaphore(%run_scoped3A_1966 : memref<!tpu.dma_semaphore, #tpu.memory_space<semaphore_mem>>) src(%arg56 : memref<10128xf32, #tpu.memory_space<vmem_shared>>) dst(%dma_wait3A_1972 : memref<10128xf32, #tpu.memory_space<hbm>>)
        tpu.yield
      }) : () -> ()
      %run_scoped3A_1965 = arith.constant 15 : i32
      "tpu.region"() ({
        %run_scoped3A_1966 = tpu.sem_alloc : memref<!tpu.dma_semaphore, #tpu.memory_space<semaphore_mem>>
        %dma_start3A_1967 = arith.constant 0 : i32
        %dma_start3A_1968 = tpu.memref_slice %arg5[%arg0, %run_scoped3A_1965, %dma_start3A_1967] : memref<2x16x10128xf32, #tpu.memory_space<hbm>> -> memref<1x1x10128xf32, #tpu.memory_space<hbm>>
        %dma_start3A_1969 = tpu.memref_squeeze %dma_start3A_1968 : memref<1x1x10128xf32, #tpu.memory_space<hbm>> -> memref<10128xf32, #tpu.memory_space<hbm>>
        tpu.enqueue_dma source(%arg57 : memref<10128xf32, #tpu.memory_space<vmem_shared>>) target(%dma_start3A_1969 : memref<10128xf32, #tpu.memory_space<hbm>>) target_semaphore(%run_scoped3A_1966 : memref<!tpu.dma_semaphore, #tpu.memory_space<semaphore_mem>>)
        %dma_wait3A_1970 = arith.constant 0 : i32
        %dma_wait3A_1971 = tpu.memref_slice %arg5[%arg0, %run_scoped3A_1965, %dma_wait3A_1970] : memref<2x16x10128xf32, #tpu.memory_space<hbm>> -> memref<1x1x10128xf32, #tpu.memory_space<hbm>>
        %dma_wait3A_1972 = tpu.memref_squeeze %dma_wait3A_1971 : memref<1x1x10128xf32, #tpu.memory_space<hbm>> -> memref<10128xf32, #tpu.memory_space<hbm>>
        tpu.wait_dma2 semaphore(%run_scoped3A_1966 : memref<!tpu.dma_semaphore, #tpu.memory_space<semaphore_mem>>) src(%arg57 : memref<10128xf32, #tpu.memory_space<vmem_shared>>) dst(%dma_wait3A_1972 : memref<10128xf32, #tpu.memory_space<hbm>>)
        tpu.yield
      }) : () -> ()
      "tpu.region"() ({
        %run_scoped3A_1966 = tpu.sem_alloc : memref<!tpu.dma_semaphore, #tpu.memory_space<semaphore_mem>>
        %dma_start3A_1967 = arith.constant 0 : i32
        %dma_start3A_1968 = tpu.memref_slice %arg6[%arg0, %dma_start3A_1967] : memref<2x10128xf32, #tpu.memory_space<hbm>> -> memref<1x10128xf32, #tpu.memory_space<hbm>>
        %dma_start3A_1969 = tpu.memref_squeeze %dma_start3A_1968 : memref<1x10128xf32, #tpu.memory_space<hbm>> -> memref<10128xf32, #tpu.memory_space<hbm>>
        tpu.enqueue_dma source(%arg58 : memref<10128xf32, #tpu.memory_space<vmem_shared>>) target(%dma_start3A_1969 : memref<10128xf32, #tpu.memory_space<hbm>>) target_semaphore(%run_scoped3A_1966 : memref<!tpu.dma_semaphore, #tpu.memory_space<semaphore_mem>>)
        %dma_wait3A_1970 = arith.constant 0 : i32
        %dma_wait3A_1971 = tpu.memref_slice %arg6[%arg0, %dma_wait3A_1970] : memref<2x10128xf32, #tpu.memory_space<hbm>> -> memref<1x10128xf32, #tpu.memory_space<hbm>>
        %dma_wait3A_1972 = tpu.memref_squeeze %dma_wait3A_1971 : memref<1x10128xf32, #tpu.memory_space<hbm>> -> memref<10128xf32, #tpu.memory_space<hbm>>
        tpu.wait_dma2 semaphore(%run_scoped3A_1966 : memref<!tpu.dma_semaphore, #tpu.memory_space<semaphore_mem>>) src(%arg58 : memref<10128xf32, #tpu.memory_space<vmem_shared>>) dst(%dma_wait3A_1972 : memref<10128xf32, #tpu.memory_space<hbm>>)
        tpu.yield
      }) : () -> ()
    } else {
    }
    return
  }
}

module attributes {stable_mosaic.version = 14 : i64} {
  func.func @_tc_mm1_body(%arg0: i32, %arg1: memref<2000x128xf32, #tpu.memory_space<vmem>>, %arg2: memref<128x128xf32, #tpu.memory_space<vmem>>, %arg3: memref<1x128xf32, #tpu.memory_space<vmem>>, %arg4: memref<2000x128xf32, #tpu.memory_space<vmem>>) attributes {dimension_semantics = [#tpu.dimension_semantics<arbitrary>], iteration_bounds = array<i64: 5>, scalar_prefetch = 0 : i64, scratch_operands = 0 : i64, tpu.core_type = #tpu.core_type<tc>, window_params = [{transform_indices = @transform_0, window_bounds = array<i64: 2000, 128>}, {pipeline_mode = #tpu.pipeline_mode<synchronous>, transform_indices = @transform_1, window_bounds = array<i64: 128, 128>}, {pipeline_mode = #tpu.pipeline_mode<synchronous>, transform_indices = @transform_2, window_bounds = array<i64: 1, 128>}, {transform_indices = @transform_3, window_bounds = array<i64: 2000, 128>}]} {
    %get3A = arith.constant 0 : index
    %get3A_0 = arith.constant 0 : index
    %get3A_1 = vector.load %arg1[%get3A, %get3A_0] : memref<2000x128xf32, #tpu.memory_space<vmem>>, vector<2000x128xf32>
    %get3A_2 = arith.constant 0 : index
    %get3A_3 = arith.constant 0 : index
    %get3A_4 = vector.load %arg2[%get3A_2, %get3A_3] : memref<128x128xf32, #tpu.memory_space<vmem>>, vector<128x128xf32>
    %dot_general3A = arith.constant dense<0.000000e+00> : vector<2000x128xf32>
    %dot_general3A_5 = tpu.matmul %get3A_1, %get3A_4, %dot_general3A {dimension_numbers = #tpu.dot_dimension_numbers<[1], [0], [0], [1], [0, 0, 1, 1], [], []>, transpose_lhs_hint = false} : vector<2000x128xf32>, vector<128x128xf32>, vector<2000x128xf32> -> vector<2000x128xf32>
    %get3A_6 = arith.constant 0 : index
    %get3A_7 = arith.constant 0 : index
    %get3A_8 = vector.load %arg3[%get3A_6, %get3A_7] : memref<1x128xf32, #tpu.memory_space<vmem>>, vector<1x128xf32>
    %add3A = vector.broadcast %get3A_8 : vector<1x128xf32> to vector<2000x128xf32>
    %add3A_9 = arith.addf %dot_general3A_5, %add3A : vector<2000x128xf32>
    %swap3A = arith.constant 0 : index
    %swap3A_10 = arith.constant 0 : index
    %swap3A_11 = vector.load %arg4[%swap3A, %swap3A_10] : memref<2000x128xf32, #tpu.memory_space<vmem>>, vector<2000x128xf32>
    tpu.vector_store %arg4[%swap3A, %swap3A_10], %add3A_9 {strides = array<i32>} : memref<2000x128xf32, #tpu.memory_space<vmem>>, vector<2000x128xf32>,
    return
  }
  func.func @transform_0(%arg0: i32) -> (i32, i32) {
    %c0_i32 = arith.constant 0 : i32
    %c0_i32_0 = arith.constant 0 : i32
    return %arg0, %c0_i32 : i32, i32
  }
  func.func @transform_1(%arg0: i32) -> (i32, i32) {
    %c0_i32 = arith.constant 0 : i32
    %c0_i32_0 = arith.constant 0 : i32
    %c0_i32_1 = arith.constant 0 : i32
    return %c0_i32, %c0_i32_0 : i32, i32
  }
  func.func @transform_2(%arg0: i32) -> (i32, i32) {
    %c0_i32 = arith.constant 0 : i32
    %c0_i32_0 = arith.constant 0 : i32
    %c0_i32_1 = arith.constant 0 : i32
    return %c0_i32, %c0_i32_0 : i32, i32
  }
  func.func @transform_3(%arg0: i32) -> (i32, i32) {
    %c0_i32 = arith.constant 0 : i32
    %c0_i32_0 = arith.constant 0 : i32
    return %arg0, %c0_i32 : i32, i32
  }
}

module attributes {stable_mosaic.version = 14 : i64} {
  func.func @_tc_body(%arg0: i32, %arg1: memref<2x2000x16xf32, #tpu.memory_space<vmem>>, %arg2: memref<2x2000x1xf32, #tpu.memory_space<vmem>>, %arg3: memref<2000x128xf32, #tpu.memory_space<vmem>>, %arg4: memref<16x128xf32, #tpu.memory_space<vmem>>, %arg5: memref<2000x128xf32, #tpu.memory_space<vmem>>) attributes {dimension_semantics = [#tpu.dimension_semantics<arbitrary>], iteration_bounds = array<i64: 5>, scalar_prefetch = 0 : i64, scratch_operands = 0 : i64, tpu.core_type = #tpu.core_type<tc>, window_params = [{transform_indices = @transform_0, window_bounds = array<i64: 2, 2000, 16>}, {transform_indices = @transform_1, window_bounds = array<i64: 2, 2000, 1>}, {transform_indices = @transform_2, window_bounds = array<i64: 2000, 128>}, {pipeline_mode = #tpu.pipeline_mode<synchronous>, transform_indices = @transform_3, window_bounds = array<i64: 16, 128>}, {transform_indices = @transform_4, window_bounds = array<i64: 2000, 128>}]} {
    %get3A = arith.constant 0 : index
    %get3A_0 = arith.constant 0 : index
    %get3A_1 = arith.constant 0 : index
    %get3A_2 = vector.load %arg1[%get3A, %get3A_0, %get3A_1] : memref<2x2000x16xf32, #tpu.memory_space<vmem>>, vector<1x2000x16xf32>
    %get3A_3 = vector.shape_cast %get3A_2 : vector<1x2000x16xf32> to vector<2000x16xf32>
    %get3A_4 = arith.constant 1 : index
    %get3A_5 = arith.constant 0 : index
    %get3A_6 = arith.constant 0 : index
    %get3A_7 = vector.load %arg1[%get3A_4, %get3A_5, %get3A_6] : memref<2x2000x16xf32, #tpu.memory_space<vmem>>, vector<1x2000x16xf32>
    %get3A_8 = vector.shape_cast %get3A_7 : vector<1x2000x16xf32> to vector<2000x16xf32>
    %add3A = arith.addf %get3A_3, %get3A_8 : vector<2000x16xf32>
    %get3A_9 = arith.constant 0 : index
    %get3A_10 = arith.constant 0 : index
    %get3A_11 = arith.constant 0 : index
    %get3A_12 = vector.load %arg2[%get3A_9, %get3A_10, %get3A_11] : memref<2x2000x1xf32, #tpu.memory_space<vmem>>, vector<1x2000x1xf32>
    %get3A_13 = vector.shape_cast %get3A_12 : vector<1x2000x1xf32> to vector<2000x1xf32>
    %get3A_14 = arith.constant 1 : index
    %get3A_15 = arith.constant 0 : index
    %get3A_16 = arith.constant 0 : index
    %get3A_17 = vector.load %arg2[%get3A_14, %get3A_15, %get3A_16] : memref<2x2000x1xf32, #tpu.memory_space<vmem>>, vector<1x2000x1xf32>
    %get3A_18 = vector.shape_cast %get3A_17 : vector<1x2000x1xf32> to vector<2000x1xf32>
    %add3A_19 = arith.addf %get3A_13, %get3A_18 : vector<2000x1xf32>
    %max3A = arith.constant 1.000000e+00 : f32
    %max3A_20 = vector.broadcast %max3A : f32 to vector<2000x1xf32>
    %max3A_21 = arith.maximumf %add3A_19, %max3A_20 : vector<2000x1xf32>
    %div3A = arith.constant 1.000000e+00 : f32
    %div3A_22 = vector.broadcast %div3A : f32 to vector<2000x1xf32>
    %div3A_23 = arith.divf %div3A_22, %max3A_21 : vector<2000x1xf32>
    %mul3A = vector.broadcast %div3A_23 : vector<2000x1xf32> to vector<2000x16xf32>
    %mul3A_24 = arith.mulf %add3A, %mul3A : vector<2000x16xf32>
    %get3A_25 = arith.constant 0 : index
    %get3A_26 = arith.constant 0 : index
    %get3A_27 = vector.load %arg3[%get3A_25, %get3A_26] : memref<2000x128xf32, #tpu.memory_space<vmem>>, vector<2000x128xf32>
    %get3A_28 = arith.constant 0 : index
    %get3A_29 = arith.constant 0 : index
    %get3A_30 = vector.load %arg4[%get3A_28, %get3A_29] : memref<16x128xf32, #tpu.memory_space<vmem>>, vector<16x128xf32>
    %dot_general3A = arith.constant dense<0.000000e+00> : vector<2000x128xf32>
    %dot_general3A_31 = tpu.matmul %mul3A_24, %get3A_30, %dot_general3A {dimension_numbers = #tpu.dot_dimension_numbers<[1], [0], [0], [1], [0, 0, 1, 1], [], []>, transpose_lhs_hint = false} : vector<2000x16xf32>, vector<16x128xf32>, vector<2000x128xf32> -> vector<2000x128xf32>
    %add3A_32 = arith.addf %get3A_27, %dot_general3A_31 : vector<2000x128xf32>
    %max3A_33 = arith.constant 0.000000e+00 : f32
    %max3A_34 = vector.broadcast %max3A_33 : f32 to vector<2000x128xf32>
    %max3A_35 = arith.maximumf %add3A_32, %max3A_34 : vector<2000x128xf32>
    %swap3A = arith.constant 0 : index
    %swap3A_36 = arith.constant 0 : index
    %swap3A_37 = vector.load %arg5[%swap3A, %swap3A_36] : memref<2000x128xf32, #tpu.memory_space<vmem>>, vector<2000x128xf32>
    tpu.vector_store %arg5[%swap3A, %swap3A_36], %max3A_35 {strides = array<i32>} : memref<2000x128xf32, #tpu.memory_space<vmem>>, vector<2000x128xf32>,
    return
  }
  func.func @transform_0(%arg0: i32) -> (i32, i32, i32) {
    %c0_i32 = arith.constant 0 : i32
    %c0_i32_0 = arith.constant 0 : i32
    %c0_i32_1 = arith.constant 0 : i32
    return %c0_i32, %arg0, %c0_i32_0 : i32, i32, i32
  }
  func.func @transform_1(%arg0: i32) -> (i32, i32, i32) {
    %c0_i32 = arith.constant 0 : i32
    %c0_i32_0 = arith.constant 0 : i32
    %c0_i32_1 = arith.constant 0 : i32
    return %c0_i32, %arg0, %c0_i32_0 : i32, i32, i32
  }
  func.func @transform_2(%arg0: i32) -> (i32, i32) {
    %c0_i32 = arith.constant 0 : i32
    %c0_i32_0 = arith.constant 0 : i32
    return %arg0, %c0_i32 : i32, i32
  }
  func.func @transform_3(%arg0: i32) -> (i32, i32) {
    %c0_i32 = arith.constant 0 : i32
    %c0_i32_0 = arith.constant 0 : i32
    %c0_i32_1 = arith.constant 0 : i32
    return %c0_i32, %c0_i32_0 : i32, i32
  }
  func.func @transform_4(%arg0: i32) -> (i32, i32) {
    %c0_i32 = arith.constant 0 : i32
    %c0_i32_0 = arith.constant 0 : i32
    return %arg0, %c0_i32 : i32, i32
  }
}

</mosaic_0001>

<sc_bundles>
// kernel: kernel.5.cloned.1.call-start
scs
__scs_entry_jumppad:
0x0: {  	(pc) =	sbr.rel $0x88, $3  }
0x1: {  	(tag) =	ssettag $0x0;
	lr =	simm.s32 $0x1  }
0x2: {  	[smem:$0x3F9C] =	sst lr;
	_ =	strace $0xD0000000  }
0x3: {  	_ = 	snop  }
0x4: {  	_ = 	snop  }
0x5: {  	_ = 	snop  }
0x6: {  	_ = 	snop  }
0x7: {  	_ = 	snop  }
__scs_overlays_trampoline_lowered:
0x8: {  	[smem:$0x3FAB] =	sst s0  }
0x9: {  	[smem:$0x3FAC] =	sst s1  }
0xa: {  	[smem:$0x3FAD] =	sst s2  }
0xb: {  	[smem:$0x3FAE] =	sst s3  }
0xc: {  	[smem:$0x3FAF] =	sst s4  }
0xd: {  	[smem:$0x3FB0] =	sst s5  }
0xe: {  	[smem:$0x3FB1] =	sst s6  }
0xf: {  	[smem:$0x3FB2] =	sst s7  }
0x10: {  	[smem:$0x3FB3] =	sst s8  }
0x11: {  	[smem:$0x3FB4] =	sst s9;
	s0 =	simm.s32 @!p0 $0x0  }
0x12: {  	s1 =	sld [smem:$0x3F9A];
	s0 =	simm.s32 @p0 $0x1  }
0x13: {  	[smem:$0x3FB5] =	sst s0;
	s0 =	simm.s32 @!p1 $0x0  }
0x14: {  	s2 =	sld [smem:$0x3F99];
	s0 =	simm.s32 @p1 $0x1  }
0x15: {  	[smem:$0x3FB6] =	sst s0;
	s0 =	simm.s32 @!p2 $0x0  }
0x16: {  	s3 =	sld [smem:$0x3FDB];
	s0 =	simm.s32 @p2 $0x1  }
0x17: {  	s4 =	simm.s32 $0x1BF5;
	[smem:$0x3FB8] =	sst s0  }
0x18: {  	s0 =	sld [smem:$0x3F9B];
	_ =	swait.ge [sflag:s4], $0x0  }
0x19: {  	s7 =	sld [smem:$0x3F9C]  }
0x1a: {  	s8 =	sadd.s32 $0xFFFFE003, lr  }
0x1b: {  	s9 =	sadd.s32 $0xFFFFFEF7, lr;
	s5 =	simm.s32 $0xFFFFFFFF;
	p2 =	slt.u32 s8, $0xFFFFF086  }
0x1c: {  	p1 =	slt.u32 s9, $0xF7A;
	s5 =	simm.s32 @!p2 $0x0  }
0x1d: {  	s5 =	simm.s32 @p1 $0x1;
	p0 =	seq.s32 s7, s2  }
0x1e: {  	s7 =	smul.u32 @!p0 $0xF7A, s2;
	p2 =	seq.s32 @!p0 s5, $0x0  }
0x1f: {  	s9 =	smul.u32 $0xF7A, s1;
	s8 =	simm.s32 @!p0 $0x1BF5;
	p2 =	por !p2, p0  }
0x20: {  	[sflag:s8] =	ssyncset.s32 @!p0 $0xFFFFF086;
	s6 =	sadd.s32 @!p0 s3, s7;
	s7 =	simm.s32 @!p0 $0x108  }
0x21: {  	s3 =	sadd.s32 s3, s9;
	s6 =	sadd.s32 @!p0 $0x88, s6;
	s7 =	simm.s32 @p2 $0x1082  }
0x22: {  	[simem:s7], [sflag:s8] =	dma.local @!p0 [hbm:s6], $0xF7A  }
0x23: {  	s9 =	sor.u32 $0xD0000000, s2;
	s6 =	simm.s32 $0x108;
	_ =	swait.ge @!p0 [sflag:s8], $0x0  }
0x24: {  	s3 =	sadd.s32 $0x88, s3;
	s6 =	simm.s32 @!p1 $0x1082;
	[sflag:s4] =	ssyncset.s32 $0xFFFFF086  }
0x25: {  	[simem:s6], [sflag:s4] =	dma.local [hbm:s3], $0xF7A  }
0x26: {  	[smem:$0x3F9C] =	sst s1;
	(tag) =	ssettag s2;
	_ =	strace s9  }
0x27: {  	s1 =	sld [smem:$0x3FAC]  }
0x28: {  	s2 =	sld [smem:$0x3FAD]  }
0x29: {  	s4 =	sld [smem:$0x3FAF]  }
0x2a: {  	p0 =	seq.s32 s5, $0x0;
	s5 =	sld [smem:$0x3FB0]  }
0x2b: {  	s6 =	sld [smem:$0x3FB1]  }
0x2c: {  	s7 =	sld [smem:$0x3FB2]  }
0x2d: {  	s3 =	simm.s32 $0x108;
	s8 =	sld [smem:$0x3FB3]  }
0x2e: {  	s3 =	simm.s32 @!p0 $0x1082;
	s9 =	sld [smem:$0x3FB4]  }
0x2f: {  	lr =	sadd.s32 s0, s3;
	s0 =	sld [smem:$0x3FAB]  }
0x30: {  	s3 =	sld [smem:$0x3FAE]  }
0x31: {  	[smem:$0x3FB7] =	sst s10  }
0x32: {  	s10 =	sld [smem:$0x3FB5];
	_ =	sdelay $0x3  }
0x33: {  	p0 =	seq.s32 s10, $0x1;
	s10 =	sld [smem:$0x3FB7];
	_ =	sdelay $0x3  }
0x34: {  	[smem:$0x3FB7] =	sst s10  }
0x35: {  	s10 =	sld [smem:$0x3FB6];
	_ =	sdelay $0x3  }
0x36: {  	p1 =	seq.s32 s10, $0x1;
	s10 =	sld [smem:$0x3FB7];
	_ =	sdelay $0x3  }
0x37: {  	[smem:$0x3FB7] =	sst s10  }
0x38: {  	s10 =	sld [smem:$0x3FB8]  }
0x39: {  	_ = 	snop;
	(pc) =	sbr.ind lr, $3  }
0x3a: {  	_ = 	snop  }
0x3b: {  	_ = 	snop  }
0x3c: {  	p2 =	seq.s32 s10, $0x1;
	s10 =	sld [smem:$0x3FB7]  }
0x3d: {  	_ =	shalt  }
0x3e: {  	_ =	shalt  }
0x3f: {  	_ =	shalt  }
0x40: {  	_ =	shalt  }
0x41: {  	_ =	shalt  }
0x42: {  	_ =	shalt  }
0x43: {  	_ =	shalt  }
0x44: {  	_ =	shalt  }
0x45: {  	_ =	shalt  }
0x46: {  	_ =	shalt  }
0x47: {  	_ =	shalt  }
0x48: {  	_ =	shalt  }
0x49: {  	_ =	shalt  }
0x4a: {  	_ =	shalt  }
0x4b: {  	_ =	shalt  }
0x4c: {  	_ =	shalt  }
0x4d: {  	_ =	shalt  }
0x4e: {  	_ =	shalt  }
0x4f: {  	_ =	shalt  }
0x50: {  	_ =	shalt  }
0x51: {  	_ =	shalt  }
0x52: {  	_ =	shalt  }
0x53: {  	_ =	shalt  }
0x54: {  	_ =	shalt  }
0x55: {  	_ =	shalt  }
0x56: {  	_ =	shalt  }
0x57: {  	_ =	shalt  }
0x58: {  	_ =	shalt  }
0x59: {  	_ =	shalt  }
0x5a: {  	_ =	shalt  }
0x5b: {  	_ =	shalt  }
0x5c: {  	_ =	shalt  }
0x5d: {  	_ =	shalt  }
0x5e: {  	_ =	shalt  }
0x5f: {  	_ =	shalt  }
0x60: {  	_ =	shalt  }
0x61: {  	_ =	shalt  }
0x62: {  	_ =	shalt  }
0x63: {  	_ =	shalt  }
0x64: {  	_ =	shalt  }
0x65: {  	_ =	shalt  }
0x66: {  	_ =	shalt  }
0x67: {  	_ =	shalt  }
0x68: {  	_ =	shalt  }
0x69: {  	_ =	shalt  }
0x6a: {  	_ =	shalt  }
0x6b: {  	_ =	shalt  }
0x6c: {  	_ =	shalt  }
0x6d: {  	_ =	shalt  }
0x6e: {  	_ =	shalt  }
0x6f: {  	_ =	shalt  }
0x70: {  	_ =	shalt  }
0x71: {  	_ =	shalt  }
0x72: {  	_ =	shalt  }
0x73: {  	_ =	shalt  }
0x74: {  	_ =	shalt  }
0x75: {  	_ =	shalt  }
0x76: {  	_ =	shalt  }
0x77: {  	_ =	shalt  }
0x78: {  	_ =	shalt  }
0x79: {  	_ =	shalt  }
0x7a: {  	_ =	shalt  }
0x7b: {  	_ =	shalt  }
0x7c: {  	_ =	shalt  }
0x7d: {  	_ =	shalt  }
0x7e: {  	_ =	shalt  }
0x7f: {  	_ =	shalt  }
0x80: {  	_ =	shalt  }
0x81: {  	_ =	shalt  }
0x82: {  	_ =	shalt  }
0x83: {  	_ =	shalt  }
0x84: {  	_ =	shalt  }
0x85: {  	_ =	shalt  }
0x86: {  	_ =	shalt  }
0x87: {  	_ =	shalt  }
.Lfunc_end0:
.L_simem_size_0:
called_computation_lowered:
.L_overlay_start_0:
0x88: {  	s2 =	sld [smem:$0x3FD9]  }
0x89: {  	s3 =	sld [smem:$0x3FFE];
	_ =	sdelay $0x1  }
0x8a: {  	s1 =	srdreg.scid  }
0x8b: {  	s0 =	sand.u32 $0x1, s1  }
0x8c: {  	s11 =	sshll.u32 s0, $0xA;
	s2 =	sadd.s32 s3, s2  }
0x8d: {  	s2 =	sadd.s32 s2, s11  }
0x8e: {  	[smem:$0x3FC3] =	sst s2  }
0x8f: {  	_ = 	snop  }
0x90: {  	s12 =	sld [smem:$0x3FC8]  }
0x91: {  	s4 =	sld [smem:$0x3FD0];
	(tm) =	ssettm $0x1  }
0x92: {  	s13 =	sld [smem:$0x3FFB];
	_ =	sdelay $0x3  }
0x93: {  	_ =	strace s13  }
0x94: {  	s2 =	sld [smem:$0x3FFC];
	_ =	sdelay $0x3  }
0x95: {  	_ =	strace s2  }
0x96: {  	s2 =	sld [smem:$0x3FFD];
	_ =	sdelay $0x3  }
0x97: {  	_ =	strace s2  }
0x98: {  	_ =	strace $0x8FFFFFFF  }
0x99: {  	s14 =	sld [smem:$0x3FDB];
	_ =	sdelay $0x1  }
0x9a: {  	s5 =	simm.s32 $_scs_section_size  }
0x9b: {  	s6 =	simm.s32 $_size__tile_task_arg_handler_lowered;
	s7 =	simm.s32 $_tile_task_arg_handler_lowered  }
0x9c: {  	s17 =	simm.s32 $0x1BFF;
	s16 =	sshll.u32 s7, $0x1;
	s5 =	sadd.s32 s5, s14  }
0x9d: {  	s8 =	simm.s32 $0x60;
	s15 =	sshll.u32 s6, $0x1;
	s6 =	sadd.s32 s16, s5  }
0x9e: {  	[timem:s8], [sflag:s17] =	dma.local [hbm:s6], s15  }
0x9f: {  	_ =	swait.ge [sflag:s17], s15  }
0xa0: {  	s18 =	simm.s32 $_tile_overlayer_lowered;
	s2 =	ssub.s32 $0x0, s15;
	[sflag:s17] =	ssyncset.done $0x0  }
0xa1: {  	s19 =	simm.s32 $_size__tile_overlayer_lowered;
	s6 =	sshll.u32 s18, $0x1;
	[sflag:s17] =	ssyncadd.s32 s2  }
0xa2: {  	s21 =	simm.s32 $0x0;
	s20 =	sshll.u32 s19, $0x1;
	s6 =	sadd.s32 s6, s5  }
0xa3: {  	[timem:s21], [sflag:s17] =	dma.local [hbm:s6], s20  }
0xa4: {  	_ =	swait.ge [sflag:s17], s20  }
0xa5: {  	s22 =	ssub.s32 $0x0, s20;
	[sflag:s17] =	ssyncset.done $0x0  }
0xa6: {  	[sflag:s17] =	ssyncadd.s32 s22;
	_ =	sdelay $0x1  }
0xa7: {  	s23 =	simm.s32 $0x1B8B  }
0xa8: {  	_ =	swait.ge [sflag:s23], $0x1  }
0xa9: {  	[sflag:s23] =	ssyncset.done $0x0  }
0xaa: {  	s25 =	simm.s32 $0x1B8E;
	s24 =	sld [smem:$0x3FFE];
	[sflag:s23] =	ssyncadd.s32 $0xFFFFFFFF  }
0xab: {  	s26 =	simm.s32 $execute0_lowered;
	[smem:$0x3FD2] =	sst s25  }
0xac: {  	s7 =	sshll.u32 s26, $0x1;
	_ =	strace $0x80000046;
	[dreg:$0x1] =	wrdreg $0xFFFFFFFF  }
0xad: {  	s28 =	simm.s32 $_size_execute0_lowered;
	s5 =	sadd.s32 s5, s7;
	[dreg:$0x0] =	wrdreg $0x0  }
0xae: {  	s7 =	sshll.u32 s28, $0x1;
	[dreg:$0x2] =	wrdreg s5  }
0xaf: {  	[dreg:$0x3] =	wrdreg s7  }
0xb0: {  	[dreg:$0x4] =	wrdreg $0xC0  }
0xb1: {  	_ =	task [dreg:s21], $0x5FFFF  }
0xb2: {  	[dreg:$0x1] =	wrdreg $0xFFFFFFFF  }
0xb3: {  	[dreg:$0x0] =	wrdreg $0x30  }
0xb4: {  	[dreg:$0x2] =	wrdreg $0x0  }
0xb5: {  	[dreg:$0x3] =	wrdreg $0x179800  }
0xb6: {  	[dreg:$0x4] =	wrdreg $0x17C000  }
0xb7: {  	[dreg:$0x5] =	wrdreg $0x17E800  }
0xb8: {  	[dreg:$0x6] =	wrdreg $0x181000  }
0xb9: {  	[dreg:$0x7] =	wrdreg $0x183800  }
0xba: {  	[dreg:$0x8] =	wrdreg $0x186000  }
0xbb: {  	[dreg:$0x9] =	wrdreg $0x9  }
0xbc: {  	_ =	task [dreg:s21], $0xAFFFF  }
0xbd: {  	[dreg:$0x1] =	wrdreg $0xFFFFFFFF  }
0xbe: {  	[dreg:$0x0] =	wrdreg $0x60  }
0xbf: {  	[dreg:$0x2] =	wrdreg s4  }
0xc0: {  	[dreg:$0x3] =	wrdreg s12  }
0xc1: {  	[dreg:$0x4] =	wrdreg s24  }
0xc2: {  	[dreg:$0x5] =	wrdreg $0x15E000  }
0xc3: {  	[dreg:$0x6] =	wrdreg $0x160800  }
0xc4: {  	[dreg:$0x7] =	wrdreg $0x163000  }
0xc5: {  	[dreg:$0x8] =	wrdreg $0x165800  }
0xc6: {  	[dreg:$0x9] =	wrdreg $0x168000  }
0xc7: {  	[dreg:$0xa] =	wrdreg $0x16A800  }
0xc8: {  	[dreg:$0xb] =	wrdreg $0x16D000  }
0xc9: {  	[dreg:$0xc] =	wrdreg $0x16F800  }
0xca: {  	[dreg:$0xd] =	wrdreg $0x172000  }
0xcb: {  	[dreg:$0xe] =	wrdreg $0x174800  }
0xcc: {  	[dreg:$0xf] =	wrdreg $0x177000  }
0xcd: {  	_ =	task.clear_ibuf [dreg:s21], $0x10FFFF;
	_ =	strace $0x90000046  }
0xce: {  	s29 =	simm.s32 $0x9;
	_ =	strace $0x80000048  }
0xcf: {  	_ =	swait.ge [sflag:s29], $0x1  }
0xd0: {  	[sflag:s29] =	ssyncadd.s32 $0xFFFFFFFF  }
0xd1: {  	_ =	strace $0x90000048  }
0xd2: {  	_ =	sfence  }
0xd3: {  	s30 =	sld [smem:$0x0];
	_ =	sdelay $0x2  }
0xd4: {  	s31 =	sshll.u32 s1, $0xD;
	s1 =	sshrl.u32 s1, $0x2  }
0xd5: {  	s4 =	sand.u32 $0x4000, s31;
	s1 =	sadd.s32 s1, s30  }
0xd6: {  	s0 =	sor.u32 s4, s0;
	s1 =	sshll.u32 s1, $0x11  }
0xd7: {  	s0 =	sor.u32 s1, s0  }
0xd8: {  	s0 =	sadd.s32 $0x8F2B, s0  }
0xd9: {  	[sflag:s0] =	ssyncadd.remote.s32 $0x1  }
0xda: {  	_ =	sfence.sel $0xFFFF  }
0xdb: {  	[dreg:$0x0] =	wrdreg $0xFFFFFFFF;
	(pc) =	sbr.abs _section_cstart, $3  }
0xdc: {  	[dreg:$0x1] =	wrdreg $0xFFFFFFFF  }
0xdd: {  	_ =	task.clear_ibuf [dreg:s21], $0x2FFFF;
	_ =	strace $0x9FFFFFFF  }
0xde: {  	(tm) =	ssettm $0x7FFFFFFF  }
0xdf: {  	_ =	shalt  }
tec
_tile_task_arg_handler_lowered:
.L_overlay_start_1:
0x0: {  	(tag) =	ssettag $0x1  }
0x1: {  	s0 =	rddreg [dreg:$0x0]  }
0x2: {  	s1 =	rddreg [dreg:$0x1]  }
0x3: {  	s2 =	rddreg [dreg:$0x2]  }
0x4: {  	s3 =	rddreg [dreg:$0x3]  }
0x5: {  	s4 =	rddreg [dreg:$0x4]  }
0x6: {  	s5 =	rddreg [dreg:$0x5]  }
0x7: {  	s6 =	rddreg [dreg:$0x6]  }
0x8: {  	s7 =	rddreg [dreg:$0x7]  }
0x9: {  	s8 =	rddreg [dreg:$0x8]  }
0xa: {  	s9 =	rddreg [dreg:$0x9]  }
0xb: {  	s10 =	rddreg [dreg:$0xa]  }
0xc: {  	s11 =	rddreg [dreg:$0xb]  }
0xd: {  	s12 =	rddreg [dreg:$0xc]  }
0xe: {  	s13 =	rddreg [dreg:$0xd]  }
0xf: {  	[smem:s0] =	sst s1  }
0x10: {  	[smem:s0+$0x1] =	sst s2  }
0x11: {  	[smem:s0+$0x2] =	sst s3  }
0x12: {  	[smem:s0+$0x3] =	sst s4  }
0x13: {  	[smem:s0+$0x4] =	sst s5  }
0x14: {  	[smem:s0+$0x5] =	sst s6  }
0x15: {  	[smem:s0+$0x6] =	sst s7  }
0x16: {  	[smem:s0+$0x7] =	sst s8  }
0x17: {  	[smem:s0+$0x8] =	sst s9  }
0x18: {  	[smem:s0+$0x9] =	sst s10  }
0x19: {  	[smem:s0+$0xA] =	sst s11  }
0x1a: {  	[smem:s0+$0xB] =	sst s12  }
0x1b: {  	[smem:s0+$0xC] =	sst s13;
	_ =	shalt  }
.Lfunc_end2:
execute0_lowered:
.L_overlay_start_2:
0x1c: {  	(tag) =	ssettag $0x2  }
0x1d: {  	s5 =	rddreg [dreg:$0x0]  }
0x1e: {  	s4 =	rddreg [dreg:$0x1]  }
0x1f: {  	s0 =	rddreg [dreg:$0x2]  }
0x20: {  	s1 =	srdreg.scid;
	s3 =	stileid.u32;
	s29 =	simm.s32 $0x0  }
0x21: {  	s2 =	sand.u32 $0x1, s1;
	s26 =	sshll.u32 s3, $0x1;
	s28 =	sshrl.u32 s3, $0x2  }
0x22: {  	[smem:$0x7FF] =	sst s29;
	s17 =	sadd.s32 $0x70, s4;
	s6 =	sor.u32 s2, s26  }
0x23: {  	s1 =	smul.u32 $0x5000, s28;
	s9 =	ssub.s32 $0x2, s2;
	s7 =	sshll.u32 s6, $0x7  }
0x24: {  	s10 =	sshrl.u32 s9, $0x1;
	s13 =	smul.u32 $0x5000, s6;
	s15 =	sor.u32 $0x40, s6  }
0x25: {  	s8 =	sand.u32 $0x380, s7;
	s7 =	sor.u32 $0x20, s6;
	s12 =	sshrl.u32 s15, $0x3  }
0x26: {  	s6 =	sor.u32 $0x60, s6;
	s28 =	smul.u32 $0x5000, s15;
	s1 =	sor.u32 s1, s8  }
0x27: {  	s14 =	sshrl.u32 s7, $0x3;
	s12 =	smul.u32 $0x5000, s12;
	s11 =	sshrl.u32 s1, $0x3  }
0x28: {  	s1 =	ssub.s32 s9, s10;
	s10 =	sshrl.u32 s13, $0x3;
	s13 =	sadd.s32 $0x10, s4  }
0x29: {  	s9 =	sadd.s32 $0x30, s4;
	s31 =	sadd.s32 s5, s11;
	s11 =	smul.u32 $0x5000, s14  }
0x2a: {  	s16 =	sadd.s32 s10, s13;
	s12 =	sor.u32 s8, s12;
	[dreg:$0xe] =	wrdreg s31  }
0x2b: {  	s21 =	sadd.s32 s10, s9;
	s26 =	sadd.s32 s10, s17;
	[dreg:$0x10] =	wrdreg s16  }
0x2c: {  	s18 =	sshrl.u32 s12, $0x3;
	[dreg:$0x15] =	wrdreg s21;
	s12 =	sadd.s32 $0x50, s4  }
0x2d: {  	s16 =	sadd.s32 $0x60, s4;
	[dreg:$0x19] =	wrdreg s26;
	s24 =	sadd.s32 s10, s12  }
0x2e: {  	s21 =	sshrl.u32 s28, $0x3;
	s25 =	sadd.s32 s10, s16;
	[dreg:$0x17] =	wrdreg s24  }
0x2f: {  	s14 =	sshrl.u32 s6, $0x3;
	s28 =	sadd.s32 s21, s12;
	[dreg:$0x18] =	wrdreg s25  }
0x30: {  	s14 =	smul.u32 $0x5000, s14;
	[smem:$0x7BA] =	sst s28  }
0x31: {  	s11 =	sor.u32 s8, s11;
	s25 =	sadd.s32 s21, s9;
	s28 =	sld [smem:$0x6]  }
0x32: {  	s8 =	sor.u32 s8, s14;
	s11 =	sshrl.u32 s11, $0x3;
	[smem:$0x7B8] =	sst s25  }
0x33: {  	s14 =	sadd.s32 $0x20, s4;
	s11 =	sadd.s32 s5, s11;
	s25 =	sld [smem:$0x5]  }
0x34: {  	s19 =	sadd.s32 s10, s14;
	[dreg:$0x11] =	wrdreg s11  }
0x35: {  	s24 =	sadd.s32 s21, s14;
	[dreg:$0x14] =	wrdreg s19  }
0x36: {  	s8 =	sshrl.u32 s8, $0x3;
	[smem:$0x7B7] =	sst s24  }
0x37: {  	s11 =	sadd.s32 s5, s18;
	s5 =	sadd.s32 s5, s8;
	s8 =	sld [smem:$0x1]  }
0x38: {  	[dreg:$0x12] =	wrdreg s11  }
0x39: {  	s20 =	smul.u32 $0x5000, s7;
	[dreg:$0x13] =	wrdreg s5  }
0x3a: {  	s11 =	sadd.s32 $0x40, s4;
	[smem:$0x7C9] =	sst s28  }
0x3b: {  	s5 =	sshrl.u32 s20, $0x3;
	s23 =	sadd.s32 s10, s11;
	[smem:$0x7C7] =	sst s25  }
0x3c: {  	s29 =	sadd.s32 s5, s13;
	[dreg:$0x16] =	wrdreg s23  }
0x3d: {  	s31 =	sadd.s32 s5, s14;
	[dreg:$0x1b] =	wrdreg s29  }
0x3e: {  	s15 =	sadd.s32 s5, s9;
	[dreg:$0x1c] =	wrdreg s31  }
0x3f: {  	s18 =	sadd.s32 s5, s11;
	[dreg:$0x1d] =	wrdreg s15  }
0x40: {  	s19 =	sadd.s32 s5, s12;
	[dreg:$0x1e] =	wrdreg s18  }
0x41: {  	s20 =	sadd.s32 s5, s16;
	[dreg:$0x1f] =	wrdreg s19  }
0x42: {  	s7 =	sadd.s32 s4, s5;
	s5 =	sadd.s32 s5, s17;
	[smem:$0x7B3] =	sst s20  }
0x43: {  	[smem:$0x7B4] =	sst s5  }
0x44: {  	s26 =	sadd.s32 s21, s11;
	s23 =	sld [smem:$0x0]  }
0x45: {  	[smem:$0x7B9] =	sst s26  }
0x46: {  	s6 =	smin.u32 s6, $0x7C;
	s18 =	sadd.s32 s21, s13;
	[smem:$0x7BD] =	sst s8  }
0x47: {  	s6 =	smul.u32 $0x5000, s6;
	s29 =	sadd.s32 s21, s16;
	[smem:$0x7B6] =	sst s18  }
0x48: {  	s5 =	sadd.s32 s21, s17;
	[smem:$0x7BB] =	sst s29  }
0x49: {  	s31 =	sshrl.u32 s6, $0x3;
	[smem:$0x7BC] =	sst s5  }
0x4a: {  	s22 =	sadd.s32 s4, s10;
	s10 =	sadd.s32 s31, s13;
	s13 =	sld [smem:$0x2]  }
0x4b: {  	s18 =	sld [smem:$0x3]  }
0x4c: {  	s14 =	sadd.s32 s31, s14;
	[smem:$0x7BE] =	sst s10  }
0x4d: {  	s15 =	sadd.s32 s31, s9;
	[smem:$0x7C0] =	sst s14  }
0x4e: {  	s19 =	sadd.s32 s31, s11;
	[smem:$0x7C1] =	sst s15  }
0x4f: {  	s20 =	sadd.s32 s31, s12;
	[smem:$0x7C3] =	sst s19  }
0x50: {  	s24 =	sadd.s32 s31, s16;
	[smem:$0x7C4] =	sst s20  }
0x51: {  	s5 =	sadd.s32 s31, s17;
	[smem:$0x7C6] =	sst s24  }
0x52: {  	[smem:$0x7C8] =	sst s5  }
0x53: {  	p0 =	sne.s32 s3, $0x0;
	[smem:$0x7B5] =	sst s23  }
0x54: {  	s26 =	smul.u32 $0x28000, s2;
	s23 =	sadd.s32 s4, s21;
	s21 =	sld [smem:$0x4]  }
0x55: {  	s2 =	sshll.u32 s2, $0x4;
	s6 =	sadd.s32 s4, s31;
	[smem:$0x7BF] =	sst s13  }
0x56: {  	s2 =	sadd.s32 s2, s0;
	s29 =	sshrl.u32 s26, $0x3;
	[smem:$0x7C2] =	sst s18  }
0x57: {  	s3 =	sadd.s32 s29, s0;
	s0 =	sadd.s32 $0x1200, s0;
	[smem:$0x7C5] =	sst s21  }
0x58: {  	s31 =	sadd.s32 $0x1800, s3;
	_ =	strace $0x80000047;
	[smem:$0x7CA] =	sst s0  }
0x59: {  	s4 =	sadd.s32 $0x1810, s3;
	[smem:$0x7CB] =	sst s31  }
0x5a: {  	s5 =	sadd.s32 $0x1820, s3;
	[smem:$0x7CC] =	sst s4  }
0x5b: {  	s8 =	sadd.s32 $0x1830, s3;
	[smem:$0x7CD] =	sst s5  }
0x5c: {  	s9 =	sadd.s32 $0x1840, s3;
	[smem:$0x7CE] =	sst s8  }
0x5d: {  	s10 =	sadd.s32 $0x1850, s3;
	[smem:$0x7CF] =	sst s9  }
0x5e: {  	s11 =	sadd.s32 $0x1860, s3;
	[smem:$0x7D0] =	sst s10  }
0x5f: {  	s12 =	sadd.s32 $0x1870, s3;
	[smem:$0x7D1] =	sst s11  }
0x60: {  	s13 =	sadd.s32 $0x4000, s3;
	[smem:$0x7D2] =	sst s12  }
0x61: {  	s14 =	sadd.s32 $0x4010, s3;
	[smem:$0x7D3] =	sst s13  }
0x62: {  	s15 =	sadd.s32 $0x4020, s3;
	[smem:$0x7D4] =	sst s14  }
0x63: {  	s16 =	sadd.s32 $0x4030, s3;
	[smem:$0x7D5] =	sst s15  }
0x64: {  	s17 =	sadd.s32 $0x4040, s3;
	[smem:$0x7D6] =	sst s16  }
0x65: {  	s18 =	sadd.s32 $0x4050, s3;
	[smem:$0x7D7] =	sst s17  }
0x66: {  	s19 =	sadd.s32 $0x4060, s3;
	[smem:$0x7D8] =	sst s18  }
0x67: {  	s20 =	sadd.s32 $0x4070, s3;
	[smem:$0x7D9] =	sst s19  }
0x68: {  	s21 =	sadd.s32 $0xB800, s2;
	[smem:$0x7DA] =	sst s20  }
0x69: {  	s24 =	sadd.s32 $0x4E200, s22;
	[smem:$0x7DB] =	sst s21  }
0x6a: {  	s25 =	sadd.s32 $0x4E210, s22;
	[smem:$0x7DC] =	sst s24  }
0x6b: {  	s26 =	sadd.s32 $0x4E220, s22;
	[smem:$0x7DD] =	sst s25  }
0x6c: {  	s28 =	sadd.s32 $0x4E230, s22;
	[smem:$0x7DE] =	sst s26  }
0x6d: {  	s29 =	sadd.s32 $0x4E240, s22;
	[smem:$0x7DF] =	sst s28  }
0x6e: {  	[smem:$0x7E0] =	sst s29  }
0x6f: {  	s2 =	sadd.s32 $0x4E270, s22;
	[dreg:$0xf] =	wrdreg s22  }
0x70: {  	s3 =	sadd.s32 $0x4E200, s7;
	[smem:$0x7E3] =	sst s2  }
0x71: {  	[smem:$0x7E4] =	sst s3  }
0x72: {  	[dreg:$0x1a] =	wrdreg s7  }
0x73: {  	[smem:$0x7F3] =	sst s23  }
0x74: {  	s31 =	sadd.s32 $0x4E250, s22;
	[smem:$0x7FC] =	sst s6  }
0x75: {  	s8 =	smax.u32 s1, $0x1;
	s1 =	sadd.s32 $0x4E260, s22;
	[smem:$0x7E1] =	sst s31  }
0x76: {  	s4 =	sadd.s32 $0x4E210, s7;
	[smem:$0x7E2] =	sst s1  }
0x77: {  	s5 =	sadd.s32 $0x4E220, s7;
	[smem:$0x7E5] =	sst s4  }
0x78: {  	s9 =	sadd.s32 $0x4E230, s7;
	[smem:$0x7E6] =	sst s5  }
0x79: {  	s10 =	sadd.s32 $0x4E240, s7;
	[smem:$0x7E7] =	sst s9  }
0x7a: {  	s11 =	sadd.s32 $0x4E250, s7;
	[smem:$0x7E8] =	sst s10  }
0x7b: {  	s12 =	sadd.s32 $0x4E260, s7;
	[smem:$0x7E9] =	sst s11  }
0x7c: {  	s13 =	sadd.s32 $0x4E270, s7;
	[smem:$0x7EA] =	sst s12  }
0x7d: {  	s14 =	sadd.s32 $0x4E200, s23;
	[smem:$0x7EB] =	sst s13  }
0x7e: {  	s15 =	sadd.s32 $0x4E210, s23;
	[smem:$0x7EC] =	sst s14  }
0x7f: {  	s16 =	sadd.s32 $0x4E220, s23;
	[smem:$0x7ED] =	sst s15  }
0x80: {  	s17 =	sadd.s32 $0x4E230, s23;
	[smem:$0x7EE] =	sst s16  }
0x81: {  	s18 =	sadd.s32 $0x4E240, s23;
	[smem:$0x7EF] =	sst s17  }
0x82: {  	s19 =	sadd.s32 $0x4E250, s23;
	[smem:$0x7F0] =	sst s18  }
0x83: {  	s20 =	sadd.s32 $0x4E260, s23;
	[smem:$0x7F1] =	sst s19  }
0x84: {  	s21 =	sadd.s32 $0x4E270, s23;
	[smem:$0x7F2] =	sst s20  }
0x85: {  	s22 =	sadd.s32 $0x4E200, s6;
	[smem:$0x7F4] =	sst s21  }
0x86: {  	s23 =	sadd.s32 $0x4E210, s6;
	[smem:$0x7F5] =	sst s22  }
0x87: {  	s24 =	sadd.s32 $0x4E220, s6;
	[smem:$0x7F6] =	sst s23  }
0x88: {  	s25 =	sadd.s32 $0x4E230, s6;
	[smem:$0x7F7] =	sst s24  }
0x89: {  	s26 =	sadd.s32 $0x4E240, s6;
	[smem:$0x7F8] =	sst s25  }
.Ltmp0:
0x8a: {  	s28 =	sadd.s32 $0x4E250, s6;
	[smem:$0x7F9] =	sst s26;
	(pc) =	sbr.rel .LBB3_1-.Ltmp0, $4  }
0x8b: {  	s30 =	simm.s32 $0xA00;
	s29 =	sadd.s32 $0x4E260, s6;
	[smem:$0x7FA] =	sst s28  }
0x8c: {  	s2 =	simm.s32 $0x3;
	[smem:$0x7FB] =	sst s29;
	s31 =	sadd.s32 $0x4E270, s6  }
0x8d: {  	s10 =	simm.s32 $0x4;
	s16 =	simm.s32 $0x80;
	s24 =	simm.s32 $0x400  }
0x8e: {  	v0 =	vimm.f32 $1.000000000e+00;
	s5 =	simm.s32 $0x1;
	s6 =	simm.s32 $0x2;
	[smem:$0x7FD] =	sst s31  }
.LBB3_5:
0x8f: {  	s8 =	sadd.s32 $0xFFFFFFFF, s8  }
0x90: {  	p1 =	sne.s32 s8, $0x0  }
.Ltmp1:
0x91: {  	_ = 	snop;
	(pc) =	sbr.rel @!p1 .LBB3_6-.Ltmp1, $1  }
0x92: {  	_ =	sdelay $0x3  }
.LBB3_1:
.Ltmp2:
0x93: {  	(pc) =	sbr.rel @p0 .LBB3_3-.Ltmp2, $2  }
0x94: {  	_ =	sdelay $0x2  }
0x95: {  	[smem:$0x7B2] =	sst s8  }
0x96: {  	s1 =	sld [smem:$0x7CA]  }
0x97: {  	s28 =	rddreg [dreg:$0x3]  }
0x98: {  	s4 =	simm.s32 $0x1C04;
	s28 =	sshrl.u32 s28, $0x3  }
0x99: {  	[spmem:s28], [sflag:s4] =	dma.local [hbm:s1], $0x500  }
0x9a: {  	_ =	swait.ge [sflag:s10], $0x500  }
0x9b: {  	[sflag:s10] =	ssyncset.done $0x0  }
0x9c: {  	[sflag:s10] =	ssyncadd.s32 $0xFFFFFB00  }
0x9d: {  	s3 =	rddreg [dreg:$0x4]  }
0x9e: {  	s19 =	sshrl.u32 s3, $0x3  }
0x9f: {  	[spmem:s19], [sflag:s4] =	dma.local [hbm:s1], $0x500  }
0xa0: {  	_ =	swait.ge [sflag:s10], $0x500  }
0xa1: {  	[sflag:s10] =	ssyncset.done $0x0  }
0xa2: {  	[sflag:s10] =	ssyncadd.s32 $0xFFFFFB00  }
0xa3: {  	s20 =	rddreg [dreg:$0x5]  }
0xa4: {  	s21 =	sshrl.u32 s20, $0x3  }
0xa5: {  	[spmem:s21], [sflag:s4] =	dma.local [hbm:s1], $0x500  }
0xa6: {  	_ =	swait.ge [sflag:s10], $0x500  }
0xa7: {  	[sflag:s10] =	ssyncset.done $0x0  }
0xa8: {  	[sflag:s10] =	ssyncadd.s32 $0xFFFFFB00  }
0xa9: {  	s22 =	rddreg [dreg:$0x6]  }
0xaa: {  	s23 =	sshrl.u32 s22, $0x3  }
0xab: {  	[spmem:s23], [sflag:s4] =	dma.local [hbm:s1], $0x500  }
0xac: {  	_ =	swait.ge [sflag:s10], $0x500  }
0xad: {  	[sflag:s10] =	ssyncset.done $0x0  }
0xae: {  	[sflag:s10] =	ssyncadd.s32 $0xFFFFFB00  }
0xaf: {  	s25 =	rddreg [dreg:$0x7]  }
0xb0: {  	s26 =	sshrl.u32 s25, $0x3  }
0xb1: {  	[spmem:s26], [sflag:s4] =	dma.local [hbm:s1], $0x500  }
0xb2: {  	_ =	swait.ge [sflag:s10], $0x500  }
0xb3: {  	[sflag:s10] =	ssyncset.done $0x0  }
0xb4: {  	[sflag:s10] =	ssyncadd.s32 $0xFFFFFB00  }
0xb5: {  	s29 =	rddreg [dreg:$0x8]  }
0xb6: {  	s31 =	sshrl.u32 s29, $0x3  }
0xb7: {  	[spmem:s31], [sflag:s4] =	dma.local [hbm:s1], $0x500  }
0xb8: {  	_ =	swait.ge [sflag:s10], $0x500  }
0xb9: {  	[sflag:s10] =	ssyncset.done $0x0  }
0xba: {  	[sflag:s10] =	ssyncadd.s32 $0xFFFFFB00  }
0xbb: {  	s0 =	rddreg [dreg:$0x9]  }
0xbc: {  	s0 =	sshrl.u32 s0, $0x3  }
0xbd: {  	[spmem:s0], [sflag:s4] =	dma.local [hbm:s1], $0x500  }
0xbe: {  	_ =	swait.ge [sflag:s10], $0x500  }
0xbf: {  	[sflag:s10] =	ssyncset.done $0x0  }
0xc0: {  	[sflag:s10] =	ssyncadd.s32 $0xFFFFFB00  }
0xc1: {  	s3 =	rddreg [dreg:$0xa]  }
0xc2: {  	s7 =	sshrl.u32 s3, $0x3  }
0xc3: {  	[spmem:s7], [sflag:s4] =	dma.local [hbm:s1], $0x500  }
0xc4: {  	_ =	swait.ge [sflag:s10], $0x500  }
0xc5: {  	[sflag:s10] =	ssyncset.done $0x0  }
0xc6: {  	[sflag:s10] =	ssyncadd.s32 $0xFFFFFB00  }
0xc7: {  	s8 =	rddreg [dreg:$0xb]  }
0xc8: {  	s9 =	sshrl.u32 s8, $0x3  }
0xc9: {  	[spmem:s9], [sflag:s4] =	dma.local [hbm:s1], $0x500  }
0xca: {  	_ =	swait.ge [sflag:s10], $0x500  }
0xcb: {  	[sflag:s10] =	ssyncset.done $0x0  }
0xcc: {  	[sflag:s10] =	ssyncadd.s32 $0xFFFFFB00  }
0xcd: {  	s11 =	rddreg [dreg:$0xc]  }
0xce: {  	s12 =	sshrl.u32 s11, $0x3  }
0xcf: {  	[spmem:s12], [sflag:s4] =	dma.local [hbm:s1], $0x500  }
0xd0: {  	_ =	swait.ge [sflag:s10], $0x500  }
0xd1: {  	[sflag:s10] =	ssyncset.done $0x0  }
0xd2: {  	[sflag:s10] =	ssyncadd.s32 $0xFFFFFB00  }
0xd3: {  	s13 =	rddreg [dreg:$0xd]  }
0xd4: {  	s14 =	sshrl.u32 s13, $0x3  }
0xd5: {  	[spmem:s14], [sflag:s4] =	dma.local [hbm:s1], $0x500  }
0xd6: {  	_ =	swait.ge [sflag:s10], $0x500  }
0xd7: {  	s15 =	sld [smem:$0x7B5];
	_ =	sdelay $0x1  }
0xd8: {  	[sflag:s10] =	ssyncset.done $0x0  }
0xd9: {  	[sflag:s10] =	ssyncadd.s32 $0xFFFFFB00;
	s17 =	sshrl.u32 s15, $0x3  }
0xda: {  	[spmem:s17], [sflag:s4] =	dma.local [hbm:s1], $0x500  }
0xdb: {  	_ =	swait.ge [sflag:s10], $0x500  }
0xdc: {  	s18 =	sld [smem:$0x7BD];
	_ =	sdelay $0x1  }
0xdd: {  	[sflag:s10] =	ssyncset.done $0x0  }
0xde: {  	[sflag:s10] =	ssyncadd.s32 $0xFFFFFB00;
	s19 =	sshrl.u32 s18, $0x3  }
0xdf: {  	[spmem:s19], [sflag:s4] =	dma.local [hbm:s1], $0x500  }
0xe0: {  	_ =	swait.ge [sflag:s10], $0x500  }
0xe1: {  	s20 =	sld [smem:$0x7BF];
	_ =	sdelay $0x1  }
0xe2: {  	[sflag:s10] =	ssyncset.done $0x0  }
0xe3: {  	[sflag:s10] =	ssyncadd.s32 $0xFFFFFB00;
	s21 =	sshrl.u32 s20, $0x3  }
0xe4: {  	[spmem:s21], [sflag:s4] =	dma.local [hbm:s1], $0x500  }
0xe5: {  	_ =	swait.ge [sflag:s10], $0x500  }
0xe6: {  	s22 =	sld [smem:$0x7C2];
	_ =	sdelay $0x1  }
0xe7: {  	[sflag:s10] =	ssyncset.done $0x0  }
0xe8: {  	[sflag:s10] =	ssyncadd.s32 $0xFFFFFB00;
	s23 =	sshrl.u32 s22, $0x3  }
0xe9: {  	[spmem:s23], [sflag:s4] =	dma.local [hbm:s1], $0x500  }
0xea: {  	_ =	swait.ge [sflag:s10], $0x500  }
0xeb: {  	s25 =	sld [smem:$0x7C5];
	_ =	sdelay $0x1  }
0xec: {  	[sflag:s10] =	ssyncset.done $0x0  }
0xed: {  	[sflag:s10] =	ssyncadd.s32 $0xFFFFFB00;
	s26 =	sshrl.u32 s25, $0x3  }
0xee: {  	[spmem:s26], [sflag:s4] =	dma.local [hbm:s1], $0x500  }
0xef: {  	_ =	swait.ge [sflag:s10], $0x500  }
0xf0: {  	s29 =	sld [smem:$0x7C7];
	_ =	sdelay $0x1  }
0xf1: {  	[sflag:s10] =	ssyncset.done $0x0  }
0xf2: {  	[sflag:s10] =	ssyncadd.s32 $0xFFFFFB00;
	s31 =	sshrl.u32 s29, $0x3  }
0xf3: {  	[spmem:s31], [sflag:s4] =	dma.local [hbm:s1], $0x500  }
0xf4: {  	_ =	swait.ge [sflag:s10], $0x500  }
0xf5: {  	[sflag:s10] =	ssyncset.done $0x0  }
0xf6: {  	[sflag:s10] =	ssyncadd.s32 $0xFFFFFB00  }
.LBB3_3:
0xf7: {  	[tilespmem:$0x15400] =	vst v0  }
0xf8: {  	[tilespmem:$0x15410] =	vst v0  }
0xf9: {  	[tilespmem:$0x15420] =	vst v0  }
0xfa: {  	[tilespmem:$0x15430] =	vst v0  }
0xfb: {  	[tilespmem:$0x15440] =	vst v0  }
0xfc: {  	[tilespmem:$0x15450] =	vst v0  }
0xfd: {  	[tilespmem:$0x15460] =	vst v0  }
0xfe: {  	[tilespmem:$0x15470] =	vst v0  }
0xff: {  	[tilespmem:$0x15480] =	vst v0  }
0x100: {  	[tilespmem:$0x15490] =	vst v0  }
0x101: {  	[tilespmem:$0x154A0] =	vst v0  }
0x102: {  	[tilespmem:$0x154B0] =	vst v0  }
0x103: {  	[tilespmem:$0x154C0] =	vst v0  }
0x104: {  	[tilespmem:$0x154D0] =	vst v0  }
0x105: {  	[tilespmem:$0x154E0] =	vst v0  }
0x106: {  	[tilespmem:$0x154F0] =	vst v0  }
0x107: {  	[tilespmem:$0x15500] =	vst v0  }
0x108: {  	[tilespmem:$0x15510] =	vst v0  }
0x109: {  	[tilespmem:$0x15520] =	vst v0  }
0x10a: {  	[tilespmem:$0x15530] =	vst v0  }
0x10b: {  	[tilespmem:$0x15540] =	vst v0  }
0x10c: {  	[tilespmem:$0x15550] =	vst v0  }
0x10d: {  	[tilespmem:$0x15560] =	vst v0  }
0x10e: {  	[tilespmem:$0x15570] =	vst v0  }
0x10f: {  	[tilespmem:$0x15580] =	vst v0  }
0x110: {  	[tilespmem:$0x15590] =	vst v0  }
0x111: {  	[tilespmem:$0x155A0] =	vst v0  }
0x112: {  	[tilespmem:$0x155B0] =	vst v0  }
0x113: {  	[tilespmem:$0x155C0] =	vst v0  }
0x114: {  	[tilespmem:$0x155D0] =	vst v0  }
0x115: {  	[tilespmem:$0x155E0] =	vst v0  }
0x116: {  	[tilespmem:$0x155F0] =	vst v0  }
0x117: {  	[tilespmem:$0x15600] =	vst v0  }
0x118: {  	[tilespmem:$0x15610] =	vst v0  }
0x119: {  	[tilespmem:$0x15620] =	vst v0  }
0x11a: {  	[tilespmem:$0x15630] =	vst v0  }
0x11b: {  	[tilespmem:$0x15640] =	vst v0  }
0x11c: {  	[tilespmem:$0x15650] =	vst v0  }
0x11d: {  	[tilespmem:$0x15660] =	vst v0  }
0x11e: {  	[tilespmem:$0x15670] =	vst v0  }
0x11f: {  	[tilespmem:$0x15680] =	vst v0  }
0x120: {  	[tilespmem:$0x15690] =	vst v0  }
0x121: {  	[tilespmem:$0x156A0] =	vst v0  }
0x122: {  	[tilespmem:$0x156B0] =	vst v0  }
0x123: {  	[tilespmem:$0x156C0] =	vst v0  }
0x124: {  	[tilespmem:$0x156D0] =	vst v0  }
0x125: {  	[tilespmem:$0x156E0] =	vst v0  }
0x126: {  	[tilespmem:$0x156F0] =	vst v0  }
0x127: {  	[tilespmem:$0x15700] =	vst v0  }
0x128: {  	[tilespmem:$0x15710] =	vst v0  }
0x129: {  	[tilespmem:$0x15720] =	vst v0  }
0x12a: {  	[tilespmem:$0x15730] =	vst v0  }
0x12b: {  	[tilespmem:$0x15740] =	vst v0  }
0x12c: {  	[tilespmem:$0x15750] =	vst v0  }
0x12d: {  	[tilespmem:$0x15760] =	vst v0  }
0x12e: {  	[tilespmem:$0x15770] =	vst v0  }
0x12f: {  	[tilespmem:$0x15780] =	vst v0  }
0x130: {  	[tilespmem:$0x15790] =	vst v0  }
0x131: {  	[tilespmem:$0x157A0] =	vst v0  }
0x132: {  	[tilespmem:$0x157B0] =	vst v0  }
0x133: {  	[tilespmem:$0x157C0] =	vst v0  }
0x134: {  	[tilespmem:$0x157D0] =	vst v0  }
0x135: {  	[tilespmem:$0x157E0] =	vst v0  }
0x136: {  	[tilespmem:$0x157F0] =	vst v0  }
0x137: {  	[tilespmem:$0x15800] =	vst v0  }
0x138: {  	[tilespmem:$0x15810] =	vst v0  }
0x139: {  	[tilespmem:$0x15820] =	vst v0  }
0x13a: {  	[tilespmem:$0x15830] =	vst v0  }
0x13b: {  	[tilespmem:$0x15840] =	vst v0  }
0x13c: {  	[tilespmem:$0x15850] =	vst v0  }
0x13d: {  	[tilespmem:$0x15860] =	vst v0  }
0x13e: {  	[tilespmem:$0x15870] =	vst v0  }
0x13f: {  	[tilespmem:$0x15880] =	vst v0  }
0x140: {  	[tilespmem:$0x15890] =	vst v0  }
0x141: {  	[tilespmem:$0x158A0] =	vst v0  }
0x142: {  	[tilespmem:$0x158B0] =	vst v0  }
0x143: {  	[tilespmem:$0x158C0] =	vst v0  }
0x144: {  	[tilespmem:$0x158D0] =	vst v0  }
0x145: {  	[tilespmem:$0x158E0] =	vst v0  }
0x146: {  	[tilespmem:$0x158F0] =	vst v0  }
0x147: {  	[tilespmem:$0x15900] =	vst v0  }
0x148: {  	[tilespmem:$0x15910] =	vst v0  }
0x149: {  	[tilespmem:$0x15920] =	vst v0  }
0x14a: {  	[tilespmem:$0x15930] =	vst v0  }
0x14b: {  	[tilespmem:$0x15940] =	vst v0  }
0x14c: {  	[tilespmem:$0x15950] =	vst v0  }
0x14d: {  	[tilespmem:$0x15960] =	vst v0  }
0x14e: {  	[tilespmem:$0x15970] =	vst v0  }
0x14f: {  	[tilespmem:$0x15980] =	vst v0  }
0x150: {  	[tilespmem:$0x15990] =	vst v0  }
0x151: {  	[tilespmem:$0x159A0] =	vst v0  }
0x152: {  	[tilespmem:$0x159B0] =	vst v0  }
0x153: {  	[tilespmem:$0x159C0] =	vst v0  }
0x154: {  	[tilespmem:$0x159D0] =	vst v0  }
0x155: {  	[tilespmem:$0x159E0] =	vst v0  }
0x156: {  	[tilespmem:$0x159F0] =	vst v0  }
0x157: {  	[tilespmem:$0x15A00] =	vst v0  }
0x158: {  	[tilespmem:$0x15A10] =	vst v0  }
0x159: {  	[tilespmem:$0x15A20] =	vst v0  }
0x15a: {  	[tilespmem:$0x15A30] =	vst v0  }
0x15b: {  	[tilespmem:$0x15A40] =	vst v0  }
0x15c: {  	[tilespmem:$0x15A50] =	vst v0  }
0x15d: {  	[tilespmem:$0x15A60] =	vst v0  }
0x15e: {  	[tilespmem:$0x15A70] =	vst v0  }
0x15f: {  	[tilespmem:$0x15A80] =	vst v0  }
0x160: {  	[tilespmem:$0x15A90] =	vst v0  }
0x161: {  	[tilespmem:$0x15AA0] =	vst v0  }
0x162: {  	[tilespmem:$0x15AB0] =	vst v0  }
0x163: {  	[tilespmem:$0x15AC0] =	vst v0  }
0x164: {  	[tilespmem:$0x15AD0] =	vst v0  }
0x165: {  	[tilespmem:$0x15AE0] =	vst v0  }
0x166: {  	[tilespmem:$0x15AF0] =	vst v0  }
0x167: {  	[tilespmem:$0x15B00] =	vst v0  }
0x168: {  	[tilespmem:$0x15B10] =	vst v0  }
0x169: {  	[tilespmem:$0x15B20] =	vst v0  }
0x16a: {  	[tilespmem:$0x15B30] =	vst v0  }
0x16b: {  	[tilespmem:$0x15B40] =	vst v0  }
0x16c: {  	[tilespmem:$0x15B50] =	vst v0  }
0x16d: {  	[tilespmem:$0x15B60] =	vst v0  }
0x16e: {  	[tilespmem:$0x15B70] =	vst v0  }
0x16f: {  	[tilespmem:$0x15B80] =	vst v0  }
0x170: {  	[tilespmem:$0x15B90] =	vst v0  }
0x171: {  	[tilespmem:$0x15BA0] =	vst v0  }
0x172: {  	[tilespmem:$0x15BB0] =	vst v0  }
0x173: {  	[tilespmem:$0x15BC0] =	vst v0  }
0x174: {  	[tilespmem:$0x15BD0] =	vst v0  }
0x175: {  	[tilespmem:$0x15BE0] =	vst v0  }
0x176: {  	[tilespmem:$0x15BF0] =	vst v0  }
0x177: {  	[tilespmem:$0x15C00] =	vst v0  }
0x178: {  	[tilespmem:$0x15C10] =	vst v0  }
0x179: {  	[tilespmem:$0x15C20] =	vst v0  }
0x17a: {  	[tilespmem:$0x15C30] =	vst v0  }
0x17b: {  	[tilespmem:$0x15C40] =	vst v0  }
0x17c: {  	[tilespmem:$0x15C50] =	vst v0  }
0x17d: {  	[tilespmem:$0x15C60] =	vst v0  }
0x17e: {  	[tilespmem:$0x15C70] =	vst v0  }
0x17f: {  	[tilespmem:$0x15C80] =	vst v0  }
0x180: {  	[tilespmem:$0x15C90] =	vst v0  }
0x181: {  	[tilespmem:$0x15CA0] =	vst v0  }
0x182: {  	[tilespmem:$0x15CB0] =	vst v0  }
0x183: {  	[tilespmem:$0x15CC0] =	vst v0  }
0x184: {  	[tilespmem:$0x15CD0] =	vst v0  }
0x185: {  	[tilespmem:$0x15CE0] =	vst v0  }
0x186: {  	[tilespmem:$0x15CF0] =	vst v0  }
0x187: {  	[tilespmem:$0x15D00] =	vst v0  }
0x188: {  	[tilespmem:$0x15D10] =	vst v0  }
0x189: {  	[tilespmem:$0x15D20] =	vst v0  }
0x18a: {  	[tilespmem:$0x15D30] =	vst v0  }
0x18b: {  	[tilespmem:$0x15D40] =	vst v0  }
0x18c: {  	[tilespmem:$0x15D50] =	vst v0  }
0x18d: {  	[tilespmem:$0x15D60] =	vst v0  }
0x18e: {  	[tilespmem:$0x15D70] =	vst v0  }
0x18f: {  	[tilespmem:$0x15D80] =	vst v0  }
0x190: {  	[tilespmem:$0x15D90] =	vst v0  }
0x191: {  	[tilespmem:$0x15DA0] =	vst v0  }
0x192: {  	[tilespmem:$0x15DB0] =	vst v0  }
0x193: {  	[tilespmem:$0x15DC0] =	vst v0  }
0x194: {  	[tilespmem:$0x15DD0] =	vst v0  }
0x195: {  	[tilespmem:$0x15DE0] =	vst v0  }
0x196: {  	[tilespmem:$0x15DF0] =	vst v0  }
0x197: {  	[bflag:$0x0] =	sbarrier.arrive $0xFFFF  }
0x198: {  	s14 =	simm.s32 $0x0;
	s0 =	rddreg [dreg:$0xe]  }
0x199: {  	[tilespmem:s14], [sflag:$0x1] =	stream.strided.gather [hbm4b:s0+s16], $0xA00, s24, s16, $0x38;
	[tilespmem:$0x18880] =	vst v63  }
0x19a: {  	s1 =	simm.s32 $0x1400;
	s22 =	rddreg [dreg:$0xf]  }
0x19b: {  	[tilespmem:s1], [sflag:$0x1] =	stream.strided.gather [hbm4b:s22+s16], $0xA00, s24, s16, $0x38;
	[tilespmem:$0x18880] =	vst v63  }
0x19c: {  	s25 =	simm.s32 $0x1E00;
	s23 =	rddreg [dreg:$0x10]  }
0x19d: {  	[tilespmem:s25], [sflag:$0x1] =	stream.strided.gather [hbm4b:s23+s16], $0xA00, s24, s16, $0x38;
	[tilespmem:$0x18880] =	vst v63  }
0x19e: {  	s28 =	simm.s32 $0x2800;
	s26 =	rddreg [dreg:$0x14]  }
0x19f: {  	[tilespmem:s28], [sflag:$0x1] =	stream.strided.gather [hbm4b:s26+s16], $0xA00, s24, s16, $0x38;
	[tilespmem:$0x18880] =	vst v63  }
0x1a0: {  	s31 =	simm.s32 $0x3200;
	s29 =	rddreg [dreg:$0x15]  }
0x1a1: {  	[tilespmem:s31], [sflag:$0x1] =	stream.strided.gather [hbm4b:s29+s16], $0xA00, s24, s16, $0x38;
	[tilespmem:$0x18880] =	vst v63  }
0x1a2: {  	s4 =	simm.s32 $0x3C00;
	s3 =	rddreg [dreg:$0x16]  }
0x1a3: {  	[tilespmem:s4], [sflag:$0x1] =	stream.strided.gather [hbm4b:s3+s16], $0xA00, s24, s16, $0x38;
	[tilespmem:$0x18880] =	vst v63  }
0x1a4: {  	s8 =	simm.s32 $0x4600;
	s7 =	rddreg [dreg:$0x17]  }
0x1a5: {  	[tilespmem:s8], [sflag:$0x1] =	stream.strided.gather [hbm4b:s7+s16], $0xA00, s24, s16, $0x38;
	[tilespmem:$0x18880] =	vst v63  }
0x1a6: {  	s11 =	simm.s32 $0x5000;
	s9 =	rddreg [dreg:$0x18]  }
0x1a7: {  	[tilespmem:s11], [sflag:$0x1] =	stream.strided.gather [hbm4b:s9+s16], $0xA00, s24, s16, $0x38;
	[tilespmem:$0x18880] =	vst v63  }
0x1a8: {  	s13 =	simm.s32 $0x5A00;
	s12 =	rddreg [dreg:$0x19]  }
0x1a9: {  	[tilespmem:s13], [sflag:$0x1] =	stream.strided.gather [hbm4b:s12+s16], $0xA00, s24, s16, $0x38;
	[tilespmem:$0x18880] =	vst v63  }
0x1aa: {  	s0 =	sld [smem:$0x7DC];
	_ =	sdelay $0x1  }
0x1ab: {  	s15 =	simm.s32 $0x6400;
	s17 =	sld [smem:$0x7DD]  }
0x1ac: {  	[tilespmem:s15], [sflag:$0x1] =	stream.strided.gather [hbm4b:s0+s16], $0xA00, s24, s16, $0x38;
	[tilespmem:$0x18880] =	vst v63  }
0x1ad: {  	s18 =	simm.s32 $0x6E00;
	s19 =	sld [smem:$0x7DE]  }
0x1ae: {  	[tilespmem:s18], [sflag:$0x1] =	stream.strided.gather [hbm4b:s17+s16], $0xA00, s24, s16, $0x38;
	[tilespmem:$0x18880] =	vst v63  }
0x1af: {  	s20 =	simm.s32 $0x7800;
	s21 =	sld [smem:$0x7DF]  }
0x1b0: {  	[tilespmem:s20], [sflag:$0x1] =	stream.strided.gather [hbm4b:s19+s16], $0xA00, s24, s16, $0x38;
	[tilespmem:$0x18880] =	vst v63  }
0x1b1: {  	s22 =	simm.s32 $0x8200;
	s23 =	sld [smem:$0x7E0]  }
0x1b2: {  	[tilespmem:s22], [sflag:$0x1] =	stream.strided.gather [hbm4b:s21+s16], $0xA00, s24, s16, $0x38;
	[tilespmem:$0x18880] =	vst v63  }
0x1b3: {  	s25 =	simm.s32 $0x8C00;
	s26 =	sld [smem:$0x7E1]  }
0x1b4: {  	[tilespmem:s25], [sflag:$0x1] =	stream.strided.gather [hbm4b:s23+s16], $0xA00, s24, s16, $0x38;
	[tilespmem:$0x18880] =	vst v63  }
0x1b5: {  	s28 =	simm.s32 $0x9600;
	s29 =	sld [smem:$0x7E2]  }
0x1b6: {  	[tilespmem:s28], [sflag:$0x1] =	stream.strided.gather [hbm4b:s26+s16], $0xA00, s24, s16, $0x38;
	[tilespmem:$0x18880] =	vst v63  }
0x1b7: {  	s31 =	simm.s32 $0xA000;
	s3 =	sld [smem:$0x7E3]  }
0x1b8: {  	[tilespmem:s31], [sflag:$0x1] =	stream.strided.gather [hbm4b:s29+s16], $0xA00, s24, s16, $0x38;
	[tilespmem:$0x18880] =	vst v63  }
0x1b9: {  	s4 =	simm.s32 $0xAA00;
	s7 =	rddreg [dreg:$0x11]  }
0x1ba: {  	[tilespmem:s4], [sflag:$0x1] =	stream.strided.gather [hbm4b:s3+s16], $0xA00, s24, s16, $0x38;
	[tilespmem:$0x18880] =	vst v63  }
0x1bb: {  	s8 =	rddreg [dreg:$0x1a]  }
0x1bc: {  	[tilespmem:s30], [sflag:$0x2] =	stream.strided.gather [hbm4b:s7+s16], $0xA00, s24, s16, $0x38;
	[tilespmem:$0x18880] =	vst v63  }
0x1bd: {  	s9 =	rddreg [dreg:$0x1b];
	s3 =	simm.s32 $0xB400  }
0x1be: {  	[tilespmem:s3], [sflag:$0x2] =	stream.strided.gather [hbm4b:s8+s16], $0xA00, s24, s16, $0x38;
	[tilespmem:$0x18880] =	vst v63  }
0x1bf: {  	s11 =	simm.s32 $0xBE00;
	s12 =	rddreg [dreg:$0x1c]  }
0x1c0: {  	[tilespmem:s11], [sflag:$0x2] =	stream.strided.gather [hbm4b:s9+s16], $0xA00, s24, s16, $0x38;
	[tilespmem:$0x18880] =	vst v63  }
0x1c1: {  	s13 =	simm.s32 $0xC800;
	s15 =	rddreg [dreg:$0x1d]  }
0x1c2: {  	[tilespmem:s13], [sflag:$0x2] =	stream.strided.gather [hbm4b:s12+s16], $0xA00, s24, s16, $0x38;
	[tilespmem:$0x18880] =	vst v63  }
0x1c3: {  	s17 =	simm.s32 $0xD200;
	s18 =	rddreg [dreg:$0x1e]  }
0x1c4: {  	[tilespmem:s17], [sflag:$0x2] =	stream.strided.gather [hbm4b:s15+s16], $0xA00, s24, s16, $0x38;
	[tilespmem:$0x18880] =	vst v63  }
0x1c5: {  	s19 =	simm.s32 $0xDC00;
	s20 =	rddreg [dreg:$0x1f]  }
0x1c6: {  	[tilespmem:s19], [sflag:$0x2] =	stream.strided.gather [hbm4b:s18+s16], $0xA00, s24, s16, $0x38;
	[tilespmem:$0x18880] =	vst v63  }
0x1c7: {  	s21 =	simm.s32 $0xE600;
	s22 =	sld [smem:$0x7B3]  }
0x1c8: {  	[tilespmem:s21], [sflag:$0x2] =	stream.strided.gather [hbm4b:s20+s16], $0xA00, s24, s16, $0x38;
	[tilespmem:$0x18880] =	vst v63  }
0x1c9: {  	s23 =	simm.s32 $0xF000;
	s25 =	sld [smem:$0x7B4]  }
0x1ca: {  	[tilespmem:s23], [sflag:$0x2] =	stream.strided.gather [hbm4b:s22+s16], $0xA00, s24, s16, $0x38;
	[tilespmem:$0x18880] =	vst v63  }
0x1cb: {  	s26 =	simm.s32 $0xFA00;
	s28 =	sld [smem:$0x7E4]  }
0x1cc: {  	[tilespmem:s26], [sflag:$0x2] =	stream.strided.gather [hbm4b:s25+s16], $0xA00, s24, s16, $0x38;
	[tilespmem:$0x18880] =	vst v63  }
0x1cd: {  	s29 =	simm.s32 $0x10400;
	s31 =	sld [smem:$0x7E5]  }
0x1ce: {  	[tilespmem:s29], [sflag:$0x2] =	stream.strided.gather [hbm4b:s28+s16], $0xA00, s24, s16, $0x38;
	[tilespmem:$0x18880] =	vst v63  }
0x1cf: {  	s1 =	simm.s32 $0x10E00;
	s3 =	sld [smem:$0x7E6]  }
0x1d0: {  	[tilespmem:s1], [sflag:$0x2] =	stream.strided.gather [hbm4b:s31+s16], $0xA00, s24, s16, $0x38;
	[tilespmem:$0x18880] =	vst v63  }
0x1d1: {  	s4 =	simm.s32 $0x11800;
	s7 =	sld [smem:$0x7E7]  }
0x1d2: {  	[tilespmem:s4], [sflag:$0x2] =	stream.strided.gather [hbm4b:s3+s16], $0xA00, s24, s16, $0x38;
	[tilespmem:$0x18880] =	vst v63  }
0x1d3: {  	s8 =	simm.s32 $0x12200;
	s9 =	sld [smem:$0x7E8]  }
0x1d4: {  	[tilespmem:s8], [sflag:$0x2] =	stream.strided.gather [hbm4b:s7+s16], $0xA00, s24, s16, $0x38;
	[tilespmem:$0x18880] =	vst v63  }
0x1d5: {  	s11 =	simm.s32 $0x12C00;
	s12 =	sld [smem:$0x7E9]  }
0x1d6: {  	[tilespmem:s11], [sflag:$0x2] =	stream.strided.gather [hbm4b:s9+s16], $0xA00, s24, s16, $0x38;
	[tilespmem:$0x18880] =	vst v63  }
0x1d7: {  	s13 =	simm.s32 $0x13600;
	s15 =	sld [smem:$0x7EA]  }
0x1d8: {  	[tilespmem:s13], [sflag:$0x2] =	stream.strided.gather [hbm4b:s12+s16], $0xA00, s24, s16, $0x38;
	[tilespmem:$0x18880] =	vst v63  }
0x1d9: {  	s17 =	simm.s32 $0x14000;
	s18 =	sld [smem:$0x7EB]  }
0x1da: {  	[tilespmem:s17], [sflag:$0x2] =	stream.strided.gather [hbm4b:s15+s16], $0xA00, s24, s16, $0x38;
	[tilespmem:$0x18880] =	vst v63  }
0x1db: {  	s19 =	simm.s32 $0x14A00  }
0x1dc: {  	[tilespmem:s19], [sflag:$0x2] =	stream.strided.gather [hbm4b:s18+s16], $0xA00, s24, s16, $0x38;
	[tilespmem:$0x18880] =	vst v63  }
0x1dd: {  	_ =	swait.ge [sflag:s5], $0xA00  }
0x1de: {  	[sflag:s5] =	ssyncset.done $0x0  }
0x1df: {  	[sflag:s5] =	ssyncadd.s32 $0xFFFFF600  }
0x1e0: {  	_ =	swait.ge [sflag:s5], $0xA00  }
0x1e1: {  	[sflag:s5] =	ssyncset.done $0x0  }
0x1e2: {  	[sflag:s5] =	ssyncadd.s32 $0xFFFFF600  }
0x1e3: {  	_ =	swait.ge [sflag:s5], $0xA00  }
0x1e4: {  	[sflag:s5] =	ssyncset.done $0x0  }
0x1e5: {  	[sflag:s5] =	ssyncadd.s32 $0xFFFFF600  }
0x1e6: {  	_ =	swait.ge [sflag:s5], $0xA00  }
0x1e7: {  	[sflag:s5] =	ssyncset.done $0x0  }
0x1e8: {  	[sflag:s5] =	ssyncadd.s32 $0xFFFFF600  }
0x1e9: {  	_ =	swait.ge [sflag:s5], $0xA00  }
0x1ea: {  	[sflag:s5] =	ssyncset.done $0x0  }
0x1eb: {  	[sflag:s5] =	ssyncadd.s32 $0xFFFFF600  }
0x1ec: {  	_ =	swait.ge [sflag:s5], $0xA00  }
0x1ed: {  	[sflag:s5] =	ssyncset.done $0x0  }
0x1ee: {  	[sflag:s5] =	ssyncadd.s32 $0xFFFFF600  }
0x1ef: {  	_ =	swait.ge [sflag:s5], $0xA00  }
0x1f0: {  	[sflag:s5] =	ssyncset.done $0x0  }
0x1f1: {  	[sflag:s5] =	ssyncadd.s32 $0xFFFFF600  }
0x1f2: {  	_ =	swait.ge [sflag:s5], $0xA00  }
0x1f3: {  	[sflag:s5] =	ssyncset.done $0x0  }
0x1f4: {  	[sflag:s5] =	ssyncadd.s32 $0xFFFFF600  }
0x1f5: {  	_ =	swait.ge [sflag:s5], $0xA00  }
0x1f6: {  	[sflag:s5] =	ssyncset.done $0x0  }
0x1f7: {  	[sflag:s5] =	ssyncadd.s32 $0xFFFFF600  }
0x1f8: {  	_ =	swait.ge [sflag:s5], $0xA00  }
0x1f9: {  	[sflag:s5] =	ssyncset.done $0x0  }
0x1fa: {  	[sflag:s5] =	ssyncadd.s32 $0xFFFFF600  }
0x1fb: {  	_ =	swait.ge [sflag:s5], $0xA00  }
0x1fc: {  	[sflag:s5] =	ssyncset.done $0x0  }
0x1fd: {  	[sflag:s5] =	ssyncadd.s32 $0xFFFFF600  }
0x1fe: {  	_ =	swait.ge [sflag:s5], $0xA00  }
0x1ff: {  	[sflag:s5] =	ssyncset.done $0x0  }
0x200: {  	[sflag:s5] =	ssyncadd.s32 $0xFFFFF600  }
0x201: {  	_ =	swait.ge [sflag:s5], $0xA00  }
0x202: {  	[sflag:s5] =	ssyncset.done $0x0  }
0x203: {  	[sflag:s5] =	ssyncadd.s32 $0xFFFFF600  }
0x204: {  	_ =	swait.ge [sflag:s5], $0xA00  }
0x205: {  	[sflag:s5] =	ssyncset.done $0x0  }
0x206: {  	[sflag:s5] =	ssyncadd.s32 $0xFFFFF600  }
0x207: {  	_ =	swait.ge [sflag:s5], $0xA00  }
0x208: {  	[sflag:s5] =	ssyncset.done $0x0  }
0x209: {  	[sflag:s5] =	ssyncadd.s32 $0xFFFFF600  }
0x20a: {  	_ =	swait.ge [sflag:s5], $0xA00  }
0x20b: {  	[sflag:s5] =	ssyncset.done $0x0  }
0x20c: {  	[sflag:s5] =	ssyncadd.s32 $0xFFFFF600  }
0x20d: {  	_ =	swait.ge [sflag:s5], $0xA00  }
0x20e: {  	[sflag:s5] =	ssyncset.done $0x0  }
0x20f: {  	[sflag:s5] =	ssyncadd.s32 $0xFFFFF600  }
0x210: {  	s17 =	rddreg [dreg:$0x3]  }
0x211: {  	s28 =	simm.s32 $0x1400;
	s20 =	rddreg [dreg:$0x4]  }
0x212: {  	[spmem:s17] =	stream.indirect.scatter.add.f32 [tilespmem:s28], [sflag:$0x3], $0x1, s14, s30, $0xb8;
	[tilespmem:$0x18880] =	vst v63  }
0x213: {  	s18 =	simm.s32 $0x1E00;
	s9 =	rddreg [dreg:$0x5]  }
0x214: {  	[spmem:s20] =	stream.indirect.scatter.add.f32 [tilespmem:s18], [sflag:$0x3], $0x1, s14, s30, $0xb8;
	[tilespmem:$0x18880] =	vst v63  }
0x215: {  	s22 =	rddreg [dreg:$0x6];
	s17 =	simm.s32 $0x2800  }
0x216: {  	[spmem:s9] =	stream.indirect.scatter.add.f32 [tilespmem:s17], [sflag:$0x3], $0x1, s14, s30, $0xb8;
	[tilespmem:$0x18880] =	vst v63  }
0x217: {  	s4 =	rddreg [dreg:$0x7];
	s20 =	simm.s32 $0x3200  }
0x218: {  	[spmem:s22] =	stream.indirect.scatter.add.f32 [tilespmem:s20], [sflag:$0x3], $0x1, s14, s30, $0xb8;
	[tilespmem:$0x18880] =	vst v63  }
0x219: {  	s11 =	rddreg [dreg:$0x8];
	s9 =	simm.s32 $0x3C00  }
0x21a: {  	[spmem:s4] =	stream.indirect.scatter.add.f32 [tilespmem:s9], [sflag:$0x3], $0x1, s14, s30, $0xb8;
	[tilespmem:$0x18880] =	vst v63  }
0x21b: {  	s21 =	rddreg [dreg:$0xa];
	s4 =	simm.s32 $0x4600  }
0x21c: {  	[spmem:s11] =	stream.indirect.scatter.add.f32 [tilespmem:s4], [sflag:$0x3], $0x1, s14, s30, $0xb8;
	[tilespmem:$0x18880] =	vst v63  }
0x21d: {  	s7 =	simm.s32 $0x5000;
	s11 =	rddreg [dreg:$0x9]  }
0x21e: {  	[spmem:s11] =	stream.indirect.scatter.add.f32 [tilespmem:s7], [sflag:$0x3], $0x1, s14, s30, $0xb8;
	[tilespmem:$0x18880] =	vst v63  }
0x21f: {  	s25 =	simm.s32 $0x5A00;
	s31 =	rddreg [dreg:$0xb]  }
0x220: {  	[spmem:s21] =	stream.indirect.scatter.add.f32 [tilespmem:s25], [sflag:$0x3], $0x1, s14, s30, $0xb8;
	[tilespmem:$0x18880] =	vst v63  }
0x221: {  	s29 =	simm.s32 $0x6400;
	s8 =	rddreg [dreg:$0xc]  }
0x222: {  	[spmem:s31] =	stream.indirect.scatter.add.f32 [tilespmem:s29], [sflag:$0x3], $0x1, s14, s30, $0xb8;
	[tilespmem:$0x18880] =	vst v63  }
0x223: {  	s12 =	simm.s32 $0x6E00;
	s26 =	rddreg [dreg:$0xd]  }
0x224: {  	[spmem:s8] =	stream.indirect.scatter.add.f32 [tilespmem:s12], [sflag:$0x3], $0x1, s14, s30, $0xb8;
	[tilespmem:$0x18880] =	vst v63  }
0x225: {  	s31 =	sld [smem:$0x7B5];
	s8 =	simm.s32 $0x7800  }
0x226: {  	[spmem:s26] =	stream.indirect.scatter.add.f32 [tilespmem:s8], [sflag:$0x3], $0x1, s14, s30, $0xb8;
	[tilespmem:$0x18880] =	vst v63  }
0x227: {  	s13 =	simm.s32 $0x8200;
	s21 =	sld [smem:$0x7BD]  }
0x228: {  	[spmem:s31] =	stream.indirect.scatter.add.f32 [tilespmem:s13], [sflag:$0x3], $0x1, s14, s30, $0xb8;
	[tilespmem:$0x18880] =	vst v63  }
0x229: {  	s15 =	simm.s32 $0x8C00  }
0x22a: {  	[spmem:s21] =	stream.indirect.scatter.add.f32 [tilespmem:s15], [sflag:$0x3], $0x1, s14, s30, $0xb8;
	[tilespmem:$0x18880] =	vst v63  }
0x22b: {  	s21 =	sld [smem:$0x7BF];
	_ =	sdelay $0x1  }
0x22c: {  	s19 =	simm.s32 $0x9600;
	s22 =	sld [smem:$0x7C2]  }
0x22d: {  	[spmem:s21] =	stream.indirect.scatter.add.f32 [tilespmem:s19], [sflag:$0x3], $0x1, s14, s30, $0xb8;
	[tilespmem:$0x18880] =	vst v63  }
0x22e: {  	s1 =	simm.s32 $0xA000;
	s26 =	sld [smem:$0x7C5]  }
0x22f: {  	[spmem:s22] =	stream.indirect.scatter.add.f32 [tilespmem:s1], [sflag:$0x3], $0x1, s14, s30, $0xb8;
	[tilespmem:$0x18880] =	vst v63  }
0x230: {  	s3 =	simm.s32 $0xAA00;
	s22 =	sld [smem:$0x7C7]  }
0x231: {  	[spmem:s26] =	stream.indirect.scatter.add.f32 [tilespmem:s3], [sflag:$0x3], $0x1, s14, s30, $0xb8;
	[tilespmem:$0x18880] =	vst v63  }
0x232: {  	s23 =	simm.s32 $0x15400  }
0x233: {  	[spmem:s22] =	stream.indirect.scatter.add.f32 [tilespmem:s23], [sflag:$0x3], $0x1, s14, s30, $0xb8;
	[tilespmem:$0x18880] =	vst v63  }
0x234: {  	_ =	swait.ge [sflag:s2], $0xA00  }
0x235: {  	[sflag:s2] =	ssyncset.done $0x0  }
0x236: {  	[sflag:s2] =	ssyncadd.s32 $0xFFFFF600  }
0x237: {  	_ =	swait.ge [sflag:s2], $0xA00  }
0x238: {  	[sflag:s2] =	ssyncset.done $0x0  }
0x239: {  	[sflag:s2] =	ssyncadd.s32 $0xFFFFF600  }
0x23a: {  	_ =	swait.ge [sflag:s2], $0xA00  }
0x23b: {  	[sflag:s2] =	ssyncset.done $0x0  }
0x23c: {  	[sflag:s2] =	ssyncadd.s32 $0xFFFFF600  }
0x23d: {  	_ =	swait.ge [sflag:s2], $0xA00  }
0x23e: {  	[sflag:s2] =	ssyncset.done $0x0  }
0x23f: {  	[sflag:s2] =	ssyncadd.s32 $0xFFFFF600  }
0x240: {  	_ =	swait.ge [sflag:s2], $0xA00  }
0x241: {  	[sflag:s2] =	ssyncset.done $0x0  }
0x242: {  	[sflag:s2] =	ssyncadd.s32 $0xFFFFF600  }
0x243: {  	_ =	swait.ge [sflag:s2], $0xA00  }
0x244: {  	[sflag:s2] =	ssyncset.done $0x0  }
0x245: {  	[sflag:s2] =	ssyncadd.s32 $0xFFFFF600  }
0x246: {  	_ =	swait.ge [sflag:s2], $0xA00  }
0x247: {  	[sflag:s2] =	ssyncset.done $0x0  }
0x248: {  	[sflag:s2] =	ssyncadd.s32 $0xFFFFF600  }
0x249: {  	_ =	swait.ge [sflag:s2], $0xA00  }
0x24a: {  	[sflag:s2] =	ssyncset.done $0x0  }
0x24b: {  	[sflag:s2] =	ssyncadd.s32 $0xFFFFF600  }
0x24c: {  	_ =	swait.ge [sflag:s2], $0xA00  }
0x24d: {  	[sflag:s2] =	ssyncset.done $0x0  }
0x24e: {  	[sflag:s2] =	ssyncadd.s32 $0xFFFFF600  }
0x24f: {  	_ =	swait.ge [sflag:s2], $0xA00  }
0x250: {  	[sflag:s2] =	ssyncset.done $0x0  }
0x251: {  	[sflag:s2] =	ssyncadd.s32 $0xFFFFF600  }
0x252: {  	_ =	swait.ge [sflag:s2], $0xA00  }
0x253: {  	[sflag:s2] =	ssyncset.done $0x0  }
0x254: {  	[sflag:s2] =	ssyncadd.s32 $0xFFFFF600  }
0x255: {  	_ =	swait.ge [sflag:s2], $0xA00  }
0x256: {  	[sflag:s2] =	ssyncset.done $0x0  }
0x257: {  	[sflag:s2] =	ssyncadd.s32 $0xFFFFF600  }
0x258: {  	_ =	swait.ge [sflag:s2], $0xA00  }
0x259: {  	[sflag:s2] =	ssyncset.done $0x0  }
0x25a: {  	[sflag:s2] =	ssyncadd.s32 $0xFFFFF600  }
0x25b: {  	_ =	swait.ge [sflag:s2], $0xA00  }
0x25c: {  	[sflag:s2] =	ssyncset.done $0x0  }
0x25d: {  	[sflag:s2] =	ssyncadd.s32 $0xFFFFF600  }
0x25e: {  	_ =	swait.ge [sflag:s2], $0xA00  }
0x25f: {  	[sflag:s2] =	ssyncset.done $0x0  }
0x260: {  	[sflag:s2] =	ssyncadd.s32 $0xFFFFF600  }
0x261: {  	_ =	swait.ge [sflag:s2], $0xA00  }
0x262: {  	[sflag:s2] =	ssyncset.done $0x0  }
0x263: {  	[sflag:s2] =	ssyncadd.s32 $0xFFFFF600  }
0x264: {  	_ =	swait.ge [sflag:s2], $0xA00  }
0x265: {  	[sflag:s2] =	ssyncset.done $0x0;
	s23 =	rddreg [dreg:$0x12]  }
0x266: {  	s0 =	sld [smem:$0x7F3];
	[sflag:s2] =	ssyncadd.s32 $0xFFFFF600  }
0x267: {  	[tilespmem:s14], [sflag:$0x1] =	stream.strided.gather [hbm4b:s23+s16], $0xA00, s24, s16, $0x38;
	[tilespmem:$0x18880] =	vst v63  }
0x268: {  	_ = 	snop  }
0x269: {  	[tilespmem:s28], [sflag:$0x1] =	stream.strided.gather [hbm4b:s0+s16], $0xA00, s24, s16, $0x38;
	[tilespmem:$0x18880] =	vst v63  }
0x26a: {  	s0 =	sld [smem:$0x7B6];
	_ =	sdelay $0x2  }
0x26b: {  	[tilespmem:s18], [sflag:$0x1] =	stream.strided.gather [hbm4b:s0+s16], $0xA00, s24, s16, $0x38;
	[tilespmem:$0x18880] =	vst v63  }
0x26c: {  	s18 =	sld [smem:$0x7B7];
	_ =	sdelay $0x1  }
0x26d: {  	s28 =	sld [smem:$0x7B8]  }
0x26e: {  	[tilespmem:s17], [sflag:$0x1] =	stream.strided.gather [hbm4b:s18+s16], $0xA00, s24, s16, $0x38;
	[tilespmem:$0x18880] =	vst v63  }
0x26f: {  	s0 =	sld [smem:$0x7B9]  }
0x270: {  	[tilespmem:s20], [sflag:$0x1] =	stream.strided.gather [hbm4b:s28+s16], $0xA00, s24, s16, $0x38;
	[tilespmem:$0x18880] =	vst v63  }
0x271: {  	s17 =	sld [smem:$0x7BA]  }
0x272: {  	[tilespmem:s9], [sflag:$0x1] =	stream.strided.gather [hbm4b:s0+s16], $0xA00, s24, s16, $0x38;
	[tilespmem:$0x18880] =	vst v63  }
0x273: {  	s18 =	sld [smem:$0x7BB]  }
0x274: {  	[tilespmem:s4], [sflag:$0x1] =	stream.strided.gather [hbm4b:s17+s16], $0xA00, s24, s16, $0x38;
	[tilespmem:$0x18880] =	vst v63  }
0x275: {  	s20 =	sld [smem:$0x7BC]  }
0x276: {  	[tilespmem:s7], [sflag:$0x1] =	stream.strided.gather [hbm4b:s18+s16], $0xA00, s24, s16, $0x38;
	[tilespmem:$0x18880] =	vst v63  }
0x277: {  	_ = 	snop  }
0x278: {  	[tilespmem:s25], [sflag:$0x1] =	stream.strided.gather [hbm4b:s20+s16], $0xA00, s24, s16, $0x38;
	[tilespmem:$0x18880] =	vst v63  }
0x279: {  	s25 =	sld [smem:$0x7EC];
	_ =	sdelay $0x1  }
0x27a: {  	s28 =	sld [smem:$0x7ED]  }
0x27b: {  	[tilespmem:s29], [sflag:$0x1] =	stream.strided.gather [hbm4b:s25+s16], $0xA00, s24, s16, $0x38;
	[tilespmem:$0x18880] =	vst v63  }
0x27c: {  	s29 =	sld [smem:$0x7EE]  }
0x27d: {  	[tilespmem:s12], [sflag:$0x1] =	stream.strided.gather [hbm4b:s28+s16], $0xA00, s24, s16, $0x38;
	[tilespmem:$0x18880] =	vst v63  }
0x27e: {  	s0 =	sld [smem:$0x7EF]  }
0x27f: {  	[tilespmem:s8], [sflag:$0x1] =	stream.strided.gather [hbm4b:s29+s16], $0xA00, s24, s16, $0x38;
	[tilespmem:$0x18880] =	vst v63  }
0x280: {  	s4 =	sld [smem:$0x7F0]  }
0x281: {  	[tilespmem:s13], [sflag:$0x1] =	stream.strided.gather [hbm4b:s0+s16], $0xA00, s24, s16, $0x38;
	[tilespmem:$0x18880] =	vst v63  }
0x282: {  	s7 =	sld [smem:$0x7F1]  }
0x283: {  	[tilespmem:s15], [sflag:$0x1] =	stream.strided.gather [hbm4b:s4+s16], $0xA00, s24, s16, $0x38;
	[tilespmem:$0x18880] =	vst v63  }
0x284: {  	s8 =	sld [smem:$0x7F2]  }
0x285: {  	[tilespmem:s19], [sflag:$0x1] =	stream.strided.gather [hbm4b:s7+s16], $0xA00, s24, s16, $0x38;
	[tilespmem:$0x18880] =	vst v63  }
0x286: {  	s9 =	sld [smem:$0x7F4]  }
0x287: {  	[tilespmem:s1], [sflag:$0x1] =	stream.strided.gather [hbm4b:s8+s16], $0xA00, s24, s16, $0x38;
	[tilespmem:$0x18880] =	vst v63  }
0x288: {  	_ = 	snop  }
0x289: {  	[tilespmem:s3], [sflag:$0x1] =	stream.strided.gather [hbm4b:s9+s16], $0xA00, s24, s16, $0x38;
	[tilespmem:$0x18880] =	vst v63  }
0x28a: {  	_ =	swait.ge [sflag:s6], $0xA00  }
0x28b: {  	[sflag:s6] =	ssyncset.done $0x0  }
0x28c: {  	[sflag:s6] =	ssyncadd.s32 $0xFFFFF600  }
0x28d: {  	_ =	swait.ge [sflag:s6], $0xA00  }
0x28e: {  	[sflag:s6] =	ssyncset.done $0x0  }
0x28f: {  	[sflag:s6] =	ssyncadd.s32 $0xFFFFF600  }
0x290: {  	_ =	swait.ge [sflag:s6], $0xA00  }
0x291: {  	[sflag:s6] =	ssyncset.done $0x0  }
0x292: {  	[sflag:s6] =	ssyncadd.s32 $0xFFFFF600  }
0x293: {  	_ =	swait.ge [sflag:s6], $0xA00  }
0x294: {  	[sflag:s6] =	ssyncset.done $0x0  }
0x295: {  	[sflag:s6] =	ssyncadd.s32 $0xFFFFF600  }
0x296: {  	_ =	swait.ge [sflag:s6], $0xA00  }
0x297: {  	[sflag:s6] =	ssyncset.done $0x0  }
0x298: {  	[sflag:s6] =	ssyncadd.s32 $0xFFFFF600  }
0x299: {  	_ =	swait.ge [sflag:s6], $0xA00  }
0x29a: {  	[sflag:s6] =	ssyncset.done $0x0  }
0x29b: {  	[sflag:s6] =	ssyncadd.s32 $0xFFFFF600  }
0x29c: {  	_ =	swait.ge [sflag:s6], $0xA00  }
0x29d: {  	[sflag:s6] =	ssyncset.done $0x0  }
0x29e: {  	[sflag:s6] =	ssyncadd.s32 $0xFFFFF600  }
0x29f: {  	_ =	swait.ge [sflag:s6], $0xA00  }
0x2a0: {  	[sflag:s6] =	ssyncset.done $0x0  }
0x2a1: {  	[sflag:s6] =	ssyncadd.s32 $0xFFFFF600  }
0x2a2: {  	_ =	swait.ge [sflag:s6], $0xA00  }
0x2a3: {  	[sflag:s6] =	ssyncset.done $0x0  }
0x2a4: {  	[sflag:s6] =	ssyncadd.s32 $0xFFFFF600  }
0x2a5: {  	_ =	swait.ge [sflag:s6], $0xA00  }
0x2a6: {  	[sflag:s6] =	ssyncset.done $0x0  }
0x2a7: {  	[sflag:s6] =	ssyncadd.s32 $0xFFFFF600  }
0x2a8: {  	_ =	swait.ge [sflag:s6], $0xA00  }
0x2a9: {  	[sflag:s6] =	ssyncset.done $0x0  }
0x2aa: {  	[sflag:s6] =	ssyncadd.s32 $0xFFFFF600  }
0x2ab: {  	_ =	swait.ge [sflag:s6], $0xA00  }
0x2ac: {  	[sflag:s6] =	ssyncset.done $0x0  }
0x2ad: {  	[sflag:s6] =	ssyncadd.s32 $0xFFFFF600  }
0x2ae: {  	_ =	swait.ge [sflag:s6], $0xA00  }
0x2af: {  	[sflag:s6] =	ssyncset.done $0x0  }
0x2b0: {  	[sflag:s6] =	ssyncadd.s32 $0xFFFFF600  }
0x2b1: {  	_ =	swait.ge [sflag:s6], $0xA00  }
0x2b2: {  	[sflag:s6] =	ssyncset.done $0x0  }
0x2b3: {  	[sflag:s6] =	ssyncadd.s32 $0xFFFFF600  }
0x2b4: {  	_ =	swait.ge [sflag:s6], $0xA00  }
0x2b5: {  	[sflag:s6] =	ssyncset.done $0x0  }
0x2b6: {  	[sflag:s6] =	ssyncadd.s32 $0xFFFFF600  }
0x2b7: {  	_ =	swait.ge [sflag:s6], $0xA00  }
0x2b8: {  	[sflag:s6] =	ssyncset.done $0x0  }
0x2b9: {  	[sflag:s6] =	ssyncadd.s32 $0xFFFFF600  }
0x2ba: {  	_ =	swait.ge [sflag:s6], $0xA00  }
0x2bb: {  	[sflag:s6] =	ssyncset.done $0x0  }
0x2bc: {  	[sflag:s6] =	ssyncadd.s32 $0xFFFFF600  }
0x2bd: {  	s0 =	simm.s32 $0xB400;
	s12 =	rddreg [dreg:$0x3]  }
0x2be: {  	[spmem:s12] =	stream.indirect.scatter.add.f32 [tilespmem:s0], [sflag:$0x3], $0x1, s30, s30, $0xb8;
	[tilespmem:$0x18880] =	vst v63  }
0x2bf: {  	s1 =	simm.s32 $0xBE00;
	s13 =	rddreg [dreg:$0x4]  }
0x2c0: {  	[spmem:s13] =	stream.indirect.scatter.add.f32 [tilespmem:s1], [sflag:$0x3], $0x1, s30, s30, $0xb8;
	[tilespmem:$0x18880] =	vst v63  }
0x2c1: {  	s3 =	simm.s32 $0xC800;
	s15 =	rddreg [dreg:$0x5]  }
0x2c2: {  	[spmem:s15] =	stream.indirect.scatter.add.f32 [tilespmem:s3], [sflag:$0x3], $0x1, s30, s30, $0xb8;
	[tilespmem:$0x18880] =	vst v63  }
0x2c3: {  	s4 =	simm.s32 $0xD200;
	s17 =	rddreg [dreg:$0x6]  }
0x2c4: {  	[spmem:s17] =	stream.indirect.scatter.add.f32 [tilespmem:s4], [sflag:$0x3], $0x1, s30, s30, $0xb8;
	[tilespmem:$0x18880] =	vst v63  }
0x2c5: {  	s8 =	simm.s32 $0xDC00;
	s18 =	rddreg [dreg:$0x7]  }
0x2c6: {  	[spmem:s18] =	stream.indirect.scatter.add.f32 [tilespmem:s8], [sflag:$0x3], $0x1, s30, s30, $0xb8;
	[tilespmem:$0x18880] =	vst v63  }
0x2c7: {  	s9 =	simm.s32 $0xE600;
	s19 =	rddreg [dreg:$0x8]  }
0x2c8: {  	[spmem:s19] =	stream.indirect.scatter.add.f32 [tilespmem:s9], [sflag:$0x3], $0x1, s30, s30, $0xb8;
	[tilespmem:$0x18880] =	vst v63  }
0x2c9: {  	s19 =	simm.s32 $0xF000  }
0x2ca: {  	[spmem:s11] =	stream.indirect.scatter.add.f32 [tilespmem:s19], [sflag:$0x3], $0x1, s30, s30, $0xb8;
	[tilespmem:$0x18880] =	vst v63  }
0x2cb: {  	s20 =	rddreg [dreg:$0xa];
	s11 =	simm.s32 $0xFA00  }
0x2cc: {  	[spmem:s20] =	stream.indirect.scatter.add.f32 [tilespmem:s11], [sflag:$0x3], $0x1, s30, s30, $0xb8;
	[tilespmem:$0x18880] =	vst v63  }
0x2cd: {  	s29 =	simm.s32 $0x10400;
	s23 =	rddreg [dreg:$0xb]  }
0x2ce: {  	[spmem:s23] =	stream.indirect.scatter.add.f32 [tilespmem:s29], [sflag:$0x3], $0x1, s30, s30, $0xb8;
	[tilespmem:$0x18880] =	vst v63  }
0x2cf: {  	s25 =	rddreg [dreg:$0xc];
	s20 =	simm.s32 $0x10E00  }
0x2d0: {  	[spmem:s25] =	stream.indirect.scatter.add.f32 [tilespmem:s20], [sflag:$0x3], $0x1, s30, s30, $0xb8;
	[tilespmem:$0x18880] =	vst v63  }
0x2d1: {  	s28 =	rddreg [dreg:$0xd];
	s18 =	simm.s32 $0x11800  }
0x2d2: {  	[spmem:s28] =	stream.indirect.scatter.add.f32 [tilespmem:s18], [sflag:$0x3], $0x1, s30, s30, $0xb8;
	[tilespmem:$0x18880] =	vst v63  }
0x2d3: {  	s7 =	sld [smem:$0x7BD];
	s12 =	simm.s32 $0x12200  }
0x2d4: {  	[spmem:s31] =	stream.indirect.scatter.add.f32 [tilespmem:s12], [sflag:$0x3], $0x1, s30, s30, $0xb8;
	[tilespmem:$0x18880] =	vst v63  }
0x2d5: {  	s13 =	simm.s32 $0x12C00  }
0x2d6: {  	[spmem:s7] =	stream.indirect.scatter.add.f32 [tilespmem:s13], [sflag:$0x3], $0x1, s30, s30, $0xb8;
	[tilespmem:$0x18880] =	vst v63  }
0x2d7: {  	s17 =	simm.s32 $0x13600;
	s28 =	sld [smem:$0x7C2]  }
0x2d8: {  	[spmem:s21] =	stream.indirect.scatter.add.f32 [tilespmem:s17], [sflag:$0x3], $0x1, s30, s30, $0xb8;
	[tilespmem:$0x18880] =	vst v63  }
0x2d9: {  	s15 =	simm.s32 $0x14000  }
0x2da: {  	[spmem:s28] =	stream.indirect.scatter.add.f32 [tilespmem:s15], [sflag:$0x3], $0x1, s30, s30, $0xb8;
	[tilespmem:$0x18880] =	vst v63  }
0x2db: {  	s25 =	smov.u32 s21;
	s21 =	simm.s32 $0x14A00  }
0x2dc: {  	[spmem:s26] =	stream.indirect.scatter.add.f32 [tilespmem:s21], [sflag:$0x3], $0x1, s30, s30, $0xb8;
	[tilespmem:$0x18880] =	vst v63  }
0x2dd: {  	s23 =	simm.s32 $0x15400  }
0x2de: {  	[spmem:s22] =	stream.indirect.scatter.add.f32 [tilespmem:s23], [sflag:$0x3], $0x1, s30, s30, $0xb8;
	[tilespmem:$0x18880] =	vst v63  }
0x2df: {  	_ =	swait.ge [sflag:s2], $0xA00  }
0x2e0: {  	[sflag:s2] =	ssyncset.done $0x0  }
0x2e1: {  	[sflag:s2] =	ssyncadd.s32 $0xFFFFF600  }
0x2e2: {  	_ =	swait.ge [sflag:s2], $0xA00  }
0x2e3: {  	[sflag:s2] =	ssyncset.done $0x0  }
0x2e4: {  	[sflag:s2] =	ssyncadd.s32 $0xFFFFF600  }
0x2e5: {  	_ =	swait.ge [sflag:s2], $0xA00  }
0x2e6: {  	[sflag:s2] =	ssyncset.done $0x0  }
0x2e7: {  	[sflag:s2] =	ssyncadd.s32 $0xFFFFF600  }
0x2e8: {  	_ =	swait.ge [sflag:s2], $0xA00  }
0x2e9: {  	[sflag:s2] =	ssyncset.done $0x0  }
0x2ea: {  	[sflag:s2] =	ssyncadd.s32 $0xFFFFF600  }
0x2eb: {  	_ =	swait.ge [sflag:s2], $0xA00  }
0x2ec: {  	[sflag:s2] =	ssyncset.done $0x0  }
0x2ed: {  	[sflag:s2] =	ssyncadd.s32 $0xFFFFF600  }
0x2ee: {  	_ =	swait.ge [sflag:s2], $0xA00  }
0x2ef: {  	[sflag:s2] =	ssyncset.done $0x0  }
0x2f0: {  	[sflag:s2] =	ssyncadd.s32 $0xFFFFF600  }
0x2f1: {  	_ =	swait.ge [sflag:s2], $0xA00  }
0x2f2: {  	[sflag:s2] =	ssyncset.done $0x0  }
0x2f3: {  	[sflag:s2] =	ssyncadd.s32 $0xFFFFF600  }
0x2f4: {  	_ =	swait.ge [sflag:s2], $0xA00  }
0x2f5: {  	[sflag:s2] =	ssyncset.done $0x0  }
0x2f6: {  	[sflag:s2] =	ssyncadd.s32 $0xFFFFF600  }
0x2f7: {  	_ =	swait.ge [sflag:s2], $0xA00  }
0x2f8: {  	[sflag:s2] =	ssyncset.done $0x0  }
0x2f9: {  	[sflag:s2] =	ssyncadd.s32 $0xFFFFF600  }
0x2fa: {  	_ =	swait.ge [sflag:s2], $0xA00  }
0x2fb: {  	[sflag:s2] =	ssyncset.done $0x0  }
0x2fc: {  	[sflag:s2] =	ssyncadd.s32 $0xFFFFF600  }
0x2fd: {  	_ =	swait.ge [sflag:s2], $0xA00  }
0x2fe: {  	[sflag:s2] =	ssyncset.done $0x0  }
0x2ff: {  	[sflag:s2] =	ssyncadd.s32 $0xFFFFF600  }
0x300: {  	_ =	swait.ge [sflag:s2], $0xA00  }
0x301: {  	[sflag:s2] =	ssyncset.done $0x0  }
0x302: {  	[sflag:s2] =	ssyncadd.s32 $0xFFFFF600  }
0x303: {  	_ =	swait.ge [sflag:s2], $0xA00  }
0x304: {  	[sflag:s2] =	ssyncset.done $0x0  }
0x305: {  	[sflag:s2] =	ssyncadd.s32 $0xFFFFF600  }
0x306: {  	_ =	swait.ge [sflag:s2], $0xA00  }
0x307: {  	[sflag:s2] =	ssyncset.done $0x0  }
0x308: {  	[sflag:s2] =	ssyncadd.s32 $0xFFFFF600  }
0x309: {  	_ =	swait.ge [sflag:s2], $0xA00  }
0x30a: {  	[sflag:s2] =	ssyncset.done $0x0  }
0x30b: {  	[sflag:s2] =	ssyncadd.s32 $0xFFFFF600  }
0x30c: {  	_ =	swait.ge [sflag:s2], $0xA00  }
0x30d: {  	[sflag:s2] =	ssyncset.done $0x0  }
0x30e: {  	[sflag:s2] =	ssyncadd.s32 $0xFFFFF600  }
0x30f: {  	_ =	swait.ge [sflag:s2], $0xA00  }
0x310: {  	[sflag:s2] =	ssyncset.done $0x0  }
0x311: {  	s23 =	rddreg [dreg:$0x13];
	[sflag:s2] =	ssyncadd.s32 $0xFFFFF600  }
0x312: {  	[tilespmem:s30], [sflag:$0x2] =	stream.strided.gather [hbm4b:s23+s16], $0xA00, s24, s16, $0x38;
	[tilespmem:$0x18880] =	vst v63  }
0x313: {  	s23 =	sld [smem:$0x7FC];
	_ =	sdelay $0x2  }
0x314: {  	[tilespmem:s0], [sflag:$0x2] =	stream.strided.gather [hbm4b:s23+s16], $0xA00, s24, s16, $0x38;
	[tilespmem:$0x18880] =	vst v63  }
0x315: {  	s0 =	sld [smem:$0x7BE];
	_ =	sdelay $0x2  }
0x316: {  	[tilespmem:s1], [sflag:$0x2] =	stream.strided.gather [hbm4b:s0+s16], $0xA00, s24, s16, $0x38;
	[tilespmem:$0x18880] =	vst v63  }
0x317: {  	s1 =	sld [smem:$0x7C0];
	_ =	sdelay $0x2  }
0x318: {  	[tilespmem:s3], [sflag:$0x2] =	stream.strided.gather [hbm4b:s1+s16], $0xA00, s24, s16, $0x38;
	[tilespmem:$0x18880] =	vst v63  }
0x319: {  	s3 =	sld [smem:$0x7C1];
	_ =	sdelay $0x2  }
0x31a: {  	[tilespmem:s4], [sflag:$0x2] =	stream.strided.gather [hbm4b:s3+s16], $0xA00, s24, s16, $0x38;
	[tilespmem:$0x18880] =	vst v63  }
0x31b: {  	s4 =	sld [smem:$0x7C3];
	_ =	sdelay $0x2  }
0x31c: {  	[tilespmem:s8], [sflag:$0x2] =	stream.strided.gather [hbm4b:s4+s16], $0xA00, s24, s16, $0x38;
	[tilespmem:$0x18880] =	vst v63  }
0x31d: {  	s8 =	sld [smem:$0x7C4];
	_ =	sdelay $0x1  }
0x31e: {  	s0 =	sld [smem:$0x7C6]  }
0x31f: {  	[tilespmem:s9], [sflag:$0x2] =	stream.strided.gather [hbm4b:s8+s16], $0xA00, s24, s16, $0x38;
	[tilespmem:$0x18880] =	vst v63  }
0x320: {  	s1 =	sld [smem:$0x7C8]  }
0x321: {  	[tilespmem:s19], [sflag:$0x2] =	stream.strided.gather [hbm4b:s0+s16], $0xA00, s24, s16, $0x38;
	[tilespmem:$0x18880] =	vst v63  }
0x322: {  	s3 =	sld [smem:$0x7F5]  }
0x323: {  	[tilespmem:s11], [sflag:$0x2] =	stream.strided.gather [hbm4b:s1+s16], $0xA00, s24, s16, $0x38;
	[tilespmem:$0x18880] =	vst v63  }
0x324: {  	s4 =	sld [smem:$0x7F6]  }
0x325: {  	[tilespmem:s29], [sflag:$0x2] =	stream.strided.gather [hbm4b:s3+s16], $0xA00, s24, s16, $0x38;
	[tilespmem:$0x18880] =	vst v63  }
0x326: {  	s8 =	sld [smem:$0x7F7]  }
0x327: {  	[tilespmem:s20], [sflag:$0x2] =	stream.strided.gather [hbm4b:s4+s16], $0xA00, s24, s16, $0x38;
	[tilespmem:$0x18880] =	vst v63  }
0x328: {  	s9 =	sld [smem:$0x7F8]  }
0x329: {  	[tilespmem:s18], [sflag:$0x2] =	stream.strided.gather [hbm4b:s8+s16], $0xA00, s24, s16, $0x38;
	[tilespmem:$0x18880] =	vst v63  }
0x32a: {  	s11 =	sld [smem:$0x7F9]  }
0x32b: {  	[tilespmem:s12], [sflag:$0x2] =	stream.strided.gather [hbm4b:s9+s16], $0xA00, s24, s16, $0x38;
	[tilespmem:$0x18880] =	vst v63  }
0x32c: {  	s12 =	sld [smem:$0x7FA]  }
0x32d: {  	[tilespmem:s13], [sflag:$0x2] =	stream.strided.gather [hbm4b:s11+s16], $0xA00, s24, s16, $0x38;
	[tilespmem:$0x18880] =	vst v63  }
0x32e: {  	s13 =	sld [smem:$0x7FB]  }
0x32f: {  	[tilespmem:s17], [sflag:$0x2] =	stream.strided.gather [hbm4b:s12+s16], $0xA00, s24, s16, $0x38;
	[tilespmem:$0x18880] =	vst v63  }
0x330: {  	s17 =	sld [smem:$0x7FD]  }
0x331: {  	[tilespmem:s15], [sflag:$0x2] =	stream.strided.gather [hbm4b:s13+s16], $0xA00, s24, s16, $0x38;
	[tilespmem:$0x18880] =	vst v63  }
0x332: {  	_ = 	snop  }
0x333: {  	[tilespmem:s21], [sflag:$0x2] =	stream.strided.gather [hbm4b:s17+s16], $0xA00, s24, s16, $0x38;
	[tilespmem:$0x18880] =	vst v63  }
0x334: {  	_ =	swait.ge [sflag:s5], $0xA00  }
0x335: {  	[sflag:s5] =	ssyncset.done $0x0  }
0x336: {  	[sflag:s5] =	ssyncadd.s32 $0xFFFFF600  }
0x337: {  	_ =	swait.ge [sflag:s5], $0xA00  }
0x338: {  	[sflag:s5] =	ssyncset.done $0x0  }
0x339: {  	[sflag:s5] =	ssyncadd.s32 $0xFFFFF600  }
0x33a: {  	_ =	swait.ge [sflag:s5], $0xA00  }
0x33b: {  	[sflag:s5] =	ssyncset.done $0x0  }
0x33c: {  	[sflag:s5] =	ssyncadd.s32 $0xFFFFF600  }
0x33d: {  	_ =	swait.ge [sflag:s5], $0xA00  }
0x33e: {  	[sflag:s5] =	ssyncset.done $0x0  }
0x33f: {  	[sflag:s5] =	ssyncadd.s32 $0xFFFFF600  }
0x340: {  	_ =	swait.ge [sflag:s5], $0xA00  }
0x341: {  	[sflag:s5] =	ssyncset.done $0x0  }
0x342: {  	[sflag:s5] =	ssyncadd.s32 $0xFFFFF600  }
0x343: {  	_ =	swait.ge [sflag:s5], $0xA00  }
0x344: {  	[sflag:s5] =	ssyncset.done $0x0  }
0x345: {  	[sflag:s5] =	ssyncadd.s32 $0xFFFFF600  }
0x346: {  	_ =	swait.ge [sflag:s5], $0xA00  }
0x347: {  	[sflag:s5] =	ssyncset.done $0x0  }
0x348: {  	[sflag:s5] =	ssyncadd.s32 $0xFFFFF600  }
0x349: {  	_ =	swait.ge [sflag:s5], $0xA00  }
0x34a: {  	[sflag:s5] =	ssyncset.done $0x0  }
0x34b: {  	[sflag:s5] =	ssyncadd.s32 $0xFFFFF600  }
0x34c: {  	_ =	swait.ge [sflag:s5], $0xA00  }
0x34d: {  	[sflag:s5] =	ssyncset.done $0x0  }
0x34e: {  	[sflag:s5] =	ssyncadd.s32 $0xFFFFF600  }
0x34f: {  	_ =	swait.ge [sflag:s5], $0xA00  }
0x350: {  	[sflag:s5] =	ssyncset.done $0x0  }
0x351: {  	[sflag:s5] =	ssyncadd.s32 $0xFFFFF600  }
0x352: {  	_ =	swait.ge [sflag:s5], $0xA00  }
0x353: {  	[sflag:s5] =	ssyncset.done $0x0  }
0x354: {  	[sflag:s5] =	ssyncadd.s32 $0xFFFFF600  }
0x355: {  	_ =	swait.ge [sflag:s5], $0xA00  }
0x356: {  	[sflag:s5] =	ssyncset.done $0x0  }
0x357: {  	[sflag:s5] =	ssyncadd.s32 $0xFFFFF600  }
0x358: {  	_ =	swait.ge [sflag:s5], $0xA00  }
0x359: {  	[sflag:s5] =	ssyncset.done $0x0  }
0x35a: {  	[sflag:s5] =	ssyncadd.s32 $0xFFFFF600  }
0x35b: {  	_ =	swait.ge [sflag:s5], $0xA00  }
0x35c: {  	[sflag:s5] =	ssyncset.done $0x0  }
0x35d: {  	[sflag:s5] =	ssyncadd.s32 $0xFFFFF600  }
0x35e: {  	_ =	swait.ge [sflag:s5], $0xA00  }
0x35f: {  	[sflag:s5] =	ssyncset.done $0x0  }
0x360: {  	[sflag:s5] =	ssyncadd.s32 $0xFFFFF600  }
0x361: {  	_ =	swait.ge [sflag:s5], $0xA00  }
0x362: {  	[sflag:s5] =	ssyncset.done $0x0  }
0x363: {  	[sflag:s5] =	ssyncadd.s32 $0xFFFFF600  }
0x364: {  	_ =	swait.ge [sflag:s5], $0xA00  }
0x365: {  	[sflag:s5] =	ssyncset.done $0x0  }
0x366: {  	[sflag:s5] =	ssyncadd.s32 $0xFFFFF600  }
0x367: {  	s21 =	simm.s32 $0x1400;
	s23 =	rddreg [dreg:$0x3]  }
0x368: {  	[spmem:s23] =	stream.indirect.scatter.add.f32 [tilespmem:s21], [sflag:$0x3], $0x1, s14, s30, $0xb8;
	[tilespmem:$0x18880] =	vst v63  }
0x369: {  	s1 =	simm.s32 $0x1E00;
	s21 =	rddreg [dreg:$0x4]  }
0x36a: {  	[spmem:s21] =	stream.indirect.scatter.add.f32 [tilespmem:s1], [sflag:$0x3], $0x1, s14, s30, $0xb8;
	[tilespmem:$0x18880] =	vst v63  }
0x36b: {  	s3 =	simm.s32 $0x2800;
	s0 =	rddreg [dreg:$0x5]  }
0x36c: {  	[spmem:s0] =	stream.indirect.scatter.add.f32 [tilespmem:s3], [sflag:$0x3], $0x1, s14, s30, $0xb8;
	[tilespmem:$0x18880] =	vst v63  }
0x36d: {  	s4 =	simm.s32 $0x3200;
	s1 =	rddreg [dreg:$0x6]  }
0x36e: {  	[spmem:s1] =	stream.indirect.scatter.add.f32 [tilespmem:s4], [sflag:$0x3], $0x1, s14, s30, $0xb8;
	[tilespmem:$0x18880] =	vst v63  }
0x36f: {  	s8 =	simm.s32 $0x3C00;
	s3 =	rddreg [dreg:$0x7]  }
0x370: {  	[spmem:s3] =	stream.indirect.scatter.add.f32 [tilespmem:s8], [sflag:$0x3], $0x1, s14, s30, $0xb8;
	[tilespmem:$0x18880] =	vst v63  }
0x371: {  	s9 =	simm.s32 $0x4600;
	s4 =	rddreg [dreg:$0x8]  }
0x372: {  	[spmem:s4] =	stream.indirect.scatter.add.f32 [tilespmem:s9], [sflag:$0x3], $0x1, s14, s30, $0xb8;
	[tilespmem:$0x18880] =	vst v63  }
0x373: {  	s11 =	simm.s32 $0x5000;
	s8 =	rddreg [dreg:$0x9]  }
0x374: {  	[spmem:s8] =	stream.indirect.scatter.add.f32 [tilespmem:s11], [sflag:$0x3], $0x1, s14, s30, $0xb8;
	[tilespmem:$0x18880] =	vst v63  }
0x375: {  	s12 =	simm.s32 $0x5A00;
	s9 =	rddreg [dreg:$0xa]  }
0x376: {  	[spmem:s9] =	stream.indirect.scatter.add.f32 [tilespmem:s12], [sflag:$0x3], $0x1, s14, s30, $0xb8;
	[tilespmem:$0x18880] =	vst v63  }
0x377: {  	s13 =	simm.s32 $0x6400;
	s11 =	rddreg [dreg:$0xb]  }
0x378: {  	[spmem:s11] =	stream.indirect.scatter.add.f32 [tilespmem:s13], [sflag:$0x3], $0x1, s14, s30, $0xb8;
	[tilespmem:$0x18880] =	vst v63  }
0x379: {  	s15 =	simm.s32 $0x6E00;
	s12 =	rddreg [dreg:$0xc]  }
0x37a: {  	[spmem:s12] =	stream.indirect.scatter.add.f32 [tilespmem:s15], [sflag:$0x3], $0x1, s14, s30, $0xb8;
	[tilespmem:$0x18880] =	vst v63  }
0x37b: {  	s13 =	rddreg [dreg:$0xd];
	s15 =	simm.s32 $0x7800  }
0x37c: {  	[spmem:s13] =	stream.indirect.scatter.add.f32 [tilespmem:s15], [sflag:$0x3], $0x1, s14, s30, $0xb8;
	[tilespmem:$0x18880] =	vst v63  }
0x37d: {  	s15 =	simm.s32 $0x8200  }
0x37e: {  	[spmem:s31] =	stream.indirect.scatter.add.f32 [tilespmem:s15], [sflag:$0x3], $0x1, s14, s30, $0xb8;
	[tilespmem:$0x18880] =	vst v63  }
0x37f: {  	s15 =	simm.s32 $0x8C00  }
0x380: {  	[spmem:s7] =	stream.indirect.scatter.add.f32 [tilespmem:s15], [sflag:$0x3], $0x1, s14, s30, $0xb8;
	[tilespmem:$0x18880] =	vst v63  }
0x381: {  	s15 =	simm.s32 $0x9600  }
0x382: {  	[spmem:s25] =	stream.indirect.scatter.add.f32 [tilespmem:s15], [sflag:$0x3], $0x1, s14, s30, $0xb8;
	[tilespmem:$0x18880] =	vst v63  }
0x383: {  	s15 =	simm.s32 $0xA000  }
0x384: {  	[spmem:s28] =	stream.indirect.scatter.add.f32 [tilespmem:s15], [sflag:$0x3], $0x1, s14, s30, $0xb8;
	[tilespmem:$0x18880] =	vst v63  }
0x385: {  	s15 =	simm.s32 $0xAA00  }
0x386: {  	[spmem:s26] =	stream.indirect.scatter.add.f32 [tilespmem:s15], [sflag:$0x3], $0x1, s14, s30, $0xb8;
	[tilespmem:$0x18880] =	vst v63  }
0x387: {  	s15 =	simm.s32 $0x15400  }
0x388: {  	[spmem:s22] =	stream.indirect.scatter.add.f32 [tilespmem:s15], [sflag:$0x3], $0x1, s14, s30, $0xb8;
	[tilespmem:$0x18880] =	vst v63  }
0x389: {  	_ =	swait.ge [sflag:s2], $0xA00  }
0x38a: {  	[sflag:s2] =	ssyncset.done $0x0  }
0x38b: {  	[sflag:s2] =	ssyncadd.s32 $0xFFFFF600  }
0x38c: {  	_ =	swait.ge [sflag:s2], $0xA00  }
0x38d: {  	[sflag:s2] =	ssyncset.done $0x0  }
0x38e: {  	[sflag:s2] =	ssyncadd.s32 $0xFFFFF600  }
0x38f: {  	_ =	swait.ge [sflag:s2], $0xA00  }
0x390: {  	[sflag:s2] =	ssyncset.done $0x0  }
0x391: {  	[sflag:s2] =	ssyncadd.s32 $0xFFFFF600  }
0x392: {  	_ =	swait.ge [sflag:s2], $0xA00  }
0x393: {  	[sflag:s2] =	ssyncset.done $0x0  }
0x394: {  	[sflag:s2] =	ssyncadd.s32 $0xFFFFF600  }
0x395: {  	_ =	swait.ge [sflag:s2], $0xA00  }
0x396: {  	[sflag:s2] =	ssyncset.done $0x0  }
0x397: {  	[sflag:s2] =	ssyncadd.s32 $0xFFFFF600  }
0x398: {  	_ =	swait.ge [sflag:s2], $0xA00  }
0x399: {  	[sflag:s2] =	ssyncset.done $0x0  }
0x39a: {  	[sflag:s2] =	ssyncadd.s32 $0xFFFFF600  }
0x39b: {  	_ =	swait.ge [sflag:s2], $0xA00  }
0x39c: {  	[sflag:s2] =	ssyncset.done $0x0  }
0x39d: {  	[sflag:s2] =	ssyncadd.s32 $0xFFFFF600  }
0x39e: {  	_ =	swait.ge [sflag:s2], $0xA00  }
0x39f: {  	[sflag:s2] =	ssyncset.done $0x0  }
0x3a0: {  	[sflag:s2] =	ssyncadd.s32 $0xFFFFF600  }
0x3a1: {  	_ =	swait.ge [sflag:s2], $0xA00  }
0x3a2: {  	[sflag:s2] =	ssyncset.done $0x0  }
0x3a3: {  	[sflag:s2] =	ssyncadd.s32 $0xFFFFF600  }
0x3a4: {  	_ =	swait.ge [sflag:s2], $0xA00  }
0x3a5: {  	[sflag:s2] =	ssyncset.done $0x0  }
0x3a6: {  	[sflag:s2] =	ssyncadd.s32 $0xFFFFF600  }
0x3a7: {  	_ =	swait.ge [sflag:s2], $0xA00  }
0x3a8: {  	[sflag:s2] =	ssyncset.done $0x0  }
0x3a9: {  	[sflag:s2] =	ssyncadd.s32 $0xFFFFF600  }
0x3aa: {  	_ =	swait.ge [sflag:s2], $0xA00  }
0x3ab: {  	[sflag:s2] =	ssyncset.done $0x0  }
0x3ac: {  	[sflag:s2] =	ssyncadd.s32 $0xFFFFF600  }
0x3ad: {  	_ =	swait.ge [sflag:s2], $0xA00  }
0x3ae: {  	[sflag:s2] =	ssyncset.done $0x0  }
0x3af: {  	[sflag:s2] =	ssyncadd.s32 $0xFFFFF600  }
0x3b0: {  	_ =	swait.ge [sflag:s2], $0xA00  }
0x3b1: {  	[sflag:s2] =	ssyncset.done $0x0  }
0x3b2: {  	[sflag:s2] =	ssyncadd.s32 $0xFFFFF600  }
0x3b3: {  	_ =	swait.ge [sflag:s2], $0xA00  }
0x3b4: {  	[sflag:s2] =	ssyncset.done $0x0  }
0x3b5: {  	[sflag:s2] =	ssyncadd.s32 $0xFFFFF600  }
0x3b6: {  	_ =	swait.ge [sflag:s2], $0xA00  }
0x3b7: {  	[sflag:s2] =	ssyncset.done $0x0  }
0x3b8: {  	[sflag:s2] =	ssyncadd.s32 $0xFFFFF600  }
0x3b9: {  	_ =	swait.ge [sflag:s2], $0xA00  }
0x3ba: {  	[sflag:s2] =	ssyncset.done $0x0  }
0x3bb: {  	[sflag:s2] =	ssyncadd.s32 $0xFFFFF600  }
0x3bc: {  	_ =	swait.ge [sflag:s6], $0xA00  }
0x3bd: {  	[sflag:s6] =	ssyncset.done $0x0  }
0x3be: {  	[sflag:s6] =	ssyncadd.s32 $0xFFFFF600  }
0x3bf: {  	_ =	swait.ge [sflag:s6], $0xA00  }
0x3c0: {  	[sflag:s6] =	ssyncset.done $0x0  }
0x3c1: {  	[sflag:s6] =	ssyncadd.s32 $0xFFFFF600  }
0x3c2: {  	_ =	swait.ge [sflag:s6], $0xA00  }
0x3c3: {  	[sflag:s6] =	ssyncset.done $0x0  }
0x3c4: {  	[sflag:s6] =	ssyncadd.s32 $0xFFFFF600  }
0x3c5: {  	_ =	swait.ge [sflag:s6], $0xA00  }
0x3c6: {  	[sflag:s6] =	ssyncset.done $0x0  }
0x3c7: {  	[sflag:s6] =	ssyncadd.s32 $0xFFFFF600  }
0x3c8: {  	_ =	swait.ge [sflag:s6], $0xA00  }
0x3c9: {  	[sflag:s6] =	ssyncset.done $0x0  }
0x3ca: {  	[sflag:s6] =	ssyncadd.s32 $0xFFFFF600  }
0x3cb: {  	_ =	swait.ge [sflag:s6], $0xA00  }
0x3cc: {  	[sflag:s6] =	ssyncset.done $0x0  }
0x3cd: {  	[sflag:s6] =	ssyncadd.s32 $0xFFFFF600  }
0x3ce: {  	_ =	swait.ge [sflag:s6], $0xA00  }
0x3cf: {  	[sflag:s6] =	ssyncset.done $0x0  }
0x3d0: {  	[sflag:s6] =	ssyncadd.s32 $0xFFFFF600  }
0x3d1: {  	_ =	swait.ge [sflag:s6], $0xA00  }
0x3d2: {  	[sflag:s6] =	ssyncset.done $0x0  }
0x3d3: {  	[sflag:s6] =	ssyncadd.s32 $0xFFFFF600  }
0x3d4: {  	_ =	swait.ge [sflag:s6], $0xA00  }
0x3d5: {  	[sflag:s6] =	ssyncset.done $0x0  }
0x3d6: {  	[sflag:s6] =	ssyncadd.s32 $0xFFFFF600  }
0x3d7: {  	_ =	swait.ge [sflag:s6], $0xA00  }
0x3d8: {  	[sflag:s6] =	ssyncset.done $0x0  }
0x3d9: {  	[sflag:s6] =	ssyncadd.s32 $0xFFFFF600  }
0x3da: {  	_ =	swait.ge [sflag:s6], $0xA00  }
0x3db: {  	[sflag:s6] =	ssyncset.done $0x0  }
0x3dc: {  	[sflag:s6] =	ssyncadd.s32 $0xFFFFF600  }
0x3dd: {  	_ =	swait.ge [sflag:s6], $0xA00  }
0x3de: {  	[sflag:s6] =	ssyncset.done $0x0  }
0x3df: {  	[sflag:s6] =	ssyncadd.s32 $0xFFFFF600  }
0x3e0: {  	_ =	swait.ge [sflag:s6], $0xA00  }
0x3e1: {  	[sflag:s6] =	ssyncset.done $0x0  }
0x3e2: {  	[sflag:s6] =	ssyncadd.s32 $0xFFFFF600  }
0x3e3: {  	_ =	swait.ge [sflag:s6], $0xA00  }
0x3e4: {  	[sflag:s6] =	ssyncset.done $0x0  }
0x3e5: {  	[sflag:s6] =	ssyncadd.s32 $0xFFFFF600  }
0x3e6: {  	_ =	swait.ge [sflag:s6], $0xA00  }
0x3e7: {  	[sflag:s6] =	ssyncset.done $0x0  }
0x3e8: {  	[sflag:s6] =	ssyncadd.s32 $0xFFFFF600  }
0x3e9: {  	_ =	swait.ge [sflag:s6], $0xA00  }
0x3ea: {  	[sflag:s6] =	ssyncset.done $0x0  }
0x3eb: {  	[sflag:s6] =	ssyncadd.s32 $0xFFFFF600  }
0x3ec: {  	_ =	swait.ge [sflag:s6], $0xA00  }
0x3ed: {  	[sflag:s6] =	ssyncset.done $0x0  }
0x3ee: {  	s14 =	simm.s32 $0xB400;
	[sflag:s6] =	ssyncadd.s32 $0xFFFFF600  }
0x3ef: {  	[spmem:s23] =	stream.indirect.scatter.add.f32 [tilespmem:s14], [sflag:$0x3], $0x1, s30, s30, $0xb8;
	[tilespmem:$0x18880] =	vst v63  }
0x3f0: {  	s23 =	simm.s32 $0xBE00  }
0x3f1: {  	[spmem:s21] =	stream.indirect.scatter.add.f32 [tilespmem:s23], [sflag:$0x3], $0x1, s30, s30, $0xb8;
	[tilespmem:$0x18880] =	vst v63  }
0x3f2: {  	s21 =	simm.s32 $0xC800  }
0x3f3: {  	[spmem:s0] =	stream.indirect.scatter.add.f32 [tilespmem:s21], [sflag:$0x3], $0x1, s30, s30, $0xb8;
	[tilespmem:$0x18880] =	vst v63  }
0x3f4: {  	s23 =	simm.s32 $0xD200  }
0x3f5: {  	[spmem:s1] =	stream.indirect.scatter.add.f32 [tilespmem:s23], [sflag:$0x3], $0x1, s30, s30, $0xb8;
	[tilespmem:$0x18880] =	vst v63  }
0x3f6: {  	s1 =	simm.s32 $0xDC00  }
0x3f7: {  	[spmem:s3] =	stream.indirect.scatter.add.f32 [tilespmem:s1], [sflag:$0x3], $0x1, s30, s30, $0xb8;
	[tilespmem:$0x18880] =	vst v63  }
0x3f8: {  	s3 =	simm.s32 $0xE600  }
0x3f9: {  	[spmem:s4] =	stream.indirect.scatter.add.f32 [tilespmem:s3], [sflag:$0x3], $0x1, s30, s30, $0xb8;
	[tilespmem:$0x18880] =	vst v63  }
0x3fa: {  	s14 =	simm.s32 $0xF000  }
0x3fb: {  	[spmem:s8] =	stream.indirect.scatter.add.f32 [tilespmem:s14], [sflag:$0x3], $0x1, s30, s30, $0xb8;
	[tilespmem:$0x18880] =	vst v63  }
0x3fc: {  	s19 =	simm.s32 $0xFA00  }
0x3fd: {  	[spmem:s9] =	stream.indirect.scatter.add.f32 [tilespmem:s19], [sflag:$0x3], $0x1, s30, s30, $0xb8;
	[tilespmem:$0x18880] =	vst v63  }
0x3fe: {  	s21 =	simm.s32 $0x10400  }
0x3ff: {  	[spmem:s11] =	stream.indirect.scatter.add.f32 [tilespmem:s21], [sflag:$0x3], $0x1, s30, s30, $0xb8;
	[tilespmem:$0x18880] =	vst v63  }
0x400: {  	s29 =	simm.s32 $0x10E00  }
0x401: {  	[spmem:s12] =	stream.indirect.scatter.add.f32 [tilespmem:s29], [sflag:$0x3], $0x1, s30, s30, $0xb8;
	[tilespmem:$0x18880] =	vst v63  }
0x402: {  	s20 =	simm.s32 $0x11800  }
0x403: {  	[spmem:s13] =	stream.indirect.scatter.add.f32 [tilespmem:s20], [sflag:$0x3], $0x1, s30, s30, $0xb8;
	[tilespmem:$0x18880] =	vst v63  }
0x404: {  	s18 =	simm.s32 $0x12200  }
0x405: {  	[spmem:s31] =	stream.indirect.scatter.add.f32 [tilespmem:s18], [sflag:$0x3], $0x1, s30, s30, $0xb8;
	[tilespmem:$0x18880] =	vst v63  }
0x406: {  	s23 =	simm.s32 $0x12C00  }
0x407: {  	[spmem:s7] =	stream.indirect.scatter.add.f32 [tilespmem:s23], [sflag:$0x3], $0x1, s30, s30, $0xb8;
	[tilespmem:$0x18880] =	vst v63  }
0x408: {  	s29 =	simm.s32 $0x13600  }
0x409: {  	[spmem:s25] =	stream.indirect.scatter.add.f32 [tilespmem:s29], [sflag:$0x3], $0x1, s30, s30, $0xb8;
	[tilespmem:$0x18880] =	vst v63  }
0x40a: {  	s31 =	simm.s32 $0x14000  }
0x40b: {  	[spmem:s28] =	stream.indirect.scatter.add.f32 [tilespmem:s31], [sflag:$0x3], $0x1, s30, s30, $0xb8;
	[tilespmem:$0x18880] =	vst v63  }
0x40c: {  	s17 =	simm.s32 $0x14A00  }
0x40d: {  	[spmem:s26] =	stream.indirect.scatter.add.f32 [tilespmem:s17], [sflag:$0x3], $0x1, s30, s30, $0xb8;
	[tilespmem:$0x18880] =	vst v63  }
0x40e: {  	_ = 	snop  }
0x40f: {  	[spmem:s22] =	stream.indirect.scatter.add.f32 [tilespmem:s15], [sflag:$0x3], $0x1, s30, s30, $0xb8;
	[tilespmem:$0x18880] =	vst v63  }
0x410: {  	_ =	swait.ge [sflag:s2], $0xA00  }
0x411: {  	[sflag:s2] =	ssyncset.done $0x0  }
0x412: {  	[sflag:s2] =	ssyncadd.s32 $0xFFFFF600  }
0x413: {  	_ =	swait.ge [sflag:s2], $0xA00  }
0x414: {  	[sflag:s2] =	ssyncset.done $0x0  }
0x415: {  	[sflag:s2] =	ssyncadd.s32 $0xFFFFF600  }
0x416: {  	_ =	swait.ge [sflag:s2], $0xA00  }
0x417: {  	[sflag:s2] =	ssyncset.done $0x0  }
0x418: {  	[sflag:s2] =	ssyncadd.s32 $0xFFFFF600  }
0x419: {  	_ =	swait.ge [sflag:s2], $0xA00  }
0x41a: {  	[sflag:s2] =	ssyncset.done $0x0  }
0x41b: {  	[sflag:s2] =	ssyncadd.s32 $0xFFFFF600  }
0x41c: {  	_ =	swait.ge [sflag:s2], $0xA00  }
0x41d: {  	[sflag:s2] =	ssyncset.done $0x0  }
0x41e: {  	[sflag:s2] =	ssyncadd.s32 $0xFFFFF600  }
0x41f: {  	_ =	swait.ge [sflag:s2], $0xA00  }
0x420: {  	[sflag:s2] =	ssyncset.done $0x0  }
0x421: {  	[sflag:s2] =	ssyncadd.s32 $0xFFFFF600  }
0x422: {  	_ =	swait.ge [sflag:s2], $0xA00  }
0x423: {  	[sflag:s2] =	ssyncset.done $0x0  }
0x424: {  	[sflag:s2] =	ssyncadd.s32 $0xFFFFF600  }
0x425: {  	_ =	swait.ge [sflag:s2], $0xA00  }
0x426: {  	[sflag:s2] =	ssyncset.done $0x0  }
0x427: {  	[sflag:s2] =	ssyncadd.s32 $0xFFFFF600  }
0x428: {  	_ =	swait.ge [sflag:s2], $0xA00  }
0x429: {  	[sflag:s2] =	ssyncset.done $0x0  }
0x42a: {  	[sflag:s2] =	ssyncadd.s32 $0xFFFFF600  }
0x42b: {  	_ =	swait.ge [sflag:s2], $0xA00  }
0x42c: {  	[sflag:s2] =	ssyncset.done $0x0  }
0x42d: {  	[sflag:s2] =	ssyncadd.s32 $0xFFFFF600  }
0x42e: {  	_ =	swait.ge [sflag:s2], $0xA00  }
0x42f: {  	[sflag:s2] =	ssyncset.done $0x0  }
0x430: {  	[sflag:s2] =	ssyncadd.s32 $0xFFFFF600  }
0x431: {  	_ =	swait.ge [sflag:s2], $0xA00  }
0x432: {  	[sflag:s2] =	ssyncset.done $0x0  }
0x433: {  	[sflag:s2] =	ssyncadd.s32 $0xFFFFF600  }
0x434: {  	_ =	swait.ge [sflag:s2], $0xA00  }
0x435: {  	[sflag:s2] =	ssyncset.done $0x0  }
0x436: {  	[sflag:s2] =	ssyncadd.s32 $0xFFFFF600  }
0x437: {  	_ =	swait.ge [sflag:s2], $0xA00  }
0x438: {  	[sflag:s2] =	ssyncset.done $0x0  }
0x439: {  	[sflag:s2] =	ssyncadd.s32 $0xFFFFF600  }
0x43a: {  	_ =	swait.ge [sflag:s2], $0xA00  }
0x43b: {  	[sflag:s2] =	ssyncset.done $0x0  }
0x43c: {  	[sflag:s2] =	ssyncadd.s32 $0xFFFFF600  }
0x43d: {  	_ =	swait.ge [sflag:s2], $0xA00  }
0x43e: {  	[sflag:s2] =	ssyncset.done $0x0  }
0x43f: {  	[sflag:s2] =	ssyncadd.s32 $0xFFFFF600  }
0x440: {  	_ =	swait.ge [sflag:s2], $0xA00  }
0x441: {  	[sflag:s2] =	ssyncset.done $0x0  }
.Ltmp3:
0x442: {  	[sflag:s2] =	ssyncadd.s32 $0xFFFFF600;
	(pc) =	sbr.rel @p0 .LBB3_5-.Ltmp3, $2  }
0x443: {  	[bflag:$0x0] =	sbarrier.arrive $0xFFFF  }
0x444: {  	s8 =	sld [smem:$0x7B2];
	_ =	sdelay $0x2  }
0x445: {  	s0 =	sld [smem:$0x7CB]  }
0x446: {  	s28 =	rddreg [dreg:$0x3]  }
0x447: {  	s1 =	simm.s32 $0x10;
	s4 =	simm.s32 $0x1C04;
	s28 =	sshrl.u32 s28, $0x3  }
0x448: {  	[hbm:s0@s16], [sflag:s4] =	dma.strided [spmem:s28@s1], $0x500, s5, $0x10   }
0x449: {  	_ =	swait.ge [sflag:s10], $0x500  }
0x44a: {  	[sflag:s10] =	ssyncset.done $0x0  }
0x44b: {  	s22 =	sld [smem:$0x7CC];
	[sflag:s10] =	ssyncadd.s32 $0xFFFFFB00  }
0x44c: {  	s3 =	rddreg [dreg:$0x4]  }
0x44d: {  	s21 =	sshrl.u32 s3, $0x3  }
0x44e: {  	[hbm:s22@s16], [sflag:s4] =	dma.strided [spmem:s21@s1], $0x500, s5, $0x10   }
0x44f: {  	_ =	swait.ge [sflag:s10], $0x500  }
0x450: {  	[sflag:s10] =	ssyncset.done $0x0  }
0x451: {  	s26 =	sld [smem:$0x7CD];
	[sflag:s10] =	ssyncadd.s32 $0xFFFFFB00  }
0x452: {  	s23 =	rddreg [dreg:$0x5]  }
0x453: {  	s25 =	sshrl.u32 s23, $0x3  }
0x454: {  	[hbm:s26@s16], [sflag:s4] =	dma.strided [spmem:s25@s1], $0x500, s5, $0x10   }
0x455: {  	_ =	swait.ge [sflag:s10], $0x500  }
0x456: {  	[sflag:s10] =	ssyncset.done $0x0  }
0x457: {  	s31 =	sld [smem:$0x7CE];
	[sflag:s10] =	ssyncadd.s32 $0xFFFFFB00  }
0x458: {  	s28 =	rddreg [dreg:$0x6]  }
0x459: {  	s29 =	sshrl.u32 s28, $0x3  }
0x45a: {  	[hbm:s31@s16], [sflag:s4] =	dma.strided [spmem:s29@s1], $0x500, s5, $0x10   }
0x45b: {  	_ =	swait.ge [sflag:s10], $0x500  }
0x45c: {  	[sflag:s10] =	ssyncset.done $0x0  }
0x45d: {  	s7 =	sld [smem:$0x7CF];
	[sflag:s10] =	ssyncadd.s32 $0xFFFFFB00  }
0x45e: {  	s0 =	rddreg [dreg:$0x7]  }
0x45f: {  	s3 =	sshrl.u32 s0, $0x3  }
0x460: {  	[hbm:s7@s16], [sflag:s4] =	dma.strided [spmem:s3@s1], $0x500, s5, $0x10   }
0x461: {  	_ =	swait.ge [sflag:s10], $0x500  }
0x462: {  	[sflag:s10] =	ssyncset.done $0x0  }
0x463: {  	s12 =	sld [smem:$0x7D0];
	[sflag:s10] =	ssyncadd.s32 $0xFFFFFB00  }
0x464: {  	s9 =	rddreg [dreg:$0x8]  }
0x465: {  	s11 =	sshrl.u32 s9, $0x3  }
0x466: {  	[hbm:s12@s16], [sflag:s4] =	dma.strided [spmem:s11@s1], $0x500, s5, $0x10   }
0x467: {  	_ =	swait.ge [sflag:s10], $0x500  }
0x468: {  	[sflag:s10] =	ssyncset.done $0x0  }
0x469: {  	s15 =	sld [smem:$0x7D1];
	[sflag:s10] =	ssyncadd.s32 $0xFFFFFB00  }
0x46a: {  	s13 =	rddreg [dreg:$0x9]  }
0x46b: {  	s14 =	sshrl.u32 s13, $0x3  }
0x46c: {  	[hbm:s15@s16], [sflag:s4] =	dma.strided [spmem:s14@s1], $0x500, s5, $0x10   }
0x46d: {  	_ =	swait.ge [sflag:s10], $0x500  }
0x46e: {  	[sflag:s10] =	ssyncset.done $0x0  }
0x46f: {  	s19 =	sld [smem:$0x7D2];
	[sflag:s10] =	ssyncadd.s32 $0xFFFFFB00  }
0x470: {  	s17 =	rddreg [dreg:$0xa]  }
0x471: {  	s18 =	sshrl.u32 s17, $0x3  }
0x472: {  	[hbm:s19@s16], [sflag:s4] =	dma.strided [spmem:s18@s1], $0x500, s5, $0x10   }
0x473: {  	_ =	swait.ge [sflag:s10], $0x500  }
0x474: {  	[sflag:s10] =	ssyncset.done $0x0  }
0x475: {  	s22 =	sld [smem:$0x7D3];
	[sflag:s10] =	ssyncadd.s32 $0xFFFFFB00  }
0x476: {  	s20 =	rddreg [dreg:$0xb]  }
0x477: {  	s21 =	sshrl.u32 s20, $0x3  }
0x478: {  	[hbm:s22@s16], [sflag:s4] =	dma.strided [spmem:s21@s1], $0x500, s5, $0x10   }
0x479: {  	_ =	swait.ge [sflag:s10], $0x500  }
0x47a: {  	[sflag:s10] =	ssyncset.done $0x0  }
0x47b: {  	s26 =	sld [smem:$0x7D4];
	[sflag:s10] =	ssyncadd.s32 $0xFFFFFB00  }
0x47c: {  	s23 =	rddreg [dreg:$0xc]  }
0x47d: {  	s25 =	sshrl.u32 s23, $0x3  }
0x47e: {  	[hbm:s26@s16], [sflag:s4] =	dma.strided [spmem:s25@s1], $0x500, s5, $0x10   }
0x47f: {  	_ =	swait.ge [sflag:s10], $0x500  }
0x480: {  	[sflag:s10] =	ssyncset.done $0x0  }
0x481: {  	s31 =	sld [smem:$0x7D5];
	[sflag:s10] =	ssyncadd.s32 $0xFFFFFB00  }
0x482: {  	s28 =	rddreg [dreg:$0xd]  }
0x483: {  	s29 =	sshrl.u32 s28, $0x3  }
0x484: {  	[hbm:s31@s16], [sflag:s4] =	dma.strided [spmem:s29@s1], $0x500, s5, $0x10   }
0x485: {  	_ =	swait.ge [sflag:s10], $0x500  }
0x486: {  	s3 =	sld [smem:$0x7B5]  }
0x487: {  	s9 =	sld [smem:$0x7D6]  }
0x488: {  	[sflag:s10] =	ssyncset.done $0x0  }
0x489: {  	[sflag:s10] =	ssyncadd.s32 $0xFFFFFB00;
	s7 =	sshrl.u32 s3, $0x3  }
0x48a: {  	[hbm:s9@s16], [sflag:s4] =	dma.strided [spmem:s7@s1], $0x500, s5, $0x10   }
0x48b: {  	_ =	swait.ge [sflag:s10], $0x500  }
0x48c: {  	s11 =	sld [smem:$0x7BD]  }
0x48d: {  	s13 =	sld [smem:$0x7D7]  }
0x48e: {  	[sflag:s10] =	ssyncset.done $0x0  }
0x48f: {  	[sflag:s10] =	ssyncadd.s32 $0xFFFFFB00;
	s12 =	sshrl.u32 s11, $0x3  }
0x490: {  	[hbm:s13@s16], [sflag:s4] =	dma.strided [spmem:s12@s1], $0x500, s5, $0x10   }
0x491: {  	_ =	swait.ge [sflag:s10], $0x500  }
0x492: {  	s14 =	sld [smem:$0x7BF]  }
0x493: {  	s17 =	sld [smem:$0x7D8]  }
0x494: {  	[sflag:s10] =	ssyncset.done $0x0  }
0x495: {  	[sflag:s10] =	ssyncadd.s32 $0xFFFFFB00;
	s15 =	sshrl.u32 s14, $0x3  }
0x496: {  	[hbm:s17@s16], [sflag:s4] =	dma.strided [spmem:s15@s1], $0x500, s5, $0x10   }
0x497: {  	_ =	swait.ge [sflag:s10], $0x500  }
0x498: {  	s18 =	sld [smem:$0x7C2]  }
0x499: {  	s20 =	sld [smem:$0x7D9]  }
0x49a: {  	[sflag:s10] =	ssyncset.done $0x0  }
0x49b: {  	[sflag:s10] =	ssyncadd.s32 $0xFFFFFB00;
	s19 =	sshrl.u32 s18, $0x3  }
0x49c: {  	[hbm:s20@s16], [sflag:s4] =	dma.strided [spmem:s19@s1], $0x500, s5, $0x10   }
0x49d: {  	_ =	swait.ge [sflag:s10], $0x500  }
0x49e: {  	s21 =	sld [smem:$0x7C5]  }
0x49f: {  	s23 =	sld [smem:$0x7DA]  }
0x4a0: {  	[sflag:s10] =	ssyncset.done $0x0  }
0x4a1: {  	[sflag:s10] =	ssyncadd.s32 $0xFFFFFB00;
	s22 =	sshrl.u32 s21, $0x3  }
0x4a2: {  	[hbm:s23@s16], [sflag:s4] =	dma.strided [spmem:s22@s1], $0x500, s5, $0x10   }
0x4a3: {  	_ =	swait.ge [sflag:s10], $0x500  }
0x4a4: {  	s25 =	sld [smem:$0x7C7]  }
0x4a5: {  	s29 =	sld [smem:$0x7DB]  }
0x4a6: {  	s31 =	simm.s32 $0x20;
	[sflag:s10] =	ssyncset.done $0x0  }
.Ltmp4:
0x4a7: {  	[sflag:s10] =	ssyncadd.s32 $0xFFFFFB00;
	s26 =	sshrl.u32 s25, $0x3;
	(pc) =	sbr.rel .LBB3_5-.Ltmp4, $4  }
0x4a8: {  	[hbm:s29@s31], [sflag:s4] =	dma.strided [spmem:s26@s1], $0x500, s5, $0x10   }
0x4a9: {  	_ =	swait.ge [sflag:s10], $0x500  }
0x4aa: {  	[sflag:s10] =	ssyncset.done $0x0  }
0x4ab: {  	[sflag:s10] =	ssyncadd.s32 $0xFFFFFB00  }
.LBB3_6:
0x4ac: {  	_ =	sfence.sel $0x180000  }
0x4ad: {  	[bflag:$0x0] =	sbarrier.arrive $0xFFFF  }
0x4ae: {  	_ =	strace $0x90000047  }
0x4af: {  	[bflag:$0x2] =	sbarrier.arrive $0xFFFF  }
0x4b0: {  	s0 =	sld [smem:$0x7C9];
	_ =	sdelay $0x2  }
0x4b1: {  	s0 =	sadd.s32 @!p0 $0x100000, s0  }
0x4b2: {  	[sflag:s0] =	ssyncadd.tile.s32 @!p0 $0x1;
	_ =	shalt  }
.Lfunc_end3:
_tile_overlayer_lowered:
.L_overlay_start_3:
0x4b3: {  	(tag) =	ssettag $0x3  }
0x4b4: {  	s0 =	rddreg [dreg:$0x0];
	s2 =	stileid.u32  }
0x4b5: {  	s1 =	rddreg [dreg:$0x1];
	p0 =	sne.s32 s2, $0x0  }
0x4b6: {  	s3 =	rddreg [dreg:$0x2];
	[bflag:$0x3] =	sbarrier.arrive $0xFFFF;
	s2 =	simm.s32 @!p0 $0x1C04  }
0x4b7: {  	[timem:s3], [sflag:s2] =	dma.local @!p0 [hbm:s0], s1  }
0x4b8: {  	s0 =	simm.s32 @!p0 $0x4  }
0x4b9: {  	_ =	swait.ge @!p0 [sflag:s0], s1  }
0x4ba: {  	s1 =	ssub.s32 @!p0 $0x0, s1;
	[sflag:s0] =	ssyncset.done @!p0 $0x0  }
0x4bb: {  	[sflag:s0] =	ssyncadd.s32 @!p0 s1  }
0x4bc: {  	[bflag:$0x3] =	sbarrier.arrive $0xFFFF  }
0x4bd: {  	_ =	shalt  }

</sc_bundles>
